<compile_context>
chip_gen: v7x
topology: tpu7x:2x2x1
jax: 0.10.2.dev20260603
libtpu: 0.0.44.dev20260713+nightly
codegen_flags: <defaults>
</compile_context>

<pallas_src>
import functools

import jax
import jax.numpy as jnp
import numpy as np
from jax import lax
from jax.experimental import pallas as pl
from jax.experimental.pallas import tpu as pltpu
from jax.experimental.pallas import tpu_sc as plsc

_N_NODES = 1000000
_NO = 3
_H = 1.0 / (_N_NODES - 1)
_NP = _N_NODES + 2 * _NO
_NQ = 8388608
_FACTOR = float(1.0 / np.sqrt(np.pi))
_INV_H = np.float32(_N_NODES - 1)
_NC2 = np.float32(-(np.float64(_N_NODES - 1) ** 2))

_NC, _NS, _L = 2, 16, 16
_NW = _NC * _NS
_QPW = _NQ // _NW
_V = 1024
_G = 128
_NG = _V // _G
_NT = _QPW // (4 * _V)
_NROWS = (_NP + 2) // 8 - 1
_RPW = 7813
_TROWS = 16 * _RPW
_BC = 1024
_BW = 8 * _BC + 16
_GPLEN = 8 * _TROWS + 16


def _sc_body(x_hbm, gp_hbm, up_hbm, y_hbm, tab_hbm,
             xa, xb, xc, xd, mv0, mv1, rv0, rv1, rows0, rows1, yv0, yv1,
             gbuf0, gbuf1, ubuf0, ubuf1,
             gsem0, gsem1, xsa, xsb, xsc, xsd, ysem0, ysem1,
             bg0, bg1, bu0, bu1, bw0, bw1):
    sid = lax.axis_index("s")
    wid = sid * _NC + lax.axis_index("c")
    qbase = wid * _QPW

    wrow = sid * _RPW
    starts = [_BC * c for c in range(_RPW // _BC)] + [_RPW - _BC]
    gbufs, ubufs, gsems, usems = (gbuf0, gbuf1), (ubuf0, ubuf1), (bg0, bg1), (bu0, bu1)
    dsts, wsems = (rows0, rows1), (bw0, bw1)

    def fire_build_in(c):
        s = c & 1
        off = 8 * (wrow + starts[c])
        return (
            pltpu.async_copy(gp_hbm.at[pl.ds(off, _BW)], gbufs[s], gsems[s]),
            pltpu.async_copy(up_hbm.at[pl.ds(off, _BW)], ubufs[s], usems[s]),
        )

    in_descs = {0: fire_build_in(0)}
    w_descs = {}
    for c in range(len(starts)):
        s = c & 1
        if c + 1 < len(starts):
            in_descs[c + 1] = fire_build_in(c + 1)
        for d in in_descs.pop(c):
            d.wait()
        if c >= 2:
            w_descs.pop(c - 2).wait()
        gbuf, ubuf, dst = gbufs[s], ubufs[s], dsts[s]

        def bld(j, carry, gbuf=gbuf, ubuf=ubuf, dst=dst):
            dst[j, pl.ds(0, _L)] = gbuf[pl.ds(8 * j, _L)]
            dst[j, pl.ds(_L, _L)] = ubuf[pl.ds(8 * j, _L)]
            return carry

        lax.fori_loop(0, _BC, bld, 0, unroll=2)
        w_descs[c] = pltpu.async_copy(
            dst, tab_hbm.at[pl.ds(wrow + starts[c], _BC)], wsems[s]
        )
    for d in w_descs.values():
        d.wait()
    plsc.subcore_barrier()

    def fire_x(b, xv, xsem):
        pltpu.async_copy(x_hbm.at[pl.ds(qbase + b * _V, _V)], xv, xsem)

    def drain_x(xv, xsem):
        pltpu.make_async_copy(x_hbm.at[pl.ds(0, _V)], xv, xsem).wait()

    def stage(xv, xsem, mv, rv, rows, gsem):
        drain_x(xv, xsem)

        lane32 = lax.iota(jnp.int32, _L) * 32

        def p1(j, c):
            x16 = xv[pl.ds(j * _L, _L)]
            idx = (x16 * _INV_H).astype(jnp.int32)
            mv[pl.ds(j * _L, _L)] = idx >> 3
            rv[pl.ds(j * _L, _L)] = (idx & 7) + (lane32 + j * (32 * _L))
            return c

        lax.fori_loop(0, _V // _L, p1, 0, unroll=4)
        for g in range(_NG):
            pltpu.async_copy(
                tab_hbm.at[mv.at[pl.ds(g * _G, _G)]],
                rows.at[pl.ds(g * _G, _G)],
                gsem,
            )

    def drain_rows(rows, gsem):
        pltpu.make_async_copy(tab_hbm.at[pl.ds(0, _V)], rows, gsem).wait()

    def drain_y(yv, ysem):
        pltpu.make_async_copy(x_hbm.at[pl.ds(0, _V)], yv, ysem).wait()

    def pass2(b, xv, rv, rows, yv, ysem):
        zero = jnp.zeros((_L,), jnp.int32)
        n = _V // _L

        def load_iter(j):
            x16 = xv[pl.ds(j * _L, _L)]
            f16 = rv[pl.ds(j * _L, _L)]
            vals = [x16]
            for i in range(7):
                vals.append(plsc.load_gather(rows, [zero, f16 + i]))
                vals.append(plsc.load_gather(rows, [zero, f16 + (16 + i)]))
            return tuple(vals)

        def p2(j, carry):
            nxt = load_iter(jnp.minimum(j + 1, n - 1))
            x16 = carry[0]
            ws = []
            for i in range(7):
                d = x16 - carry[1 + 2 * i]
                ws.append(jnp.exp(d * d * _NC2) * carry[2 + 2 * i])
            acc = ((ws[0] + ws[1]) + (ws[2] + ws[3])) + ((ws[4] + ws[5]) + ws[6])
            yv[pl.ds(j * _L, _L)] = acc * np.float32(_FACTOR)
            return nxt

        lax.fori_loop(0, n, p2, load_iter(0))
        pltpu.async_copy(yv, y_hbm.at[pl.ds(qbase + b * _V, _V)], ysem)

    fire_x(0, xa, xsa)
    fire_x(1, xb, xsb)
    fire_x(2, xc, xsc)
    fire_x(3, xd, xsd)
    stage(xa, xsa, mv0, rv0, rows0, gsem0)

    def quad(t, carry):
        b = 4 * t
        not_last = t + 1 < _NT

        stage(xb, xsb, mv1, rv1, rows1, gsem1)
        drain_rows(rows0, gsem0)

        @pl.when(t > 0)
        def _():
            drain_y(yv0, ysem0)

        pass2(b, xa, rv0, rows0, yv0, ysem0)

        @pl.when(not_last)
        def _():
            fire_x(b + 4, xa, xsa)

        stage(xc, xsc, mv0, rv0, rows0, gsem0)
        drain_rows(rows1, gsem1)

        @pl.when(t > 0)
        def _():
            drain_y(yv1, ysem1)

        pass2(b + 1, xb, rv1, rows1, yv1, ysem1)

        @pl.when(not_last)
        def _():
            fire_x(b + 5, xb, xsb)

        stage(xd, xsd, mv1, rv1, rows1, gsem1)
        drain_rows(rows0, gsem0)
        drain_y(yv0, ysem0)
        pass2(b + 2, xc, rv0, rows0, yv0, ysem0)

        @pl.when(not_last)
        def _():
            fire_x(b + 6, xc, xsc)

        @pl.when(not_last)
        def _():
            stage(xa, xsa, mv0, rv0, rows0, gsem0)

        drain_rows(rows1, gsem1)
        drain_y(yv1, ysem1)
        pass2(b + 3, xd, rv1, rows1, yv1, ysem1)

        @pl.when(not_last)
        def _():
            fire_x(b + 7, xd, xsd)

        return carry

    lax.fori_loop(0, _NT, quad, 0)
    drain_y(yv0, ysem0)
    drain_y(yv1, ysem1)


_fdnet_sc = functools.partial(
    pl.kernel,
    out_type=(
        jax.ShapeDtypeStruct((_NQ,), jnp.float32),
        jax.ShapeDtypeStruct((_TROWS, 2 * _L), jnp.float32),
    ),
    mesh=plsc.VectorSubcoreMesh(
        core_axis_name="c", subcore_axis_name="s",
        num_cores=_NC, num_subcores=_NS,
    ),
    scratch_types=[
        pltpu.VMEM((_V,), jnp.float32),
        pltpu.VMEM((_V,), jnp.float32),
        pltpu.VMEM((_V,), jnp.float32),
        pltpu.VMEM((_V,), jnp.float32),
        pltpu.VMEM((_V,), jnp.int32),
        pltpu.VMEM((_V,), jnp.int32),
        pltpu.VMEM((_V,), jnp.int32),
        pltpu.VMEM((_V,), jnp.int32),
        pltpu.VMEM((_V, 2 * _L), jnp.float32),
        pltpu.VMEM((_V, 2 * _L), jnp.float32),
        pltpu.VMEM((_V,), jnp.float32),
        pltpu.VMEM((_V,), jnp.float32),
        pltpu.VMEM((_BW,), jnp.float32),
        pltpu.VMEM((_BW,), jnp.float32),
        pltpu.VMEM((_BW,), jnp.float32),
        pltpu.VMEM((_BW,), jnp.float32),
        pltpu.SemaphoreType.DMA,
        pltpu.SemaphoreType.DMA,
        pltpu.SemaphoreType.DMA,
        pltpu.SemaphoreType.DMA,
        pltpu.SemaphoreType.DMA,
        pltpu.SemaphoreType.DMA,
        pltpu.SemaphoreType.DMA,
        pltpu.SemaphoreType.DMA,
        pltpu.SemaphoreType.DMA,
        pltpu.SemaphoreType.DMA,
        pltpu.SemaphoreType.DMA,
        pltpu.SemaphoreType.DMA,
        pltpu.SemaphoreType.DMA,
        pltpu.SemaphoreType.DMA,
    ],
    compiler_params=pltpu.CompilerParams(
        needs_layout_passes=False, use_tc_tiling_on_sc=False,
        disable_bounds_checks=True,
    ),
)(_sc_body)


def kernel(x, u):
    xgrid = jnp.linspace(-_H * _NO, 1.0 + _H * _NO, _NP, dtype=jnp.float32)
    pad = jnp.zeros((_GPLEN - _NP,), jnp.float32)
    gp = jnp.concatenate([xgrid, pad])
    up = jnp.concatenate([u, pad])
    y, _ = _fdnet_sc(x, gp, up)
    return y

# --- scband reference (transcript-rebuilt; emitter-appended) ---
"""Pipeline reference for scband-fdnet-88897233092811 (READ-ONLY COPY).

The authoritative reference and input builder live on the scoring server;
editing this copy changes nothing except your own understanding.
"""

import jax, jax.numpy as jnp
import numpy as np

N_NODES = 1000000
N_OFFSET = 3
DX = 1.0 / (N_NODES - 1)
NP_ = N_NODES + 2 * N_OFFSET
N_QUERIES = 8388608


def _activation(t):
    # Gaussian RBF kernel (paired with the 1/sqrt(pi) normalization in forward)
    return jnp.exp(-t * t)


def setup_inputs(seed: int = 0) -> dict:
    key = jax.random.key(seed)
    k1, k2 = jax.random.split(key)
    # query points in [0, 1)
    x = jax.random.uniform(k1, (N_QUERIES,), dtype=jnp.float32, minval=0.0, maxval=1.0 - 1e-6)
    # learned nodal values u (nn.Parameter of shape [np]); random instead of zeros so output is nontrivial
    u = jax.random.normal(k2, (NP_,), dtype=jnp.float32) * 0.02
    return {"x": x, "u": u}


def reference(x, u):
    no = N_OFFSET
    h = DX
    xgrid = jnp.linspace(-h * no, 1.0 + h * no, NP_, dtype=jnp.float32)
    idx = jnp.floor_divide(x, h).astype(jnp.int32)
    factor = 1.0 / np.sqrt(np.pi)
    y = jnp.zeros_like(x)
    for i in range(0, 2 * no + 1):
        ix = idx + i
        diff = (x - jnp.take(xgrid, ix)) / h
        y = y + _activation(diff) * jnp.take(u, ix)
    return y * factor

if __name__ == "__main__":
    import jax
    _d = setup_inputs()
    print(jax.jit(kernel)(*tuple(_d.values())))

</pallas_src>

<mosaic_0001>
#map = affine_map<(d0, d1) -> (0)>
#map1 = affine_map<(d0, d1) -> (0, 0)>
module attributes {stable_mosaic.version = 14 : i64} {
  func.func @_sc_body(%arg0: i32, %arg1: i32, %arg2: memref<8388608xf32, #tpu.memory_space<hbm>>, %arg3: memref<1000080xf32, #tpu.memory_space<hbm>>, %arg4: memref<1000080xf32, #tpu.memory_space<hbm>>, %arg5: memref<8388608xf32, #tpu.memory_space<hbm>>, %arg6: memref<125008x32xf32, #tpu.memory_space<hbm>>, %arg7: memref<1024xf32, #tpu.memory_space<vmem>>, %arg8: memref<1024xf32, #tpu.memory_space<vmem>>, %arg9: memref<1024xf32, #tpu.memory_space<vmem>>, %arg10: memref<1024xf32, #tpu.memory_space<vmem>>, %arg11: memref<1024xi32, #tpu.memory_space<vmem>>, %arg12: memref<1024xi32, #tpu.memory_space<vmem>>, %arg13: memref<1024xi32, #tpu.memory_space<vmem>>, %arg14: memref<1024xi32, #tpu.memory_space<vmem>>, %arg15: memref<1024x32xf32, #tpu.memory_space<vmem>>, %arg16: memref<1024x32xf32, #tpu.memory_space<vmem>>, %arg17: memref<1024xf32, #tpu.memory_space<vmem>>, %arg18: memref<1024xf32, #tpu.memory_space<vmem>>, %arg19: memref<8208xf32, #tpu.memory_space<vmem>>, %arg20: memref<8208xf32, #tpu.memory_space<vmem>>, %arg21: memref<8208xf32, #tpu.memory_space<vmem>>, %arg22: memref<8208xf32, #tpu.memory_space<vmem>>, %arg23: memref<!tpu.dma_semaphore, #tpu.memory_space<semaphore_mem>>, %arg24: memref<!tpu.dma_semaphore, #tpu.memory_space<semaphore_mem>>, %arg25: memref<!tpu.dma_semaphore, #tpu.memory_space<semaphore_mem>>, %arg26: memref<!tpu.dma_semaphore, #tpu.memory_space<semaphore_mem>>, %arg27: memref<!tpu.dma_semaphore, #tpu.memory_space<semaphore_mem>>, %arg28: memref<!tpu.dma_semaphore, #tpu.memory_space<semaphore_mem>>, %arg29: memref<!tpu.dma_semaphore, #tpu.memory_space<semaphore_mem>>, %arg30: memref<!tpu.dma_semaphore, #tpu.memory_space<semaphore_mem>>, %arg31: memref<!tpu.dma_semaphore, #tpu.memory_space<semaphore_mem>>, %arg32: memref<!tpu.dma_semaphore, #tpu.memory_space<semaphore_mem>>, %arg33: memref<!tpu.dma_semaphore, #tpu.memory_space<semaphore_mem>>, %arg34: memref<!tpu.dma_semaphore, #tpu.memory_space<semaphore_mem>>, %arg35: memref<!tpu.dma_semaphore, #tpu.memory_space<semaphore_mem>>, %arg36: memref<!tpu.dma_semaphore, #tpu.memory_space<semaphore_mem>>) attributes {dimension_semantics = [#tpu.dimension_semantics<core_parallel>, #tpu.dimension_semantics<subcore_parallel>], iteration_bounds = array<i64: 2, 16>, scalar_prefetch = 0 : i64, scratch_operands = 30 : i64, tpu.core_type = #tpu.core_type<sc_vector_subcore>, window_params = [{transform_indices = #map}, {transform_indices = #map}, {transform_indices = #map}, {transform_indices = #map}, {transform_indices = #map1}]} {
    %mul3A = arith.constant 2 : i32
    %mul3A_0 = arith.muli %arg1, %mul3A : i32
    %add3A = arith.addi %mul3A_0, %arg0 : i32
    %mul3A_1 = arith.constant 262144 : i32
    %mul3A_2 = arith.muli %add3A, %mul3A_1 : i32
    %mul3A_3 = arith.constant 7813 : i32
    %mul3A_4 = arith.muli %arg1, %mul3A_3 : i32
    %add3A_5 = arith.constant 0 : i32
    %add3A_6 = arith.addi %mul3A_4, %add3A_5 : i32
    %mul3A_7 = arith.constant 8 : i32
    %mul3A_8 = arith.muli %mul3A_7, %add3A_6 : i32
    %dma_start3A = tpu.memref_slice %arg3[%mul3A_8] : memref<1000080xf32, #tpu.memory_space<hbm>> -> memref<8208xf32, #tpu.memory_space<hbm>>
    %dma_start3A_9 = tpu.memref_slice %arg3[%mul3A_8] : memref<1000080xf32, #tpu.memory_space<hbm>> -> memref<8208xf32, #tpu.memory_space<hbm>>
    tpu.enqueue_dma source(%dma_start3A_9 : memref<8208xf32, #tpu.memory_space<hbm>>) target(%arg19 : memref<8208xf32, #tpu.memory_space<vmem>>) target_semaphore(%arg31 : memref<!tpu.dma_semaphore, #tpu.memory_space<semaphore_mem>>)
    %dma_start3A_10 = tpu.memref_slice %arg4[%mul3A_8] : memref<1000080xf32, #tpu.memory_space<hbm>> -> memref<8208xf32, #tpu.memory_space<hbm>>
    %dma_start3A_11 = tpu.memref_slice %arg4[%mul3A_8] : memref<1000080xf32, #tpu.memory_space<hbm>> -> memref<8208xf32, #tpu.memory_space<hbm>>
    tpu.enqueue_dma source(%dma_start3A_11 : memref<8208xf32, #tpu.memory_space<hbm>>) target(%arg21 : memref<8208xf32, #tpu.memory_space<vmem>>) target_semaphore(%arg33 : memref<!tpu.dma_semaphore, #tpu.memory_space<semaphore_mem>>)
    %add3A_12 = arith.constant 1024 : i32
    %add3A_13 = arith.addi %mul3A_4, %add3A_12 : i32
    %mul3A_14 = arith.constant 8 : i32
    %mul3A_15 = arith.muli %mul3A_14, %add3A_13 : i32
    %dma_start3A_16 = tpu.memref_slice %arg3[%mul3A_15] : memref<1000080xf32, #tpu.memory_space<hbm>> -> memref<8208xf32, #tpu.memory_space<hbm>>
    %dma_start3A_17 = tpu.memref_slice %arg3[%mul3A_15] : memref<1000080xf32, #tpu.memory_space<hbm>> -> memref<8208xf32, #tpu.memory_space<hbm>>
    tpu.enqueue_dma source(%dma_start3A_17 : memref<8208xf32, #tpu.memory_space<hbm>>) target(%arg20 : memref<8208xf32, #tpu.memory_space<vmem>>) target_semaphore(%arg32 : memref<!tpu.dma_semaphore, #tpu.memory_space<semaphore_mem>>)
    %dma_start3A_18 = tpu.memref_slice %arg4[%mul3A_15] : memref<1000080xf32, #tpu.memory_space<hbm>> -> memref<8208xf32, #tpu.memory_space<hbm>>
    %dma_start3A_19 = tpu.memref_slice %arg4[%mul3A_15] : memref<1000080xf32, #tpu.memory_space<hbm>> -> memref<8208xf32, #tpu.memory_space<hbm>>
    tpu.enqueue_dma source(%dma_start3A_19 : memref<8208xf32, #tpu.memory_space<hbm>>) target(%arg22 : memref<8208xf32, #tpu.memory_space<vmem>>) target_semaphore(%arg34 : memref<!tpu.dma_semaphore, #tpu.memory_space<semaphore_mem>>)
    %dma_wait3A = tpu.memref_slice %arg3[%mul3A_8] : memref<1000080xf32, #tpu.memory_space<hbm>> -> memref<8208xf32, #tpu.memory_space<hbm>>
    %dma_wait3A_20 = tpu.memref_slice %arg3[%mul3A_8] : memref<1000080xf32, #tpu.memory_space<hbm>> -> memref<8208xf32, #tpu.memory_space<hbm>>
    tpu.wait_dma2 semaphore(%arg31 : memref<!tpu.dma_semaphore, #tpu.memory_space<semaphore_mem>>) src(%dma_wait3A_20 : memref<8208xf32, #tpu.memory_space<hbm>>) dst(%arg19 : memref<8208xf32, #tpu.memory_space<vmem>>)
    %dma_wait3A_21 = tpu.memref_slice %arg4[%mul3A_8] : memref<1000080xf32, #tpu.memory_space<hbm>> -> memref<8208xf32, #tpu.memory_space<hbm>>
    %dma_wait3A_22 = tpu.memref_slice %arg4[%mul3A_8] : memref<1000080xf32, #tpu.memory_space<hbm>> -> memref<8208xf32, #tpu.memory_space<hbm>>
    tpu.wait_dma2 semaphore(%arg33 : memref<!tpu.dma_semaphore, #tpu.memory_space<semaphore_mem>>) src(%dma_wait3A_22 : memref<8208xf32, #tpu.memory_space<hbm>>) dst(%arg21 : memref<8208xf32, #tpu.memory_space<vmem>>)
    %scan3A = arith.constant 0 : i32
    %scan3A_23 = arith.constant 0 : i32
    %scan3A_24 = arith.constant 1024 : i32
    %scan3A_25 = arith.addi %scan3A_23, %scan3A_24 : i32
    %scan3A_26 = arith.constant 2 : i32
    scf.for %scan3A_333 = %scan3A_23 to %scan3A_25 step %scan3A_26  : i32 {
      %mul3A_334 = arith.constant 8 : i32
      %mul3A_335 = arith.muli %mul3A_334, %scan3A_333 : i32
      %get3A = arith.index_cast %mul3A_335 : i32 to index
      %get3A_336 = tpu.vector_load %arg19[%get3A] {strides = array<i32>} : memref<8208xf32, #tpu.memory_space<vmem>>, vector<16xf32>,
      %swap3A = arith.index_cast %scan3A_333 : i32 to index
      %swap3A_337 = arith.constant 0 : index
      %swap3A_338 = tpu.vector_load %arg15[%swap3A, %swap3A_337] {strides = array<i32>} : memref<1024x32xf32, #tpu.memory_space<vmem>>, vector<16xf32>,
      tpu.vector_store %arg15[%swap3A, %swap3A_337], %get3A_336 {strides = array<i32>} : memref<1024x32xf32, #tpu.memory_space<vmem>>, vector<16xf32>,
      %mul3A_339 = arith.constant 8 : i32
      %mul3A_340 = arith.muli %mul3A_339, %scan3A_333 : i32
      %get3A_341 = arith.index_cast %mul3A_340 : i32 to index
      %get3A_342 = tpu.vector_load %arg21[%get3A_341] {strides = array<i32>} : memref<8208xf32, #tpu.memory_space<vmem>>, vector<16xf32>,
      %swap3A_343 = arith.index_cast %scan3A_333 : i32 to index
      %swap3A_344 = arith.constant 16 : index
      %swap3A_345 = tpu.vector_load %arg15[%swap3A_343, %swap3A_344] {strides = array<i32>} : memref<1024x32xf32, #tpu.memory_space<vmem>>, vector<16xf32>,
      tpu.vector_store %arg15[%swap3A_343, %swap3A_344], %get3A_342 {strides = array<i32>} : memref<1024x32xf32, #tpu.memory_space<vmem>>, vector<16xf32>,
      %scan3A_346 = arith.constant 1 : i32
      %scan3A_347 = arith.addi %scan3A_333, %scan3A_346 : i32
      %mul3A_348 = arith.constant 8 : i32
      %mul3A_349 = arith.muli %mul3A_348, %scan3A_347 : i32
      %get3A_350 = arith.index_cast %mul3A_349 : i32 to index
      %get3A_351 = tpu.vector_load %arg19[%get3A_350] {strides = array<i32>} : memref<8208xf32, #tpu.memory_space<vmem>>, vector<16xf32>,
      %swap3A_352 = arith.index_cast %scan3A_347 : i32 to index
      %swap3A_353 = arith.constant 0 : index
      %swap3A_354 = tpu.vector_load %arg15[%swap3A_352, %swap3A_353] {strides = array<i32>} : memref<1024x32xf32, #tpu.memory_space<vmem>>, vector<16xf32>,
      tpu.vector_store %arg15[%swap3A_352, %swap3A_353], %get3A_351 {strides = array<i32>} : memref<1024x32xf32, #tpu.memory_space<vmem>>, vector<16xf32>,
      %mul3A_355 = arith.constant 8 : i32
      %mul3A_356 = arith.muli %mul3A_355, %scan3A_347 : i32
      %get3A_357 = arith.index_cast %mul3A_356 : i32 to index
      %get3A_358 = tpu.vector_load %arg21[%get3A_357] {strides = array<i32>} : memref<8208xf32, #tpu.memory_space<vmem>>, vector<16xf32>,
      %swap3A_359 = arith.index_cast %scan3A_347 : i32 to index
      %swap3A_360 = arith.constant 16 : index
      %swap3A_361 = tpu.vector_load %arg15[%swap3A_359, %swap3A_360] {strides = array<i32>} : memref<1024x32xf32, #tpu.memory_space<vmem>>, vector<16xf32>,
      tpu.vector_store %arg15[%swap3A_359, %swap3A_360], %get3A_358 {strides = array<i32>} : memref<1024x32xf32, #tpu.memory_space<vmem>>, vector<16xf32>,
    }
    %scan3A_27 = arith.constant 1024 : i32
    %add3A_28 = arith.constant 0 : i32
    %add3A_29 = arith.addi %mul3A_4, %add3A_28 : i32
    %dma_start3A_30 = arith.constant 0 : i32
    %dma_start3A_31 = tpu.memref_slice %arg6[%add3A_29, %dma_start3A_30] : memref<125008x32xf32, #tpu.memory_space<hbm>> -> memref<1024x32xf32, #tpu.memory_space<hbm>>
    %dma_start3A_32 = arith.constant 0 : i32
    %dma_start3A_33 = tpu.memref_slice %arg6[%add3A_29, %dma_start3A_32] : memref<125008x32xf32, #tpu.memory_space<hbm>> -> memref<1024x32xf32, #tpu.memory_space<hbm>>
    tpu.enqueue_dma source(%arg15 : memref<1024x32xf32, #tpu.memory_space<vmem>>) target(%dma_start3A_33 : memref<1024x32xf32, #tpu.memory_space<hbm>>) target_semaphore(%arg35 : memref<!tpu.dma_semaphore, #tpu.memory_space<semaphore_mem>>)
    %add3A_34 = arith.constant 2048 : i32
    %add3A_35 = arith.addi %mul3A_4, %add3A_34 : i32
    %mul3A_36 = arith.constant 8 : i32
    %mul3A_37 = arith.muli %mul3A_36, %add3A_35 : i32
    %dma_start3A_38 = tpu.memref_slice %arg3[%mul3A_37] : memref<1000080xf32, #tpu.memory_space<hbm>> -> memref<8208xf32, #tpu.memory_space<hbm>>
    %dma_start3A_39 = tpu.memref_slice %arg3[%mul3A_37] : memref<1000080xf32, #tpu.memory_space<hbm>> -> memref<8208xf32, #tpu.memory_space<hbm>>
    tpu.enqueue_dma source(%dma_start3A_39 : memref<8208xf32, #tpu.memory_space<hbm>>) target(%arg19 : memref<8208xf32, #tpu.memory_space<vmem>>) target_semaphore(%arg31 : memref<!tpu.dma_semaphore, #tpu.memory_space<semaphore_mem>>)
    %dma_start3A_40 = tpu.memref_slice %arg4[%mul3A_37] : memref<1000080xf32, #tpu.memory_space<hbm>> -> memref<8208xf32, #tpu.memory_space<hbm>>
    %dma_start3A_41 = tpu.memref_slice %arg4[%mul3A_37] : memref<1000080xf32, #tpu.memory_space<hbm>> -> memref<8208xf32, #tpu.memory_space<hbm>>
    tpu.enqueue_dma source(%dma_start3A_41 : memref<8208xf32, #tpu.memory_space<hbm>>) target(%arg21 : memref<8208xf32, #tpu.memory_space<vmem>>) target_semaphore(%arg33 : memref<!tpu.dma_semaphore, #tpu.memory_space<semaphore_mem>>)
    %dma_wait3A_42 = tpu.memref_slice %arg3[%mul3A_15] : memref<1000080xf32, #tpu.memory_space<hbm>> -> memref<8208xf32, #tpu.memory_space<hbm>>
    %dma_wait3A_43 = tpu.memref_slice %arg3[%mul3A_15] : memref<1000080xf32, #tpu.memory_space<hbm>> -> memref<8208xf32, #tpu.memory_space<hbm>>
    tpu.wait_dma2 semaphore(%arg32 : memref<!tpu.dma_semaphore, #tpu.memory_space<semaphore_mem>>) src(%dma_wait3A_43 : memref<8208xf32, #tpu.memory_space<hbm>>) dst(%arg20 : memref<8208xf32, #tpu.memory_space<vmem>>)
    %dma_wait3A_44 = tpu.memref_slice %arg4[%mul3A_15] : memref<1000080xf32, #tpu.memory_space<hbm>> -> memref<8208xf32, #tpu.memory_space<hbm>>
    %dma_wait3A_45 = tpu.memref_slice %arg4[%mul3A_15] : memref<1000080xf32, #tpu.memory_space<hbm>> -> memref<8208xf32, #tpu.memory_space<hbm>>
    tpu.wait_dma2 semaphore(%arg34 : memref<!tpu.dma_semaphore, #tpu.memory_space<semaphore_mem>>) src(%dma_wait3A_45 : memref<8208xf32, #tpu.memory_space<hbm>>) dst(%arg22 : memref<8208xf32, #tpu.memory_space<vmem>>)
    %scan3A_46 = arith.constant 0 : i32
    %scan3A_47 = arith.constant 0 : i32
    %scan3A_48 = arith.constant 1024 : i32
    %scan3A_49 = arith.addi %scan3A_47, %scan3A_48 : i32
    %scan3A_50 = arith.constant 2 : i32
    scf.for %scan3A_333 = %scan3A_47 to %scan3A_49 step %scan3A_50  : i32 {
      %mul3A_334 = arith.constant 8 : i32
      %mul3A_335 = arith.muli %mul3A_334, %scan3A_333 : i32
      %get3A = arith.index_cast %mul3A_335 : i32 to index
      %get3A_336 = tpu.vector_load %arg20[%get3A] {strides = array<i32>} : memref<8208xf32, #tpu.memory_space<vmem>>, vector<16xf32>,
      %swap3A = arith.index_cast %scan3A_333 : i32 to index
      %swap3A_337 = arith.constant 0 : index
      %swap3A_338 = tpu.vector_load %arg16[%swap3A, %swap3A_337] {strides = array<i32>} : memref<1024x32xf32, #tpu.memory_space<vmem>>, vector<16xf32>,
      tpu.vector_store %arg16[%swap3A, %swap3A_337], %get3A_336 {strides = array<i32>} : memref<1024x32xf32, #tpu.memory_space<vmem>>, vector<16xf32>,
      %mul3A_339 = arith.constant 8 : i32
      %mul3A_340 = arith.muli %mul3A_339, %scan3A_333 : i32
      %get3A_341 = arith.index_cast %mul3A_340 : i32 to index
      %get3A_342 = tpu.vector_load %arg22[%get3A_341] {strides = array<i32>} : memref<8208xf32, #tpu.memory_space<vmem>>, vector<16xf32>,
      %swap3A_343 = arith.index_cast %scan3A_333 : i32 to index
      %swap3A_344 = arith.constant 16 : index
      %swap3A_345 = tpu.vector_load %arg16[%swap3A_343, %swap3A_344] {strides = array<i32>} : memref<1024x32xf32, #tpu.memory_space<vmem>>, vector<16xf32>,
      tpu.vector_store %arg16[%swap3A_343, %swap3A_344], %get3A_342 {strides = array<i32>} : memref<1024x32xf32, #tpu.memory_space<vmem>>, vector<16xf32>,
      %scan3A_346 = arith.constant 1 : i32
      %scan3A_347 = arith.addi %scan3A_333, %scan3A_346 : i32
      %mul3A_348 = arith.constant 8 : i32
      %mul3A_349 = arith.muli %mul3A_348, %scan3A_347 : i32
      %get3A_350 = arith.index_cast %mul3A_349 : i32 to index
      %get3A_351 = tpu.vector_load %arg20[%get3A_350] {strides = array<i32>} : memref<8208xf32, #tpu.memory_space<vmem>>, vector<16xf32>,
      %swap3A_352 = arith.index_cast %scan3A_347 : i32 to index
      %swap3A_353 = arith.constant 0 : index
      %swap3A_354 = tpu.vector_load %arg16[%swap3A_352, %swap3A_353] {strides = array<i32>} : memref<1024x32xf32, #tpu.memory_space<vmem>>, vector<16xf32>,
      tpu.vector_store %arg16[%swap3A_352, %swap3A_353], %get3A_351 {strides = array<i32>} : memref<1024x32xf32, #tpu.memory_space<vmem>>, vector<16xf32>,
      %mul3A_355 = arith.constant 8 : i32
      %mul3A_356 = arith.muli %mul3A_355, %scan3A_347 : i32
      %get3A_357 = arith.index_cast %mul3A_356 : i32 to index
      %get3A_358 = tpu.vector_load %arg22[%get3A_357] {strides = array<i32>} : memref<8208xf32, #tpu.memory_space<vmem>>, vector<16xf32>,
      %swap3A_359 = arith.index_cast %scan3A_347 : i32 to index
      %swap3A_360 = arith.constant 16 : index
      %swap3A_361 = tpu.vector_load %arg16[%swap3A_359, %swap3A_360] {strides = array<i32>} : memref<1024x32xf32, #tpu.memory_space<vmem>>, vector<16xf32>,
      tpu.vector_store %arg16[%swap3A_359, %swap3A_360], %get3A_358 {strides = array<i32>} : memref<1024x32xf32, #tpu.memory_space<vmem>>, vector<16xf32>,
    }
    %scan3A_51 = arith.constant 1024 : i32
    %add3A_52 = arith.constant 1024 : i32
    %add3A_53 = arith.addi %mul3A_4, %add3A_52 : i32
    %dma_start3A_54 = arith.constant 0 : i32
    %dma_start3A_55 = tpu.memref_slice %arg6[%add3A_53, %dma_start3A_54] : memref<125008x32xf32, #tpu.memory_space<hbm>> -> memref<1024x32xf32, #tpu.memory_space<hbm>>
    %dma_start3A_56 = arith.constant 0 : i32
    %dma_start3A_57 = tpu.memref_slice %arg6[%add3A_53, %dma_start3A_56] : memref<125008x32xf32, #tpu.memory_space<hbm>> -> memref<1024x32xf32, #tpu.memory_space<hbm>>
    tpu.enqueue_dma source(%arg16 : memref<1024x32xf32, #tpu.memory_space<vmem>>) target(%dma_start3A_57 : memref<1024x32xf32, #tpu.memory_space<hbm>>) target_semaphore(%arg36 : memref<!tpu.dma_semaphore, #tpu.memory_space<semaphore_mem>>)
    %add3A_58 = arith.constant 3072 : i32
    %add3A_59 = arith.addi %mul3A_4, %add3A_58 : i32
    %mul3A_60 = arith.constant 8 : i32
    %mul3A_61 = arith.muli %mul3A_60, %add3A_59 : i32
    %dma_start3A_62 = tpu.memref_slice %arg3[%mul3A_61] : memref<1000080xf32, #tpu.memory_space<hbm>> -> memref<8208xf32, #tpu.memory_space<hbm>>
    %dma_start3A_63 = tpu.memref_slice %arg3[%mul3A_61] : memref<1000080xf32, #tpu.memory_space<hbm>> -> memref<8208xf32, #tpu.memory_space<hbm>>
    tpu.enqueue_dma source(%dma_start3A_63 : memref<8208xf32, #tpu.memory_space<hbm>>) target(%arg20 : memref<8208xf32, #tpu.memory_space<vmem>>) target_semaphore(%arg32 : memref<!tpu.dma_semaphore, #tpu.memory_space<semaphore_mem>>)
    %dma_start3A_64 = tpu.memref_slice %arg4[%mul3A_61] : memref<1000080xf32, #tpu.memory_space<hbm>> -> memref<8208xf32, #tpu.memory_space<hbm>>
    %dma_start3A_65 = tpu.memref_slice %arg4[%mul3A_61] : memref<1000080xf32, #tpu.memory_space<hbm>> -> memref<8208xf32, #tpu.memory_space<hbm>>
    tpu.enqueue_dma source(%dma_start3A_65 : memref<8208xf32, #tpu.memory_space<hbm>>) target(%arg22 : memref<8208xf32, #tpu.memory_space<vmem>>) target_semaphore(%arg34 : memref<!tpu.dma_semaphore, #tpu.memory_space<semaphore_mem>>)
    %dma_wait3A_66 = tpu.memref_slice %arg3[%mul3A_37] : memref<1000080xf32, #tpu.memory_space<hbm>> -> memref<8208xf32, #tpu.memory_space<hbm>>
    %dma_wait3A_67 = tpu.memref_slice %arg3[%mul3A_37] : memref<1000080xf32, #tpu.memory_space<hbm>> -> memref<8208xf32, #tpu.memory_space<hbm>>
    tpu.wait_dma2 semaphore(%arg31 : memref<!tpu.dma_semaphore, #tpu.memory_space<semaphore_mem>>) src(%dma_wait3A_67 : memref<8208xf32, #tpu.memory_space<hbm>>) dst(%arg19 : memref<8208xf32, #tpu.memory_space<vmem>>)
    %dma_wait3A_68 = tpu.memref_slice %arg4[%mul3A_37] : memref<1000080xf32, #tpu.memory_space<hbm>> -> memref<8208xf32, #tpu.memory_space<hbm>>
    %dma_wait3A_69 = tpu.memref_slice %arg4[%mul3A_37] : memref<1000080xf32, #tpu.memory_space<hbm>> -> memref<8208xf32, #tpu.memory_space<hbm>>
    tpu.wait_dma2 semaphore(%arg33 : memref<!tpu.dma_semaphore, #tpu.memory_space<semaphore_mem>>) src(%dma_wait3A_69 : memref<8208xf32, #tpu.memory_space<hbm>>) dst(%arg21 : memref<8208xf32, #tpu.memory_space<vmem>>)
    %dma_wait3A_70 = arith.constant 0 : i32
    %dma_wait3A_71 = tpu.memref_slice %arg6[%add3A_29, %dma_wait3A_70] : memref<125008x32xf32, #tpu.memory_space<hbm>> -> memref<1024x32xf32, #tpu.memory_space<hbm>>
    %dma_wait3A_72 = arith.constant 0 : i32
    %dma_wait3A_73 = tpu.memref_slice %arg6[%add3A_29, %dma_wait3A_72] : memref<125008x32xf32, #tpu.memory_space<hbm>> -> memref<1024x32xf32, #tpu.memory_space<hbm>>
    tpu.wait_dma2 semaphore(%arg35 : memref<!tpu.dma_semaphore, #tpu.memory_space<semaphore_mem>>) src(%arg15 : memref<1024x32xf32, #tpu.memory_space<vmem>>) dst(%dma_wait3A_73 : memref<1024x32xf32, #tpu.memory_space<hbm>>)
    %scan3A_74 = arith.constant 0 : i32
    %scan3A_75 = arith.constant 0 : i32
    %scan3A_76 = arith.constant 1024 : i32
    %scan3A_77 = arith.addi %scan3A_75, %scan3A_76 : i32
    %scan3A_78 = arith.constant 2 : i32
    scf.for %scan3A_333 = %scan3A_75 to %scan3A_77 step %scan3A_78  : i32 {
      %mul3A_334 = arith.constant 8 : i32
      %mul3A_335 = arith.muli %mul3A_334, %scan3A_333 : i32
      %get3A = arith.index_cast %mul3A_335 : i32 to index
      %get3A_336 = tpu.vector_load %arg19[%get3A] {strides = array<i32>} : memref<8208xf32, #tpu.memory_space<vmem>>, vector<16xf32>,
      %swap3A = arith.index_cast %scan3A_333 : i32 to index
      %swap3A_337 = arith.constant 0 : index
      %swap3A_338 = tpu.vector_load %arg15[%swap3A, %swap3A_337] {strides = array<i32>} : memref<1024x32xf32, #tpu.memory_space<vmem>>, vector<16xf32>,
      tpu.vector_store %arg15[%swap3A, %swap3A_337], %get3A_336 {strides = array<i32>} : memref<1024x32xf32, #tpu.memory_space<vmem>>, vector<16xf32>,
      %mul3A_339 = arith.constant 8 : i32
      %mul3A_340 = arith.muli %mul3A_339, %scan3A_333 : i32
      %get3A_341 = arith.index_cast %mul3A_340 : i32 to index
      %get3A_342 = tpu.vector_load %arg21[%get3A_341] {strides = array<i32>} : memref<8208xf32, #tpu.memory_space<vmem>>, vector<16xf32>,
      %swap3A_343 = arith.index_cast %scan3A_333 : i32 to index
      %swap3A_344 = arith.constant 16 : index
      %swap3A_345 = tpu.vector_load %arg15[%swap3A_343, %swap3A_344] {strides = array<i32>} : memref<1024x32xf32, #tpu.memory_space<vmem>>, vector<16xf32>,
      tpu.vector_store %arg15[%swap3A_343, %swap3A_344], %get3A_342 {strides = array<i32>} : memref<1024x32xf32, #tpu.memory_space<vmem>>, vector<16xf32>,
      %scan3A_346 = arith.constant 1 : i32
      %scan3A_347 = arith.addi %scan3A_333, %scan3A_346 : i32
      %mul3A_348 = arith.constant 8 : i32
      %mul3A_349 = arith.muli %mul3A_348, %scan3A_347 : i32
      %get3A_350 = arith.index_cast %mul3A_349 : i32 to index
      %get3A_351 = tpu.vector_load %arg19[%get3A_350] {strides = array<i32>} : memref<8208xf32, #tpu.memory_space<vmem>>, vector<16xf32>,
      %swap3A_352 = arith.index_cast %scan3A_347 : i32 to index
      %swap3A_353 = arith.constant 0 : index
      %swap3A_354 = tpu.vector_load %arg15[%swap3A_352, %swap3A_353] {strides = array<i32>} : memref<1024x32xf32, #tpu.memory_space<vmem>>, vector<16xf32>,
      tpu.vector_store %arg15[%swap3A_352, %swap3A_353], %get3A_351 {strides = array<i32>} : memref<1024x32xf32, #tpu.memory_space<vmem>>, vector<16xf32>,
      %mul3A_355 = arith.constant 8 : i32
      %mul3A_356 = arith.muli %mul3A_355, %scan3A_347 : i32
      %get3A_357 = arith.index_cast %mul3A_356 : i32 to index
      %get3A_358 = tpu.vector_load %arg21[%get3A_357] {strides = array<i32>} : memref<8208xf32, #tpu.memory_space<vmem>>, vector<16xf32>,
      %swap3A_359 = arith.index_cast %scan3A_347 : i32 to index
      %swap3A_360 = arith.constant 16 : index
      %swap3A_361 = tpu.vector_load %arg15[%swap3A_359, %swap3A_360] {strides = array<i32>} : memref<1024x32xf32, #tpu.memory_space<vmem>>, vector<16xf32>,
      tpu.vector_store %arg15[%swap3A_359, %swap3A_360], %get3A_358 {strides = array<i32>} : memref<1024x32xf32, #tpu.memory_space<vmem>>, vector<16xf32>,
    }
    %scan3A_79 = arith.constant 1024 : i32
    %add3A_80 = arith.constant 2048 : i32
    %add3A_81 = arith.addi %mul3A_4, %add3A_80 : i32
    %dma_start3A_82 = arith.constant 0 : i32
    %dma_start3A_83 = tpu.memref_slice %arg6[%add3A_81, %dma_start3A_82] : memref<125008x32xf32, #tpu.memory_space<hbm>> -> memref<1024x32xf32, #tpu.memory_space<hbm>>
    %dma_start3A_84 = arith.constant 0 : i32
    %dma_start3A_85 = tpu.memref_slice %arg6[%add3A_81, %dma_start3A_84] : memref<125008x32xf32, #tpu.memory_space<hbm>> -> memref<1024x32xf32, #tpu.memory_space<hbm>>
    tpu.enqueue_dma source(%arg15 : memref<1024x32xf32, #tpu.memory_space<vmem>>) target(%dma_start3A_85 : memref<1024x32xf32, #tpu.memory_space<hbm>>) target_semaphore(%arg35 : memref<!tpu.dma_semaphore, #tpu.memory_space<semaphore_mem>>)
    %add3A_86 = arith.constant 4096 : i32
    %add3A_87 = arith.addi %mul3A_4, %add3A_86 : i32
    %mul3A_88 = arith.constant 8 : i32
    %mul3A_89 = arith.muli %mul3A_88, %add3A_87 : i32
    %dma_start3A_90 = tpu.memref_slice %arg3[%mul3A_89] : memref<1000080xf32, #tpu.memory_space<hbm>> -> memref<8208xf32, #tpu.memory_space<hbm>>
    %dma_start3A_91 = tpu.memref_slice %arg3[%mul3A_89] : memref<1000080xf32, #tpu.memory_space<hbm>> -> memref<8208xf32, #tpu.memory_space<hbm>>
    tpu.enqueue_dma source(%dma_start3A_91 : memref<8208xf32, #tpu.memory_space<hbm>>) target(%arg19 : memref<8208xf32, #tpu.memory_space<vmem>>) target_semaphore(%arg31 : memref<!tpu.dma_semaphore, #tpu.memory_space<semaphore_mem>>)
    %dma_start3A_92 = tpu.memref_slice %arg4[%mul3A_89] : memref<1000080xf32, #tpu.memory_space<hbm>> -> memref<8208xf32, #tpu.memory_space<hbm>>
    %dma_start3A_93 = tpu.memref_slice %arg4[%mul3A_89] : memref<1000080xf32, #tpu.memory_space<hbm>> -> memref<8208xf32, #tpu.memory_space<hbm>>
    tpu.enqueue_dma source(%dma_start3A_93 : memref<8208xf32, #tpu.memory_space<hbm>>) target(%arg21 : memref<8208xf32, #tpu.memory_space<vmem>>) target_semaphore(%arg33 : memref<!tpu.dma_semaphore, #tpu.memory_space<semaphore_mem>>)
    %dma_wait3A_94 = tpu.memref_slice %arg3[%mul3A_61] : memref<1000080xf32, #tpu.memory_space<hbm>> -> memref<8208xf32, #tpu.memory_space<hbm>>
    %dma_wait3A_95 = tpu.memref_slice %arg3[%mul3A_61] : memref<1000080xf32, #tpu.memory_space<hbm>> -> memref<8208xf32, #tpu.memory_space<hbm>>
    tpu.wait_dma2 semaphore(%arg32 : memref<!tpu.dma_semaphore, #tpu.memory_space<semaphore_mem>>) src(%dma_wait3A_95 : memref<8208xf32, #tpu.memory_space<hbm>>) dst(%arg20 : memref<8208xf32, #tpu.memory_space<vmem>>)
    %dma_wait3A_96 = tpu.memref_slice %arg4[%mul3A_61] : memref<1000080xf32, #tpu.memory_space<hbm>> -> memref<8208xf32, #tpu.memory_space<hbm>>
    %dma_wait3A_97 = tpu.memref_slice %arg4[%mul3A_61] : memref<1000080xf32, #tpu.memory_space<hbm>> -> memref<8208xf32, #tpu.memory_space<hbm>>
    tpu.wait_dma2 semaphore(%arg34 : memref<!tpu.dma_semaphore, #tpu.memory_space<semaphore_mem>>) src(%dma_wait3A_97 : memref<8208xf32, #tpu.memory_space<hbm>>) dst(%arg22 : memref<8208xf32, #tpu.memory_space<vmem>>)
    %dma_wait3A_98 = arith.constant 0 : i32
    %dma_wait3A_99 = tpu.memref_slice %arg6[%add3A_53, %dma_wait3A_98] : memref<125008x32xf32, #tpu.memory_space<hbm>> -> memref<1024x32xf32, #tpu.memory_space<hbm>>
    %dma_wait3A_100 = arith.constant 0 : i32
    %dma_wait3A_101 = tpu.memref_slice %arg6[%add3A_53, %dma_wait3A_100] : memref<125008x32xf32, #tpu.memory_space<hbm>> -> memref<1024x32xf32, #tpu.memory_space<hbm>>
    tpu.wait_dma2 semaphore(%arg36 : memref<!tpu.dma_semaphore, #tpu.memory_space<semaphore_mem>>) src(%arg16 : memref<1024x32xf32, #tpu.memory_space<vmem>>) dst(%dma_wait3A_101 : memref<1024x32xf32, #tpu.memory_space<hbm>>)
    %scan3A_102 = arith.constant 0 : i32
    %scan3A_103 = arith.constant 0 : i32
    %scan3A_104 = arith.constant 1024 : i32
    %scan3A_105 = arith.addi %scan3A_103, %scan3A_104 : i32
    %scan3A_106 = arith.constant 2 : i32
    scf.for %scan3A_333 = %scan3A_103 to %scan3A_105 step %scan3A_106  : i32 {
      %mul3A_334 = arith.constant 8 : i32
      %mul3A_335 = arith.muli %mul3A_334, %scan3A_333 : i32
      %get3A = arith.index_cast %mul3A_335 : i32 to index
      %get3A_336 = tpu.vector_load %arg20[%get3A] {strides = array<i32>} : memref<8208xf32, #tpu.memory_space<vmem>>, vector<16xf32>,
      %swap3A = arith.index_cast %scan3A_333 : i32 to index
      %swap3A_337 = arith.constant 0 : index
      %swap3A_338 = tpu.vector_load %arg16[%swap3A, %swap3A_337] {strides = array<i32>} : memref<1024x32xf32, #tpu.memory_space<vmem>>, vector<16xf32>,
      tpu.vector_store %arg16[%swap3A, %swap3A_337], %get3A_336 {strides = array<i32>} : memref<1024x32xf32, #tpu.memory_space<vmem>>, vector<16xf32>,
      %mul3A_339 = arith.constant 8 : i32
      %mul3A_340 = arith.muli %mul3A_339, %scan3A_333 : i32
      %get3A_341 = arith.index_cast %mul3A_340 : i32 to index
      %get3A_342 = tpu.vector_load %arg22[%get3A_341] {strides = array<i32>} : memref<8208xf32, #tpu.memory_space<vmem>>, vector<16xf32>,
      %swap3A_343 = arith.index_cast %scan3A_333 : i32 to index
      %swap3A_344 = arith.constant 16 : index
      %swap3A_345 = tpu.vector_load %arg16[%swap3A_343, %swap3A_344] {strides = array<i32>} : memref<1024x32xf32, #tpu.memory_space<vmem>>, vector<16xf32>,
      tpu.vector_store %arg16[%swap3A_343, %swap3A_344], %get3A_342 {strides = array<i32>} : memref<1024x32xf32, #tpu.memory_space<vmem>>, vector<16xf32>,
      %scan3A_346 = arith.constant 1 : i32
      %scan3A_347 = arith.addi %scan3A_333, %scan3A_346 : i32
      %mul3A_348 = arith.constant 8 : i32
      %mul3A_349 = arith.muli %mul3A_348, %scan3A_347 : i32
      %get3A_350 = arith.index_cast %mul3A_349 : i32 to index
      %get3A_351 = tpu.vector_load %arg20[%get3A_350] {strides = array<i32>} : memref<8208xf32, #tpu.memory_space<vmem>>, vector<16xf32>,
      %swap3A_352 = arith.index_cast %scan3A_347 : i32 to index
      %swap3A_353 = arith.constant 0 : index
      %swap3A_354 = tpu.vector_load %arg16[%swap3A_352, %swap3A_353] {strides = array<i32>} : memref<1024x32xf32, #tpu.memory_space<vmem>>, vector<16xf32>,
      tpu.vector_store %arg16[%swap3A_352, %swap3A_353], %get3A_351 {strides = array<i32>} : memref<1024x32xf32, #tpu.memory_space<vmem>>, vector<16xf32>,
      %mul3A_355 = arith.constant 8 : i32
      %mul3A_356 = arith.muli %mul3A_355, %scan3A_347 : i32
      %get3A_357 = arith.index_cast %mul3A_356 : i32 to index
      %get3A_358 = tpu.vector_load %arg22[%get3A_357] {strides = array<i32>} : memref<8208xf32, #tpu.memory_space<vmem>>, vector<16xf32>,
      %swap3A_359 = arith.index_cast %scan3A_347 : i32 to index
      %swap3A_360 = arith.constant 16 : index
      %swap3A_361 = tpu.vector_load %arg16[%swap3A_359, %swap3A_360] {strides = array<i32>} : memref<1024x32xf32, #tpu.memory_space<vmem>>, vector<16xf32>,
      tpu.vector_store %arg16[%swap3A_359, %swap3A_360], %get3A_358 {strides = array<i32>} : memref<1024x32xf32, #tpu.memory_space<vmem>>, vector<16xf32>,
    }
    %scan3A_107 = arith.constant 1024 : i32
    %add3A_108 = arith.constant 3072 : i32
    %add3A_109 = arith.addi %mul3A_4, %add3A_108 : i32
    %dma_start3A_110 = arith.constant 0 : i32
    %dma_start3A_111 = tpu.memref_slice %arg6[%add3A_109, %dma_start3A_110] : memref<125008x32xf32, #tpu.memory_space<hbm>> -> memref<1024x32xf32, #tpu.memory_space<hbm>>
    %dma_start3A_112 = arith.constant 0 : i32
    %dma_start3A_113 = tpu.memref_slice %arg6[%add3A_109, %dma_start3A_112] : memref<125008x32xf32, #tpu.memory_space<hbm>> -> memref<1024x32xf32, #tpu.memory_space<hbm>>
    tpu.enqueue_dma source(%arg16 : memref<1024x32xf32, #tpu.memory_space<vmem>>) target(%dma_start3A_113 : memref<1024x32xf32, #tpu.memory_space<hbm>>) target_semaphore(%arg36 : memref<!tpu.dma_semaphore, #tpu.memory_space<semaphore_mem>>)
    %add3A_114 = arith.constant 5120 : i32
    %add3A_115 = arith.addi %mul3A_4, %add3A_114 : i32
    %mul3A_116 = arith.constant 8 : i32
    %mul3A_117 = arith.muli %mul3A_116, %add3A_115 : i32
    %dma_start3A_118 = tpu.memref_slice %arg3[%mul3A_117] : memref<1000080xf32, #tpu.memory_space<hbm>> -> memref<8208xf32, #tpu.memory_space<hbm>>
    %dma_start3A_119 = tpu.memref_slice %arg3[%mul3A_117] : memref<1000080xf32, #tpu.memory_space<hbm>> -> memref<8208xf32, #tpu.memory_space<hbm>>
    tpu.enqueue_dma source(%dma_start3A_119 : memref<8208xf32, #tpu.memory_space<hbm>>) target(%arg20 : memref<8208xf32, #tpu.memory_space<vmem>>) target_semaphore(%arg32 : memref<!tpu.dma_semaphore, #tpu.memory_space<semaphore_mem>>)
    %dma_start3A_120 = tpu.memref_slice %arg4[%mul3A_117] : memref<1000080xf32, #tpu.memory_space<hbm>> -> memref<8208xf32, #tpu.memory_space<hbm>>
    %dma_start3A_121 = tpu.memref_slice %arg4[%mul3A_117] : memref<1000080xf32, #tpu.memory_space<hbm>> -> memref<8208xf32, #tpu.memory_space<hbm>>
    tpu.enqueue_dma source(%dma_start3A_121 : memref<8208xf32, #tpu.memory_space<hbm>>) target(%arg22 : memref<8208xf32, #tpu.memory_space<vmem>>) target_semaphore(%arg34 : memref<!tpu.dma_semaphore, #tpu.memory_space<semaphore_mem>>)
    %dma_wait3A_122 = tpu.memref_slice %arg3[%mul3A_89] : memref<1000080xf32, #tpu.memory_space<hbm>> -> memref<8208xf32, #tpu.memory_space<hbm>>
    %dma_wait3A_123 = tpu.memref_slice %arg3[%mul3A_89] : memref<1000080xf32, #tpu.memory_space<hbm>> -> memref<8208xf32, #tpu.memory_space<hbm>>
    tpu.wait_dma2 semaphore(%arg31 : memref<!tpu.dma_semaphore, #tpu.memory_space<semaphore_mem>>) src(%dma_wait3A_123 : memref<8208xf32, #tpu.memory_space<hbm>>) dst(%arg19 : memref<8208xf32, #tpu.memory_space<vmem>>)
    %dma_wait3A_124 = tpu.memref_slice %arg4[%mul3A_89] : memref<1000080xf32, #tpu.memory_space<hbm>> -> memref<8208xf32, #tpu.memory_space<hbm>>
    %dma_wait3A_125 = tpu.memref_slice %arg4[%mul3A_89] : memref<1000080xf32, #tpu.memory_space<hbm>> -> memref<8208xf32, #tpu.memory_space<hbm>>
    tpu.wait_dma2 semaphore(%arg33 : memref<!tpu.dma_semaphore, #tpu.memory_space<semaphore_mem>>) src(%dma_wait3A_125 : memref<8208xf32, #tpu.memory_space<hbm>>) dst(%arg21 : memref<8208xf32, #tpu.memory_space<vmem>>)
    %dma_wait3A_126 = arith.constant 0 : i32
    %dma_wait3A_127 = tpu.memref_slice %arg6[%add3A_81, %dma_wait3A_126] : memref<125008x32xf32, #tpu.memory_space<hbm>> -> memref<1024x32xf32, #tpu.memory_space<hbm>>
    %dma_wait3A_128 = arith.constant 0 : i32
    %dma_wait3A_129 = tpu.memref_slice %arg6[%add3A_81, %dma_wait3A_128] : memref<125008x32xf32, #tpu.memory_space<hbm>> -> memref<1024x32xf32, #tpu.memory_space<hbm>>
    tpu.wait_dma2 semaphore(%arg35 : memref<!tpu.dma_semaphore, #tpu.memory_space<semaphore_mem>>) src(%arg15 : memref<1024x32xf32, #tpu.memory_space<vmem>>) dst(%dma_wait3A_129 : memref<1024x32xf32, #tpu.memory_space<hbm>>)
    %scan3A_130 = arith.constant 0 : i32
    %scan3A_131 = arith.constant 0 : i32
    %scan3A_132 = arith.constant 1024 : i32
    %scan3A_133 = arith.addi %scan3A_131, %scan3A_132 : i32
    %scan3A_134 = arith.constant 2 : i32
    scf.for %scan3A_333 = %scan3A_131 to %scan3A_133 step %scan3A_134  : i32 {
      %mul3A_334 = arith.constant 8 : i32
      %mul3A_335 = arith.muli %mul3A_334, %scan3A_333 : i32
      %get3A = arith.index_cast %mul3A_335 : i32 to index
      %get3A_336 = tpu.vector_load %arg19[%get3A] {strides = array<i32>} : memref<8208xf32, #tpu.memory_space<vmem>>, vector<16xf32>,
      %swap3A = arith.index_cast %scan3A_333 : i32 to index
      %swap3A_337 = arith.constant 0 : index
      %swap3A_338 = tpu.vector_load %arg15[%swap3A, %swap3A_337] {strides = array<i32>} : memref<1024x32xf32, #tpu.memory_space<vmem>>, vector<16xf32>,
      tpu.vector_store %arg15[%swap3A, %swap3A_337], %get3A_336 {strides = array<i32>} : memref<1024x32xf32, #tpu.memory_space<vmem>>, vector<16xf32>,
      %mul3A_339 = arith.constant 8 : i32
      %mul3A_340 = arith.muli %mul3A_339, %scan3A_333 : i32
      %get3A_341 = arith.index_cast %mul3A_340 : i32 to index
      %get3A_342 = tpu.vector_load %arg21[%get3A_341] {strides = array<i32>} : memref<8208xf32, #tpu.memory_space<vmem>>, vector<16xf32>,
      %swap3A_343 = arith.index_cast %scan3A_333 : i32 to index
      %swap3A_344 = arith.constant 16 : index
      %swap3A_345 = tpu.vector_load %arg15[%swap3A_343, %swap3A_344] {strides = array<i32>} : memref<1024x32xf32, #tpu.memory_space<vmem>>, vector<16xf32>,
      tpu.vector_store %arg15[%swap3A_343, %swap3A_344], %get3A_342 {strides = array<i32>} : memref<1024x32xf32, #tpu.memory_space<vmem>>, vector<16xf32>,
      %scan3A_346 = arith.constant 1 : i32
      %scan3A_347 = arith.addi %scan3A_333, %scan3A_346 : i32
      %mul3A_348 = arith.constant 8 : i32
      %mul3A_349 = arith.muli %mul3A_348, %scan3A_347 : i32
      %get3A_350 = arith.index_cast %mul3A_349 : i32 to index
      %get3A_351 = tpu.vector_load %arg19[%get3A_350] {strides = array<i32>} : memref<8208xf32, #tpu.memory_space<vmem>>, vector<16xf32>,
      %swap3A_352 = arith.index_cast %scan3A_347 : i32 to index
      %swap3A_353 = arith.constant 0 : index
      %swap3A_354 = tpu.vector_load %arg15[%swap3A_352, %swap3A_353] {strides = array<i32>} : memref<1024x32xf32, #tpu.memory_space<vmem>>, vector<16xf32>,
      tpu.vector_store %arg15[%swap3A_352, %swap3A_353], %get3A_351 {strides = array<i32>} : memref<1024x32xf32, #tpu.memory_space<vmem>>, vector<16xf32>,
      %mul3A_355 = arith.constant 8 : i32
      %mul3A_356 = arith.muli %mul3A_355, %scan3A_347 : i32
      %get3A_357 = arith.index_cast %mul3A_356 : i32 to index
      %get3A_358 = tpu.vector_load %arg21[%get3A_357] {strides = array<i32>} : memref<8208xf32, #tpu.memory_space<vmem>>, vector<16xf32>,
      %swap3A_359 = arith.index_cast %scan3A_347 : i32 to index
      %swap3A_360 = arith.constant 16 : index
      %swap3A_361 = tpu.vector_load %arg15[%swap3A_359, %swap3A_360] {strides = array<i32>} : memref<1024x32xf32, #tpu.memory_space<vmem>>, vector<16xf32>,
      tpu.vector_store %arg15[%swap3A_359, %swap3A_360], %get3A_358 {strides = array<i32>} : memref<1024x32xf32, #tpu.memory_space<vmem>>, vector<16xf32>,
    }
    %scan3A_135 = arith.constant 1024 : i32
    %add3A_136 = arith.constant 4096 : i32
    %add3A_137 = arith.addi %mul3A_4, %add3A_136 : i32
    %dma_start3A_138 = arith.constant 0 : i32
    %dma_start3A_139 = tpu.memref_slice %arg6[%add3A_137, %dma_start3A_138] : memref<125008x32xf32, #tpu.memory_space<hbm>> -> memref<1024x32xf32, #tpu.memory_space<hbm>>
    %dma_start3A_140 = arith.constant 0 : i32
    %dma_start3A_141 = tpu.memref_slice %arg6[%add3A_137, %dma_start3A_140] : memref<125008x32xf32, #tpu.memory_space<hbm>> -> memref<1024x32xf32, #tpu.memory_space<hbm>>
    tpu.enqueue_dma source(%arg15 : memref<1024x32xf32, #tpu.memory_space<vmem>>) target(%dma_start3A_141 : memref<1024x32xf32, #tpu.memory_space<hbm>>) target_semaphore(%arg35 : memref<!tpu.dma_semaphore, #tpu.memory_space<semaphore_mem>>)
    %add3A_142 = arith.constant 6144 : i32
    %add3A_143 = arith.addi %mul3A_4, %add3A_142 : i32
    %mul3A_144 = arith.constant 8 : i32
    %mul3A_145 = arith.muli %mul3A_144, %add3A_143 : i32
    %dma_start3A_146 = tpu.memref_slice %arg3[%mul3A_145] : memref<1000080xf32, #tpu.memory_space<hbm>> -> memref<8208xf32, #tpu.memory_space<hbm>>
    %dma_start3A_147 = tpu.memref_slice %arg3[%mul3A_145] : memref<1000080xf32, #tpu.memory_space<hbm>> -> memref<8208xf32, #tpu.memory_space<hbm>>
    tpu.enqueue_dma source(%dma_start3A_147 : memref<8208xf32, #tpu.memory_space<hbm>>) target(%arg19 : memref<8208xf32, #tpu.memory_space<vmem>>) target_semaphore(%arg31 : memref<!tpu.dma_semaphore, #tpu.memory_space<semaphore_mem>>)
    %dma_start3A_148 = tpu.memref_slice %arg4[%mul3A_145] : memref<1000080xf32, #tpu.memory_space<hbm>> -> memref<8208xf32, #tpu.memory_space<hbm>>
    %dma_start3A_149 = tpu.memref_slice %arg4[%mul3A_145] : memref<1000080xf32, #tpu.memory_space<hbm>> -> memref<8208xf32, #tpu.memory_space<hbm>>
    tpu.enqueue_dma source(%dma_start3A_149 : memref<8208xf32, #tpu.memory_space<hbm>>) target(%arg21 : memref<8208xf32, #tpu.memory_space<vmem>>) target_semaphore(%arg33 : memref<!tpu.dma_semaphore, #tpu.memory_space<semaphore_mem>>)
    %dma_wait3A_150 = tpu.memref_slice %arg3[%mul3A_117] : memref<1000080xf32, #tpu.memory_space<hbm>> -> memref<8208xf32, #tpu.memory_space<hbm>>
    %dma_wait3A_151 = tpu.memref_slice %arg3[%mul3A_117] : memref<1000080xf32, #tpu.memory_space<hbm>> -> memref<8208xf32, #tpu.memory_space<hbm>>
    tpu.wait_dma2 semaphore(%arg32 : memref<!tpu.dma_semaphore, #tpu.memory_space<semaphore_mem>>) src(%dma_wait3A_151 : memref<8208xf32, #tpu.memory_space<hbm>>) dst(%arg20 : memref<8208xf32, #tpu.memory_space<vmem>>)
    %dma_wait3A_152 = tpu.memref_slice %arg4[%mul3A_117] : memref<1000080xf32, #tpu.memory_space<hbm>> -> memref<8208xf32, #tpu.memory_space<hbm>>
    %dma_wait3A_153 = tpu.memref_slice %arg4[%mul3A_117] : memref<1000080xf32, #tpu.memory_space<hbm>> -> memref<8208xf32, #tpu.memory_space<hbm>>
    tpu.wait_dma2 semaphore(%arg34 : memref<!tpu.dma_semaphore, #tpu.memory_space<semaphore_mem>>) src(%dma_wait3A_153 : memref<8208xf32, #tpu.memory_space<hbm>>) dst(%arg22 : memref<8208xf32, #tpu.memory_space<vmem>>)
    %dma_wait3A_154 = arith.constant 0 : i32
    %dma_wait3A_155 = tpu.memref_slice %arg6[%add3A_109, %dma_wait3A_154] : memref<125008x32xf32, #tpu.memory_space<hbm>> -> memref<1024x32xf32, #tpu.memory_space<hbm>>
    %dma_wait3A_156 = arith.constant 0 : i32
    %dma_wait3A_157 = tpu.memref_slice %arg6[%add3A_109, %dma_wait3A_156] : memref<125008x32xf32, #tpu.memory_space<hbm>> -> memref<1024x32xf32, #tpu.memory_space<hbm>>
    tpu.wait_dma2 semaphore(%arg36 : memref<!tpu.dma_semaphore, #tpu.memory_space<semaphore_mem>>) src(%arg16 : memref<1024x32xf32, #tpu.memory_space<vmem>>) dst(%dma_wait3A_157 : memref<1024x32xf32, #tpu.memory_space<hbm>>)
    %scan3A_158 = arith.constant 0 : i32
    %scan3A_159 = arith.constant 0 : i32
    %scan3A_160 = arith.constant 1024 : i32
    %scan3A_161 = arith.addi %scan3A_159, %scan3A_160 : i32
    %scan3A_162 = arith.constant 2 : i32
    scf.for %scan3A_333 = %scan3A_159 to %scan3A_161 step %scan3A_162  : i32 {
      %mul3A_334 = arith.constant 8 : i32
      %mul3A_335 = arith.muli %mul3A_334, %scan3A_333 : i32
      %get3A = arith.index_cast %mul3A_335 : i32 to index
      %get3A_336 = tpu.vector_load %arg20[%get3A] {strides = array<i32>} : memref<8208xf32, #tpu.memory_space<vmem>>, vector<16xf32>,
      %swap3A = arith.index_cast %scan3A_333 : i32 to index
      %swap3A_337 = arith.constant 0 : index
      %swap3A_338 = tpu.vector_load %arg16[%swap3A, %swap3A_337] {strides = array<i32>} : memref<1024x32xf32, #tpu.memory_space<vmem>>, vector<16xf32>,
      tpu.vector_store %arg16[%swap3A, %swap3A_337], %get3A_336 {strides = array<i32>} : memref<1024x32xf32, #tpu.memory_space<vmem>>, vector<16xf32>,
      %mul3A_339 = arith.constant 8 : i32
      %mul3A_340 = arith.muli %mul3A_339, %scan3A_333 : i32
      %get3A_341 = arith.index_cast %mul3A_340 : i32 to index
      %get3A_342 = tpu.vector_load %arg22[%get3A_341] {strides = array<i32>} : memref<8208xf32, #tpu.memory_space<vmem>>, vector<16xf32>,
      %swap3A_343 = arith.index_cast %scan3A_333 : i32 to index
      %swap3A_344 = arith.constant 16 : index
      %swap3A_345 = tpu.vector_load %arg16[%swap3A_343, %swap3A_344] {strides = array<i32>} : memref<1024x32xf32, #tpu.memory_space<vmem>>, vector<16xf32>,
      tpu.vector_store %arg16[%swap3A_343, %swap3A_344], %get3A_342 {strides = array<i32>} : memref<1024x32xf32, #tpu.memory_space<vmem>>, vector<16xf32>,
      %scan3A_346 = arith.constant 1 : i32
      %scan3A_347 = arith.addi %scan3A_333, %scan3A_346 : i32
      %mul3A_348 = arith.constant 8 : i32
      %mul3A_349 = arith.muli %mul3A_348, %scan3A_347 : i32
      %get3A_350 = arith.index_cast %mul3A_349 : i32 to index
      %get3A_351 = tpu.vector_load %arg20[%get3A_350] {strides = array<i32>} : memref<8208xf32, #tpu.memory_space<vmem>>, vector<16xf32>,
      %swap3A_352 = arith.index_cast %scan3A_347 : i32 to index
      %swap3A_353 = arith.constant 0 : index
      %swap3A_354 = tpu.vector_load %arg16[%swap3A_352, %swap3A_353] {strides = array<i32>} : memref<1024x32xf32, #tpu.memory_space<vmem>>, vector<16xf32>,
      tpu.vector_store %arg16[%swap3A_352, %swap3A_353], %get3A_351 {strides = array<i32>} : memref<1024x32xf32, #tpu.memory_space<vmem>>, vector<16xf32>,
      %mul3A_355 = arith.constant 8 : i32
      %mul3A_356 = arith.muli %mul3A_355, %scan3A_347 : i32
      %get3A_357 = arith.index_cast %mul3A_356 : i32 to index
      %get3A_358 = tpu.vector_load %arg22[%get3A_357] {strides = array<i32>} : memref<8208xf32, #tpu.memory_space<vmem>>, vector<16xf32>,
      %swap3A_359 = arith.index_cast %scan3A_347 : i32 to index
      %swap3A_360 = arith.constant 16 : index
      %swap3A_361 = tpu.vector_load %arg16[%swap3A_359, %swap3A_360] {strides = array<i32>} : memref<1024x32xf32, #tpu.memory_space<vmem>>, vector<16xf32>,
      tpu.vector_store %arg16[%swap3A_359, %swap3A_360], %get3A_358 {strides = array<i32>} : memref<1024x32xf32, #tpu.memory_space<vmem>>, vector<16xf32>,
    }
    %scan3A_163 = arith.constant 1024 : i32
    %add3A_164 = arith.constant 5120 : i32
    %add3A_165 = arith.addi %mul3A_4, %add3A_164 : i32
    %dma_start3A_166 = arith.constant 0 : i32
    %dma_start3A_167 = tpu.memref_slice %arg6[%add3A_165, %dma_start3A_166] : memref<125008x32xf32, #tpu.memory_space<hbm>> -> memref<1024x32xf32, #tpu.memory_space<hbm>>
    %dma_start3A_168 = arith.constant 0 : i32
    %dma_start3A_169 = tpu.memref_slice %arg6[%add3A_165, %dma_start3A_168] : memref<125008x32xf32, #tpu.memory_space<hbm>> -> memref<1024x32xf32, #tpu.memory_space<hbm>>
    tpu.enqueue_dma source(%arg16 : memref<1024x32xf32, #tpu.memory_space<vmem>>) target(%dma_start3A_169 : memref<1024x32xf32, #tpu.memory_space<hbm>>) target_semaphore(%arg36 : memref<!tpu.dma_semaphore, #tpu.memory_space<semaphore_mem>>)
    %add3A_170 = arith.constant 6789 : i32
    %add3A_171 = arith.addi %mul3A_4, %add3A_170 : i32
    %mul3A_172 = arith.constant 8 : i32
    %mul3A_173 = arith.muli %mul3A_172, %add3A_171 : i32
    %dma_start3A_174 = tpu.memref_slice %arg3[%mul3A_173] : memref<1000080xf32, #tpu.memory_space<hbm>> -> memref<8208xf32, #tpu.memory_space<hbm>>
    %dma_start3A_175 = tpu.memref_slice %arg3[%mul3A_173] : memref<1000080xf32, #tpu.memory_space<hbm>> -> memref<8208xf32, #tpu.memory_space<hbm>>
    tpu.enqueue_dma source(%dma_start3A_175 : memref<8208xf32, #tpu.memory_space<hbm>>) target(%arg20 : memref<8208xf32, #tpu.memory_space<vmem>>) target_semaphore(%arg32 : memref<!tpu.dma_semaphore, #tpu.memory_space<semaphore_mem>>)
    %dma_start3A_176 = tpu.memref_slice %arg4[%mul3A_173] : memref<1000080xf32, #tpu.memory_space<hbm>> -> memref<8208xf32, #tpu.memory_space<hbm>>
    %dma_start3A_177 = tpu.memref_slice %arg4[%mul3A_173] : memref<1000080xf32, #tpu.memory_space<hbm>> -> memref<8208xf32, #tpu.memory_space<hbm>>
    tpu.enqueue_dma source(%dma_start3A_177 : memref<8208xf32, #tpu.memory_space<hbm>>) target(%arg22 : memref<8208xf32, #tpu.memory_space<vmem>>) target_semaphore(%arg34 : memref<!tpu.dma_semaphore, #tpu.memory_space<semaphore_mem>>)
    %dma_wait3A_178 = tpu.memref_slice %arg3[%mul3A_145] : memref<1000080xf32, #tpu.memory_space<hbm>> -> memref<8208xf32, #tpu.memory_space<hbm>>
    %dma_wait3A_179 = tpu.memref_slice %arg3[%mul3A_145] : memref<1000080xf32, #tpu.memory_space<hbm>> -> memref<8208xf32, #tpu.memory_space<hbm>>
    tpu.wait_dma2 semaphore(%arg31 : memref<!tpu.dma_semaphore, #tpu.memory_space<semaphore_mem>>) src(%dma_wait3A_179 : memref<8208xf32, #tpu.memory_space<hbm>>) dst(%arg19 : memref<8208xf32, #tpu.memory_space<vmem>>)
    %dma_wait3A_180 = tpu.memref_slice %arg4[%mul3A_145] : memref<1000080xf32, #tpu.memory_space<hbm>> -> memref<8208xf32, #tpu.memory_space<hbm>>
    %dma_wait3A_181 = tpu.memref_slice %arg4[%mul3A_145] : memref<1000080xf32, #tpu.memory_space<hbm>> -> memref<8208xf32, #tpu.memory_space<hbm>>
    tpu.wait_dma2 semaphore(%arg33 : memref<!tpu.dma_semaphore, #tpu.memory_space<semaphore_mem>>) src(%dma_wait3A_181 : memref<8208xf32, #tpu.memory_space<hbm>>) dst(%arg21 : memref<8208xf32, #tpu.memory_space<vmem>>)
    %dma_wait3A_182 = arith.constant 0 : i32
    %dma_wait3A_183 = tpu.memref_slice %arg6[%add3A_137, %dma_wait3A_182] : memref<125008x32xf32, #tpu.memory_space<hbm>> -> memref<1024x32xf32, #tpu.memory_space<hbm>>
    %dma_wait3A_184 = arith.constant 0 : i32
    %dma_wait3A_185 = tpu.memref_slice %arg6[%add3A_137, %dma_wait3A_184] : memref<125008x32xf32, #tpu.memory_space<hbm>> -> memref<1024x32xf32, #tpu.memory_space<hbm>>
    tpu.wait_dma2 semaphore(%arg35 : memref<!tpu.dma_semaphore, #tpu.memory_space<semaphore_mem>>) src(%arg15 : memref<1024x32xf32, #tpu.memory_space<vmem>>) dst(%dma_wait3A_185 : memref<1024x32xf32, #tpu.memory_space<hbm>>)
    %scan3A_186 = arith.constant 0 : i32
    %scan3A_187 = arith.constant 0 : i32
    %scan3A_188 = arith.constant 1024 : i32
    %scan3A_189 = arith.addi %scan3A_187, %scan3A_188 : i32
    %scan3A_190 = arith.constant 2 : i32
    scf.for %scan3A_333 = %scan3A_187 to %scan3A_189 step %scan3A_190  : i32 {
      %mul3A_334 = arith.constant 8 : i32
      %mul3A_335 = arith.muli %mul3A_334, %scan3A_333 : i32
      %get3A = arith.index_cast %mul3A_335 : i32 to index
      %get3A_336 = tpu.vector_load %arg19[%get3A] {strides = array<i32>} : memref<8208xf32, #tpu.memory_space<vmem>>, vector<16xf32>,
      %swap3A = arith.index_cast %scan3A_333 : i32 to index
      %swap3A_337 = arith.constant 0 : index
      %swap3A_338 = tpu.vector_load %arg15[%swap3A, %swap3A_337] {strides = array<i32>} : memref<1024x32xf32, #tpu.memory_space<vmem>>, vector<16xf32>,
      tpu.vector_store %arg15[%swap3A, %swap3A_337], %get3A_336 {strides = array<i32>} : memref<1024x32xf32, #tpu.memory_space<vmem>>, vector<16xf32>,
      %mul3A_339 = arith.constant 8 : i32
      %mul3A_340 = arith.muli %mul3A_339, %scan3A_333 : i32
      %get3A_341 = arith.index_cast %mul3A_340 : i32 to index
      %get3A_342 = tpu.vector_load %arg21[%get3A_341] {strides = array<i32>} : memref<8208xf32, #tpu.memory_space<vmem>>, vector<16xf32>,
      %swap3A_343 = arith.index_cast %scan3A_333 : i32 to index
      %swap3A_344 = arith.constant 16 : index
      %swap3A_345 = tpu.vector_load %arg15[%swap3A_343, %swap3A_344] {strides = array<i32>} : memref<1024x32xf32, #tpu.memory_space<vmem>>, vector<16xf32>,
      tpu.vector_store %arg15[%swap3A_343, %swap3A_344], %get3A_342 {strides = array<i32>} : memref<1024x32xf32, #tpu.memory_space<vmem>>, vector<16xf32>,
      %scan3A_346 = arith.constant 1 : i32
      %scan3A_347 = arith.addi %scan3A_333, %scan3A_346 : i32
      %mul3A_348 = arith.constant 8 : i32
      %mul3A_349 = arith.muli %mul3A_348, %scan3A_347 : i32
      %get3A_350 = arith.index_cast %mul3A_349 : i32 to index
      %get3A_351 = tpu.vector_load %arg19[%get3A_350] {strides = array<i32>} : memref<8208xf32, #tpu.memory_space<vmem>>, vector<16xf32>,
      %swap3A_352 = arith.index_cast %scan3A_347 : i32 to index
      %swap3A_353 = arith.constant 0 : index
      %swap3A_354 = tpu.vector_load %arg15[%swap3A_352, %swap3A_353] {strides = array<i32>} : memref<1024x32xf32, #tpu.memory_space<vmem>>, vector<16xf32>,
      tpu.vector_store %arg15[%swap3A_352, %swap3A_353], %get3A_351 {strides = array<i32>} : memref<1024x32xf32, #tpu.memory_space<vmem>>, vector<16xf32>,
      %mul3A_355 = arith.constant 8 : i32
      %mul3A_356 = arith.muli %mul3A_355, %scan3A_347 : i32
      %get3A_357 = arith.index_cast %mul3A_356 : i32 to index
      %get3A_358 = tpu.vector_load %arg21[%get3A_357] {strides = array<i32>} : memref<8208xf32, #tpu.memory_space<vmem>>, vector<16xf32>,
      %swap3A_359 = arith.index_cast %scan3A_347 : i32 to index
      %swap3A_360 = arith.constant 16 : index
      %swap3A_361 = tpu.vector_load %arg15[%swap3A_359, %swap3A_360] {strides = array<i32>} : memref<1024x32xf32, #tpu.memory_space<vmem>>, vector<16xf32>,
      tpu.vector_store %arg15[%swap3A_359, %swap3A_360], %get3A_358 {strides = array<i32>} : memref<1024x32xf32, #tpu.memory_space<vmem>>, vector<16xf32>,
    }
    %scan3A_191 = arith.constant 1024 : i32
    %add3A_192 = arith.constant 6144 : i32
    %add3A_193 = arith.addi %mul3A_4, %add3A_192 : i32
    %dma_start3A_194 = arith.constant 0 : i32
    %dma_start3A_195 = tpu.memref_slice %arg6[%add3A_193, %dma_start3A_194] : memref<125008x32xf32, #tpu.memory_space<hbm>> -> memref<1024x32xf32, #tpu.memory_space<hbm>>
    %dma_start3A_196 = arith.constant 0 : i32
    %dma_start3A_197 = tpu.memref_slice %arg6[%add3A_193, %dma_start3A_196] : memref<125008x32xf32, #tpu.memory_space<hbm>> -> memref<1024x32xf32, #tpu.memory_space<hbm>>
    tpu.enqueue_dma source(%arg15 : memref<1024x32xf32, #tpu.memory_space<vmem>>) target(%dma_start3A_197 : memref<1024x32xf32, #tpu.memory_space<hbm>>) target_semaphore(%arg35 : memref<!tpu.dma_semaphore, #tpu.memory_space<semaphore_mem>>)
    %dma_wait3A_198 = tpu.memref_slice %arg3[%mul3A_173] : memref<1000080xf32, #tpu.memory_space<hbm>> -> memref<8208xf32, #tpu.memory_space<hbm>>
    %dma_wait3A_199 = tpu.memref_slice %arg3[%mul3A_173] : memref<1000080xf32, #tpu.memory_space<hbm>> -> memref<8208xf32, #tpu.memory_space<hbm>>
    tpu.wait_dma2 semaphore(%arg32 : memref<!tpu.dma_semaphore, #tpu.memory_space<semaphore_mem>>) src(%dma_wait3A_199 : memref<8208xf32, #tpu.memory_space<hbm>>) dst(%arg20 : memref<8208xf32, #tpu.memory_space<vmem>>)
    %dma_wait3A_200 = tpu.memref_slice %arg4[%mul3A_173] : memref<1000080xf32, #tpu.memory_space<hbm>> -> memref<8208xf32, #tpu.memory_space<hbm>>
    %dma_wait3A_201 = tpu.memref_slice %arg4[%mul3A_173] : memref<1000080xf32, #tpu.memory_space<hbm>> -> memref<8208xf32, #tpu.memory_space<hbm>>
    tpu.wait_dma2 semaphore(%arg34 : memref<!tpu.dma_semaphore, #tpu.memory_space<semaphore_mem>>) src(%dma_wait3A_201 : memref<8208xf32, #tpu.memory_space<hbm>>) dst(%arg22 : memref<8208xf32, #tpu.memory_space<vmem>>)
    %dma_wait3A_202 = arith.constant 0 : i32
    %dma_wait3A_203 = tpu.memref_slice %arg6[%add3A_165, %dma_wait3A_202] : memref<125008x32xf32, #tpu.memory_space<hbm>> -> memref<1024x32xf32, #tpu.memory_space<hbm>>
    %dma_wait3A_204 = arith.constant 0 : i32
    %dma_wait3A_205 = tpu.memref_slice %arg6[%add3A_165, %dma_wait3A_204] : memref<125008x32xf32, #tpu.memory_space<hbm>> -> memref<1024x32xf32, #tpu.memory_space<hbm>>
    tpu.wait_dma2 semaphore(%arg36 : memref<!tpu.dma_semaphore, #tpu.memory_space<semaphore_mem>>) src(%arg16 : memref<1024x32xf32, #tpu.memory_space<vmem>>) dst(%dma_wait3A_205 : memref<1024x32xf32, #tpu.memory_space<hbm>>)
    %scan3A_206 = arith.constant 0 : i32
    %scan3A_207 = arith.constant 0 : i32
    %scan3A_208 = arith.constant 1024 : i32
    %scan3A_209 = arith.addi %scan3A_207, %scan3A_208 : i32
    %scan3A_210 = arith.constant 2 : i32
    scf.for %scan3A_333 = %scan3A_207 to %scan3A_209 step %scan3A_210  : i32 {
      %mul3A_334 = arith.constant 8 : i32
      %mul3A_335 = arith.muli %mul3A_334, %scan3A_333 : i32
      %get3A = arith.index_cast %mul3A_335 : i32 to index
      %get3A_336 = tpu.vector_load %arg20[%get3A] {strides = array<i32>} : memref<8208xf32, #tpu.memory_space<vmem>>, vector<16xf32>,
      %swap3A = arith.index_cast %scan3A_333 : i32 to index
      %swap3A_337 = arith.constant 0 : index
      %swap3A_338 = tpu.vector_load %arg16[%swap3A, %swap3A_337] {strides = array<i32>} : memref<1024x32xf32, #tpu.memory_space<vmem>>, vector<16xf32>,
      tpu.vector_store %arg16[%swap3A, %swap3A_337], %get3A_336 {strides = array<i32>} : memref<1024x32xf32, #tpu.memory_space<vmem>>, vector<16xf32>,
      %mul3A_339 = arith.constant 8 : i32
      %mul3A_340 = arith.muli %mul3A_339, %scan3A_333 : i32
      %get3A_341 = arith.index_cast %mul3A_340 : i32 to index
      %get3A_342 = tpu.vector_load %arg22[%get3A_341] {strides = array<i32>} : memref<8208xf32, #tpu.memory_space<vmem>>, vector<16xf32>,
      %swap3A_343 = arith.index_cast %scan3A_333 : i32 to index
      %swap3A_344 = arith.constant 16 : index
      %swap3A_345 = tpu.vector_load %arg16[%swap3A_343, %swap3A_344] {strides = array<i32>} : memref<1024x32xf32, #tpu.memory_space<vmem>>, vector<16xf32>,
      tpu.vector_store %arg16[%swap3A_343, %swap3A_344], %get3A_342 {strides = array<i32>} : memref<1024x32xf32, #tpu.memory_space<vmem>>, vector<16xf32>,
      %scan3A_346 = arith.constant 1 : i32
      %scan3A_347 = arith.addi %scan3A_333, %scan3A_346 : i32
      %mul3A_348 = arith.constant 8 : i32
      %mul3A_349 = arith.muli %mul3A_348, %scan3A_347 : i32
      %get3A_350 = arith.index_cast %mul3A_349 : i32 to index
      %get3A_351 = tpu.vector_load %arg20[%get3A_350] {strides = array<i32>} : memref<8208xf32, #tpu.memory_space<vmem>>, vector<16xf32>,
      %swap3A_352 = arith.index_cast %scan3A_347 : i32 to index
      %swap3A_353 = arith.constant 0 : index
      %swap3A_354 = tpu.vector_load %arg16[%swap3A_352, %swap3A_353] {strides = array<i32>} : memref<1024x32xf32, #tpu.memory_space<vmem>>, vector<16xf32>,
      tpu.vector_store %arg16[%swap3A_352, %swap3A_353], %get3A_351 {strides = array<i32>} : memref<1024x32xf32, #tpu.memory_space<vmem>>, vector<16xf32>,
      %mul3A_355 = arith.constant 8 : i32
      %mul3A_356 = arith.muli %mul3A_355, %scan3A_347 : i32
      %get3A_357 = arith.index_cast %mul3A_356 : i32 to index
      %get3A_358 = tpu.vector_load %arg22[%get3A_357] {strides = array<i32>} : memref<8208xf32, #tpu.memory_space<vmem>>, vector<16xf32>,
      %swap3A_359 = arith.index_cast %scan3A_347 : i32 to index
      %swap3A_360 = arith.constant 16 : index
      %swap3A_361 = tpu.vector_load %arg16[%swap3A_359, %swap3A_360] {strides = array<i32>} : memref<1024x32xf32, #tpu.memory_space<vmem>>, vector<16xf32>,
      tpu.vector_store %arg16[%swap3A_359, %swap3A_360], %get3A_358 {strides = array<i32>} : memref<1024x32xf32, #tpu.memory_space<vmem>>, vector<16xf32>,
    }
    %scan3A_211 = arith.constant 1024 : i32
    %add3A_212 = arith.constant 6789 : i32
    %add3A_213 = arith.addi %mul3A_4, %add3A_212 : i32
    %dma_start3A_214 = arith.constant 0 : i32
    %dma_start3A_215 = tpu.memref_slice %arg6[%add3A_213, %dma_start3A_214] : memref<125008x32xf32, #tpu.memory_space<hbm>> -> memref<1024x32xf32, #tpu.memory_space<hbm>>
    %dma_start3A_216 = arith.constant 0 : i32
    %dma_start3A_217 = tpu.memref_slice %arg6[%add3A_213, %dma_start3A_216] : memref<125008x32xf32, #tpu.memory_space<hbm>> -> memref<1024x32xf32, #tpu.memory_space<hbm>>
    tpu.enqueue_dma source(%arg16 : memref<1024x32xf32, #tpu.memory_space<vmem>>) target(%dma_start3A_217 : memref<1024x32xf32, #tpu.memory_space<hbm>>) target_semaphore(%arg36 : memref<!tpu.dma_semaphore, #tpu.memory_space<semaphore_mem>>)
    %dma_wait3A_218 = arith.constant 0 : i32
    %dma_wait3A_219 = tpu.memref_slice %arg6[%add3A_193, %dma_wait3A_218] : memref<125008x32xf32, #tpu.memory_space<hbm>> -> memref<1024x32xf32, #tpu.memory_space<hbm>>
    %dma_wait3A_220 = arith.constant 0 : i32
    %dma_wait3A_221 = tpu.memref_slice %arg6[%add3A_193, %dma_wait3A_220] : memref<125008x32xf32, #tpu.memory_space<hbm>> -> memref<1024x32xf32, #tpu.memory_space<hbm>>
    tpu.wait_dma2 semaphore(%arg35 : memref<!tpu.dma_semaphore, #tpu.memory_space<semaphore_mem>>) src(%arg15 : memref<1024x32xf32, #tpu.memory_space<vmem>>) dst(%dma_wait3A_221 : memref<1024x32xf32, #tpu.memory_space<hbm>>)
    %dma_wait3A_222 = arith.constant 0 : i32
    %dma_wait3A_223 = tpu.memref_slice %arg6[%add3A_213, %dma_wait3A_222] : memref<125008x32xf32, #tpu.memory_space<hbm>> -> memref<1024x32xf32, #tpu.memory_space<hbm>>
    %dma_wait3A_224 = arith.constant 0 : i32
    %dma_wait3A_225 = tpu.memref_slice %arg6[%add3A_213, %dma_wait3A_224] : memref<125008x32xf32, #tpu.memory_space<hbm>> -> memref<1024x32xf32, #tpu.memory_space<hbm>>
    tpu.wait_dma2 semaphore(%arg36 : memref<!tpu.dma_semaphore, #tpu.memory_space<semaphore_mem>>) src(%arg16 : memref<1024x32xf32, #tpu.memory_space<vmem>>) dst(%dma_wait3A_225 : memref<1024x32xf32, #tpu.memory_space<hbm>>)
    %barrier3A = arith.constant 0 : index
    tpu.barrier barrier_id(%barrier3A)
    %add3A_226 = arith.constant 0 : i32
    %add3A_227 = arith.addi %mul3A_2, %add3A_226 : i32
    %dma_start3A_228 = tpu.memref_slice %arg2[%add3A_227] : memref<8388608xf32, #tpu.memory_space<hbm>> -> memref<1024xf32, #tpu.memory_space<hbm>>
    %dma_start3A_229 = tpu.memref_slice %arg2[%add3A_227] : memref<8388608xf32, #tpu.memory_space<hbm>> -> memref<1024xf32, #tpu.memory_space<hbm>>
    tpu.enqueue_dma source(%dma_start3A_229 : memref<1024xf32, #tpu.memory_space<hbm>>) target(%arg7 : memref<1024xf32, #tpu.memory_space<vmem>>) target_semaphore(%arg25 : memref<!tpu.dma_semaphore, #tpu.memory_space<semaphore_mem>>)
    %add3A_230 = arith.constant 1024 : i32
    %add3A_231 = arith.addi %mul3A_2, %add3A_230 : i32
    %dma_start3A_232 = tpu.memref_slice %arg2[%add3A_231] : memref<8388608xf32, #tpu.memory_space<hbm>> -> memref<1024xf32, #tpu.memory_space<hbm>>
    %dma_start3A_233 = tpu.memref_slice %arg2[%add3A_231] : memref<8388608xf32, #tpu.memory_space<hbm>> -> memref<1024xf32, #tpu.memory_space<hbm>>
    tpu.enqueue_dma source(%dma_start3A_233 : memref<1024xf32, #tpu.memory_space<hbm>>) target(%arg8 : memref<1024xf32, #tpu.memory_space<vmem>>) target_semaphore(%arg26 : memref<!tpu.dma_semaphore, #tpu.memory_space<semaphore_mem>>)
    %add3A_234 = arith.constant 2048 : i32
    %add3A_235 = arith.addi %mul3A_2, %add3A_234 : i32
    %dma_start3A_236 = tpu.memref_slice %arg2[%add3A_235] : memref<8388608xf32, #tpu.memory_space<hbm>> -> memref<1024xf32, #tpu.memory_space<hbm>>
    %dma_start3A_237 = tpu.memref_slice %arg2[%add3A_235] : memref<8388608xf32, #tpu.memory_space<hbm>> -> memref<1024xf32, #tpu.memory_space<hbm>>
    tpu.enqueue_dma source(%dma_start3A_237 : memref<1024xf32, #tpu.memory_space<hbm>>) target(%arg9 : memref<1024xf32, #tpu.memory_space<vmem>>) target_semaphore(%arg27 : memref<!tpu.dma_semaphore, #tpu.memory_space<semaphore_mem>>)
    %add3A_238 = arith.constant 3072 : i32
    %add3A_239 = arith.addi %mul3A_2, %add3A_238 : i32
    %dma_start3A_240 = tpu.memref_slice %arg2[%add3A_239] : memref<8388608xf32, #tpu.memory_space<hbm>> -> memref<1024xf32, #tpu.memory_space<hbm>>
    %dma_start3A_241 = tpu.memref_slice %arg2[%add3A_239] : memref<8388608xf32, #tpu.memory_space<hbm>> -> memref<1024xf32, #tpu.memory_space<hbm>>
    tpu.enqueue_dma source(%dma_start3A_241 : memref<1024xf32, #tpu.memory_space<hbm>>) target(%arg10 : memref<1024xf32, #tpu.memory_space<vmem>>) target_semaphore(%arg28 : memref<!tpu.dma_semaphore, #tpu.memory_space<semaphore_mem>>)
    %dma_wait3A_242 = arith.constant 0 : i32
    %dma_wait3A_243 = tpu.memref_slice %arg2[%dma_wait3A_242] : memref<8388608xf32, #tpu.memory_space<hbm>> -> memref<1024xf32, #tpu.memory_space<hbm>>
    %dma_wait3A_244 = arith.constant 0 : i32
    %dma_wait3A_245 = tpu.memref_slice %arg2[%dma_wait3A_244] : memref<8388608xf32, #tpu.memory_space<hbm>> -> memref<1024xf32, #tpu.memory_space<hbm>>
    tpu.wait_dma2 semaphore(%arg25 : memref<!tpu.dma_semaphore, #tpu.memory_space<semaphore_mem>>) src(%dma_wait3A_245 : memref<1024xf32, #tpu.memory_space<hbm>>) dst(%arg7 : memref<1024xf32, #tpu.memory_space<vmem>>)
    %iota3A = tpu.iota {dimensions = array<i32: 0>} : vector<16xi32>
    %mul3A_246 = arith.constant 32 : i32
    %mul3A_247 = vector.broadcast %mul3A_246 : i32 to vector<16xi32>
    %mul3A_248 = arith.muli %iota3A, %mul3A_247 : vector<16xi32>
    %scan3A_249 = arith.constant 0 : i32
    %scan3A_250 = arith.constant 0 : i32
    %scan3A_251 = arith.constant 64 : i32
    %scan3A_252 = arith.addi %scan3A_250, %scan3A_251 : i32
    %scan3A_253 = arith.constant 4 : i32
    scf.for %scan3A_333 = %scan3A_250 to %scan3A_252 step %scan3A_253  : i32 {
      %mul3A_334 = arith.constant 16 : i32
      %mul3A_335 = arith.muli %scan3A_333, %mul3A_334 : i32
      %get3A = arith.index_cast %mul3A_335 : i32 to index
      %get3A_336 = tpu.vector_load %arg7[%get3A] {strides = array<i32>} : memref<1024xf32, #tpu.memory_space<vmem>>, vector<16xf32>,
      %mul3A_337 = arith.constant 9.999990e+05 : f32
      %mul3A_338 = vector.broadcast %mul3A_337 : f32 to vector<16xf32>
      %mul3A_339 = arith.mulf %get3A_336, %mul3A_338 : vector<16xf32>
      %convert_element_type3A = arith.fptosi %mul3A_339 : vector<16xf32> to vector<16xi32>
      %shift_right_arithmetic3A = arith.constant 3 : i32
      %shift_right_arithmetic3A_340 = vector.broadcast %shift_right_arithmetic3A : i32 to vector<16xi32>
      %shift_right_arithmetic3A_341 = arith.shrsi %convert_element_type3A, %shift_right_arithmetic3A_340 : vector<16xi32>
      %mul3A_342 = arith.constant 16 : i32
      %mul3A_343 = arith.muli %scan3A_333, %mul3A_342 : i32
      %swap3A = arith.index_cast %mul3A_343 : i32 to index
      %swap3A_344 = tpu.vector_load %arg11[%swap3A] {strides = array<i32>} : memref<1024xi32, #tpu.memory_space<vmem>>, vector<16xi32>,
      tpu.vector_store %arg11[%swap3A], %shift_right_arithmetic3A_341 {strides = array<i32>} : memref<1024xi32, #tpu.memory_space<vmem>>, vector<16xi32>,
      %and3A = arith.constant 7 : i32
      %and3A_345 = vector.broadcast %and3A : i32 to vector<16xi32>
      %and3A_346 = arith.andi %convert_element_type3A, %and3A_345 : vector<16xi32>
      %mul3A_347 = arith.constant 512 : i32
      %mul3A_348 = arith.muli %scan3A_333, %mul3A_347 : i32
      %add3A_349 = vector.broadcast %mul3A_348 : i32 to vector<16xi32>
      %add3A_350 = arith.addi %mul3A_248, %add3A_349 : vector<16xi32>
      %add3A_351 = arith.addi %and3A_346, %add3A_350 : vector<16xi32>
      %mul3A_352 = arith.constant 16 : i32
      %mul3A_353 = arith.muli %scan3A_333, %mul3A_352 : i32
      %swap3A_354 = arith.index_cast %mul3A_353 : i32 to index
      %swap3A_355 = tpu.vector_load %arg13[%swap3A_354] {strides = array<i32>} : memref<1024xi32, #tpu.memory_space<vmem>>, vector<16xi32>,
      tpu.vector_store %arg13[%swap3A_354], %add3A_351 {strides = array<i32>} : memref<1024xi32, #tpu.memory_space<vmem>>, vector<16xi32>,
      %scan3A_356 = arith.constant 1 : i32
      %scan3A_357 = arith.addi %scan3A_333, %scan3A_356 : i32
      %mul3A_358 = arith.constant 16 : i32
      %mul3A_359 = arith.muli %scan3A_357, %mul3A_358 : i32
      %get3A_360 = arith.index_cast %mul3A_359 : i32 to index
      %get3A_361 = tpu.vector_load %arg7[%get3A_360] {strides = array<i32>} : memref<1024xf32, #tpu.memory_space<vmem>>, vector<16xf32>,
      %mul3A_362 = arith.constant 9.999990e+05 : f32
      %mul3A_363 = vector.broadcast %mul3A_362 : f32 to vector<16xf32>
      %mul3A_364 = arith.mulf %get3A_361, %mul3A_363 : vector<16xf32>
      %convert_element_type3A_365 = arith.fptosi %mul3A_364 : vector<16xf32> to vector<16xi32>
      %shift_right_arithmetic3A_366 = arith.constant 3 : i32
      %shift_right_arithmetic3A_367 = vector.broadcast %shift_right_arithmetic3A_366 : i32 to vector<16xi32>
      %shift_right_arithmetic3A_368 = arith.shrsi %convert_element_type3A_365, %shift_right_arithmetic3A_367 : vector<16xi32>
      %mul3A_369 = arith.constant 16 : i32
      %mul3A_370 = arith.muli %scan3A_357, %mul3A_369 : i32
      %swap3A_371 = arith.index_cast %mul3A_370 : i32 to index
      %swap3A_372 = tpu.vector_load %arg11[%swap3A_371] {strides = array<i32>} : memref<1024xi32, #tpu.memory_space<vmem>>, vector<16xi32>,
      tpu.vector_store %arg11[%swap3A_371], %shift_right_arithmetic3A_368 {strides = array<i32>} : memref<1024xi32, #tpu.memory_space<vmem>>, vector<16xi32>,
      %and3A_373 = arith.constant 7 : i32
      %and3A_374 = vector.broadcast %and3A_373 : i32 to vector<16xi32>
      %and3A_375 = arith.andi %convert_element_type3A_365, %and3A_374 : vector<16xi32>
      %mul3A_376 = arith.constant 512 : i32
      %mul3A_377 = arith.muli %scan3A_357, %mul3A_376 : i32
      %add3A_378 = vector.broadcast %mul3A_377 : i32 to vector<16xi32>
      %add3A_379 = arith.addi %mul3A_248, %add3A_378 : vector<16xi32>
      %add3A_380 = arith.addi %and3A_375, %add3A_379 : vector<16xi32>
      %mul3A_381 = arith.constant 16 : i32
      %mul3A_382 = arith.muli %scan3A_357, %mul3A_381 : i32
      %swap3A_383 = arith.index_cast %mul3A_382 : i32 to index
      %swap3A_384 = tpu.vector_load %arg13[%swap3A_383] {strides = array<i32>} : memref<1024xi32, #tpu.memory_space<vmem>>, vector<16xi32>,
      tpu.vector_store %arg13[%swap3A_383], %add3A_380 {strides = array<i32>} : memref<1024xi32, #tpu.memory_space<vmem>>, vector<16xi32>,
      %scan3A_385 = arith.constant 2 : i32
      %scan3A_386 = arith.addi %scan3A_333, %scan3A_385 : i32
      %mul3A_387 = arith.constant 16 : i32
      %mul3A_388 = arith.muli %scan3A_386, %mul3A_387 : i32
      %get3A_389 = arith.index_cast %mul3A_388 : i32 to index
      %get3A_390 = tpu.vector_load %arg7[%get3A_389] {strides = array<i32>} : memref<1024xf32, #tpu.memory_space<vmem>>, vector<16xf32>,
      %mul3A_391 = arith.constant 9.999990e+05 : f32
      %mul3A_392 = vector.broadcast %mul3A_391 : f32 to vector<16xf32>
      %mul3A_393 = arith.mulf %get3A_390, %mul3A_392 : vector<16xf32>
      %convert_element_type3A_394 = arith.fptosi %mul3A_393 : vector<16xf32> to vector<16xi32>
      %shift_right_arithmetic3A_395 = arith.constant 3 : i32
      %shift_right_arithmetic3A_396 = vector.broadcast %shift_right_arithmetic3A_395 : i32 to vector<16xi32>
      %shift_right_arithmetic3A_397 = arith.shrsi %convert_element_type3A_394, %shift_right_arithmetic3A_396 : vector<16xi32>
      %mul3A_398 = arith.constant 16 : i32
      %mul3A_399 = arith.muli %scan3A_386, %mul3A_398 : i32
      %swap3A_400 = arith.index_cast %mul3A_399 : i32 to index
      %swap3A_401 = tpu.vector_load %arg11[%swap3A_400] {strides = array<i32>} : memref<1024xi32, #tpu.memory_space<vmem>>, vector<16xi32>,
      tpu.vector_store %arg11[%swap3A_400], %shift_right_arithmetic3A_397 {strides = array<i32>} : memref<1024xi32, #tpu.memory_space<vmem>>, vector<16xi32>,
      %and3A_402 = arith.constant 7 : i32
      %and3A_403 = vector.broadcast %and3A_402 : i32 to vector<16xi32>
      %and3A_404 = arith.andi %convert_element_type3A_394, %and3A_403 : vector<16xi32>
      %mul3A_405 = arith.constant 512 : i32
      %mul3A_406 = arith.muli %scan3A_386, %mul3A_405 : i32
      %add3A_407 = vector.broadcast %mul3A_406 : i32 to vector<16xi32>
      %add3A_408 = arith.addi %mul3A_248, %add3A_407 : vector<16xi32>
      %add3A_409 = arith.addi %and3A_404, %add3A_408 : vector<16xi32>
      %mul3A_410 = arith.constant 16 : i32
      %mul3A_411 = arith.muli %scan3A_386, %mul3A_410 : i32
      %swap3A_412 = arith.index_cast %mul3A_411 : i32 to index
      %swap3A_413 = tpu.vector_load %arg13[%swap3A_412] {strides = array<i32>} : memref<1024xi32, #tpu.memory_space<vmem>>, vector<16xi32>,
      tpu.vector_store %arg13[%swap3A_412], %add3A_409 {strides = array<i32>} : memref<1024xi32, #tpu.memory_space<vmem>>, vector<16xi32>,
      %scan3A_414 = arith.constant 3 : i32
      %scan3A_415 = arith.addi %scan3A_333, %scan3A_414 : i32
      %mul3A_416 = arith.constant 16 : i32
      %mul3A_417 = arith.muli %scan3A_415, %mul3A_416 : i32
      %get3A_418 = arith.index_cast %mul3A_417 : i32 to index
      %get3A_419 = tpu.vector_load %arg7[%get3A_418] {strides = array<i32>} : memref<1024xf32, #tpu.memory_space<vmem>>, vector<16xf32>,
      %mul3A_420 = arith.constant 9.999990e+05 : f32
      %mul3A_421 = vector.broadcast %mul3A_420 : f32 to vector<16xf32>
      %mul3A_422 = arith.mulf %get3A_419, %mul3A_421 : vector<16xf32>
      %convert_element_type3A_423 = arith.fptosi %mul3A_422 : vector<16xf32> to vector<16xi32>
      %shift_right_arithmetic3A_424 = arith.constant 3 : i32
      %shift_right_arithmetic3A_425 = vector.broadcast %shift_right_arithmetic3A_424 : i32 to vector<16xi32>
      %shift_right_arithmetic3A_426 = arith.shrsi %convert_element_type3A_423, %shift_right_arithmetic3A_425 : vector<16xi32>
      %mul3A_427 = arith.constant 16 : i32
      %mul3A_428 = arith.muli %scan3A_415, %mul3A_427 : i32
      %swap3A_429 = arith.index_cast %mul3A_428 : i32 to index
      %swap3A_430 = tpu.vector_load %arg11[%swap3A_429] {strides = array<i32>} : memref<1024xi32, #tpu.memory_space<vmem>>, vector<16xi32>,
      tpu.vector_store %arg11[%swap3A_429], %shift_right_arithmetic3A_426 {strides = array<i32>} : memref<1024xi32, #tpu.memory_space<vmem>>, vector<16xi32>,
      %and3A_431 = arith.constant 7 : i32
      %and3A_432 = vector.broadcast %and3A_431 : i32 to vector<16xi32>
      %and3A_433 = arith.andi %convert_element_type3A_423, %and3A_432 : vector<16xi32>
      %mul3A_434 = arith.constant 512 : i32
      %mul3A_435 = arith.muli %scan3A_415, %mul3A_434 : i32
      %add3A_436 = vector.broadcast %mul3A_435 : i32 to vector<16xi32>
      %add3A_437 = arith.addi %mul3A_248, %add3A_436 : vector<16xi32>
      %add3A_438 = arith.addi %and3A_433, %add3A_437 : vector<16xi32>
      %mul3A_439 = arith.constant 16 : i32
      %mul3A_440 = arith.muli %scan3A_415, %mul3A_439 : i32
      %swap3A_441 = arith.index_cast %mul3A_440 : i32 to index
      %swap3A_442 = tpu.vector_load %arg13[%swap3A_441] {strides = array<i32>} : memref<1024xi32, #tpu.memory_space<vmem>>, vector<16xi32>,
      tpu.vector_store %arg13[%swap3A_441], %add3A_438 {strides = array<i32>} : memref<1024xi32, #tpu.memory_space<vmem>>, vector<16xi32>,
    }
    %scan3A_254 = arith.constant 64 : i32
    %dma_start3A_255 = arith.constant 0 : i32
    %dma_start3A_256 = arith.constant 0 : i32
    %dma_start3A_257 = tpu.memref_slice %arg15[%dma_start3A_255, %dma_start3A_256] : memref<1024x32xf32, #tpu.memory_space<vmem>> -> memref<128x32xf32, #tpu.memory_space<vmem>>
    %dma_start3A_258 = arith.constant 0 : i32
    %dma_start3A_259 = tpu.memref_slice %arg11[%dma_start3A_258] : memref<1024xi32, #tpu.memory_space<vmem>> -> memref<128xi32, #tpu.memory_space<vmem>>
    %dma_start3A_260 = arith.constant 0 : i32
    %dma_start3A_261 = arith.constant 0 : i32
    %dma_start3A_262 = tpu.memref_slice %arg6[%dma_start3A_260, %dma_start3A_261] : memref<125008x32xf32, #tpu.memory_space<hbm>> -> memref<125008x32xf32, #tpu.memory_space<hbm>>
    tpu.enqueue_indirect_dma source(%dma_start3A_262 : memref<125008x32xf32, #tpu.memory_space<hbm>>) target(%dma_start3A_257 : memref<128x32xf32, #tpu.memory_space<vmem>>) offsets(%dma_start3A_259 : memref<128xi32, #tpu.memory_space<vmem>>) semaphore(%arg23 : memref<!tpu.dma_semaphore, #tpu.memory_space<semaphore_mem>>)
    %dma_start3A_263 = arith.constant 128 : i32
    %dma_start3A_264 = arith.constant 0 : i32
    %dma_start3A_265 = tpu.memref_slice %arg15[%dma_start3A_263, %dma_start3A_264] : memref<1024x32xf32, #tpu.memory_space<vmem>> -> memref<128x32xf32, #tpu.memory_space<vmem>>
    %dma_start3A_266 = arith.constant 128 : i32
    %dma_start3A_267 = tpu.memref_slice %arg11[%dma_start3A_266] : memref<1024xi32, #tpu.memory_space<vmem>> -> memref<128xi32, #tpu.memory_space<vmem>>
    %dma_start3A_268 = arith.constant 0 : i32
    %dma_start3A_269 = arith.constant 0 : i32
    %dma_start3A_270 = tpu.memref_slice %arg6[%dma_start3A_268, %dma_start3A_269] : memref<125008x32xf32, #tpu.memory_space<hbm>> -> memref<125008x32xf32, #tpu.memory_space<hbm>>
    tpu.enqueue_indirect_dma source(%dma_start3A_270 : memref<125008x32xf32, #tpu.memory_space<hbm>>) target(%dma_start3A_265 : memref<128x32xf32, #tpu.memory_space<vmem>>) offsets(%dma_start3A_267 : memref<128xi32, #tpu.memory_space<vmem>>) semaphore(%arg23 : memref<!tpu.dma_semaphore, #tpu.memory_space<semaphore_mem>>)
    %dma_start3A_271 = arith.constant 256 : i32
    %dma_start3A_272 = arith.constant 0 : i32
    %dma_start3A_273 = tpu.memref_slice %arg15[%dma_start3A_271, %dma_start3A_272] : memref<1024x32xf32, #tpu.memory_space<vmem>> -> memref<128x32xf32, #tpu.memory_space<vmem>>
    %dma_start3A_274 = arith.constant 256 : i32
    %dma_start3A_275 = tpu.memref_slice %arg11[%dma_start3A_274] : memref<1024xi32, #tpu.memory_space<vmem>> -> memref<128xi32, #tpu.memory_space<vmem>>
    %dma_start3A_276 = arith.constant 0 : i32
    %dma_start3A_277 = arith.constant 0 : i32
    %dma_start3A_278 = tpu.memref_slice %arg6[%dma_start3A_276, %dma_start3A_277] : memref<125008x32xf32, #tpu.memory_space<hbm>> -> memref<125008x32xf32, #tpu.memory_space<hbm>>
    tpu.enqueue_indirect_dma source(%dma_start3A_278 : memref<125008x32xf32, #tpu.memory_space<hbm>>) target(%dma_start3A_273 : memref<128x32xf32, #tpu.memory_space<vmem>>) offsets(%dma_start3A_275 : memref<128xi32, #tpu.memory_space<vmem>>) semaphore(%arg23 : memref<!tpu.dma_semaphore, #tpu.memory_space<semaphore_mem>>)
    %dma_start3A_279 = arith.constant 384 : i32
    %dma_start3A_280 = arith.constant 0 : i32
    %dma_start3A_281 = tpu.memref_slice %arg15[%dma_start3A_279, %dma_start3A_280] : memref<1024x32xf32, #tpu.memory_space<vmem>> -> memref<128x32xf32, #tpu.memory_space<vmem>>
    %dma_start3A_282 = arith.constant 384 : i32
    %dma_start3A_283 = tpu.memref_slice %arg11[%dma_start3A_282] : memref<1024xi32, #tpu.memory_space<vmem>> -> memref<128xi32, #tpu.memory_space<vmem>>
    %dma_start3A_284 = arith.constant 0 : i32
    %dma_start3A_285 = arith.constant 0 : i32
    %dma_start3A_286 = tpu.memref_slice %arg6[%dma_start3A_284, %dma_start3A_285] : memref<125008x32xf32, #tpu.memory_space<hbm>> -> memref<125008x32xf32, #tpu.memory_space<hbm>>
    tpu.enqueue_indirect_dma source(%dma_start3A_286 : memref<125008x32xf32, #tpu.memory_space<hbm>>) target(%dma_start3A_281 : memref<128x32xf32, #tpu.memory_space<vmem>>) offsets(%dma_start3A_283 : memref<128xi32, #tpu.memory_space<vmem>>) semaphore(%arg23 : memref<!tpu.dma_semaphore, #tpu.memory_space<semaphore_mem>>)
    %dma_start3A_287 = arith.constant 512 : i32
    %dma_start3A_288 = arith.constant 0 : i32
    %dma_start3A_289 = tpu.memref_slice %arg15[%dma_start3A_287, %dma_start3A_288] : memref<1024x32xf32, #tpu.memory_space<vmem>> -> memref<128x32xf32, #tpu.memory_space<vmem>>
    %dma_start3A_290 = arith.constant 512 : i32
    %dma_start3A_291 = tpu.memref_slice %arg11[%dma_start3A_290] : memref<1024xi32, #tpu.memory_space<vmem>> -> memref<128xi32, #tpu.memory_space<vmem>>
    %dma_start3A_292 = arith.constant 0 : i32
    %dma_start3A_293 = arith.constant 0 : i32
    %dma_start3A_294 = tpu.memref_slice %arg6[%dma_start3A_292, %dma_start3A_293] : memref<125008x32xf32, #tpu.memory_space<hbm>> -> memref<125008x32xf32, #tpu.memory_space<hbm>>
    tpu.enqueue_indirect_dma source(%dma_start3A_294 : memref<125008x32xf32, #tpu.memory_space<hbm>>) target(%dma_start3A_289 : memref<128x32xf32, #tpu.memory_space<vmem>>) offsets(%dma_start3A_291 : memref<128xi32, #tpu.memory_space<vmem>>) semaphore(%arg23 : memref<!tpu.dma_semaphore, #tpu.memory_space<semaphore_mem>>)
    %dma_start3A_295 = arith.constant 640 : i32
    %dma_start3A_296 = arith.constant 0 : i32
    %dma_start3A_297 = tpu.memref_slice %arg15[%dma_start3A_295, %dma_start3A_296] : memref<1024x32xf32, #tpu.memory_space<vmem>> -> memref<128x32xf32, #tpu.memory_space<vmem>>
    %dma_start3A_298 = arith.constant 640 : i32
    %dma_start3A_299 = tpu.memref_slice %arg11[%dma_start3A_298] : memref<1024xi32, #tpu.memory_space<vmem>> -> memref<128xi32, #tpu.memory_space<vmem>>
    %dma_start3A_300 = arith.constant 0 : i32
    %dma_start3A_301 = arith.constant 0 : i32
    %dma_start3A_302 = tpu.memref_slice %arg6[%dma_start3A_300, %dma_start3A_301] : memref<125008x32xf32, #tpu.memory_space<hbm>> -> memref<125008x32xf32, #tpu.memory_space<hbm>>
    tpu.enqueue_indirect_dma source(%dma_start3A_302 : memref<125008x32xf32, #tpu.memory_space<hbm>>) target(%dma_start3A_297 : memref<128x32xf32, #tpu.memory_space<vmem>>) offsets(%dma_start3A_299 : memref<128xi32, #tpu.memory_space<vmem>>) semaphore(%arg23 : memref<!tpu.dma_semaphore, #tpu.memory_space<semaphore_mem>>)
    %dma_start3A_303 = arith.constant 768 : i32
    %dma_start3A_304 = arith.constant 0 : i32
    %dma_start3A_305 = tpu.memref_slice %arg15[%dma_start3A_303, %dma_start3A_304] : memref<1024x32xf32, #tpu.memory_space<vmem>> -> memref<128x32xf32, #tpu.memory_space<vmem>>
    %dma_start3A_306 = arith.constant 768 : i32
    %dma_start3A_307 = tpu.memref_slice %arg11[%dma_start3A_306] : memref<1024xi32, #tpu.memory_space<vmem>> -> memref<128xi32, #tpu.memory_space<vmem>>
    %dma_start3A_308 = arith.constant 0 : i32
    %dma_start3A_309 = arith.constant 0 : i32
    %dma_start3A_310 = tpu.memref_slice %arg6[%dma_start3A_308, %dma_start3A_309] : memref<125008x32xf32, #tpu.memory_space<hbm>> -> memref<125008x32xf32, #tpu.memory_space<hbm>>
    tpu.enqueue_indirect_dma source(%dma_start3A_310 : memref<125008x32xf32, #tpu.memory_space<hbm>>) target(%dma_start3A_305 : memref<128x32xf32, #tpu.memory_space<vmem>>) offsets(%dma_start3A_307 : memref<128xi32, #tpu.memory_space<vmem>>) semaphore(%arg23 : memref<!tpu.dma_semaphore, #tpu.memory_space<semaphore_mem>>)
    %dma_start3A_311 = arith.constant 896 : i32
    %dma_start3A_312 = arith.constant 0 : i32
    %dma_start3A_313 = tpu.memref_slice %arg15[%dma_start3A_311, %dma_start3A_312] : memref<1024x32xf32, #tpu.memory_space<vmem>> -> memref<128x32xf32, #tpu.memory_space<vmem>>
    %dma_start3A_314 = arith.constant 896 : i32
    %dma_start3A_315 = tpu.memref_slice %arg11[%dma_start3A_314] : memref<1024xi32, #tpu.memory_space<vmem>> -> memref<128xi32, #tpu.memory_space<vmem>>
    %dma_start3A_316 = arith.constant 0 : i32
    %dma_start3A_317 = arith.constant 0 : i32
    %dma_start3A_318 = tpu.memref_slice %arg6[%dma_start3A_316, %dma_start3A_317] : memref<125008x32xf32, #tpu.memory_space<hbm>> -> memref<125008x32xf32, #tpu.memory_space<hbm>>
    tpu.enqueue_indirect_dma source(%dma_start3A_318 : memref<125008x32xf32, #tpu.memory_space<hbm>>) target(%dma_start3A_313 : memref<128x32xf32, #tpu.memory_space<vmem>>) offsets(%dma_start3A_315 : memref<128xi32, #tpu.memory_space<vmem>>) semaphore(%arg23 : memref<!tpu.dma_semaphore, #tpu.memory_space<semaphore_mem>>)
    %scan3A_319 = arith.constant 0 : i32
    %scan3A_320 = arith.constant 0 : i32
    %scan3A_321 = arith.constant 64 : i32
    %scan3A_322 = arith.addi %scan3A_320, %scan3A_321 : i32
    %scan3A_323 = arith.constant 1 : i32
    scf.for %scan3A_333 = %scan3A_320 to %scan3A_322 step %scan3A_323  : i32 {
      %mul3A_334 = arith.constant 4 : i32
      %mul3A_335 = arith.muli %mul3A_334, %scan3A_333 : i32
      %add3A_336 = arith.constant 1 : i32
      %add3A_337 = arith.addi %scan3A_333, %add3A_336 : i32
      %lt3A = arith.constant 64 : i32
      %lt3A_338 = arith.cmpi slt, %add3A_337, %lt3A : i32
      %dma_wait3A_339 = arith.constant 0 : i32
      %dma_wait3A_340 = tpu.memref_slice %arg2[%dma_wait3A_339] : memref<8388608xf32, #tpu.memory_space<hbm>> -> memref<1024xf32, #tpu.memory_space<hbm>>
      %dma_wait3A_341 = arith.constant 0 : i32
      %dma_wait3A_342 = tpu.memref_slice %arg2[%dma_wait3A_341] : memref<8388608xf32, #tpu.memory_space<hbm>> -> memref<1024xf32, #tpu.memory_space<hbm>>
      tpu.wait_dma2 semaphore(%arg26 : memref<!tpu.dma_semaphore, #tpu.memory_space<semaphore_mem>>) src(%dma_wait3A_342 : memref<1024xf32, #tpu.memory_space<hbm>>) dst(%arg8 : memref<1024xf32, #tpu.memory_space<vmem>>)
      %iota3A_343 = tpu.iota {dimensions = array<i32: 0>} : vector<16xi32>
      %mul3A_344 = arith.constant 32 : i32
      %mul3A_345 = vector.broadcast %mul3A_344 : i32 to vector<16xi32>
      %mul3A_346 = arith.muli %iota3A_343, %mul3A_345 : vector<16xi32>
      %scan3A_347 = arith.constant 0 : i32
      %scan3A_348 = arith.constant 0 : i32
      %scan3A_349 = arith.constant 64 : i32
      %scan3A_350 = arith.addi %scan3A_348, %scan3A_349 : i32
      %scan3A_351 = arith.constant 4 : i32
      scf.for %scan3A_922 = %scan3A_348 to %scan3A_350 step %scan3A_351  : i32 {
        %mul3A_923 = arith.constant 16 : i32
        %mul3A_924 = arith.muli %scan3A_922, %mul3A_923 : i32
        %get3A_925 = arith.index_cast %mul3A_924 : i32 to index
        %get3A_926 = tpu.vector_load %arg8[%get3A_925] {strides = array<i32>} : memref<1024xf32, #tpu.memory_space<vmem>>, vector<16xf32>,
        %mul3A_927 = arith.constant 9.999990e+05 : f32
        %mul3A_928 = vector.broadcast %mul3A_927 : f32 to vector<16xf32>
        %mul3A_929 = arith.mulf %get3A_926, %mul3A_928 : vector<16xf32>
        %convert_element_type3A_930 = arith.fptosi %mul3A_929 : vector<16xf32> to vector<16xi32>
        %shift_right_arithmetic3A = arith.constant 3 : i32
        %shift_right_arithmetic3A_931 = vector.broadcast %shift_right_arithmetic3A : i32 to vector<16xi32>
        %shift_right_arithmetic3A_932 = arith.shrsi %convert_element_type3A_930, %shift_right_arithmetic3A_931 : vector<16xi32>
        %mul3A_933 = arith.constant 16 : i32
        %mul3A_934 = arith.muli %scan3A_922, %mul3A_933 : i32
        %swap3A = arith.index_cast %mul3A_934 : i32 to index
        %swap3A_935 = tpu.vector_load %arg12[%swap3A] {strides = array<i32>} : memref<1024xi32, #tpu.memory_space<vmem>>, vector<16xi32>,
        tpu.vector_store %arg12[%swap3A], %shift_right_arithmetic3A_932 {strides = array<i32>} : memref<1024xi32, #tpu.memory_space<vmem>>, vector<16xi32>,
        %and3A = arith.constant 7 : i32
        %and3A_936 = vector.broadcast %and3A : i32 to vector<16xi32>
        %and3A_937 = arith.andi %convert_element_type3A_930, %and3A_936 : vector<16xi32>
        %mul3A_938 = arith.constant 512 : i32
        %mul3A_939 = arith.muli %scan3A_922, %mul3A_938 : i32
        %add3A_940 = vector.broadcast %mul3A_939 : i32 to vector<16xi32>
        %add3A_941 = arith.addi %mul3A_346, %add3A_940 : vector<16xi32>
        %add3A_942 = arith.addi %and3A_937, %add3A_941 : vector<16xi32>
        %mul3A_943 = arith.constant 16 : i32
        %mul3A_944 = arith.muli %scan3A_922, %mul3A_943 : i32
        %swap3A_945 = arith.index_cast %mul3A_944 : i32 to index
        %swap3A_946 = tpu.vector_load %arg14[%swap3A_945] {strides = array<i32>} : memref<1024xi32, #tpu.memory_space<vmem>>, vector<16xi32>,
        tpu.vector_store %arg14[%swap3A_945], %add3A_942 {strides = array<i32>} : memref<1024xi32, #tpu.memory_space<vmem>>, vector<16xi32>,
        %scan3A_947 = arith.constant 1 : i32
        %scan3A_948 = arith.addi %scan3A_922, %scan3A_947 : i32
        %mul3A_949 = arith.constant 16 : i32
        %mul3A_950 = arith.muli %scan3A_948, %mul3A_949 : i32
        %get3A_951 = arith.index_cast %mul3A_950 : i32 to index
        %get3A_952 = tpu.vector_load %arg8[%get3A_951] {strides = array<i32>} : memref<1024xf32, #tpu.memory_space<vmem>>, vector<16xf32>,
        %mul3A_953 = arith.constant 9.999990e+05 : f32
        %mul3A_954 = vector.broadcast %mul3A_953 : f32 to vector<16xf32>
        %mul3A_955 = arith.mulf %get3A_952, %mul3A_954 : vector<16xf32>
        %convert_element_type3A_956 = arith.fptosi %mul3A_955 : vector<16xf32> to vector<16xi32>
        %shift_right_arithmetic3A_957 = arith.constant 3 : i32
        %shift_right_arithmetic3A_958 = vector.broadcast %shift_right_arithmetic3A_957 : i32 to vector<16xi32>
        %shift_right_arithmetic3A_959 = arith.shrsi %convert_element_type3A_956, %shift_right_arithmetic3A_958 : vector<16xi32>
        %mul3A_960 = arith.constant 16 : i32
        %mul3A_961 = arith.muli %scan3A_948, %mul3A_960 : i32
        %swap3A_962 = arith.index_cast %mul3A_961 : i32 to index
        %swap3A_963 = tpu.vector_load %arg12[%swap3A_962] {strides = array<i32>} : memref<1024xi32, #tpu.memory_space<vmem>>, vector<16xi32>,
        tpu.vector_store %arg12[%swap3A_962], %shift_right_arithmetic3A_959 {strides = array<i32>} : memref<1024xi32, #tpu.memory_space<vmem>>, vector<16xi32>,
        %and3A_964 = arith.constant 7 : i32
        %and3A_965 = vector.broadcast %and3A_964 : i32 to vector<16xi32>
        %and3A_966 = arith.andi %convert_element_type3A_956, %and3A_965 : vector<16xi32>
        %mul3A_967 = arith.constant 512 : i32
        %mul3A_968 = arith.muli %scan3A_948, %mul3A_967 : i32
        %add3A_969 = vector.broadcast %mul3A_968 : i32 to vector<16xi32>
        %add3A_970 = arith.addi %mul3A_346, %add3A_969 : vector<16xi32>
        %add3A_971 = arith.addi %and3A_966, %add3A_970 : vector<16xi32>
        %mul3A_972 = arith.constant 16 : i32
        %mul3A_973 = arith.muli %scan3A_948, %mul3A_972 : i32
        %swap3A_974 = arith.index_cast %mul3A_973 : i32 to index
        %swap3A_975 = tpu.vector_load %arg14[%swap3A_974] {strides = array<i32>} : memref<1024xi32, #tpu.memory_space<vmem>>, vector<16xi32>,
        tpu.vector_store %arg14[%swap3A_974], %add3A_971 {strides = array<i32>} : memref<1024xi32, #tpu.memory_space<vmem>>, vector<16xi32>,
        %scan3A_976 = arith.constant 2 : i32
        %scan3A_977 = arith.addi %scan3A_922, %scan3A_976 : i32
        %mul3A_978 = arith.constant 16 : i32
        %mul3A_979 = arith.muli %scan3A_977, %mul3A_978 : i32
        %get3A_980 = arith.index_cast %mul3A_979 : i32 to index
        %get3A_981 = tpu.vector_load %arg8[%get3A_980] {strides = array<i32>} : memref<1024xf32, #tpu.memory_space<vmem>>, vector<16xf32>,
        %mul3A_982 = arith.constant 9.999990e+05 : f32
        %mul3A_983 = vector.broadcast %mul3A_982 : f32 to vector<16xf32>
        %mul3A_984 = arith.mulf %get3A_981, %mul3A_983 : vector<16xf32>
        %convert_element_type3A_985 = arith.fptosi %mul3A_984 : vector<16xf32> to vector<16xi32>
        %shift_right_arithmetic3A_986 = arith.constant 3 : i32
        %shift_right_arithmetic3A_987 = vector.broadcast %shift_right_arithmetic3A_986 : i32 to vector<16xi32>
        %shift_right_arithmetic3A_988 = arith.shrsi %convert_element_type3A_985, %shift_right_arithmetic3A_987 : vector<16xi32>
        %mul3A_989 = arith.constant 16 : i32
        %mul3A_990 = arith.muli %scan3A_977, %mul3A_989 : i32
        %swap3A_991 = arith.index_cast %mul3A_990 : i32 to index
        %swap3A_992 = tpu.vector_load %arg12[%swap3A_991] {strides = array<i32>} : memref<1024xi32, #tpu.memory_space<vmem>>, vector<16xi32>,
        tpu.vector_store %arg12[%swap3A_991], %shift_right_arithmetic3A_988 {strides = array<i32>} : memref<1024xi32, #tpu.memory_space<vmem>>, vector<16xi32>,
        %and3A_993 = arith.constant 7 : i32
        %and3A_994 = vector.broadcast %and3A_993 : i32 to vector<16xi32>
        %and3A_995 = arith.andi %convert_element_type3A_985, %and3A_994 : vector<16xi32>
        %mul3A_996 = arith.constant 512 : i32
        %mul3A_997 = arith.muli %scan3A_977, %mul3A_996 : i32
        %add3A_998 = vector.broadcast %mul3A_997 : i32 to vector<16xi32>
        %add3A_999 = arith.addi %mul3A_346, %add3A_998 : vector<16xi32>
        %add3A_1000 = arith.addi %and3A_995, %add3A_999 : vector<16xi32>
        %mul3A_1001 = arith.constant 16 : i32
        %mul3A_1002 = arith.muli %scan3A_977, %mul3A_1001 : i32
        %swap3A_1003 = arith.index_cast %mul3A_1002 : i32 to index
        %swap3A_1004 = tpu.vector_load %arg14[%swap3A_1003] {strides = array<i32>} : memref<1024xi32, #tpu.memory_space<vmem>>, vector<16xi32>,
        tpu.vector_store %arg14[%swap3A_1003], %add3A_1000 {strides = array<i32>} : memref<1024xi32, #tpu.memory_space<vmem>>, vector<16xi32>,
        %scan3A_1005 = arith.constant 3 : i32
        %scan3A_1006 = arith.addi %scan3A_922, %scan3A_1005 : i32
        %mul3A_1007 = arith.constant 16 : i32
        %mul3A_1008 = arith.muli %scan3A_1006, %mul3A_1007 : i32
        %get3A_1009 = arith.index_cast %mul3A_1008 : i32 to index
        %get3A_1010 = tpu.vector_load %arg8[%get3A_1009] {strides = array<i32>} : memref<1024xf32, #tpu.memory_space<vmem>>, vector<16xf32>,
        %mul3A_1011 = arith.constant 9.999990e+05 : f32
        %mul3A_1012 = vector.broadcast %mul3A_1011 : f32 to vector<16xf32>
        %mul3A_1013 = arith.mulf %get3A_1010, %mul3A_1012 : vector<16xf32>
        %convert_element_type3A_1014 = arith.fptosi %mul3A_1013 : vector<16xf32> to vector<16xi32>
        %shift_right_arithmetic3A_1015 = arith.constant 3 : i32
        %shift_right_arithmetic3A_1016 = vector.broadcast %shift_right_arithmetic3A_1015 : i32 to vector<16xi32>
        %shift_right_arithmetic3A_1017 = arith.shrsi %convert_element_type3A_1014, %shift_right_arithmetic3A_1016 : vector<16xi32>
        %mul3A_1018 = arith.constant 16 : i32
        %mul3A_1019 = arith.muli %scan3A_1006, %mul3A_1018 : i32
        %swap3A_1020 = arith.index_cast %mul3A_1019 : i32 to index
        %swap3A_1021 = tpu.vector_load %arg12[%swap3A_1020] {strides = array<i32>} : memref<1024xi32, #tpu.memory_space<vmem>>, vector<16xi32>,
        tpu.vector_store %arg12[%swap3A_1020], %shift_right_arithmetic3A_1017 {strides = array<i32>} : memref<1024xi32, #tpu.memory_space<vmem>>, vector<16xi32>,
        %and3A_1022 = arith.constant 7 : i32
        %and3A_1023 = vector.broadcast %and3A_1022 : i32 to vector<16xi32>
        %and3A_1024 = arith.andi %convert_element_type3A_1014, %and3A_1023 : vector<16xi32>
        %mul3A_1025 = arith.constant 512 : i32
        %mul3A_1026 = arith.muli %scan3A_1006, %mul3A_1025 : i32
        %add3A_1027 = vector.broadcast %mul3A_1026 : i32 to vector<16xi32>
        %add3A_1028 = arith.addi %mul3A_346, %add3A_1027 : vector<16xi32>
        %add3A_1029 = arith.addi %and3A_1024, %add3A_1028 : vector<16xi32>
        %mul3A_1030 = arith.constant 16 : i32
        %mul3A_1031 = arith.muli %scan3A_1006, %mul3A_1030 : i32
        %swap3A_1032 = arith.index_cast %mul3A_1031 : i32 to index
        %swap3A_1033 = tpu.vector_load %arg14[%swap3A_1032] {strides = array<i32>} : memref<1024xi32, #tpu.memory_space<vmem>>, vector<16xi32>,
        tpu.vector_store %arg14[%swap3A_1032], %add3A_1029 {strides = array<i32>} : memref<1024xi32, #tpu.memory_space<vmem>>, vector<16xi32>,
      }
      %scan3A_352 = arith.constant 64 : i32
      %dma_start3A_353 = arith.constant 0 : i32
      %dma_start3A_354 = arith.constant 0 : i32
      %dma_start3A_355 = tpu.memref_slice %arg16[%dma_start3A_353, %dma_start3A_354] : memref<1024x32xf32, #tpu.memory_space<vmem>> -> memref<128x32xf32, #tpu.memory_space<vmem>>
      %dma_start3A_356 = arith.constant 0 : i32
      %dma_start3A_357 = tpu.memref_slice %arg12[%dma_start3A_356] : memref<1024xi32, #tpu.memory_space<vmem>> -> memref<128xi32, #tpu.memory_space<vmem>>
      %dma_start3A_358 = arith.constant 0 : i32
      %dma_start3A_359 = arith.constant 0 : i32
      %dma_start3A_360 = tpu.memref_slice %arg6[%dma_start3A_358, %dma_start3A_359] : memref<125008x32xf32, #tpu.memory_space<hbm>> -> memref<125008x32xf32, #tpu.memory_space<hbm>>
      tpu.enqueue_indirect_dma source(%dma_start3A_360 : memref<125008x32xf32, #tpu.memory_space<hbm>>) target(%dma_start3A_355 : memref<128x32xf32, #tpu.memory_space<vmem>>) offsets(%dma_start3A_357 : memref<128xi32, #tpu.memory_space<vmem>>) semaphore(%arg24 : memref<!tpu.dma_semaphore, #tpu.memory_space<semaphore_mem>>)
      %dma_start3A_361 = arith.constant 128 : i32
      %dma_start3A_362 = arith.constant 0 : i32
      %dma_start3A_363 = tpu.memref_slice %arg16[%dma_start3A_361, %dma_start3A_362] : memref<1024x32xf32, #tpu.memory_space<vmem>> -> memref<128x32xf32, #tpu.memory_space<vmem>>
      %dma_start3A_364 = arith.constant 128 : i32
      %dma_start3A_365 = tpu.memref_slice %arg12[%dma_start3A_364] : memref<1024xi32, #tpu.memory_space<vmem>> -> memref<128xi32, #tpu.memory_space<vmem>>
      %dma_start3A_366 = arith.constant 0 : i32
      %dma_start3A_367 = arith.constant 0 : i32
      %dma_start3A_368 = tpu.memref_slice %arg6[%dma_start3A_366, %dma_start3A_367] : memref<125008x32xf32, #tpu.memory_space<hbm>> -> memref<125008x32xf32, #tpu.memory_space<hbm>>
      tpu.enqueue_indirect_dma source(%dma_start3A_368 : memref<125008x32xf32, #tpu.memory_space<hbm>>) target(%dma_start3A_363 : memref<128x32xf32, #tpu.memory_space<vmem>>) offsets(%dma_start3A_365 : memref<128xi32, #tpu.memory_space<vmem>>) semaphore(%arg24 : memref<!tpu.dma_semaphore, #tpu.memory_space<semaphore_mem>>)
      %dma_start3A_369 = arith.constant 256 : i32
      %dma_start3A_370 = arith.constant 0 : i32
      %dma_start3A_371 = tpu.memref_slice %arg16[%dma_start3A_369, %dma_start3A_370] : memref<1024x32xf32, #tpu.memory_space<vmem>> -> memref<128x32xf32, #tpu.memory_space<vmem>>
      %dma_start3A_372 = arith.constant 256 : i32
      %dma_start3A_373 = tpu.memref_slice %arg12[%dma_start3A_372] : memref<1024xi32, #tpu.memory_space<vmem>> -> memref<128xi32, #tpu.memory_space<vmem>>
      %dma_start3A_374 = arith.constant 0 : i32
      %dma_start3A_375 = arith.constant 0 : i32
      %dma_start3A_376 = tpu.memref_slice %arg6[%dma_start3A_374, %dma_start3A_375] : memref<125008x32xf32, #tpu.memory_space<hbm>> -> memref<125008x32xf32, #tpu.memory_space<hbm>>
      tpu.enqueue_indirect_dma source(%dma_start3A_376 : memref<125008x32xf32, #tpu.memory_space<hbm>>) target(%dma_start3A_371 : memref<128x32xf32, #tpu.memory_space<vmem>>) offsets(%dma_start3A_373 : memref<128xi32, #tpu.memory_space<vmem>>) semaphore(%arg24 : memref<!tpu.dma_semaphore, #tpu.memory_space<semaphore_mem>>)
      %dma_start3A_377 = arith.constant 384 : i32
      %dma_start3A_378 = arith.constant 0 : i32
      %dma_start3A_379 = tpu.memref_slice %arg16[%dma_start3A_377, %dma_start3A_378] : memref<1024x32xf32, #tpu.memory_space<vmem>> -> memref<128x32xf32, #tpu.memory_space<vmem>>
      %dma_start3A_380 = arith.constant 384 : i32
      %dma_start3A_381 = tpu.memref_slice %arg12[%dma_start3A_380] : memref<1024xi32, #tpu.memory_space<vmem>> -> memref<128xi32, #tpu.memory_space<vmem>>
      %dma_start3A_382 = arith.constant 0 : i32
      %dma_start3A_383 = arith.constant 0 : i32
      %dma_start3A_384 = tpu.memref_slice %arg6[%dma_start3A_382, %dma_start3A_383] : memref<125008x32xf32, #tpu.memory_space<hbm>> -> memref<125008x32xf32, #tpu.memory_space<hbm>>
      tpu.enqueue_indirect_dma source(%dma_start3A_384 : memref<125008x32xf32, #tpu.memory_space<hbm>>) target(%dma_start3A_379 : memref<128x32xf32, #tpu.memory_space<vmem>>) offsets(%dma_start3A_381 : memref<128xi32, #tpu.memory_space<vmem>>) semaphore(%arg24 : memref<!tpu.dma_semaphore, #tpu.memory_space<semaphore_mem>>)
      %dma_start3A_385 = arith.constant 512 : i32
      %dma_start3A_386 = arith.constant 0 : i32
      %dma_start3A_387 = tpu.memref_slice %arg16[%dma_start3A_385, %dma_start3A_386] : memref<1024x32xf32, #tpu.memory_space<vmem>> -> memref<128x32xf32, #tpu.memory_space<vmem>>
      %dma_start3A_388 = arith.constant 512 : i32
      %dma_start3A_389 = tpu.memref_slice %arg12[%dma_start3A_388] : memref<1024xi32, #tpu.memory_space<vmem>> -> memref<128xi32, #tpu.memory_space<vmem>>
      %dma_start3A_390 = arith.constant 0 : i32
      %dma_start3A_391 = arith.constant 0 : i32
      %dma_start3A_392 = tpu.memref_slice %arg6[%dma_start3A_390, %dma_start3A_391] : memref<125008x32xf32, #tpu.memory_space<hbm>> -> memref<125008x32xf32, #tpu.memory_space<hbm>>
      tpu.enqueue_indirect_dma source(%dma_start3A_392 : memref<125008x32xf32, #tpu.memory_space<hbm>>) target(%dma_start3A_387 : memref<128x32xf32, #tpu.memory_space<vmem>>) offsets(%dma_start3A_389 : memref<128xi32, #tpu.memory_space<vmem>>) semaphore(%arg24 : memref<!tpu.dma_semaphore, #tpu.memory_space<semaphore_mem>>)
      %dma_start3A_393 = arith.constant 640 : i32
      %dma_start3A_394 = arith.constant 0 : i32
      %dma_start3A_395 = tpu.memref_slice %arg16[%dma_start3A_393, %dma_start3A_394] : memref<1024x32xf32, #tpu.memory_space<vmem>> -> memref<128x32xf32, #tpu.memory_space<vmem>>
      %dma_start3A_396 = arith.constant 640 : i32
      %dma_start3A_397 = tpu.memref_slice %arg12[%dma_start3A_396] : memref<1024xi32, #tpu.memory_space<vmem>> -> memref<128xi32, #tpu.memory_space<vmem>>
      %dma_start3A_398 = arith.constant 0 : i32
      %dma_start3A_399 = arith.constant 0 : i32
      %dma_start3A_400 = tpu.memref_slice %arg6[%dma_start3A_398, %dma_start3A_399] : memref<125008x32xf32, #tpu.memory_space<hbm>> -> memref<125008x32xf32, #tpu.memory_space<hbm>>
      tpu.enqueue_indirect_dma source(%dma_start3A_400 : memref<125008x32xf32, #tpu.memory_space<hbm>>) target(%dma_start3A_395 : memref<128x32xf32, #tpu.memory_space<vmem>>) offsets(%dma_start3A_397 : memref<128xi32, #tpu.memory_space<vmem>>) semaphore(%arg24 : memref<!tpu.dma_semaphore, #tpu.memory_space<semaphore_mem>>)
      %dma_start3A_401 = arith.constant 768 : i32
      %dma_start3A_402 = arith.constant 0 : i32
      %dma_start3A_403 = tpu.memref_slice %arg16[%dma_start3A_401, %dma_start3A_402] : memref<1024x32xf32, #tpu.memory_space<vmem>> -> memref<128x32xf32, #tpu.memory_space<vmem>>
      %dma_start3A_404 = arith.constant 768 : i32
      %dma_start3A_405 = tpu.memref_slice %arg12[%dma_start3A_404] : memref<1024xi32, #tpu.memory_space<vmem>> -> memref<128xi32, #tpu.memory_space<vmem>>
      %dma_start3A_406 = arith.constant 0 : i32
      %dma_start3A_407 = arith.constant 0 : i32
      %dma_start3A_408 = tpu.memref_slice %arg6[%dma_start3A_406, %dma_start3A_407] : memref<125008x32xf32, #tpu.memory_space<hbm>> -> memref<125008x32xf32, #tpu.memory_space<hbm>>
      tpu.enqueue_indirect_dma source(%dma_start3A_408 : memref<125008x32xf32, #tpu.memory_space<hbm>>) target(%dma_start3A_403 : memref<128x32xf32, #tpu.memory_space<vmem>>) offsets(%dma_start3A_405 : memref<128xi32, #tpu.memory_space<vmem>>) semaphore(%arg24 : memref<!tpu.dma_semaphore, #tpu.memory_space<semaphore_mem>>)
      %dma_start3A_409 = arith.constant 896 : i32
      %dma_start3A_410 = arith.constant 0 : i32
      %dma_start3A_411 = tpu.memref_slice %arg16[%dma_start3A_409, %dma_start3A_410] : memref<1024x32xf32, #tpu.memory_space<vmem>> -> memref<128x32xf32, #tpu.memory_space<vmem>>
      %dma_start3A_412 = arith.constant 896 : i32
      %dma_start3A_413 = tpu.memref_slice %arg12[%dma_start3A_412] : memref<1024xi32, #tpu.memory_space<vmem>> -> memref<128xi32, #tpu.memory_space<vmem>>
      %dma_start3A_414 = arith.constant 0 : i32
      %dma_start3A_415 = arith.constant 0 : i32
      %dma_start3A_416 = tpu.memref_slice %arg6[%dma_start3A_414, %dma_start3A_415] : memref<125008x32xf32, #tpu.memory_space<hbm>> -> memref<125008x32xf32, #tpu.memory_space<hbm>>
      tpu.enqueue_indirect_dma source(%dma_start3A_416 : memref<125008x32xf32, #tpu.memory_space<hbm>>) target(%dma_start3A_411 : memref<128x32xf32, #tpu.memory_space<vmem>>) offsets(%dma_start3A_413 : memref<128xi32, #tpu.memory_space<vmem>>) semaphore(%arg24 : memref<!tpu.dma_semaphore, #tpu.memory_space<semaphore_mem>>)
      %dma_wait3A_417 = arith.constant 0 : i32
      %dma_wait3A_418 = arith.constant 0 : i32
      %dma_wait3A_419 = tpu.memref_slice %arg6[%dma_wait3A_417, %dma_wait3A_418] : memref<125008x32xf32, #tpu.memory_space<hbm>> -> memref<1024x32xf32, #tpu.memory_space<hbm>>
      %dma_wait3A_420 = arith.constant 0 : i32
      %dma_wait3A_421 = arith.constant 0 : i32
      %dma_wait3A_422 = tpu.memref_slice %arg6[%dma_wait3A_420, %dma_wait3A_421] : memref<125008x32xf32, #tpu.memory_space<hbm>> -> memref<1024x32xf32, #tpu.memory_space<hbm>>
      tpu.wait_dma2 semaphore(%arg23 : memref<!tpu.dma_semaphore, #tpu.memory_space<semaphore_mem>>) src(%dma_wait3A_422 : memref<1024x32xf32, #tpu.memory_space<hbm>>) dst(%arg15 : memref<1024x32xf32, #tpu.memory_space<vmem>>)
      %gt3A = arith.constant 0 : i32
      %gt3A_423 = arith.cmpi sgt, %scan3A_333, %gt3A : i32
      %convert_element_type3A = arith.extui %gt3A_423 : i1 to i32
      %cond3A = arith.constant 0 : i32
      %cond3A_424 = arith.cmpi ne, %convert_element_type3A, %cond3A : i32
      scf.if %cond3A_424 {
        %dma_wait3A_922 = arith.constant 0 : i32
        %dma_wait3A_923 = tpu.memref_slice %arg2[%dma_wait3A_922] : memref<8388608xf32, #tpu.memory_space<hbm>> -> memref<1024xf32, #tpu.memory_space<hbm>>
        %dma_wait3A_924 = arith.constant 0 : i32
        %dma_wait3A_925 = tpu.memref_slice %arg2[%dma_wait3A_924] : memref<8388608xf32, #tpu.memory_space<hbm>> -> memref<1024xf32, #tpu.memory_space<hbm>>
        tpu.wait_dma2 semaphore(%arg29 : memref<!tpu.dma_semaphore, #tpu.memory_space<semaphore_mem>>) src(%dma_wait3A_925 : memref<1024xf32, #tpu.memory_space<hbm>>) dst(%arg17 : memref<1024xf32, #tpu.memory_space<vmem>>)
      } else {
      }
      %broadcast_in_dim3A = arith.constant 0 : i32
      %broadcast_in_dim3A_425 = vector.broadcast %broadcast_in_dim3A : i32 to vector<16xi32>
      %get3A = arith.constant 0 : index
      %get3A_426 = tpu.vector_load %arg7[%get3A] {strides = array<i32>} : memref<1024xf32, #tpu.memory_space<vmem>>, vector<16xf32>,
      %get3A_427 = arith.constant 0 : index
      %get3A_428 = tpu.vector_load %arg13[%get3A_427] {strides = array<i32>} : memref<1024xi32, #tpu.memory_space<vmem>>, vector<16xi32>,
      %add3A_429 = arith.constant 0 : i32
      %add3A_430 = vector.broadcast %add3A_429 : i32 to vector<16xi32>
      %add3A_431 = arith.addi %get3A_428, %add3A_430 : vector<16xi32>
      %gather3A = tpu.vector_load_idx %arg15[%broadcast_in_dim3A_425, %add3A_431] : memref<1024x32xf32, #tpu.memory_space<vmem>>[vector<16xi32>, vector<16xi32>], vector<16xf32>,
      %add3A_432 = arith.constant 16 : i32
      %add3A_433 = vector.broadcast %add3A_432 : i32 to vector<16xi32>
      %add3A_434 = arith.addi %get3A_428, %add3A_433 : vector<16xi32>
      %gather3A_435 = tpu.vector_load_idx %arg15[%broadcast_in_dim3A_425, %add3A_434] : memref<1024x32xf32, #tpu.memory_space<vmem>>[vector<16xi32>, vector<16xi32>], vector<16xf32>,
      %add3A_436 = arith.constant 1 : i32
      %add3A_437 = vector.broadcast %add3A_436 : i32 to vector<16xi32>
      %add3A_438 = arith.addi %get3A_428, %add3A_437 : vector<16xi32>
      %gather3A_439 = tpu.vector_load_idx %arg15[%broadcast_in_dim3A_425, %add3A_438] : memref<1024x32xf32, #tpu.memory_space<vmem>>[vector<16xi32>, vector<16xi32>], vector<16xf32>,
      %add3A_440 = arith.constant 17 : i32
      %add3A_441 = vector.broadcast %add3A_440 : i32 to vector<16xi32>
      %add3A_442 = arith.addi %get3A_428, %add3A_441 : vector<16xi32>
      %gather3A_443 = tpu.vector_load_idx %arg15[%broadcast_in_dim3A_425, %add3A_442] : memref<1024x32xf32, #tpu.memory_space<vmem>>[vector<16xi32>, vector<16xi32>], vector<16xf32>,
      %add3A_444 = arith.constant 2 : i32
      %add3A_445 = vector.broadcast %add3A_444 : i32 to vector<16xi32>
      %add3A_446 = arith.addi %get3A_428, %add3A_445 : vector<16xi32>
      %gather3A_447 = tpu.vector_load_idx %arg15[%broadcast_in_dim3A_425, %add3A_446] : memref<1024x32xf32, #tpu.memory_space<vmem>>[vector<16xi32>, vector<16xi32>], vector<16xf32>,
      %add3A_448 = arith.constant 18 : i32
      %add3A_449 = vector.broadcast %add3A_448 : i32 to vector<16xi32>
      %add3A_450 = arith.addi %get3A_428, %add3A_449 : vector<16xi32>
      %gather3A_451 = tpu.vector_load_idx %arg15[%broadcast_in_dim3A_425, %add3A_450] : memref<1024x32xf32, #tpu.memory_space<vmem>>[vector<16xi32>, vector<16xi32>], vector<16xf32>,
      %add3A_452 = arith.constant 3 : i32
      %add3A_453 = vector.broadcast %add3A_452 : i32 to vector<16xi32>
      %add3A_454 = arith.addi %get3A_428, %add3A_453 : vector<16xi32>
      %gather3A_455 = tpu.vector_load_idx %arg15[%broadcast_in_dim3A_425, %add3A_454] : memref<1024x32xf32, #tpu.memory_space<vmem>>[vector<16xi32>, vector<16xi32>], vector<16xf32>,
      %add3A_456 = arith.constant 19 : i32
      %add3A_457 = vector.broadcast %add3A_456 : i32 to vector<16xi32>
      %add3A_458 = arith.addi %get3A_428, %add3A_457 : vector<16xi32>
      %gather3A_459 = tpu.vector_load_idx %arg15[%broadcast_in_dim3A_425, %add3A_458] : memref<1024x32xf32, #tpu.memory_space<vmem>>[vector<16xi32>, vector<16xi32>], vector<16xf32>,
      %add3A_460 = arith.constant 4 : i32
      %add3A_461 = vector.broadcast %add3A_460 : i32 to vector<16xi32>
      %add3A_462 = arith.addi %get3A_428, %add3A_461 : vector<16xi32>
      %gather3A_463 = tpu.vector_load_idx %arg15[%broadcast_in_dim3A_425, %add3A_462] : memref<1024x32xf32, #tpu.memory_space<vmem>>[vector<16xi32>, vector<16xi32>], vector<16xf32>,
      %add3A_464 = arith.constant 20 : i32
      %add3A_465 = vector.broadcast %add3A_464 : i32 to vector<16xi32>
      %add3A_466 = arith.addi %get3A_428, %add3A_465 : vector<16xi32>
      %gather3A_467 = tpu.vector_load_idx %arg15[%broadcast_in_dim3A_425, %add3A_466] : memref<1024x32xf32, #tpu.memory_space<vmem>>[vector<16xi32>, vector<16xi32>], vector<16xf32>,
      %add3A_468 = arith.constant 5 : i32
      %add3A_469 = vector.broadcast %add3A_468 : i32 to vector<16xi32>
      %add3A_470 = arith.addi %get3A_428, %add3A_469 : vector<16xi32>
      %gather3A_471 = tpu.vector_load_idx %arg15[%broadcast_in_dim3A_425, %add3A_470] : memref<1024x32xf32, #tpu.memory_space<vmem>>[vector<16xi32>, vector<16xi32>], vector<16xf32>,
      %add3A_472 = arith.constant 21 : i32
      %add3A_473 = vector.broadcast %add3A_472 : i32 to vector<16xi32>
      %add3A_474 = arith.addi %get3A_428, %add3A_473 : vector<16xi32>
      %gather3A_475 = tpu.vector_load_idx %arg15[%broadcast_in_dim3A_425, %add3A_474] : memref<1024x32xf32, #tpu.memory_space<vmem>>[vector<16xi32>, vector<16xi32>], vector<16xf32>,
      %add3A_476 = arith.constant 6 : i32
      %add3A_477 = vector.broadcast %add3A_476 : i32 to vector<16xi32>
      %add3A_478 = arith.addi %get3A_428, %add3A_477 : vector<16xi32>
      %gather3A_479 = tpu.vector_load_idx %arg15[%broadcast_in_dim3A_425, %add3A_478] : memref<1024x32xf32, #tpu.memory_space<vmem>>[vector<16xi32>, vector<16xi32>], vector<16xf32>,
      %add3A_480 = arith.constant 22 : i32
      %add3A_481 = vector.broadcast %add3A_480 : i32 to vector<16xi32>
      %add3A_482 = arith.addi %get3A_428, %add3A_481 : vector<16xi32>
      %gather3A_483 = tpu.vector_load_idx %arg15[%broadcast_in_dim3A_425, %add3A_482] : memref<1024x32xf32, #tpu.memory_space<vmem>>[vector<16xi32>, vector<16xi32>], vector<16xf32>,
      %scan3A_484 = arith.constant 0 : i32
      %scan3A_485 = arith.constant 64 : i32
      %scan3A_486 = arith.addi %scan3A_484, %scan3A_485 : i32
      %scan3A_487 = arith.constant 1 : i32
      %scan3A_488:15 = scf.for %scan3A_922 = %scan3A_484 to %scan3A_486 step %scan3A_487 iter_args(%scan3A_923 = %get3A_426, %scan3A_924 = %gather3A, %scan3A_925 = %gather3A_435, %scan3A_926 = %gather3A_439, %scan3A_927 = %gather3A_443, %scan3A_928 = %gather3A_447, %scan3A_929 = %gather3A_451, %scan3A_930 = %gather3A_455, %scan3A_931 = %gather3A_459, %scan3A_932 = %gather3A_463, %scan3A_933 = %gather3A_467, %scan3A_934 = %gather3A_471, %scan3A_935 = %gather3A_475, %scan3A_936 = %gather3A_479, %scan3A_937 = %gather3A_483) -> (vector<16xf32>, vector<16xf32>, vector<16xf32>, vector<16xf32>, vector<16xf32>, vector<16xf32>, vector<16xf32>, vector<16xf32>, vector<16xf32>, vector<16xf32>, vector<16xf32>, vector<16xf32>, vector<16xf32>, vector<16xf32>, vector<16xf32>)  : i32 {
        %add3A_938 = arith.constant 1 : i32
        %add3A_939 = arith.addi %scan3A_922, %add3A_938 : i32
        %min3A = arith.constant 63 : i32
        %min3A_940 = arith.minsi %add3A_939, %min3A : i32
        %mul3A_941 = arith.constant 16 : i32
        %mul3A_942 = arith.muli %min3A_940, %mul3A_941 : i32
        %get3A_943 = arith.index_cast %mul3A_942 : i32 to index
        %get3A_944 = tpu.vector_load %arg7[%get3A_943] {strides = array<i32>} : memref<1024xf32, #tpu.memory_space<vmem>>, vector<16xf32>,
        %mul3A_945 = arith.constant 16 : i32
        %mul3A_946 = arith.muli %min3A_940, %mul3A_945 : i32
        %get3A_947 = arith.index_cast %mul3A_946 : i32 to index
        %get3A_948 = tpu.vector_load %arg13[%get3A_947] {strides = array<i32>} : memref<1024xi32, #tpu.memory_space<vmem>>, vector<16xi32>,
        %add3A_949 = arith.constant 0 : i32
        %add3A_950 = vector.broadcast %add3A_949 : i32 to vector<16xi32>
        %add3A_951 = arith.addi %get3A_948, %add3A_950 : vector<16xi32>
        %gather3A_952 = tpu.vector_load_idx %arg15[%broadcast_in_dim3A_425, %add3A_951] : memref<1024x32xf32, #tpu.memory_space<vmem>>[vector<16xi32>, vector<16xi32>], vector<16xf32>,
        %add3A_953 = arith.constant 16 : i32
        %add3A_954 = vector.broadcast %add3A_953 : i32 to vector<16xi32>
        %add3A_955 = arith.addi %get3A_948, %add3A_954 : vector<16xi32>
        %gather3A_956 = tpu.vector_load_idx %arg15[%broadcast_in_dim3A_425, %add3A_955] : memref<1024x32xf32, #tpu.memory_space<vmem>>[vector<16xi32>, vector<16xi32>], vector<16xf32>,
        %add3A_957 = arith.constant 1 : i32
        %add3A_958 = vector.broadcast %add3A_957 : i32 to vector<16xi32>
        %add3A_959 = arith.addi %get3A_948, %add3A_958 : vector<16xi32>
        %gather3A_960 = tpu.vector_load_idx %arg15[%broadcast_in_dim3A_425, %add3A_959] : memref<1024x32xf32, #tpu.memory_space<vmem>>[vector<16xi32>, vector<16xi32>], vector<16xf32>,
        %add3A_961 = arith.constant 17 : i32
        %add3A_962 = vector.broadcast %add3A_961 : i32 to vector<16xi32>
        %add3A_963 = arith.addi %get3A_948, %add3A_962 : vector<16xi32>
        %gather3A_964 = tpu.vector_load_idx %arg15[%broadcast_in_dim3A_425, %add3A_963] : memref<1024x32xf32, #tpu.memory_space<vmem>>[vector<16xi32>, vector<16xi32>], vector<16xf32>,
        %add3A_965 = arith.constant 2 : i32
        %add3A_966 = vector.broadcast %add3A_965 : i32 to vector<16xi32>
        %add3A_967 = arith.addi %get3A_948, %add3A_966 : vector<16xi32>
        %gather3A_968 = tpu.vector_load_idx %arg15[%broadcast_in_dim3A_425, %add3A_967] : memref<1024x32xf32, #tpu.memory_space<vmem>>[vector<16xi32>, vector<16xi32>], vector<16xf32>,
        %add3A_969 = arith.constant 18 : i32
        %add3A_970 = vector.broadcast %add3A_969 : i32 to vector<16xi32>
        %add3A_971 = arith.addi %get3A_948, %add3A_970 : vector<16xi32>
        %gather3A_972 = tpu.vector_load_idx %arg15[%broadcast_in_dim3A_425, %add3A_971] : memref<1024x32xf32, #tpu.memory_space<vmem>>[vector<16xi32>, vector<16xi32>], vector<16xf32>,
        %add3A_973 = arith.constant 3 : i32
        %add3A_974 = vector.broadcast %add3A_973 : i32 to vector<16xi32>
        %add3A_975 = arith.addi %get3A_948, %add3A_974 : vector<16xi32>
        %gather3A_976 = tpu.vector_load_idx %arg15[%broadcast_in_dim3A_425, %add3A_975] : memref<1024x32xf32, #tpu.memory_space<vmem>>[vector<16xi32>, vector<16xi32>], vector<16xf32>,
        %add3A_977 = arith.constant 19 : i32
        %add3A_978 = vector.broadcast %add3A_977 : i32 to vector<16xi32>
        %add3A_979 = arith.addi %get3A_948, %add3A_978 : vector<16xi32>
        %gather3A_980 = tpu.vector_load_idx %arg15[%broadcast_in_dim3A_425, %add3A_979] : memref<1024x32xf32, #tpu.memory_space<vmem>>[vector<16xi32>, vector<16xi32>], vector<16xf32>,
        %add3A_981 = arith.constant 4 : i32
        %add3A_982 = vector.broadcast %add3A_981 : i32 to vector<16xi32>
        %add3A_983 = arith.addi %get3A_948, %add3A_982 : vector<16xi32>
        %gather3A_984 = tpu.vector_load_idx %arg15[%broadcast_in_dim3A_425, %add3A_983] : memref<1024x32xf32, #tpu.memory_space<vmem>>[vector<16xi32>, vector<16xi32>], vector<16xf32>,
        %add3A_985 = arith.constant 20 : i32
        %add3A_986 = vector.broadcast %add3A_985 : i32 to vector<16xi32>
        %add3A_987 = arith.addi %get3A_948, %add3A_986 : vector<16xi32>
        %gather3A_988 = tpu.vector_load_idx %arg15[%broadcast_in_dim3A_425, %add3A_987] : memref<1024x32xf32, #tpu.memory_space<vmem>>[vector<16xi32>, vector<16xi32>], vector<16xf32>,
        %add3A_989 = arith.constant 5 : i32
        %add3A_990 = vector.broadcast %add3A_989 : i32 to vector<16xi32>
        %add3A_991 = arith.addi %get3A_948, %add3A_990 : vector<16xi32>
        %gather3A_992 = tpu.vector_load_idx %arg15[%broadcast_in_dim3A_425, %add3A_991] : memref<1024x32xf32, #tpu.memory_space<vmem>>[vector<16xi32>, vector<16xi32>], vector<16xf32>,
        %add3A_993 = arith.constant 21 : i32
        %add3A_994 = vector.broadcast %add3A_993 : i32 to vector<16xi32>
        %add3A_995 = arith.addi %get3A_948, %add3A_994 : vector<16xi32>
        %gather3A_996 = tpu.vector_load_idx %arg15[%broadcast_in_dim3A_425, %add3A_995] : memref<1024x32xf32, #tpu.memory_space<vmem>>[vector<16xi32>, vector<16xi32>], vector<16xf32>,
        %add3A_997 = arith.constant 6 : i32
        %add3A_998 = vector.broadcast %add3A_997 : i32 to vector<16xi32>
        %add3A_999 = arith.addi %get3A_948, %add3A_998 : vector<16xi32>
        %gather3A_1000 = tpu.vector_load_idx %arg15[%broadcast_in_dim3A_425, %add3A_999] : memref<1024x32xf32, #tpu.memory_space<vmem>>[vector<16xi32>, vector<16xi32>], vector<16xf32>,
        %add3A_1001 = arith.constant 22 : i32
        %add3A_1002 = vector.broadcast %add3A_1001 : i32 to vector<16xi32>
        %add3A_1003 = arith.addi %get3A_948, %add3A_1002 : vector<16xi32>
        %gather3A_1004 = tpu.vector_load_idx %arg15[%broadcast_in_dim3A_425, %add3A_1003] : memref<1024x32xf32, #tpu.memory_space<vmem>>[vector<16xi32>, vector<16xi32>], vector<16xf32>,
        %sub3A = arith.subf %scan3A_923, %scan3A_924 : vector<16xf32>
        %mul3A_1005 = arith.mulf %sub3A, %sub3A : vector<16xf32>
        %mul3A_1006 = arith.constant -9.999980e+11 : f32
        %mul3A_1007 = vector.broadcast %mul3A_1006 : f32 to vector<16xf32>
        %mul3A_1008 = arith.mulf %mul3A_1005, %mul3A_1007 : vector<16xf32>
        %exp3A = math.exp %mul3A_1008 : vector<16xf32>
        %mul3A_1009 = arith.mulf %exp3A, %scan3A_925 : vector<16xf32>
        %sub3A_1010 = arith.subf %scan3A_923, %scan3A_926 : vector<16xf32>
        %mul3A_1011 = arith.mulf %sub3A_1010, %sub3A_1010 : vector<16xf32>
        %mul3A_1012 = arith.constant -9.999980e+11 : f32
        %mul3A_1013 = vector.broadcast %mul3A_1012 : f32 to vector<16xf32>
        %mul3A_1014 = arith.mulf %mul3A_1011, %mul3A_1013 : vector<16xf32>
        %exp3A_1015 = math.exp %mul3A_1014 : vector<16xf32>
        %mul3A_1016 = arith.mulf %exp3A_1015, %scan3A_927 : vector<16xf32>
        %sub3A_1017 = arith.subf %scan3A_923, %scan3A_928 : vector<16xf32>
        %mul3A_1018 = arith.mulf %sub3A_1017, %sub3A_1017 : vector<16xf32>
        %mul3A_1019 = arith.constant -9.999980e+11 : f32
        %mul3A_1020 = vector.broadcast %mul3A_1019 : f32 to vector<16xf32>
        %mul3A_1021 = arith.mulf %mul3A_1018, %mul3A_1020 : vector<16xf32>
        %exp3A_1022 = math.exp %mul3A_1021 : vector<16xf32>
        %mul3A_1023 = arith.mulf %exp3A_1022, %scan3A_929 : vector<16xf32>
        %sub3A_1024 = arith.subf %scan3A_923, %scan3A_930 : vector<16xf32>
        %mul3A_1025 = arith.mulf %sub3A_1024, %sub3A_1024 : vector<16xf32>
        %mul3A_1026 = arith.constant -9.999980e+11 : f32
        %mul3A_1027 = vector.broadcast %mul3A_1026 : f32 to vector<16xf32>
        %mul3A_1028 = arith.mulf %mul3A_1025, %mul3A_1027 : vector<16xf32>
        %exp3A_1029 = math.exp %mul3A_1028 : vector<16xf32>
        %mul3A_1030 = arith.mulf %exp3A_1029, %scan3A_931 : vector<16xf32>
        %sub3A_1031 = arith.subf %scan3A_923, %scan3A_932 : vector<16xf32>
        %mul3A_1032 = arith.mulf %sub3A_1031, %sub3A_1031 : vector<16xf32>
        %mul3A_1033 = arith.constant -9.999980e+11 : f32
        %mul3A_1034 = vector.broadcast %mul3A_1033 : f32 to vector<16xf32>
        %mul3A_1035 = arith.mulf %mul3A_1032, %mul3A_1034 : vector<16xf32>
        %exp3A_1036 = math.exp %mul3A_1035 : vector<16xf32>
        %mul3A_1037 = arith.mulf %exp3A_1036, %scan3A_933 : vector<16xf32>
        %sub3A_1038 = arith.subf %scan3A_923, %scan3A_934 : vector<16xf32>
        %mul3A_1039 = arith.mulf %sub3A_1038, %sub3A_1038 : vector<16xf32>
        %mul3A_1040 = arith.constant -9.999980e+11 : f32
        %mul3A_1041 = vector.broadcast %mul3A_1040 : f32 to vector<16xf32>
        %mul3A_1042 = arith.mulf %mul3A_1039, %mul3A_1041 : vector<16xf32>
        %exp3A_1043 = math.exp %mul3A_1042 : vector<16xf32>
        %mul3A_1044 = arith.mulf %exp3A_1043, %scan3A_935 : vector<16xf32>
        %sub3A_1045 = arith.subf %scan3A_923, %scan3A_936 : vector<16xf32>
        %mul3A_1046 = arith.mulf %sub3A_1045, %sub3A_1045 : vector<16xf32>
        %mul3A_1047 = arith.constant -9.999980e+11 : f32
        %mul3A_1048 = vector.broadcast %mul3A_1047 : f32 to vector<16xf32>
        %mul3A_1049 = arith.mulf %mul3A_1046, %mul3A_1048 : vector<16xf32>
        %exp3A_1050 = math.exp %mul3A_1049 : vector<16xf32>
        %mul3A_1051 = arith.mulf %exp3A_1050, %scan3A_937 : vector<16xf32>
        %add3A_1052 = arith.addf %mul3A_1009, %mul3A_1016 : vector<16xf32>
        %add3A_1053 = arith.addf %mul3A_1023, %mul3A_1030 : vector<16xf32>
        %add3A_1054 = arith.addf %add3A_1052, %add3A_1053 : vector<16xf32>
        %add3A_1055 = arith.addf %mul3A_1037, %mul3A_1044 : vector<16xf32>
        %add3A_1056 = arith.addf %add3A_1055, %mul3A_1051 : vector<16xf32>
        %add3A_1057 = arith.addf %add3A_1054, %add3A_1056 : vector<16xf32>
        %mul3A_1058 = arith.constant 0.564189613 : f32
        %mul3A_1059 = vector.broadcast %mul3A_1058 : f32 to vector<16xf32>
        %mul3A_1060 = arith.mulf %add3A_1057, %mul3A_1059 : vector<16xf32>
        %mul3A_1061 = arith.constant 16 : i32
        %mul3A_1062 = arith.muli %scan3A_922, %mul3A_1061 : i32
        %swap3A = arith.index_cast %mul3A_1062 : i32 to index
        %swap3A_1063 = tpu.vector_load %arg17[%swap3A] {strides = array<i32>} : memref<1024xf32, #tpu.memory_space<vmem>>, vector<16xf32>,
        tpu.vector_store %arg17[%swap3A], %mul3A_1060 {strides = array<i32>} : memref<1024xf32, #tpu.memory_space<vmem>>, vector<16xf32>,
        scf.yield %get3A_944, %gather3A_952, %gather3A_956, %gather3A_960, %gather3A_964, %gather3A_968, %gather3A_972, %gather3A_976, %gather3A_980, %gather3A_984, %gather3A_988, %gather3A_992, %gather3A_996, %gather3A_1000, %gather3A_1004 : vector<16xf32>, vector<16xf32>, vector<16xf32>, vector<16xf32>, vector<16xf32>, vector<16xf32>, vector<16xf32>, vector<16xf32>, vector<16xf32>, vector<16xf32>, vector<16xf32>, vector<16xf32>, vector<16xf32>, vector<16xf32>, vector<16xf32>
      }
      %scan3A_489 = arith.constant 64 : i32
      %mul3A_490 = arith.constant 1024 : i32
      %mul3A_491 = arith.muli %mul3A_335, %mul3A_490 : i32
      %add3A_492 = arith.addi %mul3A_2, %mul3A_491 : i32
      %dma_start3A_493 = tpu.memref_slice %arg5[%add3A_492] : memref<8388608xf32, #tpu.memory_space<hbm>> -> memref<1024xf32, #tpu.memory_space<hbm>>
      %dma_start3A_494 = tpu.memref_slice %arg5[%add3A_492] : memref<8388608xf32, #tpu.memory_space<hbm>> -> memref<1024xf32, #tpu.memory_space<hbm>>
      tpu.enqueue_dma source(%arg17 : memref<1024xf32, #tpu.memory_space<vmem>>) target(%dma_start3A_494 : memref<1024xf32, #tpu.memory_space<hbm>>) target_semaphore(%arg29 : memref<!tpu.dma_semaphore, #tpu.memory_space<semaphore_mem>>)
      %convert_element_type3A_495 = arith.extui %lt3A_338 : i1 to i32
      %cond3A_496 = arith.constant 0 : i32
      %cond3A_497 = arith.cmpi ne, %convert_element_type3A_495, %cond3A_496 : i32
      scf.if %cond3A_497 {
        %add3A_922 = arith.constant 4 : i32
        %add3A_923 = arith.addi %mul3A_335, %add3A_922 : i32
        %mul3A_924 = arith.constant 1024 : i32
        %mul3A_925 = arith.muli %add3A_923, %mul3A_924 : i32
        %add3A_926 = arith.addi %mul3A_2, %mul3A_925 : i32
        %dma_start3A_927 = tpu.memref_slice %arg2[%add3A_926] : memref<8388608xf32, #tpu.memory_space<hbm>> -> memref<1024xf32, #tpu.memory_space<hbm>>
        %dma_start3A_928 = tpu.memref_slice %arg2[%add3A_926] : memref<8388608xf32, #tpu.memory_space<hbm>> -> memref<1024xf32, #tpu.memory_space<hbm>>
        tpu.enqueue_dma source(%dma_start3A_928 : memref<1024xf32, #tpu.memory_space<hbm>>) target(%arg7 : memref<1024xf32, #tpu.memory_space<vmem>>) target_semaphore(%arg25 : memref<!tpu.dma_semaphore, #tpu.memory_space<semaphore_mem>>)
      } else {
      }
      %dma_wait3A_498 = arith.constant 0 : i32
      %dma_wait3A_499 = tpu.memref_slice %arg2[%dma_wait3A_498] : memref<8388608xf32, #tpu.memory_space<hbm>> -> memref<1024xf32, #tpu.memory_space<hbm>>
      %dma_wait3A_500 = arith.constant 0 : i32
      %dma_wait3A_501 = tpu.memref_slice %arg2[%dma_wait3A_500] : memref<8388608xf32, #tpu.memory_space<hbm>> -> memref<1024xf32, #tpu.memory_space<hbm>>
      tpu.wait_dma2 semaphore(%arg27 : memref<!tpu.dma_semaphore, #tpu.memory_space<semaphore_mem>>) src(%dma_wait3A_501 : memref<1024xf32, #tpu.memory_space<hbm>>) dst(%arg9 : memref<1024xf32, #tpu.memory_space<vmem>>)
      %iota3A_502 = tpu.iota {dimensions = array<i32: 0>} : vector<16xi32>
      %mul3A_503 = arith.constant 32 : i32
      %mul3A_504 = vector.broadcast %mul3A_503 : i32 to vector<16xi32>
      %mul3A_505 = arith.muli %iota3A_502, %mul3A_504 : vector<16xi32>
      %scan3A_506 = arith.constant 0 : i32
      %scan3A_507 = arith.constant 0 : i32
      %scan3A_508 = arith.constant 64 : i32
      %scan3A_509 = arith.addi %scan3A_507, %scan3A_508 : i32
      %scan3A_510 = arith.constant 4 : i32
      scf.for %scan3A_922 = %scan3A_507 to %scan3A_509 step %scan3A_510  : i32 {
        %mul3A_923 = arith.constant 16 : i32
        %mul3A_924 = arith.muli %scan3A_922, %mul3A_923 : i32
        %get3A_925 = arith.index_cast %mul3A_924 : i32 to index
        %get3A_926 = tpu.vector_load %arg9[%get3A_925] {strides = array<i32>} : memref<1024xf32, #tpu.memory_space<vmem>>, vector<16xf32>,
        %mul3A_927 = arith.constant 9.999990e+05 : f32
        %mul3A_928 = vector.broadcast %mul3A_927 : f32 to vector<16xf32>
        %mul3A_929 = arith.mulf %get3A_926, %mul3A_928 : vector<16xf32>
        %convert_element_type3A_930 = arith.fptosi %mul3A_929 : vector<16xf32> to vector<16xi32>
        %shift_right_arithmetic3A = arith.constant 3 : i32
        %shift_right_arithmetic3A_931 = vector.broadcast %shift_right_arithmetic3A : i32 to vector<16xi32>
        %shift_right_arithmetic3A_932 = arith.shrsi %convert_element_type3A_930, %shift_right_arithmetic3A_931 : vector<16xi32>
        %mul3A_933 = arith.constant 16 : i32
        %mul3A_934 = arith.muli %scan3A_922, %mul3A_933 : i32
        %swap3A = arith.index_cast %mul3A_934 : i32 to index
        %swap3A_935 = tpu.vector_load %arg11[%swap3A] {strides = array<i32>} : memref<1024xi32, #tpu.memory_space<vmem>>, vector<16xi32>,
        tpu.vector_store %arg11[%swap3A], %shift_right_arithmetic3A_932 {strides = array<i32>} : memref<1024xi32, #tpu.memory_space<vmem>>, vector<16xi32>,
        %and3A = arith.constant 7 : i32
        %and3A_936 = vector.broadcast %and3A : i32 to vector<16xi32>
        %and3A_937 = arith.andi %convert_element_type3A_930, %and3A_936 : vector<16xi32>
        %mul3A_938 = arith.constant 512 : i32
        %mul3A_939 = arith.muli %scan3A_922, %mul3A_938 : i32
        %add3A_940 = vector.broadcast %mul3A_939 : i32 to vector<16xi32>
        %add3A_941 = arith.addi %mul3A_505, %add3A_940 : vector<16xi32>
        %add3A_942 = arith.addi %and3A_937, %add3A_941 : vector<16xi32>
        %mul3A_943 = arith.constant 16 : i32
        %mul3A_944 = arith.muli %scan3A_922, %mul3A_943 : i32
        %swap3A_945 = arith.index_cast %mul3A_944 : i32 to index
        %swap3A_946 = tpu.vector_load %arg13[%swap3A_945] {strides = array<i32>} : memref<1024xi32, #tpu.memory_space<vmem>>, vector<16xi32>,
        tpu.vector_store %arg13[%swap3A_945], %add3A_942 {strides = array<i32>} : memref<1024xi32, #tpu.memory_space<vmem>>, vector<16xi32>,
        %scan3A_947 = arith.constant 1 : i32
        %scan3A_948 = arith.addi %scan3A_922, %scan3A_947 : i32
        %mul3A_949 = arith.constant 16 : i32
        %mul3A_950 = arith.muli %scan3A_948, %mul3A_949 : i32
        %get3A_951 = arith.index_cast %mul3A_950 : i32 to index
        %get3A_952 = tpu.vector_load %arg9[%get3A_951] {strides = array<i32>} : memref<1024xf32, #tpu.memory_space<vmem>>, vector<16xf32>,
        %mul3A_953 = arith.constant 9.999990e+05 : f32
        %mul3A_954 = vector.broadcast %mul3A_953 : f32 to vector<16xf32>
        %mul3A_955 = arith.mulf %get3A_952, %mul3A_954 : vector<16xf32>
        %convert_element_type3A_956 = arith.fptosi %mul3A_955 : vector<16xf32> to vector<16xi32>
        %shift_right_arithmetic3A_957 = arith.constant 3 : i32
        %shift_right_arithmetic3A_958 = vector.broadcast %shift_right_arithmetic3A_957 : i32 to vector<16xi32>
        %shift_right_arithmetic3A_959 = arith.shrsi %convert_element_type3A_956, %shift_right_arithmetic3A_958 : vector<16xi32>
        %mul3A_960 = arith.constant 16 : i32
        %mul3A_961 = arith.muli %scan3A_948, %mul3A_960 : i32
        %swap3A_962 = arith.index_cast %mul3A_961 : i32 to index
        %swap3A_963 = tpu.vector_load %arg11[%swap3A_962] {strides = array<i32>} : memref<1024xi32, #tpu.memory_space<vmem>>, vector<16xi32>,
        tpu.vector_store %arg11[%swap3A_962], %shift_right_arithmetic3A_959 {strides = array<i32>} : memref<1024xi32, #tpu.memory_space<vmem>>, vector<16xi32>,
        %and3A_964 = arith.constant 7 : i32
        %and3A_965 = vector.broadcast %and3A_964 : i32 to vector<16xi32>
        %and3A_966 = arith.andi %convert_element_type3A_956, %and3A_965 : vector<16xi32>
        %mul3A_967 = arith.constant 512 : i32
        %mul3A_968 = arith.muli %scan3A_948, %mul3A_967 : i32
        %add3A_969 = vector.broadcast %mul3A_968 : i32 to vector<16xi32>
        %add3A_970 = arith.addi %mul3A_505, %add3A_969 : vector<16xi32>
        %add3A_971 = arith.addi %and3A_966, %add3A_970 : vector<16xi32>
        %mul3A_972 = arith.constant 16 : i32
        %mul3A_973 = arith.muli %scan3A_948, %mul3A_972 : i32
        %swap3A_974 = arith.index_cast %mul3A_973 : i32 to index
        %swap3A_975 = tpu.vector_load %arg13[%swap3A_974] {strides = array<i32>} : memref<1024xi32, #tpu.memory_space<vmem>>, vector<16xi32>,
        tpu.vector_store %arg13[%swap3A_974], %add3A_971 {strides = array<i32>} : memref<1024xi32, #tpu.memory_space<vmem>>, vector<16xi32>,
        %scan3A_976 = arith.constant 2 : i32
        %scan3A_977 = arith.addi %scan3A_922, %scan3A_976 : i32
        %mul3A_978 = arith.constant 16 : i32
        %mul3A_979 = arith.muli %scan3A_977, %mul3A_978 : i32
        %get3A_980 = arith.index_cast %mul3A_979 : i32 to index
        %get3A_981 = tpu.vector_load %arg9[%get3A_980] {strides = array<i32>} : memref<1024xf32, #tpu.memory_space<vmem>>, vector<16xf32>,
        %mul3A_982 = arith.constant 9.999990e+05 : f32
        %mul3A_983 = vector.broadcast %mul3A_982 : f32 to vector<16xf32>
        %mul3A_984 = arith.mulf %get3A_981, %mul3A_983 : vector<16xf32>
        %convert_element_type3A_985 = arith.fptosi %mul3A_984 : vector<16xf32> to vector<16xi32>
        %shift_right_arithmetic3A_986 = arith.constant 3 : i32
        %shift_right_arithmetic3A_987 = vector.broadcast %shift_right_arithmetic3A_986 : i32 to vector<16xi32>
        %shift_right_arithmetic3A_988 = arith.shrsi %convert_element_type3A_985, %shift_right_arithmetic3A_987 : vector<16xi32>
        %mul3A_989 = arith.constant 16 : i32
        %mul3A_990 = arith.muli %scan3A_977, %mul3A_989 : i32
        %swap3A_991 = arith.index_cast %mul3A_990 : i32 to index
        %swap3A_992 = tpu.vector_load %arg11[%swap3A_991] {strides = array<i32>} : memref<1024xi32, #tpu.memory_space<vmem>>, vector<16xi32>,
        tpu.vector_store %arg11[%swap3A_991], %shift_right_arithmetic3A_988 {strides = array<i32>} : memref<1024xi32, #tpu.memory_space<vmem>>, vector<16xi32>,
        %and3A_993 = arith.constant 7 : i32
        %and3A_994 = vector.broadcast %and3A_993 : i32 to vector<16xi32>
        %and3A_995 = arith.andi %convert_element_type3A_985, %and3A_994 : vector<16xi32>
        %mul3A_996 = arith.constant 512 : i32
        %mul3A_997 = arith.muli %scan3A_977, %mul3A_996 : i32
        %add3A_998 = vector.broadcast %mul3A_997 : i32 to vector<16xi32>
        %add3A_999 = arith.addi %mul3A_505, %add3A_998 : vector<16xi32>
        %add3A_1000 = arith.addi %and3A_995, %add3A_999 : vector<16xi32>
        %mul3A_1001 = arith.constant 16 : i32
        %mul3A_1002 = arith.muli %scan3A_977, %mul3A_1001 : i32
        %swap3A_1003 = arith.index_cast %mul3A_1002 : i32 to index
        %swap3A_1004 = tpu.vector_load %arg13[%swap3A_1003] {strides = array<i32>} : memref<1024xi32, #tpu.memory_space<vmem>>, vector<16xi32>,
        tpu.vector_store %arg13[%swap3A_1003], %add3A_1000 {strides = array<i32>} : memref<1024xi32, #tpu.memory_space<vmem>>, vector<16xi32>,
        %scan3A_1005 = arith.constant 3 : i32
        %scan3A_1006 = arith.addi %scan3A_922, %scan3A_1005 : i32
        %mul3A_1007 = arith.constant 16 : i32
        %mul3A_1008 = arith.muli %scan3A_1006, %mul3A_1007 : i32
        %get3A_1009 = arith.index_cast %mul3A_1008 : i32 to index
        %get3A_1010 = tpu.vector_load %arg9[%get3A_1009] {strides = array<i32>} : memref<1024xf32, #tpu.memory_space<vmem>>, vector<16xf32>,
        %mul3A_1011 = arith.constant 9.999990e+05 : f32
        %mul3A_1012 = vector.broadcast %mul3A_1011 : f32 to vector<16xf32>
        %mul3A_1013 = arith.mulf %get3A_1010, %mul3A_1012 : vector<16xf32>
        %convert_element_type3A_1014 = arith.fptosi %mul3A_1013 : vector<16xf32> to vector<16xi32>
        %shift_right_arithmetic3A_1015 = arith.constant 3 : i32
        %shift_right_arithmetic3A_1016 = vector.broadcast %shift_right_arithmetic3A_1015 : i32 to vector<16xi32>
        %shift_right_arithmetic3A_1017 = arith.shrsi %convert_element_type3A_1014, %shift_right_arithmetic3A_1016 : vector<16xi32>
        %mul3A_1018 = arith.constant 16 : i32
        %mul3A_1019 = arith.muli %scan3A_1006, %mul3A_1018 : i32
        %swap3A_1020 = arith.index_cast %mul3A_1019 : i32 to index
        %swap3A_1021 = tpu.vector_load %arg11[%swap3A_1020] {strides = array<i32>} : memref<1024xi32, #tpu.memory_space<vmem>>, vector<16xi32>,
        tpu.vector_store %arg11[%swap3A_1020], %shift_right_arithmetic3A_1017 {strides = array<i32>} : memref<1024xi32, #tpu.memory_space<vmem>>, vector<16xi32>,
        %and3A_1022 = arith.constant 7 : i32
        %and3A_1023 = vector.broadcast %and3A_1022 : i32 to vector<16xi32>
        %and3A_1024 = arith.andi %convert_element_type3A_1014, %and3A_1023 : vector<16xi32>
        %mul3A_1025 = arith.constant 512 : i32
        %mul3A_1026 = arith.muli %scan3A_1006, %mul3A_1025 : i32
        %add3A_1027 = vector.broadcast %mul3A_1026 : i32 to vector<16xi32>
        %add3A_1028 = arith.addi %mul3A_505, %add3A_1027 : vector<16xi32>
        %add3A_1029 = arith.addi %and3A_1024, %add3A_1028 : vector<16xi32>
        %mul3A_1030 = arith.constant 16 : i32
        %mul3A_1031 = arith.muli %scan3A_1006, %mul3A_1030 : i32
        %swap3A_1032 = arith.index_cast %mul3A_1031 : i32 to index
        %swap3A_1033 = tpu.vector_load %arg13[%swap3A_1032] {strides = array<i32>} : memref<1024xi32, #tpu.memory_space<vmem>>, vector<16xi32>,
        tpu.vector_store %arg13[%swap3A_1032], %add3A_1029 {strides = array<i32>} : memref<1024xi32, #tpu.memory_space<vmem>>, vector<16xi32>,
      }
      %scan3A_511 = arith.constant 64 : i32
      %dma_start3A_512 = arith.constant 0 : i32
      %dma_start3A_513 = arith.constant 0 : i32
      %dma_start3A_514 = tpu.memref_slice %arg15[%dma_start3A_512, %dma_start3A_513] : memref<1024x32xf32, #tpu.memory_space<vmem>> -> memref<128x32xf32, #tpu.memory_space<vmem>>
      %dma_start3A_515 = arith.constant 0 : i32
      %dma_start3A_516 = tpu.memref_slice %arg11[%dma_start3A_515] : memref<1024xi32, #tpu.memory_space<vmem>> -> memref<128xi32, #tpu.memory_space<vmem>>
      %dma_start3A_517 = arith.constant 0 : i32
      %dma_start3A_518 = arith.constant 0 : i32
      %dma_start3A_519 = tpu.memref_slice %arg6[%dma_start3A_517, %dma_start3A_518] : memref<125008x32xf32, #tpu.memory_space<hbm>> -> memref<125008x32xf32, #tpu.memory_space<hbm>>
      tpu.enqueue_indirect_dma source(%dma_start3A_519 : memref<125008x32xf32, #tpu.memory_space<hbm>>) target(%dma_start3A_514 : memref<128x32xf32, #tpu.memory_space<vmem>>) offsets(%dma_start3A_516 : memref<128xi32, #tpu.memory_space<vmem>>) semaphore(%arg23 : memref<!tpu.dma_semaphore, #tpu.memory_space<semaphore_mem>>)
      %dma_start3A_520 = arith.constant 128 : i32
      %dma_start3A_521 = arith.constant 0 : i32
      %dma_start3A_522 = tpu.memref_slice %arg15[%dma_start3A_520, %dma_start3A_521] : memref<1024x32xf32, #tpu.memory_space<vmem>> -> memref<128x32xf32, #tpu.memory_space<vmem>>
      %dma_start3A_523 = arith.constant 128 : i32
      %dma_start3A_524 = tpu.memref_slice %arg11[%dma_start3A_523] : memref<1024xi32, #tpu.memory_space<vmem>> -> memref<128xi32, #tpu.memory_space<vmem>>
      %dma_start3A_525 = arith.constant 0 : i32
      %dma_start3A_526 = arith.constant 0 : i32
      %dma_start3A_527 = tpu.memref_slice %arg6[%dma_start3A_525, %dma_start3A_526] : memref<125008x32xf32, #tpu.memory_space<hbm>> -> memref<125008x32xf32, #tpu.memory_space<hbm>>
      tpu.enqueue_indirect_dma source(%dma_start3A_527 : memref<125008x32xf32, #tpu.memory_space<hbm>>) target(%dma_start3A_522 : memref<128x32xf32, #tpu.memory_space<vmem>>) offsets(%dma_start3A_524 : memref<128xi32, #tpu.memory_space<vmem>>) semaphore(%arg23 : memref<!tpu.dma_semaphore, #tpu.memory_space<semaphore_mem>>)
      %dma_start3A_528 = arith.constant 256 : i32
      %dma_start3A_529 = arith.constant 0 : i32
      %dma_start3A_530 = tpu.memref_slice %arg15[%dma_start3A_528, %dma_start3A_529] : memref<1024x32xf32, #tpu.memory_space<vmem>> -> memref<128x32xf32, #tpu.memory_space<vmem>>
      %dma_start3A_531 = arith.constant 256 : i32
      %dma_start3A_532 = tpu.memref_slice %arg11[%dma_start3A_531] : memref<1024xi32, #tpu.memory_space<vmem>> -> memref<128xi32, #tpu.memory_space<vmem>>
      %dma_start3A_533 = arith.constant 0 : i32
      %dma_start3A_534 = arith.constant 0 : i32
      %dma_start3A_535 = tpu.memref_slice %arg6[%dma_start3A_533, %dma_start3A_534] : memref<125008x32xf32, #tpu.memory_space<hbm>> -> memref<125008x32xf32, #tpu.memory_space<hbm>>
      tpu.enqueue_indirect_dma source(%dma_start3A_535 : memref<125008x32xf32, #tpu.memory_space<hbm>>) target(%dma_start3A_530 : memref<128x32xf32, #tpu.memory_space<vmem>>) offsets(%dma_start3A_532 : memref<128xi32, #tpu.memory_space<vmem>>) semaphore(%arg23 : memref<!tpu.dma_semaphore, #tpu.memory_space<semaphore_mem>>)
      %dma_start3A_536 = arith.constant 384 : i32
      %dma_start3A_537 = arith.constant 0 : i32
      %dma_start3A_538 = tpu.memref_slice %arg15[%dma_start3A_536, %dma_start3A_537] : memref<1024x32xf32, #tpu.memory_space<vmem>> -> memref<128x32xf32, #tpu.memory_space<vmem>>
      %dma_start3A_539 = arith.constant 384 : i32
      %dma_start3A_540 = tpu.memref_slice %arg11[%dma_start3A_539] : memref<1024xi32, #tpu.memory_space<vmem>> -> memref<128xi32, #tpu.memory_space<vmem>>
      %dma_start3A_541 = arith.constant 0 : i32
      %dma_start3A_542 = arith.constant 0 : i32
      %dma_start3A_543 = tpu.memref_slice %arg6[%dma_start3A_541, %dma_start3A_542] : memref<125008x32xf32, #tpu.memory_space<hbm>> -> memref<125008x32xf32, #tpu.memory_space<hbm>>
      tpu.enqueue_indirect_dma source(%dma_start3A_543 : memref<125008x32xf32, #tpu.memory_space<hbm>>) target(%dma_start3A_538 : memref<128x32xf32, #tpu.memory_space<vmem>>) offsets(%dma_start3A_540 : memref<128xi32, #tpu.memory_space<vmem>>) semaphore(%arg23 : memref<!tpu.dma_semaphore, #tpu.memory_space<semaphore_mem>>)
      %dma_start3A_544 = arith.constant 512 : i32
      %dma_start3A_545 = arith.constant 0 : i32
      %dma_start3A_546 = tpu.memref_slice %arg15[%dma_start3A_544, %dma_start3A_545] : memref<1024x32xf32, #tpu.memory_space<vmem>> -> memref<128x32xf32, #tpu.memory_space<vmem>>
      %dma_start3A_547 = arith.constant 512 : i32
      %dma_start3A_548 = tpu.memref_slice %arg11[%dma_start3A_547] : memref<1024xi32, #tpu.memory_space<vmem>> -> memref<128xi32, #tpu.memory_space<vmem>>
      %dma_start3A_549 = arith.constant 0 : i32
      %dma_start3A_550 = arith.constant 0 : i32
      %dma_start3A_551 = tpu.memref_slice %arg6[%dma_start3A_549, %dma_start3A_550] : memref<125008x32xf32, #tpu.memory_space<hbm>> -> memref<125008x32xf32, #tpu.memory_space<hbm>>
      tpu.enqueue_indirect_dma source(%dma_start3A_551 : memref<125008x32xf32, #tpu.memory_space<hbm>>) target(%dma_start3A_546 : memref<128x32xf32, #tpu.memory_space<vmem>>) offsets(%dma_start3A_548 : memref<128xi32, #tpu.memory_space<vmem>>) semaphore(%arg23 : memref<!tpu.dma_semaphore, #tpu.memory_space<semaphore_mem>>)
      %dma_start3A_552 = arith.constant 640 : i32
      %dma_start3A_553 = arith.constant 0 : i32
      %dma_start3A_554 = tpu.memref_slice %arg15[%dma_start3A_552, %dma_start3A_553] : memref<1024x32xf32, #tpu.memory_space<vmem>> -> memref<128x32xf32, #tpu.memory_space<vmem>>
      %dma_start3A_555 = arith.constant 640 : i32
      %dma_start3A_556 = tpu.memref_slice %arg11[%dma_start3A_555] : memref<1024xi32, #tpu.memory_space<vmem>> -> memref<128xi32, #tpu.memory_space<vmem>>
      %dma_start3A_557 = arith.constant 0 : i32
      %dma_start3A_558 = arith.constant 0 : i32
      %dma_start3A_559 = tpu.memref_slice %arg6[%dma_start3A_557, %dma_start3A_558] : memref<125008x32xf32, #tpu.memory_space<hbm>> -> memref<125008x32xf32, #tpu.memory_space<hbm>>
      tpu.enqueue_indirect_dma source(%dma_start3A_559 : memref<125008x32xf32, #tpu.memory_space<hbm>>) target(%dma_start3A_554 : memref<128x32xf32, #tpu.memory_space<vmem>>) offsets(%dma_start3A_556 : memref<128xi32, #tpu.memory_space<vmem>>) semaphore(%arg23 : memref<!tpu.dma_semaphore, #tpu.memory_space<semaphore_mem>>)
      %dma_start3A_560 = arith.constant 768 : i32
      %dma_start3A_561 = arith.constant 0 : i32
      %dma_start3A_562 = tpu.memref_slice %arg15[%dma_start3A_560, %dma_start3A_561] : memref<1024x32xf32, #tpu.memory_space<vmem>> -> memref<128x32xf32, #tpu.memory_space<vmem>>
      %dma_start3A_563 = arith.constant 768 : i32
      %dma_start3A_564 = tpu.memref_slice %arg11[%dma_start3A_563] : memref<1024xi32, #tpu.memory_space<vmem>> -> memref<128xi32, #tpu.memory_space<vmem>>
      %dma_start3A_565 = arith.constant 0 : i32
      %dma_start3A_566 = arith.constant 0 : i32
      %dma_start3A_567 = tpu.memref_slice %arg6[%dma_start3A_565, %dma_start3A_566] : memref<125008x32xf32, #tpu.memory_space<hbm>> -> memref<125008x32xf32, #tpu.memory_space<hbm>>
      tpu.enqueue_indirect_dma source(%dma_start3A_567 : memref<125008x32xf32, #tpu.memory_space<hbm>>) target(%dma_start3A_562 : memref<128x32xf32, #tpu.memory_space<vmem>>) offsets(%dma_start3A_564 : memref<128xi32, #tpu.memory_space<vmem>>) semaphore(%arg23 : memref<!tpu.dma_semaphore, #tpu.memory_space<semaphore_mem>>)
      %dma_start3A_568 = arith.constant 896 : i32
      %dma_start3A_569 = arith.constant 0 : i32
      %dma_start3A_570 = tpu.memref_slice %arg15[%dma_start3A_568, %dma_start3A_569] : memref<1024x32xf32, #tpu.memory_space<vmem>> -> memref<128x32xf32, #tpu.memory_space<vmem>>
      %dma_start3A_571 = arith.constant 896 : i32
      %dma_start3A_572 = tpu.memref_slice %arg11[%dma_start3A_571] : memref<1024xi32, #tpu.memory_space<vmem>> -> memref<128xi32, #tpu.memory_space<vmem>>
      %dma_start3A_573 = arith.constant 0 : i32
      %dma_start3A_574 = arith.constant 0 : i32
      %dma_start3A_575 = tpu.memref_slice %arg6[%dma_start3A_573, %dma_start3A_574] : memref<125008x32xf32, #tpu.memory_space<hbm>> -> memref<125008x32xf32, #tpu.memory_space<hbm>>
      tpu.enqueue_indirect_dma source(%dma_start3A_575 : memref<125008x32xf32, #tpu.memory_space<hbm>>) target(%dma_start3A_570 : memref<128x32xf32, #tpu.memory_space<vmem>>) offsets(%dma_start3A_572 : memref<128xi32, #tpu.memory_space<vmem>>) semaphore(%arg23 : memref<!tpu.dma_semaphore, #tpu.memory_space<semaphore_mem>>)
      %dma_wait3A_576 = arith.constant 0 : i32
      %dma_wait3A_577 = arith.constant 0 : i32
      %dma_wait3A_578 = tpu.memref_slice %arg6[%dma_wait3A_576, %dma_wait3A_577] : memref<125008x32xf32, #tpu.memory_space<hbm>> -> memref<1024x32xf32, #tpu.memory_space<hbm>>
      %dma_wait3A_579 = arith.constant 0 : i32
      %dma_wait3A_580 = arith.constant 0 : i32
      %dma_wait3A_581 = tpu.memref_slice %arg6[%dma_wait3A_579, %dma_wait3A_580] : memref<125008x32xf32, #tpu.memory_space<hbm>> -> memref<1024x32xf32, #tpu.memory_space<hbm>>
      tpu.wait_dma2 semaphore(%arg24 : memref<!tpu.dma_semaphore, #tpu.memory_space<semaphore_mem>>) src(%dma_wait3A_581 : memref<1024x32xf32, #tpu.memory_space<hbm>>) dst(%arg16 : memref<1024x32xf32, #tpu.memory_space<vmem>>)
      %gt3A_582 = arith.constant 0 : i32
      %gt3A_583 = arith.cmpi sgt, %scan3A_333, %gt3A_582 : i32
      %convert_element_type3A_584 = arith.extui %gt3A_583 : i1 to i32
      %cond3A_585 = arith.constant 0 : i32
      %cond3A_586 = arith.cmpi ne, %convert_element_type3A_584, %cond3A_585 : i32
      scf.if %cond3A_586 {
        %dma_wait3A_922 = arith.constant 0 : i32
        %dma_wait3A_923 = tpu.memref_slice %arg2[%dma_wait3A_922] : memref<8388608xf32, #tpu.memory_space<hbm>> -> memref<1024xf32, #tpu.memory_space<hbm>>
        %dma_wait3A_924 = arith.constant 0 : i32
        %dma_wait3A_925 = tpu.memref_slice %arg2[%dma_wait3A_924] : memref<8388608xf32, #tpu.memory_space<hbm>> -> memref<1024xf32, #tpu.memory_space<hbm>>
        tpu.wait_dma2 semaphore(%arg30 : memref<!tpu.dma_semaphore, #tpu.memory_space<semaphore_mem>>) src(%dma_wait3A_925 : memref<1024xf32, #tpu.memory_space<hbm>>) dst(%arg18 : memref<1024xf32, #tpu.memory_space<vmem>>)
      } else {
      }
      %add3A_587 = arith.constant 1 : i32
      %add3A_588 = arith.addi %mul3A_335, %add3A_587 : i32
      %broadcast_in_dim3A_589 = arith.constant 0 : i32
      %broadcast_in_dim3A_590 = vector.broadcast %broadcast_in_dim3A_589 : i32 to vector<16xi32>
      %get3A_591 = arith.constant 0 : index
      %get3A_592 = tpu.vector_load %arg8[%get3A_591] {strides = array<i32>} : memref<1024xf32, #tpu.memory_space<vmem>>, vector<16xf32>,
      %get3A_593 = arith.constant 0 : index
      %get3A_594 = tpu.vector_load %arg14[%get3A_593] {strides = array<i32>} : memref<1024xi32, #tpu.memory_space<vmem>>, vector<16xi32>,
      %add3A_595 = arith.constant 0 : i32
      %add3A_596 = vector.broadcast %add3A_595 : i32 to vector<16xi32>
      %add3A_597 = arith.addi %get3A_594, %add3A_596 : vector<16xi32>
      %gather3A_598 = tpu.vector_load_idx %arg16[%broadcast_in_dim3A_590, %add3A_597] : memref<1024x32xf32, #tpu.memory_space<vmem>>[vector<16xi32>, vector<16xi32>], vector<16xf32>,
      %add3A_599 = arith.constant 16 : i32
      %add3A_600 = vector.broadcast %add3A_599 : i32 to vector<16xi32>
      %add3A_601 = arith.addi %get3A_594, %add3A_600 : vector<16xi32>
      %gather3A_602 = tpu.vector_load_idx %arg16[%broadcast_in_dim3A_590, %add3A_601] : memref<1024x32xf32, #tpu.memory_space<vmem>>[vector<16xi32>, vector<16xi32>], vector<16xf32>,
      %add3A_603 = arith.constant 1 : i32
      %add3A_604 = vector.broadcast %add3A_603 : i32 to vector<16xi32>
      %add3A_605 = arith.addi %get3A_594, %add3A_604 : vector<16xi32>
      %gather3A_606 = tpu.vector_load_idx %arg16[%broadcast_in_dim3A_590, %add3A_605] : memref<1024x32xf32, #tpu.memory_space<vmem>>[vector<16xi32>, vector<16xi32>], vector<16xf32>,
      %add3A_607 = arith.constant 17 : i32
      %add3A_608 = vector.broadcast %add3A_607 : i32 to vector<16xi32>
      %add3A_609 = arith.addi %get3A_594, %add3A_608 : vector<16xi32>
      %gather3A_610 = tpu.vector_load_idx %arg16[%broadcast_in_dim3A_590, %add3A_609] : memref<1024x32xf32, #tpu.memory_space<vmem>>[vector<16xi32>, vector<16xi32>], vector<16xf32>,
      %add3A_611 = arith.constant 2 : i32
      %add3A_612 = vector.broadcast %add3A_611 : i32 to vector<16xi32>
      %add3A_613 = arith.addi %get3A_594, %add3A_612 : vector<16xi32>
      %gather3A_614 = tpu.vector_load_idx %arg16[%broadcast_in_dim3A_590, %add3A_613] : memref<1024x32xf32, #tpu.memory_space<vmem>>[vector<16xi32>, vector<16xi32>], vector<16xf32>,
      %add3A_615 = arith.constant 18 : i32
      %add3A_616 = vector.broadcast %add3A_615 : i32 to vector<16xi32>
      %add3A_617 = arith.addi %get3A_594, %add3A_616 : vector<16xi32>
      %gather3A_618 = tpu.vector_load_idx %arg16[%broadcast_in_dim3A_590, %add3A_617] : memref<1024x32xf32, #tpu.memory_space<vmem>>[vector<16xi32>, vector<16xi32>], vector<16xf32>,
      %add3A_619 = arith.constant 3 : i32
      %add3A_620 = vector.broadcast %add3A_619 : i32 to vector<16xi32>
      %add3A_621 = arith.addi %get3A_594, %add3A_620 : vector<16xi32>
      %gather3A_622 = tpu.vector_load_idx %arg16[%broadcast_in_dim3A_590, %add3A_621] : memref<1024x32xf32, #tpu.memory_space<vmem>>[vector<16xi32>, vector<16xi32>], vector<16xf32>,
      %add3A_623 = arith.constant 19 : i32
      %add3A_624 = vector.broadcast %add3A_623 : i32 to vector<16xi32>
      %add3A_625 = arith.addi %get3A_594, %add3A_624 : vector<16xi32>
      %gather3A_626 = tpu.vector_load_idx %arg16[%broadcast_in_dim3A_590, %add3A_625] : memref<1024x32xf32, #tpu.memory_space<vmem>>[vector<16xi32>, vector<16xi32>], vector<16xf32>,
      %add3A_627 = arith.constant 4 : i32
      %add3A_628 = vector.broadcast %add3A_627 : i32 to vector<16xi32>
      %add3A_629 = arith.addi %get3A_594, %add3A_628 : vector<16xi32>
      %gather3A_630 = tpu.vector_load_idx %arg16[%broadcast_in_dim3A_590, %add3A_629] : memref<1024x32xf32, #tpu.memory_space<vmem>>[vector<16xi32>, vector<16xi32>], vector<16xf32>,
      %add3A_631 = arith.constant 20 : i32
      %add3A_632 = vector.broadcast %add3A_631 : i32 to vector<16xi32>
      %add3A_633 = arith.addi %get3A_594, %add3A_632 : vector<16xi32>
      %gather3A_634 = tpu.vector_load_idx %arg16[%broadcast_in_dim3A_590, %add3A_633] : memref<1024x32xf32, #tpu.memory_space<vmem>>[vector<16xi32>, vector<16xi32>], vector<16xf32>,
      %add3A_635 = arith.constant 5 : i32
      %add3A_636 = vector.broadcast %add3A_635 : i32 to vector<16xi32>
      %add3A_637 = arith.addi %get3A_594, %add3A_636 : vector<16xi32>
      %gather3A_638 = tpu.vector_load_idx %arg16[%broadcast_in_dim3A_590, %add3A_637] : memref<1024x32xf32, #tpu.memory_space<vmem>>[vector<16xi32>, vector<16xi32>], vector<16xf32>,
      %add3A_639 = arith.constant 21 : i32
      %add3A_640 = vector.broadcast %add3A_639 : i32 to vector<16xi32>
      %add3A_641 = arith.addi %get3A_594, %add3A_640 : vector<16xi32>
      %gather3A_642 = tpu.vector_load_idx %arg16[%broadcast_in_dim3A_590, %add3A_641] : memref<1024x32xf32, #tpu.memory_space<vmem>>[vector<16xi32>, vector<16xi32>], vector<16xf32>,
      %add3A_643 = arith.constant 6 : i32
      %add3A_644 = vector.broadcast %add3A_643 : i32 to vector<16xi32>
      %add3A_645 = arith.addi %get3A_594, %add3A_644 : vector<16xi32>
      %gather3A_646 = tpu.vector_load_idx %arg16[%broadcast_in_dim3A_590, %add3A_645] : memref<1024x32xf32, #tpu.memory_space<vmem>>[vector<16xi32>, vector<16xi32>], vector<16xf32>,
      %add3A_647 = arith.constant 22 : i32
      %add3A_648 = vector.broadcast %add3A_647 : i32 to vector<16xi32>
      %add3A_649 = arith.addi %get3A_594, %add3A_648 : vector<16xi32>
      %gather3A_650 = tpu.vector_load_idx %arg16[%broadcast_in_dim3A_590, %add3A_649] : memref<1024x32xf32, #tpu.memory_space<vmem>>[vector<16xi32>, vector<16xi32>], vector<16xf32>,
      %scan3A_651 = arith.constant 0 : i32
      %scan3A_652 = arith.constant 64 : i32
      %scan3A_653 = arith.addi %scan3A_651, %scan3A_652 : i32
      %scan3A_654 = arith.constant 1 : i32
      %scan3A_655:15 = scf.for %scan3A_922 = %scan3A_651 to %scan3A_653 step %scan3A_654 iter_args(%scan3A_923 = %get3A_592, %scan3A_924 = %gather3A_598, %scan3A_925 = %gather3A_602, %scan3A_926 = %gather3A_606, %scan3A_927 = %gather3A_610, %scan3A_928 = %gather3A_614, %scan3A_929 = %gather3A_618, %scan3A_930 = %gather3A_622, %scan3A_931 = %gather3A_626, %scan3A_932 = %gather3A_630, %scan3A_933 = %gather3A_634, %scan3A_934 = %gather3A_638, %scan3A_935 = %gather3A_642, %scan3A_936 = %gather3A_646, %scan3A_937 = %gather3A_650) -> (vector<16xf32>, vector<16xf32>, vector<16xf32>, vector<16xf32>, vector<16xf32>, vector<16xf32>, vector<16xf32>, vector<16xf32>, vector<16xf32>, vector<16xf32>, vector<16xf32>, vector<16xf32>, vector<16xf32>, vector<16xf32>, vector<16xf32>)  : i32 {
        %add3A_938 = arith.constant 1 : i32
        %add3A_939 = arith.addi %scan3A_922, %add3A_938 : i32
        %min3A = arith.constant 63 : i32
        %min3A_940 = arith.minsi %add3A_939, %min3A : i32
        %mul3A_941 = arith.constant 16 : i32
        %mul3A_942 = arith.muli %min3A_940, %mul3A_941 : i32
        %get3A_943 = arith.index_cast %mul3A_942 : i32 to index
        %get3A_944 = tpu.vector_load %arg8[%get3A_943] {strides = array<i32>} : memref<1024xf32, #tpu.memory_space<vmem>>, vector<16xf32>,
        %mul3A_945 = arith.constant 16 : i32
        %mul3A_946 = arith.muli %min3A_940, %mul3A_945 : i32
        %get3A_947 = arith.index_cast %mul3A_946 : i32 to index
        %get3A_948 = tpu.vector_load %arg14[%get3A_947] {strides = array<i32>} : memref<1024xi32, #tpu.memory_space<vmem>>, vector<16xi32>,
        %add3A_949 = arith.constant 0 : i32
        %add3A_950 = vector.broadcast %add3A_949 : i32 to vector<16xi32>
        %add3A_951 = arith.addi %get3A_948, %add3A_950 : vector<16xi32>
        %gather3A_952 = tpu.vector_load_idx %arg16[%broadcast_in_dim3A_590, %add3A_951] : memref<1024x32xf32, #tpu.memory_space<vmem>>[vector<16xi32>, vector<16xi32>], vector<16xf32>,
        %add3A_953 = arith.constant 16 : i32
        %add3A_954 = vector.broadcast %add3A_953 : i32 to vector<16xi32>
        %add3A_955 = arith.addi %get3A_948, %add3A_954 : vector<16xi32>
        %gather3A_956 = tpu.vector_load_idx %arg16[%broadcast_in_dim3A_590, %add3A_955] : memref<1024x32xf32, #tpu.memory_space<vmem>>[vector<16xi32>, vector<16xi32>], vector<16xf32>,
        %add3A_957 = arith.constant 1 : i32
        %add3A_958 = vector.broadcast %add3A_957 : i32 to vector<16xi32>
        %add3A_959 = arith.addi %get3A_948, %add3A_958 : vector<16xi32>
        %gather3A_960 = tpu.vector_load_idx %arg16[%broadcast_in_dim3A_590, %add3A_959] : memref<1024x32xf32, #tpu.memory_space<vmem>>[vector<16xi32>, vector<16xi32>], vector<16xf32>,
        %add3A_961 = arith.constant 17 : i32
        %add3A_962 = vector.broadcast %add3A_961 : i32 to vector<16xi32>
        %add3A_963 = arith.addi %get3A_948, %add3A_962 : vector<16xi32>
        %gather3A_964 = tpu.vector_load_idx %arg16[%broadcast_in_dim3A_590, %add3A_963] : memref<1024x32xf32, #tpu.memory_space<vmem>>[vector<16xi32>, vector<16xi32>], vector<16xf32>,
        %add3A_965 = arith.constant 2 : i32
        %add3A_966 = vector.broadcast %add3A_965 : i32 to vector<16xi32>
        %add3A_967 = arith.addi %get3A_948, %add3A_966 : vector<16xi32>
        %gather3A_968 = tpu.vector_load_idx %arg16[%broadcast_in_dim3A_590, %add3A_967] : memref<1024x32xf32, #tpu.memory_space<vmem>>[vector<16xi32>, vector<16xi32>], vector<16xf32>,
        %add3A_969 = arith.constant 18 : i32
        %add3A_970 = vector.broadcast %add3A_969 : i32 to vector<16xi32>
        %add3A_971 = arith.addi %get3A_948, %add3A_970 : vector<16xi32>
        %gather3A_972 = tpu.vector_load_idx %arg16[%broadcast_in_dim3A_590, %add3A_971] : memref<1024x32xf32, #tpu.memory_space<vmem>>[vector<16xi32>, vector<16xi32>], vector<16xf32>,
        %add3A_973 = arith.constant 3 : i32
        %add3A_974 = vector.broadcast %add3A_973 : i32 to vector<16xi32>
        %add3A_975 = arith.addi %get3A_948, %add3A_974 : vector<16xi32>
        %gather3A_976 = tpu.vector_load_idx %arg16[%broadcast_in_dim3A_590, %add3A_975] : memref<1024x32xf32, #tpu.memory_space<vmem>>[vector<16xi32>, vector<16xi32>], vector<16xf32>,
        %add3A_977 = arith.constant 19 : i32
        %add3A_978 = vector.broadcast %add3A_977 : i32 to vector<16xi32>
        %add3A_979 = arith.addi %get3A_948, %add3A_978 : vector<16xi32>
        %gather3A_980 = tpu.vector_load_idx %arg16[%broadcast_in_dim3A_590, %add3A_979] : memref<1024x32xf32, #tpu.memory_space<vmem>>[vector<16xi32>, vector<16xi32>], vector<16xf32>,
        %add3A_981 = arith.constant 4 : i32
        %add3A_982 = vector.broadcast %add3A_981 : i32 to vector<16xi32>
        %add3A_983 = arith.addi %get3A_948, %add3A_982 : vector<16xi32>
        %gather3A_984 = tpu.vector_load_idx %arg16[%broadcast_in_dim3A_590, %add3A_983] : memref<1024x32xf32, #tpu.memory_space<vmem>>[vector<16xi32>, vector<16xi32>], vector<16xf32>,
        %add3A_985 = arith.constant 20 : i32
        %add3A_986 = vector.broadcast %add3A_985 : i32 to vector<16xi32>
        %add3A_987 = arith.addi %get3A_948, %add3A_986 : vector<16xi32>
        %gather3A_988 = tpu.vector_load_idx %arg16[%broadcast_in_dim3A_590, %add3A_987] : memref<1024x32xf32, #tpu.memory_space<vmem>>[vector<16xi32>, vector<16xi32>], vector<16xf32>,
        %add3A_989 = arith.constant 5 : i32
        %add3A_990 = vector.broadcast %add3A_989 : i32 to vector<16xi32>
        %add3A_991 = arith.addi %get3A_948, %add3A_990 : vector<16xi32>
        %gather3A_992 = tpu.vector_load_idx %arg16[%broadcast_in_dim3A_590, %add3A_991] : memref<1024x32xf32, #tpu.memory_space<vmem>>[vector<16xi32>, vector<16xi32>], vector<16xf32>,
        %add3A_993 = arith.constant 21 : i32
        %add3A_994 = vector.broadcast %add3A_993 : i32 to vector<16xi32>
        %add3A_995 = arith.addi %get3A_948, %add3A_994 : vector<16xi32>
        %gather3A_996 = tpu.vector_load_idx %arg16[%broadcast_in_dim3A_590, %add3A_995] : memref<1024x32xf32, #tpu.memory_space<vmem>>[vector<16xi32>, vector<16xi32>], vector<16xf32>,
        %add3A_997 = arith.constant 6 : i32
        %add3A_998 = vector.broadcast %add3A_997 : i32 to vector<16xi32>
        %add3A_999 = arith.addi %get3A_948, %add3A_998 : vector<16xi32>
        %gather3A_1000 = tpu.vector_load_idx %arg16[%broadcast_in_dim3A_590, %add3A_999] : memref<1024x32xf32, #tpu.memory_space<vmem>>[vector<16xi32>, vector<16xi32>], vector<16xf32>,
        %add3A_1001 = arith.constant 22 : i32
        %add3A_1002 = vector.broadcast %add3A_1001 : i32 to vector<16xi32>
        %add3A_1003 = arith.addi %get3A_948, %add3A_1002 : vector<16xi32>
        %gather3A_1004 = tpu.vector_load_idx %arg16[%broadcast_in_dim3A_590, %add3A_1003] : memref<1024x32xf32, #tpu.memory_space<vmem>>[vector<16xi32>, vector<16xi32>], vector<16xf32>,
        %sub3A = arith.subf %scan3A_923, %scan3A_924 : vector<16xf32>
        %mul3A_1005 = arith.mulf %sub3A, %sub3A : vector<16xf32>
        %mul3A_1006 = arith.constant -9.999980e+11 : f32
        %mul3A_1007 = vector.broadcast %mul3A_1006 : f32 to vector<16xf32>
        %mul3A_1008 = arith.mulf %mul3A_1005, %mul3A_1007 : vector<16xf32>
        %exp3A = math.exp %mul3A_1008 : vector<16xf32>
        %mul3A_1009 = arith.mulf %exp3A, %scan3A_925 : vector<16xf32>
        %sub3A_1010 = arith.subf %scan3A_923, %scan3A_926 : vector<16xf32>
        %mul3A_1011 = arith.mulf %sub3A_1010, %sub3A_1010 : vector<16xf32>
        %mul3A_1012 = arith.constant -9.999980e+11 : f32
        %mul3A_1013 = vector.broadcast %mul3A_1012 : f32 to vector<16xf32>
        %mul3A_1014 = arith.mulf %mul3A_1011, %mul3A_1013 : vector<16xf32>
        %exp3A_1015 = math.exp %mul3A_1014 : vector<16xf32>
        %mul3A_1016 = arith.mulf %exp3A_1015, %scan3A_927 : vector<16xf32>
        %sub3A_1017 = arith.subf %scan3A_923, %scan3A_928 : vector<16xf32>
        %mul3A_1018 = arith.mulf %sub3A_1017, %sub3A_1017 : vector<16xf32>
        %mul3A_1019 = arith.constant -9.999980e+11 : f32
        %mul3A_1020 = vector.broadcast %mul3A_1019 : f32 to vector<16xf32>
        %mul3A_1021 = arith.mulf %mul3A_1018, %mul3A_1020 : vector<16xf32>
        %exp3A_1022 = math.exp %mul3A_1021 : vector<16xf32>
        %mul3A_1023 = arith.mulf %exp3A_1022, %scan3A_929 : vector<16xf32>
        %sub3A_1024 = arith.subf %scan3A_923, %scan3A_930 : vector<16xf32>
        %mul3A_1025 = arith.mulf %sub3A_1024, %sub3A_1024 : vector<16xf32>
        %mul3A_1026 = arith.constant -9.999980e+11 : f32
        %mul3A_1027 = vector.broadcast %mul3A_1026 : f32 to vector<16xf32>
        %mul3A_1028 = arith.mulf %mul3A_1025, %mul3A_1027 : vector<16xf32>
        %exp3A_1029 = math.exp %mul3A_1028 : vector<16xf32>
        %mul3A_1030 = arith.mulf %exp3A_1029, %scan3A_931 : vector<16xf32>
        %sub3A_1031 = arith.subf %scan3A_923, %scan3A_932 : vector<16xf32>
        %mul3A_1032 = arith.mulf %sub3A_1031, %sub3A_1031 : vector<16xf32>
        %mul3A_1033 = arith.constant -9.999980e+11 : f32
        %mul3A_1034 = vector.broadcast %mul3A_1033 : f32 to vector<16xf32>
        %mul3A_1035 = arith.mulf %mul3A_1032, %mul3A_1034 : vector<16xf32>
        %exp3A_1036 = math.exp %mul3A_1035 : vector<16xf32>
        %mul3A_1037 = arith.mulf %exp3A_1036, %scan3A_933 : vector<16xf32>
        %sub3A_1038 = arith.subf %scan3A_923, %scan3A_934 : vector<16xf32>
        %mul3A_1039 = arith.mulf %sub3A_1038, %sub3A_1038 : vector<16xf32>
        %mul3A_1040 = arith.constant -9.999980e+11 : f32
        %mul3A_1041 = vector.broadcast %mul3A_1040 : f32 to vector<16xf32>
        %mul3A_1042 = arith.mulf %mul3A_1039, %mul3A_1041 : vector<16xf32>
        %exp3A_1043 = math.exp %mul3A_1042 : vector<16xf32>
        %mul3A_1044 = arith.mulf %exp3A_1043, %scan3A_935 : vector<16xf32>
        %sub3A_1045 = arith.subf %scan3A_923, %scan3A_936 : vector<16xf32>
        %mul3A_1046 = arith.mulf %sub3A_1045, %sub3A_1045 : vector<16xf32>
        %mul3A_1047 = arith.constant -9.999980e+11 : f32
        %mul3A_1048 = vector.broadcast %mul3A_1047 : f32 to vector<16xf32>
        %mul3A_1049 = arith.mulf %mul3A_1046, %mul3A_1048 : vector<16xf32>
        %exp3A_1050 = math.exp %mul3A_1049 : vector<16xf32>
        %mul3A_1051 = arith.mulf %exp3A_1050, %scan3A_937 : vector<16xf32>
        %add3A_1052 = arith.addf %mul3A_1009, %mul3A_1016 : vector<16xf32>
        %add3A_1053 = arith.addf %mul3A_1023, %mul3A_1030 : vector<16xf32>
        %add3A_1054 = arith.addf %add3A_1052, %add3A_1053 : vector<16xf32>
        %add3A_1055 = arith.addf %mul3A_1037, %mul3A_1044 : vector<16xf32>
        %add3A_1056 = arith.addf %add3A_1055, %mul3A_1051 : vector<16xf32>
        %add3A_1057 = arith.addf %add3A_1054, %add3A_1056 : vector<16xf32>
        %mul3A_1058 = arith.constant 0.564189613 : f32
        %mul3A_1059 = vector.broadcast %mul3A_1058 : f32 to vector<16xf32>
        %mul3A_1060 = arith.mulf %add3A_1057, %mul3A_1059 : vector<16xf32>
        %mul3A_1061 = arith.constant 16 : i32
        %mul3A_1062 = arith.muli %scan3A_922, %mul3A_1061 : i32
        %swap3A = arith.index_cast %mul3A_1062 : i32 to index
        %swap3A_1063 = tpu.vector_load %arg18[%swap3A] {strides = array<i32>} : memref<1024xf32, #tpu.memory_space<vmem>>, vector<16xf32>,
        tpu.vector_store %arg18[%swap3A], %mul3A_1060 {strides = array<i32>} : memref<1024xf32, #tpu.memory_space<vmem>>, vector<16xf32>,
        scf.yield %get3A_944, %gather3A_952, %gather3A_956, %gather3A_960, %gather3A_964, %gather3A_968, %gather3A_972, %gather3A_976, %gather3A_980, %gather3A_984, %gather3A_988, %gather3A_992, %gather3A_996, %gather3A_1000, %gather3A_1004 : vector<16xf32>, vector<16xf32>, vector<16xf32>, vector<16xf32>, vector<16xf32>, vector<16xf32>, vector<16xf32>, vector<16xf32>, vector<16xf32>, vector<16xf32>, vector<16xf32>, vector<16xf32>, vector<16xf32>, vector<16xf32>, vector<16xf32>
      }
      %scan3A_656 = arith.constant 64 : i32
      %mul3A_657 = arith.constant 1024 : i32
      %mul3A_658 = arith.muli %add3A_588, %mul3A_657 : i32
      %add3A_659 = arith.addi %mul3A_2, %mul3A_658 : i32
      %dma_start3A_660 = tpu.memref_slice %arg5[%add3A_659] : memref<8388608xf32, #tpu.memory_space<hbm>> -> memref<1024xf32, #tpu.memory_space<hbm>>
      %dma_start3A_661 = tpu.memref_slice %arg5[%add3A_659] : memref<8388608xf32, #tpu.memory_space<hbm>> -> memref<1024xf32, #tpu.memory_space<hbm>>
      tpu.enqueue_dma source(%arg18 : memref<1024xf32, #tpu.memory_space<vmem>>) target(%dma_start3A_661 : memref<1024xf32, #tpu.memory_space<hbm>>) target_semaphore(%arg30 : memref<!tpu.dma_semaphore, #tpu.memory_space<semaphore_mem>>)
      %convert_element_type3A_662 = arith.extui %lt3A_338 : i1 to i32
      %cond3A_663 = arith.constant 0 : i32
      %cond3A_664 = arith.cmpi ne, %convert_element_type3A_662, %cond3A_663 : i32
      scf.if %cond3A_664 {
        %add3A_922 = arith.constant 5 : i32
        %add3A_923 = arith.addi %mul3A_335, %add3A_922 : i32
        %mul3A_924 = arith.constant 1024 : i32
        %mul3A_925 = arith.muli %add3A_923, %mul3A_924 : i32
        %add3A_926 = arith.addi %mul3A_2, %mul3A_925 : i32
        %dma_start3A_927 = tpu.memref_slice %arg2[%add3A_926] : memref<8388608xf32, #tpu.memory_space<hbm>> -> memref<1024xf32, #tpu.memory_space<hbm>>
        %dma_start3A_928 = tpu.memref_slice %arg2[%add3A_926] : memref<8388608xf32, #tpu.memory_space<hbm>> -> memref<1024xf32, #tpu.memory_space<hbm>>
        tpu.enqueue_dma source(%dma_start3A_928 : memref<1024xf32, #tpu.memory_space<hbm>>) target(%arg8 : memref<1024xf32, #tpu.memory_space<vmem>>) target_semaphore(%arg26 : memref<!tpu.dma_semaphore, #tpu.memory_space<semaphore_mem>>)
      } else {
      }
      %dma_wait3A_665 = arith.constant 0 : i32
      %dma_wait3A_666 = tpu.memref_slice %arg2[%dma_wait3A_665] : memref<8388608xf32, #tpu.memory_space<hbm>> -> memref<1024xf32, #tpu.memory_space<hbm>>
      %dma_wait3A_667 = arith.constant 0 : i32
      %dma_wait3A_668 = tpu.memref_slice %arg2[%dma_wait3A_667] : memref<8388608xf32, #tpu.memory_space<hbm>> -> memref<1024xf32, #tpu.memory_space<hbm>>
      tpu.wait_dma2 semaphore(%arg28 : memref<!tpu.dma_semaphore, #tpu.memory_space<semaphore_mem>>) src(%dma_wait3A_668 : memref<1024xf32, #tpu.memory_space<hbm>>) dst(%arg10 : memref<1024xf32, #tpu.memory_space<vmem>>)
      %iota3A_669 = tpu.iota {dimensions = array<i32: 0>} : vector<16xi32>
      %mul3A_670 = arith.constant 32 : i32
      %mul3A_671 = vector.broadcast %mul3A_670 : i32 to vector<16xi32>
      %mul3A_672 = arith.muli %iota3A_669, %mul3A_671 : vector<16xi32>
      %scan3A_673 = arith.constant 0 : i32
      %scan3A_674 = arith.constant 0 : i32
      %scan3A_675 = arith.constant 64 : i32
      %scan3A_676 = arith.addi %scan3A_674, %scan3A_675 : i32
      %scan3A_677 = arith.constant 4 : i32
      scf.for %scan3A_922 = %scan3A_674 to %scan3A_676 step %scan3A_677  : i32 {
        %mul3A_923 = arith.constant 16 : i32
        %mul3A_924 = arith.muli %scan3A_922, %mul3A_923 : i32
        %get3A_925 = arith.index_cast %mul3A_924 : i32 to index
        %get3A_926 = tpu.vector_load %arg10[%get3A_925] {strides = array<i32>} : memref<1024xf32, #tpu.memory_space<vmem>>, vector<16xf32>,
        %mul3A_927 = arith.constant 9.999990e+05 : f32
        %mul3A_928 = vector.broadcast %mul3A_927 : f32 to vector<16xf32>
        %mul3A_929 = arith.mulf %get3A_926, %mul3A_928 : vector<16xf32>
        %convert_element_type3A_930 = arith.fptosi %mul3A_929 : vector<16xf32> to vector<16xi32>
        %shift_right_arithmetic3A = arith.constant 3 : i32
        %shift_right_arithmetic3A_931 = vector.broadcast %shift_right_arithmetic3A : i32 to vector<16xi32>
        %shift_right_arithmetic3A_932 = arith.shrsi %convert_element_type3A_930, %shift_right_arithmetic3A_931 : vector<16xi32>
        %mul3A_933 = arith.constant 16 : i32
        %mul3A_934 = arith.muli %scan3A_922, %mul3A_933 : i32
        %swap3A = arith.index_cast %mul3A_934 : i32 to index
        %swap3A_935 = tpu.vector_load %arg12[%swap3A] {strides = array<i32>} : memref<1024xi32, #tpu.memory_space<vmem>>, vector<16xi32>,
        tpu.vector_store %arg12[%swap3A], %shift_right_arithmetic3A_932 {strides = array<i32>} : memref<1024xi32, #tpu.memory_space<vmem>>, vector<16xi32>,
        %and3A = arith.constant 7 : i32
        %and3A_936 = vector.broadcast %and3A : i32 to vector<16xi32>
        %and3A_937 = arith.andi %convert_element_type3A_930, %and3A_936 : vector<16xi32>
        %mul3A_938 = arith.constant 512 : i32
        %mul3A_939 = arith.muli %scan3A_922, %mul3A_938 : i32
        %add3A_940 = vector.broadcast %mul3A_939 : i32 to vector<16xi32>
        %add3A_941 = arith.addi %mul3A_672, %add3A_940 : vector<16xi32>
        %add3A_942 = arith.addi %and3A_937, %add3A_941 : vector<16xi32>
        %mul3A_943 = arith.constant 16 : i32
        %mul3A_944 = arith.muli %scan3A_922, %mul3A_943 : i32
        %swap3A_945 = arith.index_cast %mul3A_944 : i32 to index
        %swap3A_946 = tpu.vector_load %arg14[%swap3A_945] {strides = array<i32>} : memref<1024xi32, #tpu.memory_space<vmem>>, vector<16xi32>,
        tpu.vector_store %arg14[%swap3A_945], %add3A_942 {strides = array<i32>} : memref<1024xi32, #tpu.memory_space<vmem>>, vector<16xi32>,
        %scan3A_947 = arith.constant 1 : i32
        %scan3A_948 = arith.addi %scan3A_922, %scan3A_947 : i32
        %mul3A_949 = arith.constant 16 : i32
        %mul3A_950 = arith.muli %scan3A_948, %mul3A_949 : i32
        %get3A_951 = arith.index_cast %mul3A_950 : i32 to index
        %get3A_952 = tpu.vector_load %arg10[%get3A_951] {strides = array<i32>} : memref<1024xf32, #tpu.memory_space<vmem>>, vector<16xf32>,
        %mul3A_953 = arith.constant 9.999990e+05 : f32
        %mul3A_954 = vector.broadcast %mul3A_953 : f32 to vector<16xf32>
        %mul3A_955 = arith.mulf %get3A_952, %mul3A_954 : vector<16xf32>
        %convert_element_type3A_956 = arith.fptosi %mul3A_955 : vector<16xf32> to vector<16xi32>
        %shift_right_arithmetic3A_957 = arith.constant 3 : i32
        %shift_right_arithmetic3A_958 = vector.broadcast %shift_right_arithmetic3A_957 : i32 to vector<16xi32>
        %shift_right_arithmetic3A_959 = arith.shrsi %convert_element_type3A_956, %shift_right_arithmetic3A_958 : vector<16xi32>
        %mul3A_960 = arith.constant 16 : i32
        %mul3A_961 = arith.muli %scan3A_948, %mul3A_960 : i32
        %swap3A_962 = arith.index_cast %mul3A_961 : i32 to index
        %swap3A_963 = tpu.vector_load %arg12[%swap3A_962] {strides = array<i32>} : memref<1024xi32, #tpu.memory_space<vmem>>, vector<16xi32>,
        tpu.vector_store %arg12[%swap3A_962], %shift_right_arithmetic3A_959 {strides = array<i32>} : memref<1024xi32, #tpu.memory_space<vmem>>, vector<16xi32>,
        %and3A_964 = arith.constant 7 : i32
        %and3A_965 = vector.broadcast %and3A_964 : i32 to vector<16xi32>
        %and3A_966 = arith.andi %convert_element_type3A_956, %and3A_965 : vector<16xi32>
        %mul3A_967 = arith.constant 512 : i32
        %mul3A_968 = arith.muli %scan3A_948, %mul3A_967 : i32
        %add3A_969 = vector.broadcast %mul3A_968 : i32 to vector<16xi32>
        %add3A_970 = arith.addi %mul3A_672, %add3A_969 : vector<16xi32>
        %add3A_971 = arith.addi %and3A_966, %add3A_970 : vector<16xi32>
        %mul3A_972 = arith.constant 16 : i32
        %mul3A_973 = arith.muli %scan3A_948, %mul3A_972 : i32
        %swap3A_974 = arith.index_cast %mul3A_973 : i32 to index
        %swap3A_975 = tpu.vector_load %arg14[%swap3A_974] {strides = array<i32>} : memref<1024xi32, #tpu.memory_space<vmem>>, vector<16xi32>,
        tpu.vector_store %arg14[%swap3A_974], %add3A_971 {strides = array<i32>} : memref<1024xi32, #tpu.memory_space<vmem>>, vector<16xi32>,
        %scan3A_976 = arith.constant 2 : i32
        %scan3A_977 = arith.addi %scan3A_922, %scan3A_976 : i32
        %mul3A_978 = arith.constant 16 : i32
        %mul3A_979 = arith.muli %scan3A_977, %mul3A_978 : i32
        %get3A_980 = arith.index_cast %mul3A_979 : i32 to index
        %get3A_981 = tpu.vector_load %arg10[%get3A_980] {strides = array<i32>} : memref<1024xf32, #tpu.memory_space<vmem>>, vector<16xf32>,
        %mul3A_982 = arith.constant 9.999990e+05 : f32
        %mul3A_983 = vector.broadcast %mul3A_982 : f32 to vector<16xf32>
        %mul3A_984 = arith.mulf %get3A_981, %mul3A_983 : vector<16xf32>
        %convert_element_type3A_985 = arith.fptosi %mul3A_984 : vector<16xf32> to vector<16xi32>
        %shift_right_arithmetic3A_986 = arith.constant 3 : i32
        %shift_right_arithmetic3A_987 = vector.broadcast %shift_right_arithmetic3A_986 : i32 to vector<16xi32>
        %shift_right_arithmetic3A_988 = arith.shrsi %convert_element_type3A_985, %shift_right_arithmetic3A_987 : vector<16xi32>
        %mul3A_989 = arith.constant 16 : i32
        %mul3A_990 = arith.muli %scan3A_977, %mul3A_989 : i32
        %swap3A_991 = arith.index_cast %mul3A_990 : i32 to index
        %swap3A_992 = tpu.vector_load %arg12[%swap3A_991] {strides = array<i32>} : memref<1024xi32, #tpu.memory_space<vmem>>, vector<16xi32>,
        tpu.vector_store %arg12[%swap3A_991], %shift_right_arithmetic3A_988 {strides = array<i32>} : memref<1024xi32, #tpu.memory_space<vmem>>, vector<16xi32>,
        %and3A_993 = arith.constant 7 : i32
        %and3A_994 = vector.broadcast %and3A_993 : i32 to vector<16xi32>
        %and3A_995 = arith.andi %convert_element_type3A_985, %and3A_994 : vector<16xi32>
        %mul3A_996 = arith.constant 512 : i32
        %mul3A_997 = arith.muli %scan3A_977, %mul3A_996 : i32
        %add3A_998 = vector.broadcast %mul3A_997 : i32 to vector<16xi32>
        %add3A_999 = arith.addi %mul3A_672, %add3A_998 : vector<16xi32>
        %add3A_1000 = arith.addi %and3A_995, %add3A_999 : vector<16xi32>
        %mul3A_1001 = arith.constant 16 : i32
        %mul3A_1002 = arith.muli %scan3A_977, %mul3A_1001 : i32
        %swap3A_1003 = arith.index_cast %mul3A_1002 : i32 to index
        %swap3A_1004 = tpu.vector_load %arg14[%swap3A_1003] {strides = array<i32>} : memref<1024xi32, #tpu.memory_space<vmem>>, vector<16xi32>,
        tpu.vector_store %arg14[%swap3A_1003], %add3A_1000 {strides = array<i32>} : memref<1024xi32, #tpu.memory_space<vmem>>, vector<16xi32>,
        %scan3A_1005 = arith.constant 3 : i32
        %scan3A_1006 = arith.addi %scan3A_922, %scan3A_1005 : i32
        %mul3A_1007 = arith.constant 16 : i32
        %mul3A_1008 = arith.muli %scan3A_1006, %mul3A_1007 : i32
        %get3A_1009 = arith.index_cast %mul3A_1008 : i32 to index
        %get3A_1010 = tpu.vector_load %arg10[%get3A_1009] {strides = array<i32>} : memref<1024xf32, #tpu.memory_space<vmem>>, vector<16xf32>,
        %mul3A_1011 = arith.constant 9.999990e+05 : f32
        %mul3A_1012 = vector.broadcast %mul3A_1011 : f32 to vector<16xf32>
        %mul3A_1013 = arith.mulf %get3A_1010, %mul3A_1012 : vector<16xf32>
        %convert_element_type3A_1014 = arith.fptosi %mul3A_1013 : vector<16xf32> to vector<16xi32>
        %shift_right_arithmetic3A_1015 = arith.constant 3 : i32
        %shift_right_arithmetic3A_1016 = vector.broadcast %shift_right_arithmetic3A_1015 : i32 to vector<16xi32>
        %shift_right_arithmetic3A_1017 = arith.shrsi %convert_element_type3A_1014, %shift_right_arithmetic3A_1016 : vector<16xi32>
        %mul3A_1018 = arith.constant 16 : i32
        %mul3A_1019 = arith.muli %scan3A_1006, %mul3A_1018 : i32
        %swap3A_1020 = arith.index_cast %mul3A_1019 : i32 to index
        %swap3A_1021 = tpu.vector_load %arg12[%swap3A_1020] {strides = array<i32>} : memref<1024xi32, #tpu.memory_space<vmem>>, vector<16xi32>,
        tpu.vector_store %arg12[%swap3A_1020], %shift_right_arithmetic3A_1017 {strides = array<i32>} : memref<1024xi32, #tpu.memory_space<vmem>>, vector<16xi32>,
        %and3A_1022 = arith.constant 7 : i32
        %and3A_1023 = vector.broadcast %and3A_1022 : i32 to vector<16xi32>
        %and3A_1024 = arith.andi %convert_element_type3A_1014, %and3A_1023 : vector<16xi32>
        %mul3A_1025 = arith.constant 512 : i32
        %mul3A_1026 = arith.muli %scan3A_1006, %mul3A_1025 : i32
        %add3A_1027 = vector.broadcast %mul3A_1026 : i32 to vector<16xi32>
        %add3A_1028 = arith.addi %mul3A_672, %add3A_1027 : vector<16xi32>
        %add3A_1029 = arith.addi %and3A_1024, %add3A_1028 : vector<16xi32>
        %mul3A_1030 = arith.constant 16 : i32
        %mul3A_1031 = arith.muli %scan3A_1006, %mul3A_1030 : i32
        %swap3A_1032 = arith.index_cast %mul3A_1031 : i32 to index
        %swap3A_1033 = tpu.vector_load %arg14[%swap3A_1032] {strides = array<i32>} : memref<1024xi32, #tpu.memory_space<vmem>>, vector<16xi32>,
        tpu.vector_store %arg14[%swap3A_1032], %add3A_1029 {strides = array<i32>} : memref<1024xi32, #tpu.memory_space<vmem>>, vector<16xi32>,
      }
      %scan3A_678 = arith.constant 64 : i32
      %dma_start3A_679 = arith.constant 0 : i32
      %dma_start3A_680 = arith.constant 0 : i32
      %dma_start3A_681 = tpu.memref_slice %arg16[%dma_start3A_679, %dma_start3A_680] : memref<1024x32xf32, #tpu.memory_space<vmem>> -> memref<128x32xf32, #tpu.memory_space<vmem>>
      %dma_start3A_682 = arith.constant 0 : i32
      %dma_start3A_683 = tpu.memref_slice %arg12[%dma_start3A_682] : memref<1024xi32, #tpu.memory_space<vmem>> -> memref<128xi32, #tpu.memory_space<vmem>>
      %dma_start3A_684 = arith.constant 0 : i32
      %dma_start3A_685 = arith.constant 0 : i32
      %dma_start3A_686 = tpu.memref_slice %arg6[%dma_start3A_684, %dma_start3A_685] : memref<125008x32xf32, #tpu.memory_space<hbm>> -> memref<125008x32xf32, #tpu.memory_space<hbm>>
      tpu.enqueue_indirect_dma source(%dma_start3A_686 : memref<125008x32xf32, #tpu.memory_space<hbm>>) target(%dma_start3A_681 : memref<128x32xf32, #tpu.memory_space<vmem>>) offsets(%dma_start3A_683 : memref<128xi32, #tpu.memory_space<vmem>>) semaphore(%arg24 : memref<!tpu.dma_semaphore, #tpu.memory_space<semaphore_mem>>)
      %dma_start3A_687 = arith.constant 128 : i32
      %dma_start3A_688 = arith.constant 0 : i32
      %dma_start3A_689 = tpu.memref_slice %arg16[%dma_start3A_687, %dma_start3A_688] : memref<1024x32xf32, #tpu.memory_space<vmem>> -> memref<128x32xf32, #tpu.memory_space<vmem>>
      %dma_start3A_690 = arith.constant 128 : i32
      %dma_start3A_691 = tpu.memref_slice %arg12[%dma_start3A_690] : memref<1024xi32, #tpu.memory_space<vmem>> -> memref<128xi32, #tpu.memory_space<vmem>>
      %dma_start3A_692 = arith.constant 0 : i32
      %dma_start3A_693 = arith.constant 0 : i32
      %dma_start3A_694 = tpu.memref_slice %arg6[%dma_start3A_692, %dma_start3A_693] : memref<125008x32xf32, #tpu.memory_space<hbm>> -> memref<125008x32xf32, #tpu.memory_space<hbm>>
      tpu.enqueue_indirect_dma source(%dma_start3A_694 : memref<125008x32xf32, #tpu.memory_space<hbm>>) target(%dma_start3A_689 : memref<128x32xf32, #tpu.memory_space<vmem>>) offsets(%dma_start3A_691 : memref<128xi32, #tpu.memory_space<vmem>>) semaphore(%arg24 : memref<!tpu.dma_semaphore, #tpu.memory_space<semaphore_mem>>)
      %dma_start3A_695 = arith.constant 256 : i32
      %dma_start3A_696 = arith.constant 0 : i32
      %dma_start3A_697 = tpu.memref_slice %arg16[%dma_start3A_695, %dma_start3A_696] : memref<1024x32xf32, #tpu.memory_space<vmem>> -> memref<128x32xf32, #tpu.memory_space<vmem>>
      %dma_start3A_698 = arith.constant 256 : i32
      %dma_start3A_699 = tpu.memref_slice %arg12[%dma_start3A_698] : memref<1024xi32, #tpu.memory_space<vmem>> -> memref<128xi32, #tpu.memory_space<vmem>>
      %dma_start3A_700 = arith.constant 0 : i32
      %dma_start3A_701 = arith.constant 0 : i32
      %dma_start3A_702 = tpu.memref_slice %arg6[%dma_start3A_700, %dma_start3A_701] : memref<125008x32xf32, #tpu.memory_space<hbm>> -> memref<125008x32xf32, #tpu.memory_space<hbm>>
      tpu.enqueue_indirect_dma source(%dma_start3A_702 : memref<125008x32xf32, #tpu.memory_space<hbm>>) target(%dma_start3A_697 : memref<128x32xf32, #tpu.memory_space<vmem>>) offsets(%dma_start3A_699 : memref<128xi32, #tpu.memory_space<vmem>>) semaphore(%arg24 : memref<!tpu.dma_semaphore, #tpu.memory_space<semaphore_mem>>)
      %dma_start3A_703 = arith.constant 384 : i32
      %dma_start3A_704 = arith.constant 0 : i32
      %dma_start3A_705 = tpu.memref_slice %arg16[%dma_start3A_703, %dma_start3A_704] : memref<1024x32xf32, #tpu.memory_space<vmem>> -> memref<128x32xf32, #tpu.memory_space<vmem>>
      %dma_start3A_706 = arith.constant 384 : i32
      %dma_start3A_707 = tpu.memref_slice %arg12[%dma_start3A_706] : memref<1024xi32, #tpu.memory_space<vmem>> -> memref<128xi32, #tpu.memory_space<vmem>>
      %dma_start3A_708 = arith.constant 0 : i32
      %dma_start3A_709 = arith.constant 0 : i32
      %dma_start3A_710 = tpu.memref_slice %arg6[%dma_start3A_708, %dma_start3A_709] : memref<125008x32xf32, #tpu.memory_space<hbm>> -> memref<125008x32xf32, #tpu.memory_space<hbm>>
      tpu.enqueue_indirect_dma source(%dma_start3A_710 : memref<125008x32xf32, #tpu.memory_space<hbm>>) target(%dma_start3A_705 : memref<128x32xf32, #tpu.memory_space<vmem>>) offsets(%dma_start3A_707 : memref<128xi32, #tpu.memory_space<vmem>>) semaphore(%arg24 : memref<!tpu.dma_semaphore, #tpu.memory_space<semaphore_mem>>)
      %dma_start3A_711 = arith.constant 512 : i32
      %dma_start3A_712 = arith.constant 0 : i32
      %dma_start3A_713 = tpu.memref_slice %arg16[%dma_start3A_711, %dma_start3A_712] : memref<1024x32xf32, #tpu.memory_space<vmem>> -> memref<128x32xf32, #tpu.memory_space<vmem>>
      %dma_start3A_714 = arith.constant 512 : i32
      %dma_start3A_715 = tpu.memref_slice %arg12[%dma_start3A_714] : memref<1024xi32, #tpu.memory_space<vmem>> -> memref<128xi32, #tpu.memory_space<vmem>>
      %dma_start3A_716 = arith.constant 0 : i32
      %dma_start3A_717 = arith.constant 0 : i32
      %dma_start3A_718 = tpu.memref_slice %arg6[%dma_start3A_716, %dma_start3A_717] : memref<125008x32xf32, #tpu.memory_space<hbm>> -> memref<125008x32xf32, #tpu.memory_space<hbm>>
      tpu.enqueue_indirect_dma source(%dma_start3A_718 : memref<125008x32xf32, #tpu.memory_space<hbm>>) target(%dma_start3A_713 : memref<128x32xf32, #tpu.memory_space<vmem>>) offsets(%dma_start3A_715 : memref<128xi32, #tpu.memory_space<vmem>>) semaphore(%arg24 : memref<!tpu.dma_semaphore, #tpu.memory_space<semaphore_mem>>)
      %dma_start3A_719 = arith.constant 640 : i32
      %dma_start3A_720 = arith.constant 0 : i32
      %dma_start3A_721 = tpu.memref_slice %arg16[%dma_start3A_719, %dma_start3A_720] : memref<1024x32xf32, #tpu.memory_space<vmem>> -> memref<128x32xf32, #tpu.memory_space<vmem>>
      %dma_start3A_722 = arith.constant 640 : i32
      %dma_start3A_723 = tpu.memref_slice %arg12[%dma_start3A_722] : memref<1024xi32, #tpu.memory_space<vmem>> -> memref<128xi32, #tpu.memory_space<vmem>>
      %dma_start3A_724 = arith.constant 0 : i32
      %dma_start3A_725 = arith.constant 0 : i32
      %dma_start3A_726 = tpu.memref_slice %arg6[%dma_start3A_724, %dma_start3A_725] : memref<125008x32xf32, #tpu.memory_space<hbm>> -> memref<125008x32xf32, #tpu.memory_space<hbm>>
      tpu.enqueue_indirect_dma source(%dma_start3A_726 : memref<125008x32xf32, #tpu.memory_space<hbm>>) target(%dma_start3A_721 : memref<128x32xf32, #tpu.memory_space<vmem>>) offsets(%dma_start3A_723 : memref<128xi32, #tpu.memory_space<vmem>>) semaphore(%arg24 : memref<!tpu.dma_semaphore, #tpu.memory_space<semaphore_mem>>)
      %dma_start3A_727 = arith.constant 768 : i32
      %dma_start3A_728 = arith.constant 0 : i32
      %dma_start3A_729 = tpu.memref_slice %arg16[%dma_start3A_727, %dma_start3A_728] : memref<1024x32xf32, #tpu.memory_space<vmem>> -> memref<128x32xf32, #tpu.memory_space<vmem>>
      %dma_start3A_730 = arith.constant 768 : i32
      %dma_start3A_731 = tpu.memref_slice %arg12[%dma_start3A_730] : memref<1024xi32, #tpu.memory_space<vmem>> -> memref<128xi32, #tpu.memory_space<vmem>>
      %dma_start3A_732 = arith.constant 0 : i32
      %dma_start3A_733 = arith.constant 0 : i32
      %dma_start3A_734 = tpu.memref_slice %arg6[%dma_start3A_732, %dma_start3A_733] : memref<125008x32xf32, #tpu.memory_space<hbm>> -> memref<125008x32xf32, #tpu.memory_space<hbm>>
      tpu.enqueue_indirect_dma source(%dma_start3A_734 : memref<125008x32xf32, #tpu.memory_space<hbm>>) target(%dma_start3A_729 : memref<128x32xf32, #tpu.memory_space<vmem>>) offsets(%dma_start3A_731 : memref<128xi32, #tpu.memory_space<vmem>>) semaphore(%arg24 : memref<!tpu.dma_semaphore, #tpu.memory_space<semaphore_mem>>)
      %dma_start3A_735 = arith.constant 896 : i32
      %dma_start3A_736 = arith.constant 0 : i32
      %dma_start3A_737 = tpu.memref_slice %arg16[%dma_start3A_735, %dma_start3A_736] : memref<1024x32xf32, #tpu.memory_space<vmem>> -> memref<128x32xf32, #tpu.memory_space<vmem>>
      %dma_start3A_738 = arith.constant 896 : i32
      %dma_start3A_739 = tpu.memref_slice %arg12[%dma_start3A_738] : memref<1024xi32, #tpu.memory_space<vmem>> -> memref<128xi32, #tpu.memory_space<vmem>>
      %dma_start3A_740 = arith.constant 0 : i32
      %dma_start3A_741 = arith.constant 0 : i32
      %dma_start3A_742 = tpu.memref_slice %arg6[%dma_start3A_740, %dma_start3A_741] : memref<125008x32xf32, #tpu.memory_space<hbm>> -> memref<125008x32xf32, #tpu.memory_space<hbm>>
      tpu.enqueue_indirect_dma source(%dma_start3A_742 : memref<125008x32xf32, #tpu.memory_space<hbm>>) target(%dma_start3A_737 : memref<128x32xf32, #tpu.memory_space<vmem>>) offsets(%dma_start3A_739 : memref<128xi32, #tpu.memory_space<vmem>>) semaphore(%arg24 : memref<!tpu.dma_semaphore, #tpu.memory_space<semaphore_mem>>)
      %dma_wait3A_743 = arith.constant 0 : i32
      %dma_wait3A_744 = arith.constant 0 : i32
      %dma_wait3A_745 = tpu.memref_slice %arg6[%dma_wait3A_743, %dma_wait3A_744] : memref<125008x32xf32, #tpu.memory_space<hbm>> -> memref<1024x32xf32, #tpu.memory_space<hbm>>
      %dma_wait3A_746 = arith.constant 0 : i32
      %dma_wait3A_747 = arith.constant 0 : i32
      %dma_wait3A_748 = tpu.memref_slice %arg6[%dma_wait3A_746, %dma_wait3A_747] : memref<125008x32xf32, #tpu.memory_space<hbm>> -> memref<1024x32xf32, #tpu.memory_space<hbm>>
      tpu.wait_dma2 semaphore(%arg23 : memref<!tpu.dma_semaphore, #tpu.memory_space<semaphore_mem>>) src(%dma_wait3A_748 : memref<1024x32xf32, #tpu.memory_space<hbm>>) dst(%arg15 : memref<1024x32xf32, #tpu.memory_space<vmem>>)
      %dma_wait3A_749 = arith.constant 0 : i32
      %dma_wait3A_750 = tpu.memref_slice %arg2[%dma_wait3A_749] : memref<8388608xf32, #tpu.memory_space<hbm>> -> memref<1024xf32, #tpu.memory_space<hbm>>
      %dma_wait3A_751 = arith.constant 0 : i32
      %dma_wait3A_752 = tpu.memref_slice %arg2[%dma_wait3A_751] : memref<8388608xf32, #tpu.memory_space<hbm>> -> memref<1024xf32, #tpu.memory_space<hbm>>
      tpu.wait_dma2 semaphore(%arg29 : memref<!tpu.dma_semaphore, #tpu.memory_space<semaphore_mem>>) src(%dma_wait3A_752 : memref<1024xf32, #tpu.memory_space<hbm>>) dst(%arg17 : memref<1024xf32, #tpu.memory_space<vmem>>)
      %add3A_753 = arith.constant 2 : i32
      %add3A_754 = arith.addi %mul3A_335, %add3A_753 : i32
      %broadcast_in_dim3A_755 = arith.constant 0 : i32
      %broadcast_in_dim3A_756 = vector.broadcast %broadcast_in_dim3A_755 : i32 to vector<16xi32>
      %get3A_757 = arith.constant 0 : index
      %get3A_758 = tpu.vector_load %arg9[%get3A_757] {strides = array<i32>} : memref<1024xf32, #tpu.memory_space<vmem>>, vector<16xf32>,
      %get3A_759 = arith.constant 0 : index
      %get3A_760 = tpu.vector_load %arg13[%get3A_759] {strides = array<i32>} : memref<1024xi32, #tpu.memory_space<vmem>>, vector<16xi32>,
      %add3A_761 = arith.constant 0 : i32
      %add3A_762 = vector.broadcast %add3A_761 : i32 to vector<16xi32>
      %add3A_763 = arith.addi %get3A_760, %add3A_762 : vector<16xi32>
      %gather3A_764 = tpu.vector_load_idx %arg15[%broadcast_in_dim3A_756, %add3A_763] : memref<1024x32xf32, #tpu.memory_space<vmem>>[vector<16xi32>, vector<16xi32>], vector<16xf32>,
      %add3A_765 = arith.constant 16 : i32
      %add3A_766 = vector.broadcast %add3A_765 : i32 to vector<16xi32>
      %add3A_767 = arith.addi %get3A_760, %add3A_766 : vector<16xi32>
      %gather3A_768 = tpu.vector_load_idx %arg15[%broadcast_in_dim3A_756, %add3A_767] : memref<1024x32xf32, #tpu.memory_space<vmem>>[vector<16xi32>, vector<16xi32>], vector<16xf32>,
      %add3A_769 = arith.constant 1 : i32
      %add3A_770 = vector.broadcast %add3A_769 : i32 to vector<16xi32>
      %add3A_771 = arith.addi %get3A_760, %add3A_770 : vector<16xi32>
      %gather3A_772 = tpu.vector_load_idx %arg15[%broadcast_in_dim3A_756, %add3A_771] : memref<1024x32xf32, #tpu.memory_space<vmem>>[vector<16xi32>, vector<16xi32>], vector<16xf32>,
      %add3A_773 = arith.constant 17 : i32
      %add3A_774 = vector.broadcast %add3A_773 : i32 to vector<16xi32>
      %add3A_775 = arith.addi %get3A_760, %add3A_774 : vector<16xi32>
      %gather3A_776 = tpu.vector_load_idx %arg15[%broadcast_in_dim3A_756, %add3A_775] : memref<1024x32xf32, #tpu.memory_space<vmem>>[vector<16xi32>, vector<16xi32>], vector<16xf32>,
      %add3A_777 = arith.constant 2 : i32
      %add3A_778 = vector.broadcast %add3A_777 : i32 to vector<16xi32>
      %add3A_779 = arith.addi %get3A_760, %add3A_778 : vector<16xi32>
      %gather3A_780 = tpu.vector_load_idx %arg15[%broadcast_in_dim3A_756, %add3A_779] : memref<1024x32xf32, #tpu.memory_space<vmem>>[vector<16xi32>, vector<16xi32>], vector<16xf32>,
      %add3A_781 = arith.constant 18 : i32
      %add3A_782 = vector.broadcast %add3A_781 : i32 to vector<16xi32>
      %add3A_783 = arith.addi %get3A_760, %add3A_782 : vector<16xi32>
      %gather3A_784 = tpu.vector_load_idx %arg15[%broadcast_in_dim3A_756, %add3A_783] : memref<1024x32xf32, #tpu.memory_space<vmem>>[vector<16xi32>, vector<16xi32>], vector<16xf32>,
      %add3A_785 = arith.constant 3 : i32
      %add3A_786 = vector.broadcast %add3A_785 : i32 to vector<16xi32>
      %add3A_787 = arith.addi %get3A_760, %add3A_786 : vector<16xi32>
      %gather3A_788 = tpu.vector_load_idx %arg15[%broadcast_in_dim3A_756, %add3A_787] : memref<1024x32xf32, #tpu.memory_space<vmem>>[vector<16xi32>, vector<16xi32>], vector<16xf32>,
      %add3A_789 = arith.constant 19 : i32
      %add3A_790 = vector.broadcast %add3A_789 : i32 to vector<16xi32>
      %add3A_791 = arith.addi %get3A_760, %add3A_790 : vector<16xi32>
      %gather3A_792 = tpu.vector_load_idx %arg15[%broadcast_in_dim3A_756, %add3A_791] : memref<1024x32xf32, #tpu.memory_space<vmem>>[vector<16xi32>, vector<16xi32>], vector<16xf32>,
      %add3A_793 = arith.constant 4 : i32
      %add3A_794 = vector.broadcast %add3A_793 : i32 to vector<16xi32>
      %add3A_795 = arith.addi %get3A_760, %add3A_794 : vector<16xi32>
      %gather3A_796 = tpu.vector_load_idx %arg15[%broadcast_in_dim3A_756, %add3A_795] : memref<1024x32xf32, #tpu.memory_space<vmem>>[vector<16xi32>, vector<16xi32>], vector<16xf32>,
      %add3A_797 = arith.constant 20 : i32
      %add3A_798 = vector.broadcast %add3A_797 : i32 to vector<16xi32>
      %add3A_799 = arith.addi %get3A_760, %add3A_798 : vector<16xi32>
      %gather3A_800 = tpu.vector_load_idx %arg15[%broadcast_in_dim3A_756, %add3A_799] : memref<1024x32xf32, #tpu.memory_space<vmem>>[vector<16xi32>, vector<16xi32>], vector<16xf32>,
      %add3A_801 = arith.constant 5 : i32
      %add3A_802 = vector.broadcast %add3A_801 : i32 to vector<16xi32>
      %add3A_803 = arith.addi %get3A_760, %add3A_802 : vector<16xi32>
      %gather3A_804 = tpu.vector_load_idx %arg15[%broadcast_in_dim3A_756, %add3A_803] : memref<1024x32xf32, #tpu.memory_space<vmem>>[vector<16xi32>, vector<16xi32>], vector<16xf32>,
      %add3A_805 = arith.constant 21 : i32
      %add3A_806 = vector.broadcast %add3A_805 : i32 to vector<16xi32>
      %add3A_807 = arith.addi %get3A_760, %add3A_806 : vector<16xi32>
      %gather3A_808 = tpu.vector_load_idx %arg15[%broadcast_in_dim3A_756, %add3A_807] : memref<1024x32xf32, #tpu.memory_space<vmem>>[vector<16xi32>, vector<16xi32>], vector<16xf32>,
      %add3A_809 = arith.constant 6 : i32
      %add3A_810 = vector.broadcast %add3A_809 : i32 to vector<16xi32>
      %add3A_811 = arith.addi %get3A_760, %add3A_810 : vector<16xi32>
      %gather3A_812 = tpu.vector_load_idx %arg15[%broadcast_in_dim3A_756, %add3A_811] : memref<1024x32xf32, #tpu.memory_space<vmem>>[vector<16xi32>, vector<16xi32>], vector<16xf32>,
      %add3A_813 = arith.constant 22 : i32
      %add3A_814 = vector.broadcast %add3A_813 : i32 to vector<16xi32>
      %add3A_815 = arith.addi %get3A_760, %add3A_814 : vector<16xi32>
      %gather3A_816 = tpu.vector_load_idx %arg15[%broadcast_in_dim3A_756, %add3A_815] : memref<1024x32xf32, #tpu.memory_space<vmem>>[vector<16xi32>, vector<16xi32>], vector<16xf32>,
      %scan3A_817 = arith.constant 0 : i32
      %scan3A_818 = arith.constant 64 : i32
      %scan3A_819 = arith.addi %scan3A_817, %scan3A_818 : i32
      %scan3A_820 = arith.constant 1 : i32
      %scan3A_821:15 = scf.for %scan3A_922 = %scan3A_817 to %scan3A_819 step %scan3A_820 iter_args(%scan3A_923 = %get3A_758, %scan3A_924 = %gather3A_764, %scan3A_925 = %gather3A_768, %scan3A_926 = %gather3A_772, %scan3A_927 = %gather3A_776, %scan3A_928 = %gather3A_780, %scan3A_929 = %gather3A_784, %scan3A_930 = %gather3A_788, %scan3A_931 = %gather3A_792, %scan3A_932 = %gather3A_796, %scan3A_933 = %gather3A_800, %scan3A_934 = %gather3A_804, %scan3A_935 = %gather3A_808, %scan3A_936 = %gather3A_812, %scan3A_937 = %gather3A_816) -> (vector<16xf32>, vector<16xf32>, vector<16xf32>, vector<16xf32>, vector<16xf32>, vector<16xf32>, vector<16xf32>, vector<16xf32>, vector<16xf32>, vector<16xf32>, vector<16xf32>, vector<16xf32>, vector<16xf32>, vector<16xf32>, vector<16xf32>)  : i32 {
        %add3A_938 = arith.constant 1 : i32
        %add3A_939 = arith.addi %scan3A_922, %add3A_938 : i32
        %min3A = arith.constant 63 : i32
        %min3A_940 = arith.minsi %add3A_939, %min3A : i32
        %mul3A_941 = arith.constant 16 : i32
        %mul3A_942 = arith.muli %min3A_940, %mul3A_941 : i32
        %get3A_943 = arith.index_cast %mul3A_942 : i32 to index
        %get3A_944 = tpu.vector_load %arg9[%get3A_943] {strides = array<i32>} : memref<1024xf32, #tpu.memory_space<vmem>>, vector<16xf32>,
        %mul3A_945 = arith.constant 16 : i32
        %mul3A_946 = arith.muli %min3A_940, %mul3A_945 : i32
        %get3A_947 = arith.index_cast %mul3A_946 : i32 to index
        %get3A_948 = tpu.vector_load %arg13[%get3A_947] {strides = array<i32>} : memref<1024xi32, #tpu.memory_space<vmem>>, vector<16xi32>,
        %add3A_949 = arith.constant 0 : i32
        %add3A_950 = vector.broadcast %add3A_949 : i32 to vector<16xi32>
        %add3A_951 = arith.addi %get3A_948, %add3A_950 : vector<16xi32>
        %gather3A_952 = tpu.vector_load_idx %arg15[%broadcast_in_dim3A_756, %add3A_951] : memref<1024x32xf32, #tpu.memory_space<vmem>>[vector<16xi32>, vector<16xi32>], vector<16xf32>,
        %add3A_953 = arith.constant 16 : i32
        %add3A_954 = vector.broadcast %add3A_953 : i32 to vector<16xi32>
        %add3A_955 = arith.addi %get3A_948, %add3A_954 : vector<16xi32>
        %gather3A_956 = tpu.vector_load_idx %arg15[%broadcast_in_dim3A_756, %add3A_955] : memref<1024x32xf32, #tpu.memory_space<vmem>>[vector<16xi32>, vector<16xi32>], vector<16xf32>,
        %add3A_957 = arith.constant 1 : i32
        %add3A_958 = vector.broadcast %add3A_957 : i32 to vector<16xi32>
        %add3A_959 = arith.addi %get3A_948, %add3A_958 : vector<16xi32>
        %gather3A_960 = tpu.vector_load_idx %arg15[%broadcast_in_dim3A_756, %add3A_959] : memref<1024x32xf32, #tpu.memory_space<vmem>>[vector<16xi32>, vector<16xi32>], vector<16xf32>,
        %add3A_961 = arith.constant 17 : i32
        %add3A_962 = vector.broadcast %add3A_961 : i32 to vector<16xi32>
        %add3A_963 = arith.addi %get3A_948, %add3A_962 : vector<16xi32>
        %gather3A_964 = tpu.vector_load_idx %arg15[%broadcast_in_dim3A_756, %add3A_963] : memref<1024x32xf32, #tpu.memory_space<vmem>>[vector<16xi32>, vector<16xi32>], vector<16xf32>,
        %add3A_965 = arith.constant 2 : i32
        %add3A_966 = vector.broadcast %add3A_965 : i32 to vector<16xi32>
        %add3A_967 = arith.addi %get3A_948, %add3A_966 : vector<16xi32>
        %gather3A_968 = tpu.vector_load_idx %arg15[%broadcast_in_dim3A_756, %add3A_967] : memref<1024x32xf32, #tpu.memory_space<vmem>>[vector<16xi32>, vector<16xi32>], vector<16xf32>,
        %add3A_969 = arith.constant 18 : i32
        %add3A_970 = vector.broadcast %add3A_969 : i32 to vector<16xi32>
        %add3A_971 = arith.addi %get3A_948, %add3A_970 : vector<16xi32>
        %gather3A_972 = tpu.vector_load_idx %arg15[%broadcast_in_dim3A_756, %add3A_971] : memref<1024x32xf32, #tpu.memory_space<vmem>>[vector<16xi32>, vector<16xi32>], vector<16xf32>,
        %add3A_973 = arith.constant 3 : i32
        %add3A_974 = vector.broadcast %add3A_973 : i32 to vector<16xi32>
        %add3A_975 = arith.addi %get3A_948, %add3A_974 : vector<16xi32>
        %gather3A_976 = tpu.vector_load_idx %arg15[%broadcast_in_dim3A_756, %add3A_975] : memref<1024x32xf32, #tpu.memory_space<vmem>>[vector<16xi32>, vector<16xi32>], vector<16xf32>,
        %add3A_977 = arith.constant 19 : i32
        %add3A_978 = vector.broadcast %add3A_977 : i32 to vector<16xi32>
        %add3A_979 = arith.addi %get3A_948, %add3A_978 : vector<16xi32>
        %gather3A_980 = tpu.vector_load_idx %arg15[%broadcast_in_dim3A_756, %add3A_979] : memref<1024x32xf32, #tpu.memory_space<vmem>>[vector<16xi32>, vector<16xi32>], vector<16xf32>,
        %add3A_981 = arith.constant 4 : i32
        %add3A_982 = vector.broadcast %add3A_981 : i32 to vector<16xi32>
        %add3A_983 = arith.addi %get3A_948, %add3A_982 : vector<16xi32>
        %gather3A_984 = tpu.vector_load_idx %arg15[%broadcast_in_dim3A_756, %add3A_983] : memref<1024x32xf32, #tpu.memory_space<vmem>>[vector<16xi32>, vector<16xi32>], vector<16xf32>,
        %add3A_985 = arith.constant 20 : i32
        %add3A_986 = vector.broadcast %add3A_985 : i32 to vector<16xi32>
        %add3A_987 = arith.addi %get3A_948, %add3A_986 : vector<16xi32>
        %gather3A_988 = tpu.vector_load_idx %arg15[%broadcast_in_dim3A_756, %add3A_987] : memref<1024x32xf32, #tpu.memory_space<vmem>>[vector<16xi32>, vector<16xi32>], vector<16xf32>,
        %add3A_989 = arith.constant 5 : i32
        %add3A_990 = vector.broadcast %add3A_989 : i32 to vector<16xi32>
        %add3A_991 = arith.addi %get3A_948, %add3A_990 : vector<16xi32>
        %gather3A_992 = tpu.vector_load_idx %arg15[%broadcast_in_dim3A_756, %add3A_991] : memref<1024x32xf32, #tpu.memory_space<vmem>>[vector<16xi32>, vector<16xi32>], vector<16xf32>,
        %add3A_993 = arith.constant 21 : i32
        %add3A_994 = vector.broadcast %add3A_993 : i32 to vector<16xi32>
        %add3A_995 = arith.addi %get3A_948, %add3A_994 : vector<16xi32>
        %gather3A_996 = tpu.vector_load_idx %arg15[%broadcast_in_dim3A_756, %add3A_995] : memref<1024x32xf32, #tpu.memory_space<vmem>>[vector<16xi32>, vector<16xi32>], vector<16xf32>,
        %add3A_997 = arith.constant 6 : i32
        %add3A_998 = vector.broadcast %add3A_997 : i32 to vector<16xi32>
        %add3A_999 = arith.addi %get3A_948, %add3A_998 : vector<16xi32>
        %gather3A_1000 = tpu.vector_load_idx %arg15[%broadcast_in_dim3A_756, %add3A_999] : memref<1024x32xf32, #tpu.memory_space<vmem>>[vector<16xi32>, vector<16xi32>], vector<16xf32>,
        %add3A_1001 = arith.constant 22 : i32
        %add3A_1002 = vector.broadcast %add3A_1001 : i32 to vector<16xi32>
        %add3A_1003 = arith.addi %get3A_948, %add3A_1002 : vector<16xi32>
        %gather3A_1004 = tpu.vector_load_idx %arg15[%broadcast_in_dim3A_756, %add3A_1003] : memref<1024x32xf32, #tpu.memory_space<vmem>>[vector<16xi32>, vector<16xi32>], vector<16xf32>,
        %sub3A = arith.subf %scan3A_923, %scan3A_924 : vector<16xf32>
        %mul3A_1005 = arith.mulf %sub3A, %sub3A : vector<16xf32>
        %mul3A_1006 = arith.constant -9.999980e+11 : f32
        %mul3A_1007 = vector.broadcast %mul3A_1006 : f32 to vector<16xf32>
        %mul3A_1008 = arith.mulf %mul3A_1005, %mul3A_1007 : vector<16xf32>
        %exp3A = math.exp %mul3A_1008 : vector<16xf32>
        %mul3A_1009 = arith.mulf %exp3A, %scan3A_925 : vector<16xf32>
        %sub3A_1010 = arith.subf %scan3A_923, %scan3A_926 : vector<16xf32>
        %mul3A_1011 = arith.mulf %sub3A_1010, %sub3A_1010 : vector<16xf32>
        %mul3A_1012 = arith.constant -9.999980e+11 : f32
        %mul3A_1013 = vector.broadcast %mul3A_1012 : f32 to vector<16xf32>
        %mul3A_1014 = arith.mulf %mul3A_1011, %mul3A_1013 : vector<16xf32>
        %exp3A_1015 = math.exp %mul3A_1014 : vector<16xf32>
        %mul3A_1016 = arith.mulf %exp3A_1015, %scan3A_927 : vector<16xf32>
        %sub3A_1017 = arith.subf %scan3A_923, %scan3A_928 : vector<16xf32>
        %mul3A_1018 = arith.mulf %sub3A_1017, %sub3A_1017 : vector<16xf32>
        %mul3A_1019 = arith.constant -9.999980e+11 : f32
        %mul3A_1020 = vector.broadcast %mul3A_1019 : f32 to vector<16xf32>
        %mul3A_1021 = arith.mulf %mul3A_1018, %mul3A_1020 : vector<16xf32>
        %exp3A_1022 = math.exp %mul3A_1021 : vector<16xf32>
        %mul3A_1023 = arith.mulf %exp3A_1022, %scan3A_929 : vector<16xf32>
        %sub3A_1024 = arith.subf %scan3A_923, %scan3A_930 : vector<16xf32>
        %mul3A_1025 = arith.mulf %sub3A_1024, %sub3A_1024 : vector<16xf32>
        %mul3A_1026 = arith.constant -9.999980e+11 : f32
        %mul3A_1027 = vector.broadcast %mul3A_1026 : f32 to vector<16xf32>
        %mul3A_1028 = arith.mulf %mul3A_1025, %mul3A_1027 : vector<16xf32>
        %exp3A_1029 = math.exp %mul3A_1028 : vector<16xf32>
        %mul3A_1030 = arith.mulf %exp3A_1029, %scan3A_931 : vector<16xf32>
        %sub3A_1031 = arith.subf %scan3A_923, %scan3A_932 : vector<16xf32>
        %mul3A_1032 = arith.mulf %sub3A_1031, %sub3A_1031 : vector<16xf32>
        %mul3A_1033 = arith.constant -9.999980e+11 : f32
        %mul3A_1034 = vector.broadcast %mul3A_1033 : f32 to vector<16xf32>
        %mul3A_1035 = arith.mulf %mul3A_1032, %mul3A_1034 : vector<16xf32>
        %exp3A_1036 = math.exp %mul3A_1035 : vector<16xf32>
        %mul3A_1037 = arith.mulf %exp3A_1036, %scan3A_933 : vector<16xf32>
        %sub3A_1038 = arith.subf %scan3A_923, %scan3A_934 : vector<16xf32>
        %mul3A_1039 = arith.mulf %sub3A_1038, %sub3A_1038 : vector<16xf32>
        %mul3A_1040 = arith.constant -9.999980e+11 : f32
        %mul3A_1041 = vector.broadcast %mul3A_1040 : f32 to vector<16xf32>
        %mul3A_1042 = arith.mulf %mul3A_1039, %mul3A_1041 : vector<16xf32>
        %exp3A_1043 = math.exp %mul3A_1042 : vector<16xf32>
        %mul3A_1044 = arith.mulf %exp3A_1043, %scan3A_935 : vector<16xf32>
        %sub3A_1045 = arith.subf %scan3A_923, %scan3A_936 : vector<16xf32>
        %mul3A_1046 = arith.mulf %sub3A_1045, %sub3A_1045 : vector<16xf32>
        %mul3A_1047 = arith.constant -9.999980e+11 : f32
        %mul3A_1048 = vector.broadcast %mul3A_1047 : f32 to vector<16xf32>
        %mul3A_1049 = arith.mulf %mul3A_1046, %mul3A_1048 : vector<16xf32>
        %exp3A_1050 = math.exp %mul3A_1049 : vector<16xf32>
        %mul3A_1051 = arith.mulf %exp3A_1050, %scan3A_937 : vector<16xf32>
        %add3A_1052 = arith.addf %mul3A_1009, %mul3A_1016 : vector<16xf32>
        %add3A_1053 = arith.addf %mul3A_1023, %mul3A_1030 : vector<16xf32>
        %add3A_1054 = arith.addf %add3A_1052, %add3A_1053 : vector<16xf32>
        %add3A_1055 = arith.addf %mul3A_1037, %mul3A_1044 : vector<16xf32>
        %add3A_1056 = arith.addf %add3A_1055, %mul3A_1051 : vector<16xf32>
        %add3A_1057 = arith.addf %add3A_1054, %add3A_1056 : vector<16xf32>
        %mul3A_1058 = arith.constant 0.564189613 : f32
        %mul3A_1059 = vector.broadcast %mul3A_1058 : f32 to vector<16xf32>
        %mul3A_1060 = arith.mulf %add3A_1057, %mul3A_1059 : vector<16xf32>
        %mul3A_1061 = arith.constant 16 : i32
        %mul3A_1062 = arith.muli %scan3A_922, %mul3A_1061 : i32
        %swap3A = arith.index_cast %mul3A_1062 : i32 to index
        %swap3A_1063 = tpu.vector_load %arg17[%swap3A] {strides = array<i32>} : memref<1024xf32, #tpu.memory_space<vmem>>, vector<16xf32>,
        tpu.vector_store %arg17[%swap3A], %mul3A_1060 {strides = array<i32>} : memref<1024xf32, #tpu.memory_space<vmem>>, vector<16xf32>,
        scf.yield %get3A_944, %gather3A_952, %gather3A_956, %gather3A_960, %gather3A_964, %gather3A_968, %gather3A_972, %gather3A_976, %gather3A_980, %gather3A_984, %gather3A_988, %gather3A_992, %gather3A_996, %gather3A_1000, %gather3A_1004 : vector<16xf32>, vector<16xf32>, vector<16xf32>, vector<16xf32>, vector<16xf32>, vector<16xf32>, vector<16xf32>, vector<16xf32>, vector<16xf32>, vector<16xf32>, vector<16xf32>, vector<16xf32>, vector<16xf32>, vector<16xf32>, vector<16xf32>
      }
      %scan3A_822 = arith.constant 64 : i32
      %mul3A_823 = arith.constant 1024 : i32
      %mul3A_824 = arith.muli %add3A_754, %mul3A_823 : i32
      %add3A_825 = arith.addi %mul3A_2, %mul3A_824 : i32
      %dma_start3A_826 = tpu.memref_slice %arg5[%add3A_825] : memref<8388608xf32, #tpu.memory_space<hbm>> -> memref<1024xf32, #tpu.memory_space<hbm>>
      %dma_start3A_827 = tpu.memref_slice %arg5[%add3A_825] : memref<8388608xf32, #tpu.memory_space<hbm>> -> memref<1024xf32, #tpu.memory_space<hbm>>
      tpu.enqueue_dma source(%arg17 : memref<1024xf32, #tpu.memory_space<vmem>>) target(%dma_start3A_827 : memref<1024xf32, #tpu.memory_space<hbm>>) target_semaphore(%arg29 : memref<!tpu.dma_semaphore, #tpu.memory_space<semaphore_mem>>)
      %convert_element_type3A_828 = arith.extui %lt3A_338 : i1 to i32
      %cond3A_829 = arith.constant 0 : i32
      %cond3A_830 = arith.cmpi ne, %convert_element_type3A_828, %cond3A_829 : i32
      scf.if %cond3A_830 {
        %add3A_922 = arith.constant 6 : i32
        %add3A_923 = arith.addi %mul3A_335, %add3A_922 : i32
        %mul3A_924 = arith.constant 1024 : i32
        %mul3A_925 = arith.muli %add3A_923, %mul3A_924 : i32
        %add3A_926 = arith.addi %mul3A_2, %mul3A_925 : i32
        %dma_start3A_927 = tpu.memref_slice %arg2[%add3A_926] : memref<8388608xf32, #tpu.memory_space<hbm>> -> memref<1024xf32, #tpu.memory_space<hbm>>
        %dma_start3A_928 = tpu.memref_slice %arg2[%add3A_926] : memref<8388608xf32, #tpu.memory_space<hbm>> -> memref<1024xf32, #tpu.memory_space<hbm>>
        tpu.enqueue_dma source(%dma_start3A_928 : memref<1024xf32, #tpu.memory_space<hbm>>) target(%arg9 : memref<1024xf32, #tpu.memory_space<vmem>>) target_semaphore(%arg27 : memref<!tpu.dma_semaphore, #tpu.memory_space<semaphore_mem>>)
      } else {
      }
      %convert_element_type3A_831 = arith.extui %lt3A_338 : i1 to i32
      %cond3A_832 = arith.constant 0 : i32
      %cond3A_833 = arith.cmpi ne, %convert_element_type3A_831, %cond3A_832 : i32
      scf.if %cond3A_833 {
        %dma_wait3A_922 = arith.constant 0 : i32
        %dma_wait3A_923 = tpu.memref_slice %arg2[%dma_wait3A_922] : memref<8388608xf32, #tpu.memory_space<hbm>> -> memref<1024xf32, #tpu.memory_space<hbm>>
        %dma_wait3A_924 = arith.constant 0 : i32
        %dma_wait3A_925 = tpu.memref_slice %arg2[%dma_wait3A_924] : memref<8388608xf32, #tpu.memory_space<hbm>> -> memref<1024xf32, #tpu.memory_space<hbm>>
        tpu.wait_dma2 semaphore(%arg25 : memref<!tpu.dma_semaphore, #tpu.memory_space<semaphore_mem>>) src(%dma_wait3A_925 : memref<1024xf32, #tpu.memory_space<hbm>>) dst(%arg7 : memref<1024xf32, #tpu.memory_space<vmem>>)
        %iota3A_926 = tpu.iota {dimensions = array<i32: 0>} : vector<16xi32>
        %mul3A_927 = arith.constant 32 : i32
        %mul3A_928 = vector.broadcast %mul3A_927 : i32 to vector<16xi32>
        %mul3A_929 = arith.muli %iota3A_926, %mul3A_928 : vector<16xi32>
        %scan3A_930 = arith.constant 0 : i32
        %scan3A_931 = arith.constant 0 : i32
        %scan3A_932 = arith.constant 64 : i32
        %scan3A_933 = arith.addi %scan3A_931, %scan3A_932 : i32
        %scan3A_934 = arith.constant 4 : i32
        scf.for %scan3A_1000 = %scan3A_931 to %scan3A_933 step %scan3A_934  : i32 {
          %mul3A_1001 = arith.constant 16 : i32
          %mul3A_1002 = arith.muli %scan3A_1000, %mul3A_1001 : i32
          %get3A_1003 = arith.index_cast %mul3A_1002 : i32 to index
          %get3A_1004 = tpu.vector_load %arg7[%get3A_1003] {strides = array<i32>} : memref<1024xf32, #tpu.memory_space<vmem>>, vector<16xf32>,
          %mul3A_1005 = arith.constant 9.999990e+05 : f32
          %mul3A_1006 = vector.broadcast %mul3A_1005 : f32 to vector<16xf32>
          %mul3A_1007 = arith.mulf %get3A_1004, %mul3A_1006 : vector<16xf32>
          %convert_element_type3A_1008 = arith.fptosi %mul3A_1007 : vector<16xf32> to vector<16xi32>
          %shift_right_arithmetic3A = arith.constant 3 : i32
          %shift_right_arithmetic3A_1009 = vector.broadcast %shift_right_arithmetic3A : i32 to vector<16xi32>
          %shift_right_arithmetic3A_1010 = arith.shrsi %convert_element_type3A_1008, %shift_right_arithmetic3A_1009 : vector<16xi32>
          %mul3A_1011 = arith.constant 16 : i32
          %mul3A_1012 = arith.muli %scan3A_1000, %mul3A_1011 : i32
          %swap3A = arith.index_cast %mul3A_1012 : i32 to index
          %swap3A_1013 = tpu.vector_load %arg11[%swap3A] {strides = array<i32>} : memref<1024xi32, #tpu.memory_space<vmem>>, vector<16xi32>,
          tpu.vector_store %arg11[%swap3A], %shift_right_arithmetic3A_1010 {strides = array<i32>} : memref<1024xi32, #tpu.memory_space<vmem>>, vector<16xi32>,
          %and3A = arith.constant 7 : i32
          %and3A_1014 = vector.broadcast %and3A : i32 to vector<16xi32>
          %and3A_1015 = arith.andi %convert_element_type3A_1008, %and3A_1014 : vector<16xi32>
          %mul3A_1016 = arith.constant 512 : i32
          %mul3A_1017 = arith.muli %scan3A_1000, %mul3A_1016 : i32
          %add3A_1018 = vector.broadcast %mul3A_1017 : i32 to vector<16xi32>
          %add3A_1019 = arith.addi %mul3A_929, %add3A_1018 : vector<16xi32>
          %add3A_1020 = arith.addi %and3A_1015, %add3A_1019 : vector<16xi32>
          %mul3A_1021 = arith.constant 16 : i32
          %mul3A_1022 = arith.muli %scan3A_1000, %mul3A_1021 : i32
          %swap3A_1023 = arith.index_cast %mul3A_1022 : i32 to index
          %swap3A_1024 = tpu.vector_load %arg13[%swap3A_1023] {strides = array<i32>} : memref<1024xi32, #tpu.memory_space<vmem>>, vector<16xi32>,
          tpu.vector_store %arg13[%swap3A_1023], %add3A_1020 {strides = array<i32>} : memref<1024xi32, #tpu.memory_space<vmem>>, vector<16xi32>,
          %scan3A_1025 = arith.constant 1 : i32
          %scan3A_1026 = arith.addi %scan3A_1000, %scan3A_1025 : i32
          %mul3A_1027 = arith.constant 16 : i32
          %mul3A_1028 = arith.muli %scan3A_1026, %mul3A_1027 : i32
          %get3A_1029 = arith.index_cast %mul3A_1028 : i32 to index
          %get3A_1030 = tpu.vector_load %arg7[%get3A_1029] {strides = array<i32>} : memref<1024xf32, #tpu.memory_space<vmem>>, vector<16xf32>,
          %mul3A_1031 = arith.constant 9.999990e+05 : f32
          %mul3A_1032 = vector.broadcast %mul3A_1031 : f32 to vector<16xf32>
          %mul3A_1033 = arith.mulf %get3A_1030, %mul3A_1032 : vector<16xf32>
          %convert_element_type3A_1034 = arith.fptosi %mul3A_1033 : vector<16xf32> to vector<16xi32>
          %shift_right_arithmetic3A_1035 = arith.constant 3 : i32
          %shift_right_arithmetic3A_1036 = vector.broadcast %shift_right_arithmetic3A_1035 : i32 to vector<16xi32>
          %shift_right_arithmetic3A_1037 = arith.shrsi %convert_element_type3A_1034, %shift_right_arithmetic3A_1036 : vector<16xi32>
          %mul3A_1038 = arith.constant 16 : i32
          %mul3A_1039 = arith.muli %scan3A_1026, %mul3A_1038 : i32
          %swap3A_1040 = arith.index_cast %mul3A_1039 : i32 to index
          %swap3A_1041 = tpu.vector_load %arg11[%swap3A_1040] {strides = array<i32>} : memref<1024xi32, #tpu.memory_space<vmem>>, vector<16xi32>,
          tpu.vector_store %arg11[%swap3A_1040], %shift_right_arithmetic3A_1037 {strides = array<i32>} : memref<1024xi32, #tpu.memory_space<vmem>>, vector<16xi32>,
          %and3A_1042 = arith.constant 7 : i32
          %and3A_1043 = vector.broadcast %and3A_1042 : i32 to vector<16xi32>
          %and3A_1044 = arith.andi %convert_element_type3A_1034, %and3A_1043 : vector<16xi32>
          %mul3A_1045 = arith.constant 512 : i32
          %mul3A_1046 = arith.muli %scan3A_1026, %mul3A_1045 : i32
          %add3A_1047 = vector.broadcast %mul3A_1046 : i32 to vector<16xi32>
          %add3A_1048 = arith.addi %mul3A_929, %add3A_1047 : vector<16xi32>
          %add3A_1049 = arith.addi %and3A_1044, %add3A_1048 : vector<16xi32>
          %mul3A_1050 = arith.constant 16 : i32
          %mul3A_1051 = arith.muli %scan3A_1026, %mul3A_1050 : i32
          %swap3A_1052 = arith.index_cast %mul3A_1051 : i32 to index
          %swap3A_1053 = tpu.vector_load %arg13[%swap3A_1052] {strides = array<i32>} : memref<1024xi32, #tpu.memory_space<vmem>>, vector<16xi32>,
          tpu.vector_store %arg13[%swap3A_1052], %add3A_1049 {strides = array<i32>} : memref<1024xi32, #tpu.memory_space<vmem>>, vector<16xi32>,
          %scan3A_1054 = arith.constant 2 : i32
          %scan3A_1055 = arith.addi %scan3A_1000, %scan3A_1054 : i32
          %mul3A_1056 = arith.constant 16 : i32
          %mul3A_1057 = arith.muli %scan3A_1055, %mul3A_1056 : i32
          %get3A_1058 = arith.index_cast %mul3A_1057 : i32 to index
          %get3A_1059 = tpu.vector_load %arg7[%get3A_1058] {strides = array<i32>} : memref<1024xf32, #tpu.memory_space<vmem>>, vector<16xf32>,
          %mul3A_1060 = arith.constant 9.999990e+05 : f32
          %mul3A_1061 = vector.broadcast %mul3A_1060 : f32 to vector<16xf32>
          %mul3A_1062 = arith.mulf %get3A_1059, %mul3A_1061 : vector<16xf32>
          %convert_element_type3A_1063 = arith.fptosi %mul3A_1062 : vector<16xf32> to vector<16xi32>
          %shift_right_arithmetic3A_1064 = arith.constant 3 : i32
          %shift_right_arithmetic3A_1065 = vector.broadcast %shift_right_arithmetic3A_1064 : i32 to vector<16xi32>
          %shift_right_arithmetic3A_1066 = arith.shrsi %convert_element_type3A_1063, %shift_right_arithmetic3A_1065 : vector<16xi32>
          %mul3A_1067 = arith.constant 16 : i32
          %mul3A_1068 = arith.muli %scan3A_1055, %mul3A_1067 : i32
          %swap3A_1069 = arith.index_cast %mul3A_1068 : i32 to index
          %swap3A_1070 = tpu.vector_load %arg11[%swap3A_1069] {strides = array<i32>} : memref<1024xi32, #tpu.memory_space<vmem>>, vector<16xi32>,
          tpu.vector_store %arg11[%swap3A_1069], %shift_right_arithmetic3A_1066 {strides = array<i32>} : memref<1024xi32, #tpu.memory_space<vmem>>, vector<16xi32>,
          %and3A_1071 = arith.constant 7 : i32
          %and3A_1072 = vector.broadcast %and3A_1071 : i32 to vector<16xi32>
          %and3A_1073 = arith.andi %convert_element_type3A_1063, %and3A_1072 : vector<16xi32>
          %mul3A_1074 = arith.constant 512 : i32
          %mul3A_1075 = arith.muli %scan3A_1055, %mul3A_1074 : i32
          %add3A_1076 = vector.broadcast %mul3A_1075 : i32 to vector<16xi32>
          %add3A_1077 = arith.addi %mul3A_929, %add3A_1076 : vector<16xi32>
          %add3A_1078 = arith.addi %and3A_1073, %add3A_1077 : vector<16xi32>
          %mul3A_1079 = arith.constant 16 : i32
          %mul3A_1080 = arith.muli %scan3A_1055, %mul3A_1079 : i32
          %swap3A_1081 = arith.index_cast %mul3A_1080 : i32 to index
          %swap3A_1082 = tpu.vector_load %arg13[%swap3A_1081] {strides = array<i32>} : memref<1024xi32, #tpu.memory_space<vmem>>, vector<16xi32>,
          tpu.vector_store %arg13[%swap3A_1081], %add3A_1078 {strides = array<i32>} : memref<1024xi32, #tpu.memory_space<vmem>>, vector<16xi32>,
          %scan3A_1083 = arith.constant 3 : i32
          %scan3A_1084 = arith.addi %scan3A_1000, %scan3A_1083 : i32
          %mul3A_1085 = arith.constant 16 : i32
          %mul3A_1086 = arith.muli %scan3A_1084, %mul3A_1085 : i32
          %get3A_1087 = arith.index_cast %mul3A_1086 : i32 to index
          %get3A_1088 = tpu.vector_load %arg7[%get3A_1087] {strides = array<i32>} : memref<1024xf32, #tpu.memory_space<vmem>>, vector<16xf32>,
          %mul3A_1089 = arith.constant 9.999990e+05 : f32
          %mul3A_1090 = vector.broadcast %mul3A_1089 : f32 to vector<16xf32>
          %mul3A_1091 = arith.mulf %get3A_1088, %mul3A_1090 : vector<16xf32>
          %convert_element_type3A_1092 = arith.fptosi %mul3A_1091 : vector<16xf32> to vector<16xi32>
          %shift_right_arithmetic3A_1093 = arith.constant 3 : i32
          %shift_right_arithmetic3A_1094 = vector.broadcast %shift_right_arithmetic3A_1093 : i32 to vector<16xi32>
          %shift_right_arithmetic3A_1095 = arith.shrsi %convert_element_type3A_1092, %shift_right_arithmetic3A_1094 : vector<16xi32>
          %mul3A_1096 = arith.constant 16 : i32
          %mul3A_1097 = arith.muli %scan3A_1084, %mul3A_1096 : i32
          %swap3A_1098 = arith.index_cast %mul3A_1097 : i32 to index
          %swap3A_1099 = tpu.vector_load %arg11[%swap3A_1098] {strides = array<i32>} : memref<1024xi32, #tpu.memory_space<vmem>>, vector<16xi32>,
          tpu.vector_store %arg11[%swap3A_1098], %shift_right_arithmetic3A_1095 {strides = array<i32>} : memref<1024xi32, #tpu.memory_space<vmem>>, vector<16xi32>,
          %and3A_1100 = arith.constant 7 : i32
          %and3A_1101 = vector.broadcast %and3A_1100 : i32 to vector<16xi32>
          %and3A_1102 = arith.andi %convert_element_type3A_1092, %and3A_1101 : vector<16xi32>
          %mul3A_1103 = arith.constant 512 : i32
          %mul3A_1104 = arith.muli %scan3A_1084, %mul3A_1103 : i32
          %add3A_1105 = vector.broadcast %mul3A_1104 : i32 to vector<16xi32>
          %add3A_1106 = arith.addi %mul3A_929, %add3A_1105 : vector<16xi32>
          %add3A_1107 = arith.addi %and3A_1102, %add3A_1106 : vector<16xi32>
          %mul3A_1108 = arith.constant 16 : i32
          %mul3A_1109 = arith.muli %scan3A_1084, %mul3A_1108 : i32
          %swap3A_1110 = arith.index_cast %mul3A_1109 : i32 to index
          %swap3A_1111 = tpu.vector_load %arg13[%swap3A_1110] {strides = array<i32>} : memref<1024xi32, #tpu.memory_space<vmem>>, vector<16xi32>,
          tpu.vector_store %arg13[%swap3A_1110], %add3A_1107 {strides = array<i32>} : memref<1024xi32, #tpu.memory_space<vmem>>, vector<16xi32>,
        }
        %scan3A_935 = arith.constant 64 : i32
        %dma_start3A_936 = arith.constant 0 : i32
        %dma_start3A_937 = arith.constant 0 : i32
        %dma_start3A_938 = tpu.memref_slice %arg15[%dma_start3A_936, %dma_start3A_937] : memref<1024x32xf32, #tpu.memory_space<vmem>> -> memref<128x32xf32, #tpu.memory_space<vmem>>
        %dma_start3A_939 = arith.constant 0 : i32
        %dma_start3A_940 = tpu.memref_slice %arg11[%dma_start3A_939] : memref<1024xi32, #tpu.memory_space<vmem>> -> memref<128xi32, #tpu.memory_space<vmem>>
        %dma_start3A_941 = arith.constant 0 : i32
        %dma_start3A_942 = arith.constant 0 : i32
        %dma_start3A_943 = tpu.memref_slice %arg6[%dma_start3A_941, %dma_start3A_942] : memref<125008x32xf32, #tpu.memory_space<hbm>> -> memref<125008x32xf32, #tpu.memory_space<hbm>>
        tpu.enqueue_indirect_dma source(%dma_start3A_943 : memref<125008x32xf32, #tpu.memory_space<hbm>>) target(%dma_start3A_938 : memref<128x32xf32, #tpu.memory_space<vmem>>) offsets(%dma_start3A_940 : memref<128xi32, #tpu.memory_space<vmem>>) semaphore(%arg23 : memref<!tpu.dma_semaphore, #tpu.memory_space<semaphore_mem>>)
        %dma_start3A_944 = arith.constant 128 : i32
        %dma_start3A_945 = arith.constant 0 : i32
        %dma_start3A_946 = tpu.memref_slice %arg15[%dma_start3A_944, %dma_start3A_945] : memref<1024x32xf32, #tpu.memory_space<vmem>> -> memref<128x32xf32, #tpu.memory_space<vmem>>
        %dma_start3A_947 = arith.constant 128 : i32
        %dma_start3A_948 = tpu.memref_slice %arg11[%dma_start3A_947] : memref<1024xi32, #tpu.memory_space<vmem>> -> memref<128xi32, #tpu.memory_space<vmem>>
        %dma_start3A_949 = arith.constant 0 : i32
        %dma_start3A_950 = arith.constant 0 : i32
        %dma_start3A_951 = tpu.memref_slice %arg6[%dma_start3A_949, %dma_start3A_950] : memref<125008x32xf32, #tpu.memory_space<hbm>> -> memref<125008x32xf32, #tpu.memory_space<hbm>>
        tpu.enqueue_indirect_dma source(%dma_start3A_951 : memref<125008x32xf32, #tpu.memory_space<hbm>>) target(%dma_start3A_946 : memref<128x32xf32, #tpu.memory_space<vmem>>) offsets(%dma_start3A_948 : memref<128xi32, #tpu.memory_space<vmem>>) semaphore(%arg23 : memref<!tpu.dma_semaphore, #tpu.memory_space<semaphore_mem>>)
        %dma_start3A_952 = arith.constant 256 : i32
        %dma_start3A_953 = arith.constant 0 : i32
        %dma_start3A_954 = tpu.memref_slice %arg15[%dma_start3A_952, %dma_start3A_953] : memref<1024x32xf32, #tpu.memory_space<vmem>> -> memref<128x32xf32, #tpu.memory_space<vmem>>
        %dma_start3A_955 = arith.constant 256 : i32
        %dma_start3A_956 = tpu.memref_slice %arg11[%dma_start3A_955] : memref<1024xi32, #tpu.memory_space<vmem>> -> memref<128xi32, #tpu.memory_space<vmem>>
        %dma_start3A_957 = arith.constant 0 : i32
        %dma_start3A_958 = arith.constant 0 : i32
        %dma_start3A_959 = tpu.memref_slice %arg6[%dma_start3A_957, %dma_start3A_958] : memref<125008x32xf32, #tpu.memory_space<hbm>> -> memref<125008x32xf32, #tpu.memory_space<hbm>>
        tpu.enqueue_indirect_dma source(%dma_start3A_959 : memref<125008x32xf32, #tpu.memory_space<hbm>>) target(%dma_start3A_954 : memref<128x32xf32, #tpu.memory_space<vmem>>) offsets(%dma_start3A_956 : memref<128xi32, #tpu.memory_space<vmem>>) semaphore(%arg23 : memref<!tpu.dma_semaphore, #tpu.memory_space<semaphore_mem>>)
        %dma_start3A_960 = arith.constant 384 : i32
        %dma_start3A_961 = arith.constant 0 : i32
        %dma_start3A_962 = tpu.memref_slice %arg15[%dma_start3A_960, %dma_start3A_961] : memref<1024x32xf32, #tpu.memory_space<vmem>> -> memref<128x32xf32, #tpu.memory_space<vmem>>
        %dma_start3A_963 = arith.constant 384 : i32
        %dma_start3A_964 = tpu.memref_slice %arg11[%dma_start3A_963] : memref<1024xi32, #tpu.memory_space<vmem>> -> memref<128xi32, #tpu.memory_space<vmem>>
        %dma_start3A_965 = arith.constant 0 : i32
        %dma_start3A_966 = arith.constant 0 : i32
        %dma_start3A_967 = tpu.memref_slice %arg6[%dma_start3A_965, %dma_start3A_966] : memref<125008x32xf32, #tpu.memory_space<hbm>> -> memref<125008x32xf32, #tpu.memory_space<hbm>>
        tpu.enqueue_indirect_dma source(%dma_start3A_967 : memref<125008x32xf32, #tpu.memory_space<hbm>>) target(%dma_start3A_962 : memref<128x32xf32, #tpu.memory_space<vmem>>) offsets(%dma_start3A_964 : memref<128xi32, #tpu.memory_space<vmem>>) semaphore(%arg23 : memref<!tpu.dma_semaphore, #tpu.memory_space<semaphore_mem>>)
        %dma_start3A_968 = arith.constant 512 : i32
        %dma_start3A_969 = arith.constant 0 : i32
        %dma_start3A_970 = tpu.memref_slice %arg15[%dma_start3A_968, %dma_start3A_969] : memref<1024x32xf32, #tpu.memory_space<vmem>> -> memref<128x32xf32, #tpu.memory_space<vmem>>
        %dma_start3A_971 = arith.constant 512 : i32
        %dma_start3A_972 = tpu.memref_slice %arg11[%dma_start3A_971] : memref<1024xi32, #tpu.memory_space<vmem>> -> memref<128xi32, #tpu.memory_space<vmem>>
        %dma_start3A_973 = arith.constant 0 : i32
        %dma_start3A_974 = arith.constant 0 : i32
        %dma_start3A_975 = tpu.memref_slice %arg6[%dma_start3A_973, %dma_start3A_974] : memref<125008x32xf32, #tpu.memory_space<hbm>> -> memref<125008x32xf32, #tpu.memory_space<hbm>>
        tpu.enqueue_indirect_dma source(%dma_start3A_975 : memref<125008x32xf32, #tpu.memory_space<hbm>>) target(%dma_start3A_970 : memref<128x32xf32, #tpu.memory_space<vmem>>) offsets(%dma_start3A_972 : memref<128xi32, #tpu.memory_space<vmem>>) semaphore(%arg23 : memref<!tpu.dma_semaphore, #tpu.memory_space<semaphore_mem>>)
        %dma_start3A_976 = arith.constant 640 : i32
        %dma_start3A_977 = arith.constant 0 : i32
        %dma_start3A_978 = tpu.memref_slice %arg15[%dma_start3A_976, %dma_start3A_977] : memref<1024x32xf32, #tpu.memory_space<vmem>> -> memref<128x32xf32, #tpu.memory_space<vmem>>
        %dma_start3A_979 = arith.constant 640 : i32
        %dma_start3A_980 = tpu.memref_slice %arg11[%dma_start3A_979] : memref<1024xi32, #tpu.memory_space<vmem>> -> memref<128xi32, #tpu.memory_space<vmem>>
        %dma_start3A_981 = arith.constant 0 : i32
        %dma_start3A_982 = arith.constant 0 : i32
        %dma_start3A_983 = tpu.memref_slice %arg6[%dma_start3A_981, %dma_start3A_982] : memref<125008x32xf32, #tpu.memory_space<hbm>> -> memref<125008x32xf32, #tpu.memory_space<hbm>>
        tpu.enqueue_indirect_dma source(%dma_start3A_983 : memref<125008x32xf32, #tpu.memory_space<hbm>>) target(%dma_start3A_978 : memref<128x32xf32, #tpu.memory_space<vmem>>) offsets(%dma_start3A_980 : memref<128xi32, #tpu.memory_space<vmem>>) semaphore(%arg23 : memref<!tpu.dma_semaphore, #tpu.memory_space<semaphore_mem>>)
        %dma_start3A_984 = arith.constant 768 : i32
        %dma_start3A_985 = arith.constant 0 : i32
        %dma_start3A_986 = tpu.memref_slice %arg15[%dma_start3A_984, %dma_start3A_985] : memref<1024x32xf32, #tpu.memory_space<vmem>> -> memref<128x32xf32, #tpu.memory_space<vmem>>
        %dma_start3A_987 = arith.constant 768 : i32
        %dma_start3A_988 = tpu.memref_slice %arg11[%dma_start3A_987] : memref<1024xi32, #tpu.memory_space<vmem>> -> memref<128xi32, #tpu.memory_space<vmem>>
        %dma_start3A_989 = arith.constant 0 : i32
        %dma_start3A_990 = arith.constant 0 : i32
        %dma_start3A_991 = tpu.memref_slice %arg6[%dma_start3A_989, %dma_start3A_990] : memref<125008x32xf32, #tpu.memory_space<hbm>> -> memref<125008x32xf32, #tpu.memory_space<hbm>>
        tpu.enqueue_indirect_dma source(%dma_start3A_991 : memref<125008x32xf32, #tpu.memory_space<hbm>>) target(%dma_start3A_986 : memref<128x32xf32, #tpu.memory_space<vmem>>) offsets(%dma_start3A_988 : memref<128xi32, #tpu.memory_space<vmem>>) semaphore(%arg23 : memref<!tpu.dma_semaphore, #tpu.memory_space<semaphore_mem>>)
        %dma_start3A_992 = arith.constant 896 : i32
        %dma_start3A_993 = arith.constant 0 : i32
        %dma_start3A_994 = tpu.memref_slice %arg15[%dma_start3A_992, %dma_start3A_993] : memref<1024x32xf32, #tpu.memory_space<vmem>> -> memref<128x32xf32, #tpu.memory_space<vmem>>
        %dma_start3A_995 = arith.constant 896 : i32
        %dma_start3A_996 = tpu.memref_slice %arg11[%dma_start3A_995] : memref<1024xi32, #tpu.memory_space<vmem>> -> memref<128xi32, #tpu.memory_space<vmem>>
        %dma_start3A_997 = arith.constant 0 : i32
        %dma_start3A_998 = arith.constant 0 : i32
        %dma_start3A_999 = tpu.memref_slice %arg6[%dma_start3A_997, %dma_start3A_998] : memref<125008x32xf32, #tpu.memory_space<hbm>> -> memref<125008x32xf32, #tpu.memory_space<hbm>>
        tpu.enqueue_indirect_dma source(%dma_start3A_999 : memref<125008x32xf32, #tpu.memory_space<hbm>>) target(%dma_start3A_994 : memref<128x32xf32, #tpu.memory_space<vmem>>) offsets(%dma_start3A_996 : memref<128xi32, #tpu.memory_space<vmem>>) semaphore(%arg23 : memref<!tpu.dma_semaphore, #tpu.memory_space<semaphore_mem>>)
      } else {
      }
      %dma_wait3A_834 = arith.constant 0 : i32
      %dma_wait3A_835 = arith.constant 0 : i32
      %dma_wait3A_836 = tpu.memref_slice %arg6[%dma_wait3A_834, %dma_wait3A_835] : memref<125008x32xf32, #tpu.memory_space<hbm>> -> memref<1024x32xf32, #tpu.memory_space<hbm>>
      %dma_wait3A_837 = arith.constant 0 : i32
      %dma_wait3A_838 = arith.constant 0 : i32
      %dma_wait3A_839 = tpu.memref_slice %arg6[%dma_wait3A_837, %dma_wait3A_838] : memref<125008x32xf32, #tpu.memory_space<hbm>> -> memref<1024x32xf32, #tpu.memory_space<hbm>>
      tpu.wait_dma2 semaphore(%arg24 : memref<!tpu.dma_semaphore, #tpu.memory_space<semaphore_mem>>) src(%dma_wait3A_839 : memref<1024x32xf32, #tpu.memory_space<hbm>>) dst(%arg16 : memref<1024x32xf32, #tpu.memory_space<vmem>>)
      %dma_wait3A_840 = arith.constant 0 : i32
      %dma_wait3A_841 = tpu.memref_slice %arg2[%dma_wait3A_840] : memref<8388608xf32, #tpu.memory_space<hbm>> -> memref<1024xf32, #tpu.memory_space<hbm>>
      %dma_wait3A_842 = arith.constant 0 : i32
      %dma_wait3A_843 = tpu.memref_slice %arg2[%dma_wait3A_842] : memref<8388608xf32, #tpu.memory_space<hbm>> -> memref<1024xf32, #tpu.memory_space<hbm>>
      tpu.wait_dma2 semaphore(%arg30 : memref<!tpu.dma_semaphore, #tpu.memory_space<semaphore_mem>>) src(%dma_wait3A_843 : memref<1024xf32, #tpu.memory_space<hbm>>) dst(%arg18 : memref<1024xf32, #tpu.memory_space<vmem>>)
      %add3A_844 = arith.constant 3 : i32
      %add3A_845 = arith.addi %mul3A_335, %add3A_844 : i32
      %broadcast_in_dim3A_846 = arith.constant 0 : i32
      %broadcast_in_dim3A_847 = vector.broadcast %broadcast_in_dim3A_846 : i32 to vector<16xi32>
      %get3A_848 = arith.constant 0 : index
      %get3A_849 = tpu.vector_load %arg10[%get3A_848] {strides = array<i32>} : memref<1024xf32, #tpu.memory_space<vmem>>, vector<16xf32>,
      %get3A_850 = arith.constant 0 : index
      %get3A_851 = tpu.vector_load %arg14[%get3A_850] {strides = array<i32>} : memref<1024xi32, #tpu.memory_space<vmem>>, vector<16xi32>,
      %add3A_852 = arith.constant 0 : i32
      %add3A_853 = vector.broadcast %add3A_852 : i32 to vector<16xi32>
      %add3A_854 = arith.addi %get3A_851, %add3A_853 : vector<16xi32>
      %gather3A_855 = tpu.vector_load_idx %arg16[%broadcast_in_dim3A_847, %add3A_854] : memref<1024x32xf32, #tpu.memory_space<vmem>>[vector<16xi32>, vector<16xi32>], vector<16xf32>,
      %add3A_856 = arith.constant 16 : i32
      %add3A_857 = vector.broadcast %add3A_856 : i32 to vector<16xi32>
      %add3A_858 = arith.addi %get3A_851, %add3A_857 : vector<16xi32>
      %gather3A_859 = tpu.vector_load_idx %arg16[%broadcast_in_dim3A_847, %add3A_858] : memref<1024x32xf32, #tpu.memory_space<vmem>>[vector<16xi32>, vector<16xi32>], vector<16xf32>,
      %add3A_860 = arith.constant 1 : i32
      %add3A_861 = vector.broadcast %add3A_860 : i32 to vector<16xi32>
      %add3A_862 = arith.addi %get3A_851, %add3A_861 : vector<16xi32>
      %gather3A_863 = tpu.vector_load_idx %arg16[%broadcast_in_dim3A_847, %add3A_862] : memref<1024x32xf32, #tpu.memory_space<vmem>>[vector<16xi32>, vector<16xi32>], vector<16xf32>,
      %add3A_864 = arith.constant 17 : i32
      %add3A_865 = vector.broadcast %add3A_864 : i32 to vector<16xi32>
      %add3A_866 = arith.addi %get3A_851, %add3A_865 : vector<16xi32>
      %gather3A_867 = tpu.vector_load_idx %arg16[%broadcast_in_dim3A_847, %add3A_866] : memref<1024x32xf32, #tpu.memory_space<vmem>>[vector<16xi32>, vector<16xi32>], vector<16xf32>,
      %add3A_868 = arith.constant 2 : i32
      %add3A_869 = vector.broadcast %add3A_868 : i32 to vector<16xi32>
      %add3A_870 = arith.addi %get3A_851, %add3A_869 : vector<16xi32>
      %gather3A_871 = tpu.vector_load_idx %arg16[%broadcast_in_dim3A_847, %add3A_870] : memref<1024x32xf32, #tpu.memory_space<vmem>>[vector<16xi32>, vector<16xi32>], vector<16xf32>,
      %add3A_872 = arith.constant 18 : i32
      %add3A_873 = vector.broadcast %add3A_872 : i32 to vector<16xi32>
      %add3A_874 = arith.addi %get3A_851, %add3A_873 : vector<16xi32>
      %gather3A_875 = tpu.vector_load_idx %arg16[%broadcast_in_dim3A_847, %add3A_874] : memref<1024x32xf32, #tpu.memory_space<vmem>>[vector<16xi32>, vector<16xi32>], vector<16xf32>,
      %add3A_876 = arith.constant 3 : i32
      %add3A_877 = vector.broadcast %add3A_876 : i32 to vector<16xi32>
      %add3A_878 = arith.addi %get3A_851, %add3A_877 : vector<16xi32>
      %gather3A_879 = tpu.vector_load_idx %arg16[%broadcast_in_dim3A_847, %add3A_878] : memref<1024x32xf32, #tpu.memory_space<vmem>>[vector<16xi32>, vector<16xi32>], vector<16xf32>,
      %add3A_880 = arith.constant 19 : i32
      %add3A_881 = vector.broadcast %add3A_880 : i32 to vector<16xi32>
      %add3A_882 = arith.addi %get3A_851, %add3A_881 : vector<16xi32>
      %gather3A_883 = tpu.vector_load_idx %arg16[%broadcast_in_dim3A_847, %add3A_882] : memref<1024x32xf32, #tpu.memory_space<vmem>>[vector<16xi32>, vector<16xi32>], vector<16xf32>,
      %add3A_884 = arith.constant 4 : i32
      %add3A_885 = vector.broadcast %add3A_884 : i32 to vector<16xi32>
      %add3A_886 = arith.addi %get3A_851, %add3A_885 : vector<16xi32>
      %gather3A_887 = tpu.vector_load_idx %arg16[%broadcast_in_dim3A_847, %add3A_886] : memref<1024x32xf32, #tpu.memory_space<vmem>>[vector<16xi32>, vector<16xi32>], vector<16xf32>,
      %add3A_888 = arith.constant 20 : i32
      %add3A_889 = vector.broadcast %add3A_888 : i32 to vector<16xi32>
      %add3A_890 = arith.addi %get3A_851, %add3A_889 : vector<16xi32>
      %gather3A_891 = tpu.vector_load_idx %arg16[%broadcast_in_dim3A_847, %add3A_890] : memref<1024x32xf32, #tpu.memory_space<vmem>>[vector<16xi32>, vector<16xi32>], vector<16xf32>,
      %add3A_892 = arith.constant 5 : i32
      %add3A_893 = vector.broadcast %add3A_892 : i32 to vector<16xi32>
      %add3A_894 = arith.addi %get3A_851, %add3A_893 : vector<16xi32>
      %gather3A_895 = tpu.vector_load_idx %arg16[%broadcast_in_dim3A_847, %add3A_894] : memref<1024x32xf32, #tpu.memory_space<vmem>>[vector<16xi32>, vector<16xi32>], vector<16xf32>,
      %add3A_896 = arith.constant 21 : i32
      %add3A_897 = vector.broadcast %add3A_896 : i32 to vector<16xi32>
      %add3A_898 = arith.addi %get3A_851, %add3A_897 : vector<16xi32>
      %gather3A_899 = tpu.vector_load_idx %arg16[%broadcast_in_dim3A_847, %add3A_898] : memref<1024x32xf32, #tpu.memory_space<vmem>>[vector<16xi32>, vector<16xi32>], vector<16xf32>,
      %add3A_900 = arith.constant 6 : i32
      %add3A_901 = vector.broadcast %add3A_900 : i32 to vector<16xi32>
      %add3A_902 = arith.addi %get3A_851, %add3A_901 : vector<16xi32>
      %gather3A_903 = tpu.vector_load_idx %arg16[%broadcast_in_dim3A_847, %add3A_902] : memref<1024x32xf32, #tpu.memory_space<vmem>>[vector<16xi32>, vector<16xi32>], vector<16xf32>,
      %add3A_904 = arith.constant 22 : i32
      %add3A_905 = vector.broadcast %add3A_904 : i32 to vector<16xi32>
      %add3A_906 = arith.addi %get3A_851, %add3A_905 : vector<16xi32>
      %gather3A_907 = tpu.vector_load_idx %arg16[%broadcast_in_dim3A_847, %add3A_906] : memref<1024x32xf32, #tpu.memory_space<vmem>>[vector<16xi32>, vector<16xi32>], vector<16xf32>,
      %scan3A_908 = arith.constant 0 : i32
      %scan3A_909 = arith.constant 64 : i32
      %scan3A_910 = arith.addi %scan3A_908, %scan3A_909 : i32
      %scan3A_911 = arith.constant 1 : i32
      %scan3A_912:15 = scf.for %scan3A_922 = %scan3A_908 to %scan3A_910 step %scan3A_911 iter_args(%scan3A_923 = %get3A_849, %scan3A_924 = %gather3A_855, %scan3A_925 = %gather3A_859, %scan3A_926 = %gather3A_863, %scan3A_927 = %gather3A_867, %scan3A_928 = %gather3A_871, %scan3A_929 = %gather3A_875, %scan3A_930 = %gather3A_879, %scan3A_931 = %gather3A_883, %scan3A_932 = %gather3A_887, %scan3A_933 = %gather3A_891, %scan3A_934 = %gather3A_895, %scan3A_935 = %gather3A_899, %scan3A_936 = %gather3A_903, %scan3A_937 = %gather3A_907) -> (vector<16xf32>, vector<16xf32>, vector<16xf32>, vector<16xf32>, vector<16xf32>, vector<16xf32>, vector<16xf32>, vector<16xf32>, vector<16xf32>, vector<16xf32>, vector<16xf32>, vector<16xf32>, vector<16xf32>, vector<16xf32>, vector<16xf32>)  : i32 {
        %add3A_938 = arith.constant 1 : i32
        %add3A_939 = arith.addi %scan3A_922, %add3A_938 : i32
        %min3A = arith.constant 63 : i32
        %min3A_940 = arith.minsi %add3A_939, %min3A : i32
        %mul3A_941 = arith.constant 16 : i32
        %mul3A_942 = arith.muli %min3A_940, %mul3A_941 : i32
        %get3A_943 = arith.index_cast %mul3A_942 : i32 to index
        %get3A_944 = tpu.vector_load %arg10[%get3A_943] {strides = array<i32>} : memref<1024xf32, #tpu.memory_space<vmem>>, vector<16xf32>,
        %mul3A_945 = arith.constant 16 : i32
        %mul3A_946 = arith.muli %min3A_940, %mul3A_945 : i32
        %get3A_947 = arith.index_cast %mul3A_946 : i32 to index
        %get3A_948 = tpu.vector_load %arg14[%get3A_947] {strides = array<i32>} : memref<1024xi32, #tpu.memory_space<vmem>>, vector<16xi32>,
        %add3A_949 = arith.constant 0 : i32
        %add3A_950 = vector.broadcast %add3A_949 : i32 to vector<16xi32>
        %add3A_951 = arith.addi %get3A_948, %add3A_950 : vector<16xi32>
        %gather3A_952 = tpu.vector_load_idx %arg16[%broadcast_in_dim3A_847, %add3A_951] : memref<1024x32xf32, #tpu.memory_space<vmem>>[vector<16xi32>, vector<16xi32>], vector<16xf32>,
        %add3A_953 = arith.constant 16 : i32
        %add3A_954 = vector.broadcast %add3A_953 : i32 to vector<16xi32>
        %add3A_955 = arith.addi %get3A_948, %add3A_954 : vector<16xi32>
        %gather3A_956 = tpu.vector_load_idx %arg16[%broadcast_in_dim3A_847, %add3A_955] : memref<1024x32xf32, #tpu.memory_space<vmem>>[vector<16xi32>, vector<16xi32>], vector<16xf32>,
        %add3A_957 = arith.constant 1 : i32
        %add3A_958 = vector.broadcast %add3A_957 : i32 to vector<16xi32>
        %add3A_959 = arith.addi %get3A_948, %add3A_958 : vector<16xi32>
        %gather3A_960 = tpu.vector_load_idx %arg16[%broadcast_in_dim3A_847, %add3A_959] : memref<1024x32xf32, #tpu.memory_space<vmem>>[vector<16xi32>, vector<16xi32>], vector<16xf32>,
        %add3A_961 = arith.constant 17 : i32
        %add3A_962 = vector.broadcast %add3A_961 : i32 to vector<16xi32>
        %add3A_963 = arith.addi %get3A_948, %add3A_962 : vector<16xi32>
        %gather3A_964 = tpu.vector_load_idx %arg16[%broadcast_in_dim3A_847, %add3A_963] : memref<1024x32xf32, #tpu.memory_space<vmem>>[vector<16xi32>, vector<16xi32>], vector<16xf32>,
        %add3A_965 = arith.constant 2 : i32
        %add3A_966 = vector.broadcast %add3A_965 : i32 to vector<16xi32>
        %add3A_967 = arith.addi %get3A_948, %add3A_966 : vector<16xi32>
        %gather3A_968 = tpu.vector_load_idx %arg16[%broadcast_in_dim3A_847, %add3A_967] : memref<1024x32xf32, #tpu.memory_space<vmem>>[vector<16xi32>, vector<16xi32>], vector<16xf32>,
        %add3A_969 = arith.constant 18 : i32
        %add3A_970 = vector.broadcast %add3A_969 : i32 to vector<16xi32>
        %add3A_971 = arith.addi %get3A_948, %add3A_970 : vector<16xi32>
        %gather3A_972 = tpu.vector_load_idx %arg16[%broadcast_in_dim3A_847, %add3A_971] : memref<1024x32xf32, #tpu.memory_space<vmem>>[vector<16xi32>, vector<16xi32>], vector<16xf32>,
        %add3A_973 = arith.constant 3 : i32
        %add3A_974 = vector.broadcast %add3A_973 : i32 to vector<16xi32>
        %add3A_975 = arith.addi %get3A_948, %add3A_974 : vector<16xi32>
        %gather3A_976 = tpu.vector_load_idx %arg16[%broadcast_in_dim3A_847, %add3A_975] : memref<1024x32xf32, #tpu.memory_space<vmem>>[vector<16xi32>, vector<16xi32>], vector<16xf32>,
        %add3A_977 = arith.constant 19 : i32
        %add3A_978 = vector.broadcast %add3A_977 : i32 to vector<16xi32>
        %add3A_979 = arith.addi %get3A_948, %add3A_978 : vector<16xi32>
        %gather3A_980 = tpu.vector_load_idx %arg16[%broadcast_in_dim3A_847, %add3A_979] : memref<1024x32xf32, #tpu.memory_space<vmem>>[vector<16xi32>, vector<16xi32>], vector<16xf32>,
        %add3A_981 = arith.constant 4 : i32
        %add3A_982 = vector.broadcast %add3A_981 : i32 to vector<16xi32>
        %add3A_983 = arith.addi %get3A_948, %add3A_982 : vector<16xi32>
        %gather3A_984 = tpu.vector_load_idx %arg16[%broadcast_in_dim3A_847, %add3A_983] : memref<1024x32xf32, #tpu.memory_space<vmem>>[vector<16xi32>, vector<16xi32>], vector<16xf32>,
        %add3A_985 = arith.constant 20 : i32
        %add3A_986 = vector.broadcast %add3A_985 : i32 to vector<16xi32>
        %add3A_987 = arith.addi %get3A_948, %add3A_986 : vector<16xi32>
        %gather3A_988 = tpu.vector_load_idx %arg16[%broadcast_in_dim3A_847, %add3A_987] : memref<1024x32xf32, #tpu.memory_space<vmem>>[vector<16xi32>, vector<16xi32>], vector<16xf32>,
        %add3A_989 = arith.constant 5 : i32
        %add3A_990 = vector.broadcast %add3A_989 : i32 to vector<16xi32>
        %add3A_991 = arith.addi %get3A_948, %add3A_990 : vector<16xi32>
        %gather3A_992 = tpu.vector_load_idx %arg16[%broadcast_in_dim3A_847, %add3A_991] : memref<1024x32xf32, #tpu.memory_space<vmem>>[vector<16xi32>, vector<16xi32>], vector<16xf32>,
        %add3A_993 = arith.constant 21 : i32
        %add3A_994 = vector.broadcast %add3A_993 : i32 to vector<16xi32>
        %add3A_995 = arith.addi %get3A_948, %add3A_994 : vector<16xi32>
        %gather3A_996 = tpu.vector_load_idx %arg16[%broadcast_in_dim3A_847, %add3A_995] : memref<1024x32xf32, #tpu.memory_space<vmem>>[vector<16xi32>, vector<16xi32>], vector<16xf32>,
        %add3A_997 = arith.constant 6 : i32
        %add3A_998 = vector.broadcast %add3A_997 : i32 to vector<16xi32>
        %add3A_999 = arith.addi %get3A_948, %add3A_998 : vector<16xi32>
        %gather3A_1000 = tpu.vector_load_idx %arg16[%broadcast_in_dim3A_847, %add3A_999] : memref<1024x32xf32, #tpu.memory_space<vmem>>[vector<16xi32>, vector<16xi32>], vector<16xf32>,
        %add3A_1001 = arith.constant 22 : i32
        %add3A_1002 = vector.broadcast %add3A_1001 : i32 to vector<16xi32>
        %add3A_1003 = arith.addi %get3A_948, %add3A_1002 : vector<16xi32>
        %gather3A_1004 = tpu.vector_load_idx %arg16[%broadcast_in_dim3A_847, %add3A_1003] : memref<1024x32xf32, #tpu.memory_space<vmem>>[vector<16xi32>, vector<16xi32>], vector<16xf32>,
        %sub3A = arith.subf %scan3A_923, %scan3A_924 : vector<16xf32>
        %mul3A_1005 = arith.mulf %sub3A, %sub3A : vector<16xf32>
        %mul3A_1006 = arith.constant -9.999980e+11 : f32
        %mul3A_1007 = vector.broadcast %mul3A_1006 : f32 to vector<16xf32>
        %mul3A_1008 = arith.mulf %mul3A_1005, %mul3A_1007 : vector<16xf32>
        %exp3A = math.exp %mul3A_1008 : vector<16xf32>
        %mul3A_1009 = arith.mulf %exp3A, %scan3A_925 : vector<16xf32>
        %sub3A_1010 = arith.subf %scan3A_923, %scan3A_926 : vector<16xf32>
        %mul3A_1011 = arith.mulf %sub3A_1010, %sub3A_1010 : vector<16xf32>
        %mul3A_1012 = arith.constant -9.999980e+11 : f32
        %mul3A_1013 = vector.broadcast %mul3A_1012 : f32 to vector<16xf32>
        %mul3A_1014 = arith.mulf %mul3A_1011, %mul3A_1013 : vector<16xf32>
        %exp3A_1015 = math.exp %mul3A_1014 : vector<16xf32>
        %mul3A_1016 = arith.mulf %exp3A_1015, %scan3A_927 : vector<16xf32>
        %sub3A_1017 = arith.subf %scan3A_923, %scan3A_928 : vector<16xf32>
        %mul3A_1018 = arith.mulf %sub3A_1017, %sub3A_1017 : vector<16xf32>
        %mul3A_1019 = arith.constant -9.999980e+11 : f32
        %mul3A_1020 = vector.broadcast %mul3A_1019 : f32 to vector<16xf32>
        %mul3A_1021 = arith.mulf %mul3A_1018, %mul3A_1020 : vector<16xf32>
        %exp3A_1022 = math.exp %mul3A_1021 : vector<16xf32>
        %mul3A_1023 = arith.mulf %exp3A_1022, %scan3A_929 : vector<16xf32>
        %sub3A_1024 = arith.subf %scan3A_923, %scan3A_930 : vector<16xf32>
        %mul3A_1025 = arith.mulf %sub3A_1024, %sub3A_1024 : vector<16xf32>
        %mul3A_1026 = arith.constant -9.999980e+11 : f32
        %mul3A_1027 = vector.broadcast %mul3A_1026 : f32 to vector<16xf32>
        %mul3A_1028 = arith.mulf %mul3A_1025, %mul3A_1027 : vector<16xf32>
        %exp3A_1029 = math.exp %mul3A_1028 : vector<16xf32>
        %mul3A_1030 = arith.mulf %exp3A_1029, %scan3A_931 : vector<16xf32>
        %sub3A_1031 = arith.subf %scan3A_923, %scan3A_932 : vector<16xf32>
        %mul3A_1032 = arith.mulf %sub3A_1031, %sub3A_1031 : vector<16xf32>
        %mul3A_1033 = arith.constant -9.999980e+11 : f32
        %mul3A_1034 = vector.broadcast %mul3A_1033 : f32 to vector<16xf32>
        %mul3A_1035 = arith.mulf %mul3A_1032, %mul3A_1034 : vector<16xf32>
        %exp3A_1036 = math.exp %mul3A_1035 : vector<16xf32>
        %mul3A_1037 = arith.mulf %exp3A_1036, %scan3A_933 : vector<16xf32>
        %sub3A_1038 = arith.subf %scan3A_923, %scan3A_934 : vector<16xf32>
        %mul3A_1039 = arith.mulf %sub3A_1038, %sub3A_1038 : vector<16xf32>
        %mul3A_1040 = arith.constant -9.999980e+11 : f32
        %mul3A_1041 = vector.broadcast %mul3A_1040 : f32 to vector<16xf32>
        %mul3A_1042 = arith.mulf %mul3A_1039, %mul3A_1041 : vector<16xf32>
        %exp3A_1043 = math.exp %mul3A_1042 : vector<16xf32>
        %mul3A_1044 = arith.mulf %exp3A_1043, %scan3A_935 : vector<16xf32>
        %sub3A_1045 = arith.subf %scan3A_923, %scan3A_936 : vector<16xf32>
        %mul3A_1046 = arith.mulf %sub3A_1045, %sub3A_1045 : vector<16xf32>
        %mul3A_1047 = arith.constant -9.999980e+11 : f32
        %mul3A_1048 = vector.broadcast %mul3A_1047 : f32 to vector<16xf32>
        %mul3A_1049 = arith.mulf %mul3A_1046, %mul3A_1048 : vector<16xf32>
        %exp3A_1050 = math.exp %mul3A_1049 : vector<16xf32>
        %mul3A_1051 = arith.mulf %exp3A_1050, %scan3A_937 : vector<16xf32>
        %add3A_1052 = arith.addf %mul3A_1009, %mul3A_1016 : vector<16xf32>
        %add3A_1053 = arith.addf %mul3A_1023, %mul3A_1030 : vector<16xf32>
        %add3A_1054 = arith.addf %add3A_1052, %add3A_1053 : vector<16xf32>
        %add3A_1055 = arith.addf %mul3A_1037, %mul3A_1044 : vector<16xf32>
        %add3A_1056 = arith.addf %add3A_1055, %mul3A_1051 : vector<16xf32>
        %add3A_1057 = arith.addf %add3A_1054, %add3A_1056 : vector<16xf32>
        %mul3A_1058 = arith.constant 0.564189613 : f32
        %mul3A_1059 = vector.broadcast %mul3A_1058 : f32 to vector<16xf32>
        %mul3A_1060 = arith.mulf %add3A_1057, %mul3A_1059 : vector<16xf32>
        %mul3A_1061 = arith.constant 16 : i32
        %mul3A_1062 = arith.muli %scan3A_922, %mul3A_1061 : i32
        %swap3A = arith.index_cast %mul3A_1062 : i32 to index
        %swap3A_1063 = tpu.vector_load %arg18[%swap3A] {strides = array<i32>} : memref<1024xf32, #tpu.memory_space<vmem>>, vector<16xf32>,
        tpu.vector_store %arg18[%swap3A], %mul3A_1060 {strides = array<i32>} : memref<1024xf32, #tpu.memory_space<vmem>>, vector<16xf32>,
        scf.yield %get3A_944, %gather3A_952, %gather3A_956, %gather3A_960, %gather3A_964, %gather3A_968, %gather3A_972, %gather3A_976, %gather3A_980, %gather3A_984, %gather3A_988, %gather3A_992, %gather3A_996, %gather3A_1000, %gather3A_1004 : vector<16xf32>, vector<16xf32>, vector<16xf32>, vector<16xf32>, vector<16xf32>, vector<16xf32>, vector<16xf32>, vector<16xf32>, vector<16xf32>, vector<16xf32>, vector<16xf32>, vector<16xf32>, vector<16xf32>, vector<16xf32>, vector<16xf32>
      }
      %scan3A_913 = arith.constant 64 : i32
      %mul3A_914 = arith.constant 1024 : i32
      %mul3A_915 = arith.muli %add3A_845, %mul3A_914 : i32
      %add3A_916 = arith.addi %mul3A_2, %mul3A_915 : i32
      %dma_start3A_917 = tpu.memref_slice %arg5[%add3A_916] : memref<8388608xf32, #tpu.memory_space<hbm>> -> memref<1024xf32, #tpu.memory_space<hbm>>
      %dma_start3A_918 = tpu.memref_slice %arg5[%add3A_916] : memref<8388608xf32, #tpu.memory_space<hbm>> -> memref<1024xf32, #tpu.memory_space<hbm>>
      tpu.enqueue_dma source(%arg18 : memref<1024xf32, #tpu.memory_space<vmem>>) target(%dma_start3A_918 : memref<1024xf32, #tpu.memory_space<hbm>>) target_semaphore(%arg30 : memref<!tpu.dma_semaphore, #tpu.memory_space<semaphore_mem>>)
      %convert_element_type3A_919 = arith.extui %lt3A_338 : i1 to i32
      %cond3A_920 = arith.constant 0 : i32
      %cond3A_921 = arith.cmpi ne, %convert_element_type3A_919, %cond3A_920 : i32
      scf.if %cond3A_921 {
        %add3A_922 = arith.constant 7 : i32
        %add3A_923 = arith.addi %mul3A_335, %add3A_922 : i32
        %mul3A_924 = arith.constant 1024 : i32
        %mul3A_925 = arith.muli %add3A_923, %mul3A_924 : i32
        %add3A_926 = arith.addi %mul3A_2, %mul3A_925 : i32
        %dma_start3A_927 = tpu.memref_slice %arg2[%add3A_926] : memref<8388608xf32, #tpu.memory_space<hbm>> -> memref<1024xf32, #tpu.memory_space<hbm>>
        %dma_start3A_928 = tpu.memref_slice %arg2[%add3A_926] : memref<8388608xf32, #tpu.memory_space<hbm>> -> memref<1024xf32, #tpu.memory_space<hbm>>
        tpu.enqueue_dma source(%dma_start3A_928 : memref<1024xf32, #tpu.memory_space<hbm>>) target(%arg10 : memref<1024xf32, #tpu.memory_space<vmem>>) target_semaphore(%arg28 : memref<!tpu.dma_semaphore, #tpu.memory_space<semaphore_mem>>)
      } else {
      }
    }
    %scan3A_324 = arith.constant 64 : i32
    %dma_wait3A_325 = arith.constant 0 : i32
    %dma_wait3A_326 = tpu.memref_slice %arg2[%dma_wait3A_325] : memref<8388608xf32, #tpu.memory_space<hbm>> -> memref<1024xf32, #tpu.memory_space<hbm>>
    %dma_wait3A_327 = arith.constant 0 : i32
    %dma_wait3A_328 = tpu.memref_slice %arg2[%dma_wait3A_327] : memref<8388608xf32, #tpu.memory_space<hbm>> -> memref<1024xf32, #tpu.memory_space<hbm>>
    tpu.wait_dma2 semaphore(%arg29 : memref<!tpu.dma_semaphore, #tpu.memory_space<semaphore_mem>>) src(%dma_wait3A_328 : memref<1024xf32, #tpu.memory_space<hbm>>) dst(%arg17 : memref<1024xf32, #tpu.memory_space<vmem>>)
    %dma_wait3A_329 = arith.constant 0 : i32
    %dma_wait3A_330 = tpu.memref_slice %arg2[%dma_wait3A_329] : memref<8388608xf32, #tpu.memory_space<hbm>> -> memref<1024xf32, #tpu.memory_space<hbm>>
    %dma_wait3A_331 = arith.constant 0 : i32
    %dma_wait3A_332 = tpu.memref_slice %arg2[%dma_wait3A_331] : memref<8388608xf32, #tpu.memory_space<hbm>> -> memref<1024xf32, #tpu.memory_space<hbm>>
    tpu.wait_dma2 semaphore(%arg30 : memref<!tpu.dma_semaphore, #tpu.memory_space<semaphore_mem>>) src(%dma_wait3A_332 : memref<1024xf32, #tpu.memory_space<hbm>>) dst(%arg18 : memref<1024xf32, #tpu.memory_space<vmem>>)
    return
  }
}

</mosaic_0001>

<sc_bundles>
// kernel: kernel.3.cloned.1.call-start
scs
__scs_entry_jumppad:
0x0: {  	(pc) =	sbr.rel $0x88, $3  }
0x1: {  	(tag) =	ssettag $0x0;
	lr =	simm.s32 $0x1  }
0x2: {  	[smem:$0x3F9F] =	sst lr;
	_ =	strace $0xD0000000  }
0x3: {  	_ = 	snop  }
0x4: {  	_ = 	snop  }
0x5: {  	_ = 	snop  }
0x6: {  	_ = 	snop  }
0x7: {  	_ = 	snop  }
__scs_overlays_trampoline_lowered:
0x8: {  	[smem:$0x3FAE] =	sst s0  }
0x9: {  	[smem:$0x3FAF] =	sst s1  }
0xa: {  	[smem:$0x3FB0] =	sst s2  }
0xb: {  	[smem:$0x3FB1] =	sst s3  }
0xc: {  	[smem:$0x3FB2] =	sst s4  }
0xd: {  	[smem:$0x3FB3] =	sst s5  }
0xe: {  	[smem:$0x3FB4] =	sst s6  }
0xf: {  	[smem:$0x3FB5] =	sst s7  }
0x10: {  	[smem:$0x3FB6] =	sst s8  }
0x11: {  	[smem:$0x3FB7] =	sst s9;
	s0 =	simm.s32 @!p0 $0x0  }
0x12: {  	s1 =	sld [smem:$0x3F9D];
	s0 =	simm.s32 @p0 $0x1  }
0x13: {  	[smem:$0x3FB8] =	sst s0;
	s0 =	simm.s32 @!p1 $0x0  }
0x14: {  	s2 =	sld [smem:$0x3F9C];
	s0 =	simm.s32 @p1 $0x1  }
0x15: {  	[smem:$0x3FB9] =	sst s0;
	s0 =	simm.s32 @!p2 $0x0  }
0x16: {  	s3 =	sld [smem:$0x3FDB];
	s0 =	simm.s32 @p2 $0x1  }
0x17: {  	s4 =	simm.s32 $0x1BF5;
	[smem:$0x3FBB] =	sst s0  }
0x18: {  	s0 =	sld [smem:$0x3F9E];
	_ =	swait.ge [sflag:s4], $0x0  }
0x19: {  	s7 =	sld [smem:$0x3F9F]  }
0x1a: {  	s8 =	sadd.s32 $0xFFFFE003, lr  }
0x1b: {  	s9 =	sadd.s32 $0xFFFFFEF7, lr;
	s5 =	simm.s32 $0xFFFFFFFF;
	p2 =	slt.u32 s8, $0xFFFFF086  }
0x1c: {  	p1 =	slt.u32 s9, $0xF7A;
	s5 =	simm.s32 @!p2 $0x0  }
0x1d: {  	s5 =	simm.s32 @p1 $0x1;
	p0 =	seq.s32 s7, s2  }
0x1e: {  	s7 =	smul.u32 @!p0 $0xF7A, s2;
	p2 =	seq.s32 @!p0 s5, $0x0  }
0x1f: {  	s9 =	smul.u32 $0xF7A, s1;
	s8 =	simm.s32 @!p0 $0x1BF5;
	p2 =	por !p2, p0  }
0x20: {  	[sflag:s8] =	ssyncset.s32 @!p0 $0xFFFFF086;
	s6 =	sadd.s32 @!p0 s3, s7;
	s7 =	simm.s32 @!p0 $0x108  }
0x21: {  	s3 =	sadd.s32 s3, s9;
	s6 =	sadd.s32 @!p0 $0x88, s6;
	s7 =	simm.s32 @p2 $0x1082  }
0x22: {  	[simem:s7], [sflag:s8] =	dma.local @!p0 [hbm:s6], $0xF7A  }
0x23: {  	s9 =	sor.u32 $0xD0000000, s2;
	s6 =	simm.s32 $0x108;
	_ =	swait.ge @!p0 [sflag:s8], $0x0  }
0x24: {  	s3 =	sadd.s32 $0x88, s3;
	s6 =	simm.s32 @!p1 $0x1082;
	[sflag:s4] =	ssyncset.s32 $0xFFFFF086  }
0x25: {  	[simem:s6], [sflag:s4] =	dma.local [hbm:s3], $0xF7A  }
0x26: {  	[smem:$0x3F9F] =	sst s1;
	(tag) =	ssettag s2;
	_ =	strace s9  }
0x27: {  	s1 =	sld [smem:$0x3FAF]  }
0x28: {  	s2 =	sld [smem:$0x3FB0]  }
0x29: {  	s4 =	sld [smem:$0x3FB2]  }
0x2a: {  	p0 =	seq.s32 s5, $0x0;
	s5 =	sld [smem:$0x3FB3]  }
0x2b: {  	s6 =	sld [smem:$0x3FB4]  }
0x2c: {  	s7 =	sld [smem:$0x3FB5]  }
0x2d: {  	s3 =	simm.s32 $0x108;
	s8 =	sld [smem:$0x3FB6]  }
0x2e: {  	s3 =	simm.s32 @!p0 $0x1082;
	s9 =	sld [smem:$0x3FB7]  }
0x2f: {  	lr =	sadd.s32 s0, s3;
	s0 =	sld [smem:$0x3FAE]  }
0x30: {  	s3 =	sld [smem:$0x3FB1]  }
0x31: {  	[smem:$0x3FBA] =	sst s10  }
0x32: {  	s10 =	sld [smem:$0x3FB8];
	_ =	sdelay $0x3  }
0x33: {  	p0 =	seq.s32 s10, $0x1;
	s10 =	sld [smem:$0x3FBA];
	_ =	sdelay $0x3  }
0x34: {  	[smem:$0x3FBA] =	sst s10  }
0x35: {  	s10 =	sld [smem:$0x3FB9];
	_ =	sdelay $0x3  }
0x36: {  	p1 =	seq.s32 s10, $0x1;
	s10 =	sld [smem:$0x3FBA];
	_ =	sdelay $0x3  }
0x37: {  	[smem:$0x3FBA] =	sst s10  }
0x38: {  	s10 =	sld [smem:$0x3FBB]  }
0x39: {  	_ = 	snop;
	(pc) =	sbr.ind lr, $3  }
0x3a: {  	_ = 	snop  }
0x3b: {  	_ = 	snop  }
0x3c: {  	p2 =	seq.s32 s10, $0x1;
	s10 =	sld [smem:$0x3FBA]  }
0x3d: {  	_ =	shalt  }
0x3e: {  	_ =	shalt  }
0x3f: {  	_ =	shalt  }
0x40: {  	_ =	shalt  }
0x41: {  	_ =	shalt  }
0x42: {  	_ =	shalt  }
0x43: {  	_ =	shalt  }
0x44: {  	_ =	shalt  }
0x45: {  	_ =	shalt  }
0x46: {  	_ =	shalt  }
0x47: {  	_ =	shalt  }
0x48: {  	_ =	shalt  }
0x49: {  	_ =	shalt  }
0x4a: {  	_ =	shalt  }
0x4b: {  	_ =	shalt  }
0x4c: {  	_ =	shalt  }
0x4d: {  	_ =	shalt  }
0x4e: {  	_ =	shalt  }
0x4f: {  	_ =	shalt  }
0x50: {  	_ =	shalt  }
0x51: {  	_ =	shalt  }
0x52: {  	_ =	shalt  }
0x53: {  	_ =	shalt  }
0x54: {  	_ =	shalt  }
0x55: {  	_ =	shalt  }
0x56: {  	_ =	shalt  }
0x57: {  	_ =	shalt  }
0x58: {  	_ =	shalt  }
0x59: {  	_ =	shalt  }
0x5a: {  	_ =	shalt  }
0x5b: {  	_ =	shalt  }
0x5c: {  	_ =	shalt  }
0x5d: {  	_ =	shalt  }
0x5e: {  	_ =	shalt  }
0x5f: {  	_ =	shalt  }
0x60: {  	_ =	shalt  }
0x61: {  	_ =	shalt  }
0x62: {  	_ =	shalt  }
0x63: {  	_ =	shalt  }
0x64: {  	_ =	shalt  }
0x65: {  	_ =	shalt  }
0x66: {  	_ =	shalt  }
0x67: {  	_ =	shalt  }
0x68: {  	_ =	shalt  }
0x69: {  	_ =	shalt  }
0x6a: {  	_ =	shalt  }
0x6b: {  	_ =	shalt  }
0x6c: {  	_ =	shalt  }
0x6d: {  	_ =	shalt  }
0x6e: {  	_ =	shalt  }
0x6f: {  	_ =	shalt  }
0x70: {  	_ =	shalt  }
0x71: {  	_ =	shalt  }
0x72: {  	_ =	shalt  }
0x73: {  	_ =	shalt  }
0x74: {  	_ =	shalt  }
0x75: {  	_ =	shalt  }
0x76: {  	_ =	shalt  }
0x77: {  	_ =	shalt  }
0x78: {  	_ =	shalt  }
0x79: {  	_ =	shalt  }
0x7a: {  	_ =	shalt  }
0x7b: {  	_ =	shalt  }
0x7c: {  	_ =	shalt  }
0x7d: {  	_ =	shalt  }
0x7e: {  	_ =	shalt  }
0x7f: {  	_ =	shalt  }
0x80: {  	_ =	shalt  }
0x81: {  	_ =	shalt  }
0x82: {  	_ =	shalt  }
0x83: {  	_ =	shalt  }
0x84: {  	_ =	shalt  }
0x85: {  	_ =	shalt  }
0x86: {  	_ =	shalt  }
0x87: {  	_ =	shalt  }
.Lfunc_end0:
.L_simem_size_0:
called_computation_lowered:
.L_overlay_start_0:
0x88: {  	s2 =	sld [smem:$0x3FD9]  }
0x89: {  	s3 =	sld [smem:$0x3FFE];
	_ =	sdelay $0x1  }
0x8a: {  	s1 =	srdreg.scid  }
0x8b: {  	s0 =	sand.u32 $0x1, s1  }
0x8c: {  	s17 =	sshll.u32 s0, $0xA;
	s2 =	sadd.s32 s3, s2  }
0x8d: {  	s2 =	sadd.s32 s2, s17  }
0x8e: {  	[smem:$0x3FC6] =	sst s2  }
0x8f: {  	_ = 	snop  }
0x90: {  	s2 =	sld [smem:$0x3FC9]  }
0x91: {  	s18 =	sld [smem:$0x3FD0];
	(tm) =	ssettm $0x1  }
0x92: {  	s4 =	sld [smem:$0x3FFB];
	_ =	sdelay $0x3  }
0x93: {  	_ =	strace s4  }
0x94: {  	s4 =	sld [smem:$0x3FFC];
	_ =	sdelay $0x3  }
0x95: {  	_ =	strace s4  }
0x96: {  	s4 =	sld [smem:$0x3FFD];
	_ =	sdelay $0x3  }
0x97: {  	_ =	strace s4  }
0x98: {  	_ =	strace $0x8FFFFFFF  }
0x99: {  	s19 =	sld [smem:$0x3FDB];
	_ =	sdelay $0x1  }
0x9a: {  	s5 =	simm.s32 $_scs_section_size  }
0x9b: {  	s6 =	simm.s32 $_size__tile_overlayer_lowered;
	s7 =	simm.s32 $_tile_overlayer_lowered  }
0x9c: {  	s22 =	simm.s32 $0x1BFF;
	s21 =	sshll.u32 s7, $0x1;
	s4 =	sadd.s32 s5, s19  }
0x9d: {  	s8 =	simm.s32 $0x0;
	s20 =	sshll.u32 s6, $0x1;
	s6 =	sadd.s32 s21, s4  }
0x9e: {  	[timem:s8], [sflag:s22] =	dma.local [hbm:s6], s20  }
0x9f: {  	_ =	swait.ge [sflag:s22], s20  }
0xa0: {  	s5 =	ssub.s32 $0x0, s20;
	[sflag:s22] =	ssyncset.done $0x0  }
0xa1: {  	[sflag:s22] =	ssyncadd.s32 s5;
	_ =	sdelay $0x1  }
0xa2: {  	s23 =	simm.s32 $0x1B8B  }
0xa3: {  	_ =	swait.ge [sflag:s23], $0x1  }
0xa4: {  	[sflag:s23] =	ssyncset.done $0x0  }
0xa5: {  	s25 =	simm.s32 $0x1B8E;
	s24 =	sld [smem:$0x3FFE];
	[sflag:s23] =	ssyncadd.s32 $0xFFFFFFFF  }
0xa6: {  	s26 =	simm.s32 $execute0_lowered;
	[smem:$0x3FD2] =	sst s25  }
0xa7: {  	s6 =	sshll.u32 s26, $0x1;
	_ =	strace $0x80000046;
	[dreg:$0x1] =	wrdreg $0xFFFFFFFF  }
0xa8: {  	s28 =	simm.s32 $_size_execute0_lowered;
	s4 =	sadd.s32 s4, s6;
	[dreg:$0x0] =	wrdreg $0x0  }
0xa9: {  	s6 =	sshll.u32 s28, $0x1;
	[dreg:$0x2] =	wrdreg s4  }
0xaa: {  	[dreg:$0x3] =	wrdreg s6  }
0xab: {  	[dreg:$0x4] =	wrdreg $0xC0  }
0xac: {  	_ =	task [dreg:s8], $0x5FFFF  }
0xad: {  	[dreg:$0x1] =	wrdreg $0xFFFFFFFF  }
0xae: {  	[dreg:$0x0] =	wrdreg $0x60  }
0xaf: {  	[dreg:$0x2] =	wrdreg s2  }
0xb0: {  	[dreg:$0x3] =	wrdreg s24  }
0xb1: {  	[dreg:$0x4] =	wrdreg s18  }
0xb2: {  	[dreg:$0x5] =	wrdreg $0x9  }
0xb3: {  	_ =	task.clear_ibuf [dreg:s8], $0x6FFFF;
	_ =	strace $0x90000046  }
0xb4: {  	s29 =	simm.s32 $0x9;
	_ =	strace $0x80000048  }
0xb5: {  	_ =	swait.ge [sflag:s29], $0x1  }
0xb6: {  	[sflag:s29] =	ssyncadd.s32 $0xFFFFFFFF  }
0xb7: {  	_ =	strace $0x90000048  }
0xb8: {  	_ =	sfence  }
0xb9: {  	s30 =	sld [smem:$0x0];
	_ =	sdelay $0x2  }
0xba: {  	s31 =	sshll.u32 s1, $0xD;
	s1 =	sshrl.u32 s1, $0x2  }
0xbb: {  	s3 =	sand.u32 $0x4000, s31;
	s1 =	sadd.s32 s1, s30  }
0xbc: {  	s0 =	sor.u32 s3, s0;
	s1 =	sshll.u32 s1, $0x11  }
0xbd: {  	s0 =	sor.u32 s1, s0  }
0xbe: {  	s0 =	sadd.s32 $0x8F2B, s0  }
0xbf: {  	[sflag:s0] =	ssyncadd.remote.s32 $0x1  }
0xc0: {  	_ =	sfence.sel $0xFFFF  }
0xc1: {  	[dreg:$0x0] =	wrdreg $0xFFFFFFFF;
	(pc) =	sbr.abs _section_cstart, $3  }
0xc2: {  	[dreg:$0x1] =	wrdreg $0xFFFFFFFF  }
0xc3: {  	_ =	task.clear_ibuf [dreg:s8], $0x2FFFF;
	_ =	strace $0x9FFFFFFF  }
0xc4: {  	(tm) =	ssettm $0x7FFFFFFF  }
0xc5: {  	_ =	shalt  }
tec
execute0_lowered:
.L_overlay_start_1:
0x0: {  	(tag) =	ssettag $0x1  }
0x1: {  	s1 =	rddreg [dreg:$0x0]  }
0x2: {  	s0 =	rddreg [dreg:$0x1];
	s3 =	simm.s32 $0x0  }
0x3: {  	s2 =	srdreg.scid;
	s10 =	stileid.u32;
	s30 =	simm.s32 $0x9  }
0x4: {  	s29 =	simm.s32 $0x80;
	s31 =	simm.s32 $0x1680;
	s9 =	smul.u32 $0x1E85, s10  }
0x5: {  	[smem:$0x7FF] =	sst s3;
	s22 =	sshll.u32 s10, $0x13;
	s10 =	smul.u32 $0x7A14, s10  }
0x6: {  	s2 =	sand.u32 $0x1, s2;
	s4 =	sadd.s32 $0x1F400, s0;
	s5 =	sadd.s32 $0x3DE00, s0  }
0x7: {  	_ =	strace $0x80000047;
	s6 =	ssub.s32 $0x2, s2;
	s12 =	sadd.s32 s5, s10  }
0x8: {  	s2 =	sshll.u32 s2, $0x12;
	s10 =	sadd.s32 s4, s9;
	[dreg:$0x7] =	wrdreg s12  }
0x9: {  	s23 =	sadd.s32 $0x400, s9;
	s11 =	sor.u32 s2, s22;
	[dreg:$0x15] =	wrdreg s10  }
0xa: {  	s7 =	sadd.s32 $0xA00, s0;
	s24 =	sadd.s32 s4, s23;
	[dreg:$0x4] =	wrdreg s11  }
0xb: {  	s25 =	sadd.s32 $0x800, s9;
	s26 =	sadd.s32 s7, s23;
	[dreg:$0x5] =	wrdreg s24  }
0xc: {  	s28 =	simm.s32 $0x2;
	s13 =	sadd.s32 s4, s25;
	[dreg:$0x6] =	wrdreg s26  }
0xd: {  	s16 =	sadd.s32 $0xC00, s9;
	s14 =	sadd.s32 s7, s25;
	[dreg:$0x8] =	wrdreg s13  }
0xe: {  	s8 =	sshrl.u32 s6, $0x1;
	s17 =	sadd.s32 s4, s16;
	[dreg:$0x9] =	wrdreg s14  }
0xf: {  	s19 =	sadd.s32 $0x1000, s9;
	s18 =	sadd.s32 s7, s16;
	[dreg:$0xb] =	wrdreg s17  }
0x10: {  	s22 =	sadd.s32 $0x1400, s9;
	s20 =	sadd.s32 s4, s19;
	[dreg:$0xc] =	wrdreg s18  }
0x11: {  	s15 =	sshll.u32 s23, $0x2;
	s23 =	sadd.s32 s7, s19;
	[dreg:$0xe] =	wrdreg s20  }
0x12: {  	s2 =	sshll.u32 s25, $0x2;
	s25 =	sadd.s32 s7, s22;
	[dreg:$0xf] =	wrdreg s23  }
0x13: {  	s0 =	ssub.s32 s6, s8;
	s12 =	sadd.s32 s7, s9;
	[dreg:$0x12] =	wrdreg s25  }
0x14: {  	s21 =	sshll.u32 s16, $0x2;
	s6 =	sadd.s32 s5, s15;
	[dreg:$0x16] =	wrdreg s12  }
0x15: {  	s10 =	simm.s32 $0x7;
	s2 =	sadd.s32 s5, s2;
	[dreg:$0xa] =	wrdreg s6  }
0x16: {  	s24 =	sadd.s32 s4, s22;
	s26 =	sshll.u32 s22, $0x2;
	[dreg:$0xd] =	wrdreg s2  }
0x17: {  	s13 =	sadd.s32 $0x1800, s9;
	s0 =	smax.u32 s0, $0x1;
	[dreg:$0x11] =	wrdreg s24  }
0x18: {  	s14 =	sadd.s32 $0x1A85, s9;
	s23 =	sor.u32 $0x1000, s11;
	[dreg:$0x1e] =	wrdreg s0  }
0x19: {  	s18 =	sshrl.u32 s11, $0x3;
	s25 =	sor.u32 $0x1800, s11;
	[smem:$0x7FA] =	sst s23  }
0x1a: {  	s9 =	simm.s32 $0xE000;
	s6 =	sadd.s32 s5, s21;
	[smem:$0x7FC] =	sst s25  }
0x1b: {  	s2 =	sshll.u32 s19, $0x2;
	s8 =	sadd.s32 s5, s26;
	[dreg:$0x10] =	wrdreg s6  }
0x1c: {  	s15 =	sadd.s32 s4, s13;
	s4 =	sadd.s32 s4, s14;
	[dreg:$0x14] =	wrdreg s8  }
0x1d: {  	s16 =	sadd.s32 s7, s13;
	s17 =	sadd.s32 s7, s14;
	[dreg:$0x17] =	wrdreg s15  }
0x1e: {  	s19 =	sshll.u32 s14, $0x2;
	s24 =	sor.u32 $0x1400, s11;
	[dreg:$0x18] =	wrdreg s4  }
0x1f: {  	s26 =	sor.u32 $0x1C00, s11;
	s25 =	simm.s32 $0x14810;
	[dreg:$0x19] =	wrdreg s16  }
0x20: {  	s23 =	simm.s32 $0xA000;
	s14 =	simm.s32 $0xF000;
	[dreg:$0x1a] =	wrdreg s17  }
0x21: {  	s11 =	simm.s32 $0x8;
	s2 =	sadd.s32 s5, s2;
	[smem:$0x7FB] =	sst s24  }
0x22: {  	s4 =	sadd.s32 s1, s18;
	[smem:$0x7FD] =	sst s26;
	s8 =	simm.s32 $0x12800  }
0x23: {  	s26 =	simm.s32 $0x18830;
	s24 =	simm.s32 $0x4;
	s15 =	simm.s32 $0x1700  }
0x24: {  	s16 =	simm.s32 $0x10000;
	s17 =	simm.s32 $0x1780;
	s18 =	simm.s32 $0x11000  }
0x25: {  	s6 =	simm.s32 $0x6;
	[dreg:$0x13] =	wrdreg s2;
	s2 =	sshll.u32 s13, $0x2  }
0x26: {  	s20 =	sadd.s32 $0x80, s4;
	s21 =	sadd.s32 $0x100, s4;
	[dreg:$0x1c] =	wrdreg s4  }
0x27: {  	s22 =	sadd.s32 $0x180, s4;
	s13 =	simm.s32 $0x16820;
	[dreg:$0x1f] =	wrdreg s20  }
0x28: {  	s4 =	simm.s32 $0x0;
	s2 =	sadd.s32 s5, s2;
	[smem:$0x7F8] =	sst s21  }
0x29: {  	[smem:$0x7F9] =	sst s22;
	s20 =	simm.s32 $0x2000;
	s21 =	simm.s32 $0x12000  }
0x2a: {  	v0 =	vlaneseq.u32;
	s22 =	simm.s32 $0x5;
	[dreg:$0x1b] =	wrdreg s2;
	s2 =	sadd.s32 s5, s19  }
0x2b: {  	v0 =	vmul.u32 $0x20, v0;
	s19 =	simm.s32 $0x1;
	[dreg:$0x1d] =	wrdreg s2;
	s2 =	simm.s32 $0x12400  }
.LBB2_1:
0x2c: {  	[smem:$0x7F7] =	sst s4  }
0x2d: {  	s0 =	rddreg [dreg:$0x15]  }
0x2e: {  	[tilespmem:s8], [sflag:$0x9] =	stream.linear.gather [hbm4b:s0+s3], $0x2010, $0x38;
	[tilespmem:$0x1A840] =	vst v63  }
0x2f: {  	s12 =	rddreg [dreg:$0x16]  }
0x30: {  	[tilespmem:s13], [sflag:$0xB] =	stream.linear.gather [hbm4b:s12+s3], $0x2010, $0x38;
	[tilespmem:$0x1A840] =	vst v63  }
0x31: {  	s4 =	rddreg [dreg:$0x5]  }
0x32: {  	[tilespmem:s25], [sflag:$0xA] =	stream.linear.gather [hbm4b:s4+s3], $0x2010, $0x38;
	[tilespmem:$0x1A840] =	vst v63  }
0x33: {  	s7 =	rddreg [dreg:$0x6]  }
0x34: {  	[tilespmem:s26], [sflag:$0xC] =	stream.linear.gather [hbm4b:s7+s3], $0x2010, $0x38;
	[tilespmem:$0x1A840] =	vst v63  }
0x35: {  	_ =	swait.ge [sflag:s30], $0x2010  }
0x36: {  	[sflag:s30] =	ssyncset.done $0x0  }
0x37: {  	s12 =	simm.s32 $0xB;
	[sflag:s30] =	ssyncadd.s32 $0xFFFFDFF0  }
0x38: {  	_ =	swait.ge [sflag:s12], $0x2010  }
0x39: {  	[sflag:s12] =	ssyncset.done $0x0  }
0x3a: {  	s7 =	simm.s32 $0x12808;
	[sflag:s12] =	ssyncadd.s32 $0xFFFFDFF0  }
0x3b: {  	v1 =	vld [tilespmem:s7+$0xFFFFFFF8];
	_ =	sdelay $0x3  }
0x3c: {  	s0 =	simm.s32 $0x2020  }
0x3d: {  	s4 =	simm.s32 $0x16828;
	[tilespmem:s0+$0xFFFFFFE0] =	vst v1  }
0x3e: {  	v1 =	vld [tilespmem:s4+$0xFFFFFFF8];
	_ =	sdelay $0x4  }
0x3f: {  	[tilespmem:s0+$0xFFFFFFF0] =	vst v1  }
0x40: {  	v1 =	vld [tilespmem:s7+$0x0];
	_ =	sdelay $0x4  }
0x41: {  	[tilespmem:s0+$0x0] =	vst v1  }
0x42: {  	v1 =	vld [tilespmem:s4+$0x0];
	_ =	sdelay $0x4  }
0x43: {  	s12 =	simm.s32 $0x12818;
	s7 =	simm.s32 $0x0;
	[tilespmem:s0+$0x10] =	vst v1  }
.LBB2_2:
0x44: {  	v1 =	vld [tilespmem:s12+$0xFFFFFFF8];
	s7 =	sadd.s32 $0x2, s7  }
0x45: {  	p0 =	slt.u32 s7, $0x3FE;
	_ =	sdelay $0x2  }
0x46: {  	s0 =	sadd.s32 $0x40, s0  }
0x47: {  	s4 =	sadd.s32 $0x10, s4;
	[tilespmem:s0+$0xFFFFFFE0] =	vst v1  }
0x48: {  	v1 =	vld [tilespmem:s4+$0xFFFFFFF8];
	_ =	sdelay $0x4  }
0x49: {  	[tilespmem:s0+$0xFFFFFFF0] =	vst v1  }
0x4a: {  	v1 =	vld [tilespmem:s12+$0x0];
	_ =	sdelay $0x4  }
0x4b: {  	[tilespmem:s0+$0x0] =	vst v1  }
0x4c: {  	v1 =	vld [tilespmem:s4+$0x0]  }
.Ltmp0:
0x4d: {  	(pc) =	sbr.rel @p0 .LBB2_2-.Ltmp0, $2  }
0x4e: {  	_ =	sdelay $0x2  }
0x4f: {  	s12 =	sadd.s32 $0x10, s12;
	[tilespmem:s0+$0x10] =	vst v1  }
0x50: {  	s0 =	rddreg [dreg:$0x7]  }
0x51: {  	[hbm4b:s0+s3] =	stream.linear.scatter [tilespmem:s20], [sflag:$0xD], $0x8000, $0x38;
	[tilespmem:$0x1A840] =	vst v63  }
0x52: {  	s12 =	rddreg [dreg:$0x8]  }
0x53: {  	[tilespmem:s8], [sflag:$0x9] =	stream.linear.gather [hbm4b:s12+s3], $0x2010, $0x38;
	[tilespmem:$0x1A840] =	vst v63  }
0x54: {  	s4 =	rddreg [dreg:$0x9];
	s7 =	simm.s32 $0xA  }
0x55: {  	[tilespmem:s13], [sflag:$0xB] =	stream.linear.gather [hbm4b:s4+s3], $0x2010, $0x38;
	[tilespmem:$0x1A840] =	vst v63  }
0x56: {  	_ =	swait.ge [sflag:s7], $0x2010  }
0x57: {  	[sflag:s7] =	ssyncset.done $0x0  }
0x58: {  	s12 =	simm.s32 $0xC;
	[sflag:s7] =	ssyncadd.s32 $0xFFFFDFF0  }
0x59: {  	_ =	swait.ge [sflag:s12], $0x2010  }
0x5a: {  	[sflag:s12] =	ssyncset.done $0x0  }
0x5b: {  	s7 =	simm.s32 $0x14818;
	[sflag:s12] =	ssyncadd.s32 $0xFFFFDFF0  }
0x5c: {  	v1 =	vld [tilespmem:s7+$0xFFFFFFF8];
	_ =	sdelay $0x3  }
0x5d: {  	s0 =	simm.s32 $0xA020  }
0x5e: {  	s4 =	simm.s32 $0x18838;
	[tilespmem:s0+$0xFFFFFFE0] =	vst v1  }
0x5f: {  	v1 =	vld [tilespmem:s4+$0xFFFFFFF8];
	_ =	sdelay $0x4  }
0x60: {  	[tilespmem:s0+$0xFFFFFFF0] =	vst v1  }
0x61: {  	v1 =	vld [tilespmem:s7+$0x0];
	_ =	sdelay $0x4  }
0x62: {  	[tilespmem:s0+$0x0] =	vst v1  }
0x63: {  	v1 =	vld [tilespmem:s4+$0x0];
	_ =	sdelay $0x4  }
0x64: {  	s12 =	simm.s32 $0x14828;
	s7 =	simm.s32 $0x0;
	[tilespmem:s0+$0x10] =	vst v1  }
.LBB2_4:
0x65: {  	v1 =	vld [tilespmem:s12+$0xFFFFFFF8];
	s7 =	sadd.s32 $0x2, s7  }
0x66: {  	p0 =	slt.u32 s7, $0x3FE;
	_ =	sdelay $0x2  }
0x67: {  	s0 =	sadd.s32 $0x40, s0  }
0x68: {  	s4 =	sadd.s32 $0x10, s4;
	[tilespmem:s0+$0xFFFFFFE0] =	vst v1  }
0x69: {  	v1 =	vld [tilespmem:s4+$0xFFFFFFF8];
	_ =	sdelay $0x4  }
0x6a: {  	[tilespmem:s0+$0xFFFFFFF0] =	vst v1  }
0x6b: {  	v1 =	vld [tilespmem:s12+$0x0];
	_ =	sdelay $0x4  }
0x6c: {  	[tilespmem:s0+$0x0] =	vst v1  }
0x6d: {  	v1 =	vld [tilespmem:s4+$0x0]  }
.Ltmp1:
0x6e: {  	(pc) =	sbr.rel @p0 .LBB2_4-.Ltmp1, $2  }
0x6f: {  	_ =	sdelay $0x2  }
0x70: {  	s12 =	sadd.s32 $0x10, s12;
	[tilespmem:s0+$0x10] =	vst v1  }
0x71: {  	s0 =	rddreg [dreg:$0xa]  }
0x72: {  	[hbm4b:s0+s3] =	stream.linear.scatter [tilespmem:s23], [sflag:$0xE], $0x8000, $0x38;
	[tilespmem:$0x1A840] =	vst v63  }
0x73: {  	s12 =	rddreg [dreg:$0xb]  }
0x74: {  	[tilespmem:s25], [sflag:$0xA] =	stream.linear.gather [hbm4b:s12+s3], $0x2010, $0x38;
	[tilespmem:$0x1A840] =	vst v63  }
0x75: {  	s4 =	rddreg [dreg:$0xc]  }
0x76: {  	[tilespmem:s26], [sflag:$0xC] =	stream.linear.gather [hbm4b:s4+s3], $0x2010, $0x38;
	[tilespmem:$0x1A840] =	vst v63  }
0x77: {  	_ =	swait.ge [sflag:s30], $0x2010  }
0x78: {  	[sflag:s30] =	ssyncset.done $0x0  }
0x79: {  	s7 =	simm.s32 $0xB;
	[sflag:s30] =	ssyncadd.s32 $0xFFFFDFF0  }
0x7a: {  	_ =	swait.ge [sflag:s7], $0x2010  }
0x7b: {  	[sflag:s7] =	ssyncset.done $0x0  }
0x7c: {  	s12 =	simm.s32 $0xD;
	[sflag:s7] =	ssyncadd.s32 $0xFFFFDFF0  }
0x7d: {  	_ =	swait.ge [sflag:s12], $0x8000  }
0x7e: {  	[sflag:s12] =	ssyncset.done $0x0  }
0x7f: {  	s7 =	simm.s32 $0x12808;
	[sflag:s12] =	ssyncadd.s32 $0xFFFF8000  }
0x80: {  	v1 =	vld [tilespmem:s7+$0xFFFFFFF8];
	_ =	sdelay $0x3  }
0x81: {  	s0 =	simm.s32 $0x2020  }
0x82: {  	s4 =	simm.s32 $0x16828;
	[tilespmem:s0+$0xFFFFFFE0] =	vst v1  }
0x83: {  	v1 =	vld [tilespmem:s4+$0xFFFFFFF8];
	_ =	sdelay $0x4  }
0x84: {  	[tilespmem:s0+$0xFFFFFFF0] =	vst v1  }
0x85: {  	v1 =	vld [tilespmem:s7+$0x0];
	_ =	sdelay $0x4  }
0x86: {  	[tilespmem:s0+$0x0] =	vst v1  }
0x87: {  	v1 =	vld [tilespmem:s4+$0x0];
	_ =	sdelay $0x4  }
0x88: {  	s12 =	simm.s32 $0x12818;
	s7 =	simm.s32 $0x0;
	[tilespmem:s0+$0x10] =	vst v1  }
.LBB2_6:
0x89: {  	v1 =	vld [tilespmem:s12+$0xFFFFFFF8];
	s7 =	sadd.s32 $0x2, s7  }
0x8a: {  	p0 =	slt.u32 s7, $0x3FE;
	_ =	sdelay $0x2  }
0x8b: {  	s0 =	sadd.s32 $0x40, s0  }
0x8c: {  	s4 =	sadd.s32 $0x10, s4;
	[tilespmem:s0+$0xFFFFFFE0] =	vst v1  }
0x8d: {  	v1 =	vld [tilespmem:s4+$0xFFFFFFF8];
	_ =	sdelay $0x4  }
0x8e: {  	[tilespmem:s0+$0xFFFFFFF0] =	vst v1  }
0x8f: {  	v1 =	vld [tilespmem:s12+$0x0];
	_ =	sdelay $0x4  }
0x90: {  	[tilespmem:s0+$0x0] =	vst v1  }
0x91: {  	v1 =	vld [tilespmem:s4+$0x0]  }
.Ltmp2:
0x92: {  	(pc) =	sbr.rel @p0 .LBB2_6-.Ltmp2, $2  }
0x93: {  	_ =	sdelay $0x2  }
0x94: {  	s12 =	sadd.s32 $0x10, s12;
	[tilespmem:s0+$0x10] =	vst v1  }
0x95: {  	s0 =	rddreg [dreg:$0xd]  }
0x96: {  	[hbm4b:s0+s3] =	stream.linear.scatter [tilespmem:s20], [sflag:$0xD], $0x8000, $0x38;
	[tilespmem:$0x1A840] =	vst v63  }
0x97: {  	s7 =	rddreg [dreg:$0xe]  }
0x98: {  	[tilespmem:s8], [sflag:$0x9] =	stream.linear.gather [hbm4b:s7+s3], $0x2010, $0x38;
	[tilespmem:$0x1A840] =	vst v63  }
0x99: {  	s12 =	rddreg [dreg:$0xf];
	s4 =	simm.s32 $0xA  }
0x9a: {  	[tilespmem:s13], [sflag:$0xB] =	stream.linear.gather [hbm4b:s12+s3], $0x2010, $0x38;
	[tilespmem:$0x1A840] =	vst v63  }
0x9b: {  	_ =	swait.ge [sflag:s4], $0x2010  }
0x9c: {  	[sflag:s4] =	ssyncset.done $0x0  }
0x9d: {  	s7 =	simm.s32 $0xC;
	[sflag:s4] =	ssyncadd.s32 $0xFFFFDFF0  }
0x9e: {  	_ =	swait.ge [sflag:s7], $0x2010  }
0x9f: {  	[sflag:s7] =	ssyncset.done $0x0  }
0xa0: {  	s12 =	simm.s32 $0xE;
	[sflag:s7] =	ssyncadd.s32 $0xFFFFDFF0  }
0xa1: {  	_ =	swait.ge [sflag:s12], $0x8000  }
0xa2: {  	[sflag:s12] =	ssyncset.done $0x0  }
0xa3: {  	s7 =	simm.s32 $0x14818;
	[sflag:s12] =	ssyncadd.s32 $0xFFFF8000  }
0xa4: {  	v1 =	vld [tilespmem:s7+$0xFFFFFFF8];
	_ =	sdelay $0x3  }
0xa5: {  	s0 =	simm.s32 $0xA020  }
0xa6: {  	s4 =	simm.s32 $0x18838;
	[tilespmem:s0+$0xFFFFFFE0] =	vst v1  }
0xa7: {  	v1 =	vld [tilespmem:s4+$0xFFFFFFF8];
	_ =	sdelay $0x4  }
0xa8: {  	[tilespmem:s0+$0xFFFFFFF0] =	vst v1  }
0xa9: {  	v1 =	vld [tilespmem:s7+$0x0];
	_ =	sdelay $0x4  }
0xaa: {  	[tilespmem:s0+$0x0] =	vst v1  }
0xab: {  	v1 =	vld [tilespmem:s4+$0x0];
	_ =	sdelay $0x4  }
0xac: {  	s12 =	simm.s32 $0x14828;
	s7 =	simm.s32 $0x0;
	[tilespmem:s0+$0x10] =	vst v1  }
.LBB2_8:
0xad: {  	v1 =	vld [tilespmem:s12+$0xFFFFFFF8];
	s7 =	sadd.s32 $0x2, s7  }
0xae: {  	p0 =	slt.u32 s7, $0x3FE;
	_ =	sdelay $0x2  }
0xaf: {  	s0 =	sadd.s32 $0x40, s0  }
0xb0: {  	s4 =	sadd.s32 $0x10, s4;
	[tilespmem:s0+$0xFFFFFFE0] =	vst v1  }
0xb1: {  	v1 =	vld [tilespmem:s4+$0xFFFFFFF8];
	_ =	sdelay $0x4  }
0xb2: {  	[tilespmem:s0+$0xFFFFFFF0] =	vst v1  }
0xb3: {  	v1 =	vld [tilespmem:s12+$0x0];
	_ =	sdelay $0x4  }
0xb4: {  	[tilespmem:s0+$0x0] =	vst v1  }
0xb5: {  	v1 =	vld [tilespmem:s4+$0x0]  }
.Ltmp3:
0xb6: {  	(pc) =	sbr.rel @p0 .LBB2_8-.Ltmp3, $2  }
0xb7: {  	_ =	sdelay $0x2  }
0xb8: {  	s12 =	sadd.s32 $0x10, s12;
	[tilespmem:s0+$0x10] =	vst v1  }
0xb9: {  	s0 =	rddreg [dreg:$0x10]  }
0xba: {  	[hbm4b:s0+s3] =	stream.linear.scatter [tilespmem:s23], [sflag:$0xE], $0x8000, $0x38;
	[tilespmem:$0x1A840] =	vst v63  }
0xbb: {  	s12 =	rddreg [dreg:$0x11]  }
0xbc: {  	[tilespmem:s25], [sflag:$0xA] =	stream.linear.gather [hbm4b:s12+s3], $0x2010, $0x38;
	[tilespmem:$0x1A840] =	vst v63  }
0xbd: {  	s4 =	rddreg [dreg:$0x12]  }
0xbe: {  	[tilespmem:s26], [sflag:$0xC] =	stream.linear.gather [hbm4b:s4+s3], $0x2010, $0x38;
	[tilespmem:$0x1A840] =	vst v63  }
0xbf: {  	_ =	swait.ge [sflag:s30], $0x2010  }
0xc0: {  	[sflag:s30] =	ssyncset.done $0x0  }
0xc1: {  	s7 =	simm.s32 $0xB;
	[sflag:s30] =	ssyncadd.s32 $0xFFFFDFF0  }
0xc2: {  	_ =	swait.ge [sflag:s7], $0x2010  }
0xc3: {  	[sflag:s7] =	ssyncset.done $0x0  }
0xc4: {  	s12 =	simm.s32 $0xD;
	[sflag:s7] =	ssyncadd.s32 $0xFFFFDFF0  }
0xc5: {  	_ =	swait.ge [sflag:s12], $0x8000  }
0xc6: {  	[sflag:s12] =	ssyncset.done $0x0  }
0xc7: {  	s7 =	simm.s32 $0x12808;
	[sflag:s12] =	ssyncadd.s32 $0xFFFF8000  }
0xc8: {  	v1 =	vld [tilespmem:s7+$0xFFFFFFF8];
	_ =	sdelay $0x3  }
0xc9: {  	s0 =	simm.s32 $0x2020  }
0xca: {  	s4 =	simm.s32 $0x16828;
	[tilespmem:s0+$0xFFFFFFE0] =	vst v1  }
0xcb: {  	v1 =	vld [tilespmem:s4+$0xFFFFFFF8];
	_ =	sdelay $0x4  }
0xcc: {  	[tilespmem:s0+$0xFFFFFFF0] =	vst v1  }
0xcd: {  	v1 =	vld [tilespmem:s7+$0x0];
	_ =	sdelay $0x4  }
0xce: {  	[tilespmem:s0+$0x0] =	vst v1  }
0xcf: {  	v1 =	vld [tilespmem:s4+$0x0];
	_ =	sdelay $0x4  }
0xd0: {  	s12 =	simm.s32 $0x12818;
	s7 =	simm.s32 $0x0;
	[tilespmem:s0+$0x10] =	vst v1  }
.LBB2_10:
0xd1: {  	v1 =	vld [tilespmem:s12+$0xFFFFFFF8];
	s7 =	sadd.s32 $0x2, s7  }
0xd2: {  	p0 =	slt.u32 s7, $0x3FE;
	_ =	sdelay $0x2  }
0xd3: {  	s0 =	sadd.s32 $0x40, s0  }
0xd4: {  	s4 =	sadd.s32 $0x10, s4;
	[tilespmem:s0+$0xFFFFFFE0] =	vst v1  }
0xd5: {  	v1 =	vld [tilespmem:s4+$0xFFFFFFF8];
	_ =	sdelay $0x4  }
0xd6: {  	[tilespmem:s0+$0xFFFFFFF0] =	vst v1  }
0xd7: {  	v1 =	vld [tilespmem:s12+$0x0];
	_ =	sdelay $0x4  }
0xd8: {  	[tilespmem:s0+$0x0] =	vst v1  }
0xd9: {  	v1 =	vld [tilespmem:s4+$0x0]  }
.Ltmp4:
0xda: {  	(pc) =	sbr.rel @p0 .LBB2_10-.Ltmp4, $2  }
0xdb: {  	_ =	sdelay $0x2  }
0xdc: {  	s12 =	sadd.s32 $0x10, s12;
	[tilespmem:s0+$0x10] =	vst v1  }
0xdd: {  	s0 =	rddreg [dreg:$0x13]  }
0xde: {  	[hbm4b:s0+s3] =	stream.linear.scatter [tilespmem:s20], [sflag:$0xD], $0x8000, $0x38;
	[tilespmem:$0x1A840] =	vst v63  }
0xdf: {  	s4 =	rddreg [dreg:$0x17]  }
0xe0: {  	[tilespmem:s8], [sflag:$0x9] =	stream.linear.gather [hbm4b:s4+s3], $0x2010, $0x38;
	[tilespmem:$0x1A840] =	vst v63  }
0xe1: {  	s7 =	rddreg [dreg:$0x19];
	s8 =	simm.s32 $0xA  }
0xe2: {  	[tilespmem:s13], [sflag:$0xB] =	stream.linear.gather [hbm4b:s7+s3], $0x2010, $0x38;
	[tilespmem:$0x1A840] =	vst v63  }
0xe3: {  	_ =	swait.ge [sflag:s8], $0x2010  }
0xe4: {  	[sflag:s8] =	ssyncset.done $0x0  }
0xe5: {  	s12 =	simm.s32 $0xC;
	[sflag:s8] =	ssyncadd.s32 $0xFFFFDFF0  }
0xe6: {  	_ =	swait.ge [sflag:s12], $0x2010  }
0xe7: {  	[sflag:s12] =	ssyncset.done $0x0  }
0xe8: {  	s13 =	simm.s32 $0xE;
	[sflag:s12] =	ssyncadd.s32 $0xFFFFDFF0  }
0xe9: {  	_ =	swait.ge [sflag:s13], $0x8000  }
0xea: {  	[sflag:s13] =	ssyncset.done $0x0  }
0xeb: {  	s7 =	simm.s32 $0x14818;
	[sflag:s13] =	ssyncadd.s32 $0xFFFF8000  }
0xec: {  	v1 =	vld [tilespmem:s7+$0xFFFFFFF8];
	_ =	sdelay $0x3  }
0xed: {  	s0 =	simm.s32 $0xA020  }
0xee: {  	s4 =	simm.s32 $0x18838;
	[tilespmem:s0+$0xFFFFFFE0] =	vst v1  }
0xef: {  	v1 =	vld [tilespmem:s4+$0xFFFFFFF8];
	_ =	sdelay $0x4  }
0xf0: {  	[tilespmem:s0+$0xFFFFFFF0] =	vst v1  }
0xf1: {  	v1 =	vld [tilespmem:s7+$0x0];
	_ =	sdelay $0x4  }
0xf2: {  	[tilespmem:s0+$0x0] =	vst v1  }
0xf3: {  	v1 =	vld [tilespmem:s4+$0x0];
	_ =	sdelay $0x4  }
0xf4: {  	s12 =	simm.s32 $0x14828;
	s7 =	simm.s32 $0x0;
	[tilespmem:s0+$0x10] =	vst v1  }
.LBB2_12:
0xf5: {  	v1 =	vld [tilespmem:s12+$0xFFFFFFF8];
	s7 =	sadd.s32 $0x2, s7  }
0xf6: {  	p0 =	slt.u32 s7, $0x3FE;
	_ =	sdelay $0x2  }
0xf7: {  	s0 =	sadd.s32 $0x40, s0  }
0xf8: {  	s4 =	sadd.s32 $0x10, s4;
	[tilespmem:s0+$0xFFFFFFE0] =	vst v1  }
0xf9: {  	v1 =	vld [tilespmem:s4+$0xFFFFFFF8];
	_ =	sdelay $0x4  }
0xfa: {  	[tilespmem:s0+$0xFFFFFFF0] =	vst v1  }
0xfb: {  	v1 =	vld [tilespmem:s12+$0x0];
	_ =	sdelay $0x4  }
0xfc: {  	[tilespmem:s0+$0x0] =	vst v1  }
0xfd: {  	v1 =	vld [tilespmem:s4+$0x0]  }
.Ltmp5:
0xfe: {  	(pc) =	sbr.rel @p0 .LBB2_12-.Ltmp5, $2  }
0xff: {  	_ =	sdelay $0x2  }
0x100: {  	s12 =	sadd.s32 $0x10, s12;
	[tilespmem:s0+$0x10] =	vst v1  }
0x101: {  	s0 =	rddreg [dreg:$0x14]  }
0x102: {  	[hbm4b:s0+s3] =	stream.linear.scatter [tilespmem:s23], [sflag:$0xE], $0x8000, $0x38;
	[tilespmem:$0x1A840] =	vst v63  }
0x103: {  	s13 =	rddreg [dreg:$0x18]  }
0x104: {  	[tilespmem:s25], [sflag:$0xA] =	stream.linear.gather [hbm4b:s13+s3], $0x2010, $0x38;
	[tilespmem:$0x1A840] =	vst v63  }
0x105: {  	s25 =	rddreg [dreg:$0x1a]  }
0x106: {  	[tilespmem:s26], [sflag:$0xC] =	stream.linear.gather [hbm4b:s25+s3], $0x2010, $0x38;
	[tilespmem:$0x1A840] =	vst v63  }
0x107: {  	_ =	swait.ge [sflag:s30], $0x2010  }
0x108: {  	[sflag:s30] =	ssyncset.done $0x0  }
0x109: {  	s26 =	simm.s32 $0xB;
	[sflag:s30] =	ssyncadd.s32 $0xFFFFDFF0  }
0x10a: {  	_ =	swait.ge [sflag:s26], $0x2010  }
0x10b: {  	[sflag:s26] =	ssyncset.done $0x0  }
0x10c: {  	s30 =	simm.s32 $0xD;
	[sflag:s26] =	ssyncadd.s32 $0xFFFFDFF0  }
0x10d: {  	_ =	swait.ge [sflag:s30], $0x8000  }
0x10e: {  	[sflag:s30] =	ssyncset.done $0x0  }
0x10f: {  	s7 =	simm.s32 $0x12808;
	[sflag:s30] =	ssyncadd.s32 $0xFFFF8000  }
0x110: {  	v1 =	vld [tilespmem:s7+$0xFFFFFFF8];
	_ =	sdelay $0x3  }
0x111: {  	s0 =	simm.s32 $0x2020  }
0x112: {  	s4 =	simm.s32 $0x16828;
	[tilespmem:s0+$0xFFFFFFE0] =	vst v1  }
0x113: {  	v1 =	vld [tilespmem:s4+$0xFFFFFFF8];
	_ =	sdelay $0x4  }
0x114: {  	[tilespmem:s0+$0xFFFFFFF0] =	vst v1  }
0x115: {  	v1 =	vld [tilespmem:s7+$0x0];
	_ =	sdelay $0x4  }
0x116: {  	[tilespmem:s0+$0x0] =	vst v1  }
0x117: {  	v1 =	vld [tilespmem:s4+$0x0];
	_ =	sdelay $0x4  }
0x118: {  	s12 =	simm.s32 $0x12818;
	s7 =	simm.s32 $0x0;
	[tilespmem:s0+$0x10] =	vst v1  }
.LBB2_14:
0x119: {  	v1 =	vld [tilespmem:s12+$0xFFFFFFF8];
	s7 =	sadd.s32 $0x2, s7  }
0x11a: {  	p0 =	slt.u32 s7, $0x3FE;
	_ =	sdelay $0x2  }
0x11b: {  	s0 =	sadd.s32 $0x40, s0  }
0x11c: {  	s4 =	sadd.s32 $0x10, s4;
	[tilespmem:s0+$0xFFFFFFE0] =	vst v1  }
0x11d: {  	v1 =	vld [tilespmem:s4+$0xFFFFFFF8];
	_ =	sdelay $0x4  }
0x11e: {  	[tilespmem:s0+$0xFFFFFFF0] =	vst v1  }
0x11f: {  	v1 =	vld [tilespmem:s12+$0x0];
	_ =	sdelay $0x4  }
0x120: {  	[tilespmem:s0+$0x0] =	vst v1  }
0x121: {  	v1 =	vld [tilespmem:s4+$0x0]  }
.Ltmp6:
0x122: {  	(pc) =	sbr.rel @p0 .LBB2_14-.Ltmp6, $2  }
0x123: {  	_ =	sdelay $0x2  }
0x124: {  	s12 =	sadd.s32 $0x10, s12;
	[tilespmem:s0+$0x10] =	vst v1  }
0x125: {  	s0 =	rddreg [dreg:$0x1b];
	s25 =	simm.s32 $0xA  }
0x126: {  	[hbm4b:s0+s3] =	stream.linear.scatter [tilespmem:s20], [sflag:$0xD], $0x8000, $0x38;
	[tilespmem:$0x1A840] =	vst v63  }
0x127: {  	_ =	swait.ge [sflag:s25], $0x2010  }
0x128: {  	[sflag:s25] =	ssyncset.done $0x0  }
0x129: {  	s26 =	simm.s32 $0xC;
	[sflag:s25] =	ssyncadd.s32 $0xFFFFDFF0  }
0x12a: {  	_ =	swait.ge [sflag:s26], $0x2010  }
0x12b: {  	[sflag:s26] =	ssyncset.done $0x0  }
0x12c: {  	s30 =	simm.s32 $0xE;
	[sflag:s26] =	ssyncadd.s32 $0xFFFFDFF0  }
0x12d: {  	_ =	swait.ge [sflag:s30], $0x8000  }
0x12e: {  	[sflag:s30] =	ssyncset.done $0x0  }
0x12f: {  	s7 =	simm.s32 $0x14818;
	[sflag:s30] =	ssyncadd.s32 $0xFFFF8000  }
0x130: {  	v1 =	vld [tilespmem:s7+$0xFFFFFFF8];
	_ =	sdelay $0x3  }
0x131: {  	s0 =	simm.s32 $0xA020  }
0x132: {  	s4 =	simm.s32 $0x18838;
	[tilespmem:s0+$0xFFFFFFE0] =	vst v1  }
0x133: {  	v1 =	vld [tilespmem:s4+$0xFFFFFFF8];
	_ =	sdelay $0x4  }
0x134: {  	[tilespmem:s0+$0xFFFFFFF0] =	vst v1  }
0x135: {  	v1 =	vld [tilespmem:s7+$0x0];
	_ =	sdelay $0x4  }
0x136: {  	[tilespmem:s0+$0x0] =	vst v1  }
0x137: {  	v1 =	vld [tilespmem:s4+$0x0];
	_ =	sdelay $0x4  }
0x138: {  	s12 =	simm.s32 $0x14828;
	s7 =	simm.s32 $0x0;
	[tilespmem:s0+$0x10] =	vst v1  }
.LBB2_16:
0x139: {  	v1 =	vld [tilespmem:s12+$0xFFFFFFF8];
	s7 =	sadd.s32 $0x2, s7  }
0x13a: {  	p0 =	slt.u32 s7, $0x3FE;
	_ =	sdelay $0x2  }
0x13b: {  	s0 =	sadd.s32 $0x40, s0  }
0x13c: {  	s4 =	sadd.s32 $0x10, s4;
	[tilespmem:s0+$0xFFFFFFE0] =	vst v1  }
0x13d: {  	v1 =	vld [tilespmem:s4+$0xFFFFFFF8];
	_ =	sdelay $0x4  }
0x13e: {  	[tilespmem:s0+$0xFFFFFFF0] =	vst v1  }
0x13f: {  	v1 =	vld [tilespmem:s12+$0x0];
	_ =	sdelay $0x4  }
0x140: {  	[tilespmem:s0+$0x0] =	vst v1  }
0x141: {  	v1 =	vld [tilespmem:s4+$0x0]  }
.Ltmp7:
0x142: {  	(pc) =	sbr.rel @p0 .LBB2_16-.Ltmp7, $2  }
0x143: {  	_ =	sdelay $0x2  }
0x144: {  	s12 =	sadd.s32 $0x10, s12;
	[tilespmem:s0+$0x10] =	vst v1  }
0x145: {  	s0 =	rddreg [dreg:$0x1d];
	s8 =	simm.s32 $0xD  }
0x146: {  	[hbm4b:s0+s3] =	stream.linear.scatter [tilespmem:s23], [sflag:$0xE], $0x8000, $0x38;
	[tilespmem:$0x1A840] =	vst v63  }
0x147: {  	_ =	swait.ge [sflag:s8], $0x8000  }
0x148: {  	[sflag:s8] =	ssyncset.done $0x0  }
0x149: {  	s12 =	simm.s32 $0xE;
	[sflag:s8] =	ssyncadd.s32 $0xFFFF8000  }
0x14a: {  	_ =	swait.ge [sflag:s12], $0x8000  }
0x14b: {  	[sflag:s12] =	ssyncset.done $0x0  }
0x14c: {  	[sflag:s12] =	ssyncadd.s32 $0xFFFF8000  }
0x14d: {  	[bflag:$0x0] =	sbarrier.arrive $0xFFFF  }
0x14e: {  	s13 =	rddreg [dreg:$0x1c]  }
0x14f: {  	s25 =	rddreg [dreg:$0x1f]  }
0x150: {  	[tilespmem:s3], [sflag:$0x3] =	stream.linear.gather [hbm4b:s13+s3], $0x400, $0x38;
	[tilespmem:$0x1A840] =	vst v63  }
0x151: {  	s4 =	simm.s32 $0x400;
	s26 =	sld [smem:$0x7F8]  }
0x152: {  	[tilespmem:s4], [sflag:$0x4] =	stream.linear.gather [hbm4b:s25+s3], $0x400, $0x38;
	[tilespmem:$0x1A840] =	vst v63  }
0x153: {  	s30 =	simm.s32 $0x800;
	s7 =	sld [smem:$0x7F9]  }
0x154: {  	[tilespmem:s30], [sflag:$0x5] =	stream.linear.gather [hbm4b:s26+s3], $0x400, $0x38;
	[tilespmem:$0x1A840] =	vst v63  }
0x155: {  	s8 =	simm.s32 $0xC00;
	s12 =	simm.s32 $0x3  }
0x156: {  	[tilespmem:s8], [sflag:$0x6] =	stream.linear.gather [hbm4b:s7+s3], $0x400, $0x38;
	[tilespmem:$0x1A840] =	vst v63  }
0x157: {  	_ =	swait.ge [sflag:s12], $0x400  }
0x158: {  	[sflag:s12] =	ssyncset.done $0x0  }
0x159: {  	s13 =	simm.s32 $0x20;
	[sflag:s12] =	ssyncadd.s32 $0xFFFFFC00  }
0x15a: {  	v1 =	vld [tilespmem:s13+$0xFFFFFFE0];
	_ =	sdelay $0x4  }
0x15b: {  	v1 =	vmul.f32 $9.999990000e+05, v1;
	_ =	sdelay $0x1  }
0x15c: {  	v1 =	vtrunc.f32 v1  }
0x15d: {  	v1 =	vcvt.f32.s32 v1;
	_ =	sdelay $0x1  }
0x15e: {  	s25 =	simm.s32 $0x0;
	v2 =	vand.u32 $0x7, v1  }
0x15f: {  	s7 =	simm.s32 $0x1020;
	v1 =	vshra.s32 v1, $0x3;
	v2 =	vor.u32 s25, v2  }
0x160: {  	s12 =	simm.s32 $0x1820;
	[tilespmem:s7+$0xFFFFFFE0] =	vst v1;
	v1 =	vor.u32 v0, v2  }
0x161: {  	[tilespmem:s12+$0xFFFFFFE0] =	vst v1  }
0x162: {  	v1 =	vld [tilespmem:s13+$0xFFFFFFF0];
	_ =	sdelay $0x4  }
0x163: {  	v1 =	vmul.f32 $9.999990000e+05, v1;
	_ =	sdelay $0x1  }
0x164: {  	v1 =	vtrunc.f32 v1  }
0x165: {  	v1 =	vcvt.f32.s32 v1;
	_ =	sdelay $0x1  }
0x166: {  	s26 =	simm.s32 $0x200;
	v2 =	vand.u32 $0x7, v1  }
0x167: {  	v1 =	vshra.s32 v1, $0x3;
	v2 =	vor.u32 s26, v2  }
0x168: {  	[tilespmem:s7+$0xFFFFFFF0] =	vst v1;
	v1 =	vor.u32 v0, v2  }
0x169: {  	[tilespmem:s12+$0xFFFFFFF0] =	vst v1  }
0x16a: {  	v1 =	vld [tilespmem:s13+$0x0];
	_ =	sdelay $0x4  }
0x16b: {  	v1 =	vmul.f32 $9.999990000e+05, v1;
	_ =	sdelay $0x1  }
0x16c: {  	v1 =	vtrunc.f32 v1  }
0x16d: {  	v1 =	vcvt.f32.s32 v1;
	_ =	sdelay $0x1  }
0x16e: {  	s30 =	simm.s32 $0x400;
	v2 =	vand.u32 $0x7, v1  }
0x16f: {  	v1 =	vshra.s32 v1, $0x3;
	v2 =	vor.u32 s30, v2  }
0x170: {  	[tilespmem:s7+$0x0] =	vst v1;
	v1 =	vor.u32 v0, v2  }
0x171: {  	[tilespmem:s12+$0x0] =	vst v1  }
0x172: {  	v1 =	vld [tilespmem:s13+$0x10];
	_ =	sdelay $0x4  }
0x173: {  	v1 =	vmul.f32 $9.999990000e+05, v1;
	_ =	sdelay $0x1  }
0x174: {  	v1 =	vtrunc.f32 v1  }
0x175: {  	v1 =	vcvt.f32.s32 v1;
	_ =	sdelay $0x1  }
0x176: {  	s0 =	simm.s32 $0x600;
	v2 =	vand.u32 $0x7, v1  }
0x177: {  	v1 =	vshra.s32 v1, $0x3;
	v2 =	vor.u32 s0, v2  }
0x178: {  	s4 =	simm.s32 $0x0;
	s25 =	simm.s32 $0x1060;
	s13 =	simm.s32 $0x60;
	[tilespmem:s7+$0x10] =	vst v1;
	v1 =	vor.u32 v0, v2  }
.LBB2_18:
0x179: {  	s4 =	sadd.s32 $0x4, s4;
	[tilespmem:s12+$0x10] =	vst v1;
	s0 =	sadd.s32 $0x800, s0;
	s12 =	sadd.s32 $0x40, s12  }
0x17a: {  	v1 =	vld [tilespmem:s13+$0xFFFFFFE0];
	p0 =	slt.u32 s4, $0x3C;
	_ =	sdelay $0x4  }
0x17b: {  	v1 =	vmul.f32 $9.999990000e+05, v1;
	_ =	sdelay $0x1  }
0x17c: {  	v1 =	vtrunc.f32 v1  }
0x17d: {  	v1 =	vcvt.f32.s32 v1;
	_ =	sdelay $0x1  }
0x17e: {  	s7 =	sadd.s32 $0xFFFFFA00, s0;
	v2 =	vshra.s32 v1, $0x3;
	v1 =	vand.u32 $0x7, v1  }
0x17f: {  	v1 =	vor.u32 s7, v1  }
0x180: {  	[tilespmem:s25+$0xFFFFFFE0] =	vst v2;
	v1 =	vor.u32 v0, v1  }
0x181: {  	[tilespmem:s12+$0xFFFFFFE0] =	vst v1  }
0x182: {  	v1 =	vld [tilespmem:s13+$0xFFFFFFF0];
	_ =	sdelay $0x4  }
0x183: {  	v1 =	vmul.f32 $9.999990000e+05, v1;
	_ =	sdelay $0x1  }
0x184: {  	v1 =	vtrunc.f32 v1  }
0x185: {  	v1 =	vcvt.f32.s32 v1;
	_ =	sdelay $0x1  }
0x186: {  	s7 =	sadd.s32 $0xFFFFFC00, s0;
	v2 =	vshra.s32 v1, $0x3;
	v1 =	vand.u32 $0x7, v1  }
0x187: {  	v1 =	vor.u32 s7, v1  }
0x188: {  	[tilespmem:s25+$0xFFFFFFF0] =	vst v2;
	v1 =	vor.u32 v0, v1  }
0x189: {  	[tilespmem:s12+$0xFFFFFFF0] =	vst v1  }
0x18a: {  	v1 =	vld [tilespmem:s13+$0x0];
	_ =	sdelay $0x4  }
0x18b: {  	v1 =	vmul.f32 $9.999990000e+05, v1;
	_ =	sdelay $0x1  }
0x18c: {  	v1 =	vtrunc.f32 v1  }
0x18d: {  	v1 =	vcvt.f32.s32 v1;
	_ =	sdelay $0x1  }
0x18e: {  	s7 =	sadd.s32 $0xFFFFFE00, s0;
	v2 =	vshra.s32 v1, $0x3;
	v1 =	vand.u32 $0x7, v1  }
0x18f: {  	[tilespmem:s25+$0x0] =	vst v2;
	v1 =	vor.u32 s7, v1  }
0x190: {  	v1 =	vor.u32 v0, v1  }
0x191: {  	[tilespmem:s12+$0x0] =	vst v1  }
0x192: {  	v1 =	vld [tilespmem:s13+$0x10];
	_ =	sdelay $0x4  }
0x193: {  	v1 =	vmul.f32 $9.999990000e+05, v1;
	_ =	sdelay $0x1  }
0x194: {  	v1 =	vtrunc.f32 v1  }
.Ltmp8:
0x195: {  	v1 =	vcvt.f32.s32 v1;
	(pc) =	sbr.rel @p0 .LBB2_18-.Ltmp8, $4  }
0x196: {  	_ = 	snop  }
0x197: {  	v2 =	vshra.s32 v1, $0x3;
	v1 =	vand.u32 $0x7, v1  }
0x198: {  	[tilespmem:s25+$0x10] =	vst v2;
	v1 =	vor.u32 s0, v1  }
0x199: {  	s13 =	sadd.s32 $0x40, s13;
	s25 =	sadd.s32 $0x40, s25;
	v1 =	vor.u32 v0, v1  }
0x19a: {  	[tilespmem:s12+$0x10] =	vst v1;
	s0 =	simm.s32 $0x1000  }
0x19b: {  	[tilespmem:s20], [sflag:$0x1] =	stream.indirect.gather [hbm4b:s5+s29], $0x20, s0, s29, $0xb8;
	[tilespmem:$0x1A840] =	vst v63  }
0x19c: {  	s12 =	simm.s32 $0x1080;
	s4 =	simm.s32 $0x3000  }
0x19d: {  	[tilespmem:s4], [sflag:$0x1] =	stream.indirect.gather [hbm4b:s5+s29], $0x20, s12, s29, $0xb8;
	[tilespmem:$0x1A840] =	vst v63  }
0x19e: {  	s13 =	simm.s32 $0x1100;
	s25 =	simm.s32 $0x4000  }
0x19f: {  	[tilespmem:s25], [sflag:$0x1] =	stream.indirect.gather [hbm4b:s5+s29], $0x20, s13, s29, $0xb8;
	[tilespmem:$0x1A840] =	vst v63  }
0x1a0: {  	s26 =	simm.s32 $0x1180;
	s30 =	simm.s32 $0x5000  }
0x1a1: {  	[tilespmem:s30], [sflag:$0x1] =	stream.indirect.gather [hbm4b:s5+s29], $0x20, s26, s29, $0xb8;
	[tilespmem:$0x1A840] =	vst v63  }
0x1a2: {  	s7 =	simm.s32 $0x6000;
	s4 =	simm.s32 $0x1200  }
0x1a3: {  	[tilespmem:s7], [sflag:$0x1] =	stream.indirect.gather [hbm4b:s5+s29], $0x20, s4, s29, $0xb8;
	[tilespmem:$0x1A840] =	vst v63  }
0x1a4: {  	s8 =	simm.s32 $0x1280;
	s12 =	simm.s32 $0x7000  }
0x1a5: {  	[tilespmem:s12], [sflag:$0x1] =	stream.indirect.gather [hbm4b:s5+s29], $0x20, s8, s29, $0xb8;
	[tilespmem:$0x1A840] =	vst v63  }
0x1a6: {  	s13 =	simm.s32 $0x1300;
	s25 =	simm.s32 $0x8000  }
0x1a7: {  	[tilespmem:s25], [sflag:$0x1] =	stream.indirect.gather [hbm4b:s5+s29], $0x20, s13, s29, $0xb8;
	[tilespmem:$0x1A840] =	vst v63  }
0x1a8: {  	s26 =	simm.s32 $0x1380;
	s30 =	simm.s32 $0x9000  }
0x1a9: {  	[tilespmem:s30], [sflag:$0x1] =	stream.indirect.gather [hbm4b:s5+s29], $0x20, s26, s29, $0xb8;
	[tilespmem:$0x1A840] =	vst v63  }
0x1aa: {  	s26 =	simm.s32 $0x0  }
.LBB2_20:
0x1ab: {  	_ =	swait.ge [sflag:s24], $0x400  }
0x1ac: {  	[sflag:s24] =	ssyncset.done $0x0  }
0x1ad: {  	s0 =	simm.s32 $0x420;
	[sflag:s24] =	ssyncadd.s32 $0xFFFFFC00  }
0x1ae: {  	v1 =	vld [tilespmem:s0+$0xFFFFFFE0];
	_ =	sdelay $0x4  }
0x1af: {  	v1 =	vmul.f32 $9.999990000e+05, v1;
	_ =	sdelay $0x1  }
0x1b0: {  	v1 =	vtrunc.f32 v1  }
0x1b1: {  	v1 =	vcvt.f32.s32 v1;
	_ =	sdelay $0x1  }
0x1b2: {  	s4 =	simm.s32 $0x0;
	v2 =	vand.u32 $0x7, v1  }
0x1b3: {  	s7 =	simm.s32 $0x1420;
	v1 =	vshra.s32 v1, $0x3;
	v2 =	vor.u32 s4, v2  }
0x1b4: {  	s12 =	simm.s32 $0x1C20;
	[tilespmem:s7+$0xFFFFFFE0] =	vst v1;
	v1 =	vor.u32 v0, v2  }
0x1b5: {  	[tilespmem:s12+$0xFFFFFFE0] =	vst v1  }
0x1b6: {  	v1 =	vld [tilespmem:s0+$0xFFFFFFF0];
	_ =	sdelay $0x4  }
0x1b7: {  	v1 =	vmul.f32 $9.999990000e+05, v1;
	_ =	sdelay $0x1  }
0x1b8: {  	v1 =	vtrunc.f32 v1  }
0x1b9: {  	v1 =	vcvt.f32.s32 v1;
	_ =	sdelay $0x1  }
0x1ba: {  	s25 =	simm.s32 $0x200;
	v2 =	vand.u32 $0x7, v1  }
0x1bb: {  	v1 =	vshra.s32 v1, $0x3;
	v2 =	vor.u32 s25, v2  }
0x1bc: {  	[tilespmem:s7+$0xFFFFFFF0] =	vst v1;
	v1 =	vor.u32 v0, v2  }
0x1bd: {  	[tilespmem:s12+$0xFFFFFFF0] =	vst v1  }
0x1be: {  	v1 =	vld [tilespmem:s0+$0x0];
	_ =	sdelay $0x4  }
0x1bf: {  	v1 =	vmul.f32 $9.999990000e+05, v1;
	_ =	sdelay $0x1  }
0x1c0: {  	v1 =	vtrunc.f32 v1  }
0x1c1: {  	v1 =	vcvt.f32.s32 v1;
	_ =	sdelay $0x1  }
0x1c2: {  	s30 =	simm.s32 $0x400;
	v2 =	vand.u32 $0x7, v1  }
0x1c3: {  	v1 =	vshra.s32 v1, $0x3;
	v2 =	vor.u32 s30, v2  }
0x1c4: {  	[tilespmem:s7+$0x0] =	vst v1;
	v1 =	vor.u32 v0, v2  }
0x1c5: {  	[tilespmem:s12+$0x0] =	vst v1  }
0x1c6: {  	v1 =	vld [tilespmem:s0+$0x10];
	_ =	sdelay $0x4  }
0x1c7: {  	v1 =	vmul.f32 $9.999990000e+05, v1;
	_ =	sdelay $0x1  }
0x1c8: {  	v1 =	vtrunc.f32 v1  }
0x1c9: {  	v1 =	vcvt.f32.s32 v1;
	_ =	sdelay $0x1  }
0x1ca: {  	s0 =	simm.s32 $0x600;
	v2 =	vand.u32 $0x7, v1  }
0x1cb: {  	v1 =	vshra.s32 v1, $0x3;
	v2 =	vor.u32 s0, v2  }
0x1cc: {  	s13 =	simm.s32 $0x460;
	s4 =	simm.s32 $0x0;
	s25 =	simm.s32 $0x1460;
	[tilespmem:s7+$0x10] =	vst v1;
	v1 =	vor.u32 v0, v2  }
.LBB2_21:
0x1cd: {  	s4 =	sadd.s32 $0x4, s4;
	[tilespmem:s12+$0x10] =	vst v1;
	s0 =	sadd.s32 $0x800, s0;
	s12 =	sadd.s32 $0x40, s12  }
0x1ce: {  	v1 =	vld [tilespmem:s13+$0xFFFFFFE0];
	p0 =	slt.u32 s4, $0x3C;
	_ =	sdelay $0x4  }
0x1cf: {  	v1 =	vmul.f32 $9.999990000e+05, v1;
	_ =	sdelay $0x1  }
0x1d0: {  	v1 =	vtrunc.f32 v1  }
0x1d1: {  	v1 =	vcvt.f32.s32 v1;
	_ =	sdelay $0x1  }
0x1d2: {  	s7 =	sadd.s32 $0xFFFFFA00, s0;
	v2 =	vshra.s32 v1, $0x3;
	v1 =	vand.u32 $0x7, v1  }
0x1d3: {  	v1 =	vor.u32 s7, v1  }
0x1d4: {  	[tilespmem:s25+$0xFFFFFFE0] =	vst v2;
	v1 =	vor.u32 v0, v1  }
0x1d5: {  	[tilespmem:s12+$0xFFFFFFE0] =	vst v1  }
0x1d6: {  	v1 =	vld [tilespmem:s13+$0xFFFFFFF0];
	_ =	sdelay $0x4  }
0x1d7: {  	v1 =	vmul.f32 $9.999990000e+05, v1;
	_ =	sdelay $0x1  }
0x1d8: {  	v1 =	vtrunc.f32 v1  }
0x1d9: {  	v1 =	vcvt.f32.s32 v1;
	_ =	sdelay $0x1  }
0x1da: {  	s7 =	sadd.s32 $0xFFFFFC00, s0;
	v2 =	vshra.s32 v1, $0x3;
	v1 =	vand.u32 $0x7, v1  }
0x1db: {  	v1 =	vor.u32 s7, v1  }
0x1dc: {  	[tilespmem:s25+$0xFFFFFFF0] =	vst v2;
	v1 =	vor.u32 v0, v1  }
0x1dd: {  	[tilespmem:s12+$0xFFFFFFF0] =	vst v1  }
0x1de: {  	v1 =	vld [tilespmem:s13+$0x0];
	_ =	sdelay $0x4  }
0x1df: {  	v1 =	vmul.f32 $9.999990000e+05, v1;
	_ =	sdelay $0x1  }
0x1e0: {  	v1 =	vtrunc.f32 v1  }
0x1e1: {  	v1 =	vcvt.f32.s32 v1;
	_ =	sdelay $0x1  }
0x1e2: {  	s7 =	sadd.s32 $0xFFFFFE00, s0;
	v2 =	vshra.s32 v1, $0x3;
	v1 =	vand.u32 $0x7, v1  }
0x1e3: {  	[tilespmem:s25+$0x0] =	vst v2;
	v1 =	vor.u32 s7, v1  }
0x1e4: {  	v1 =	vor.u32 v0, v1  }
0x1e5: {  	[tilespmem:s12+$0x0] =	vst v1  }
0x1e6: {  	v1 =	vld [tilespmem:s13+$0x10];
	_ =	sdelay $0x4  }
0x1e7: {  	v1 =	vmul.f32 $9.999990000e+05, v1;
	_ =	sdelay $0x1  }
0x1e8: {  	v1 =	vtrunc.f32 v1  }
.Ltmp9:
0x1e9: {  	v1 =	vcvt.f32.s32 v1;
	(pc) =	sbr.rel @p0 .LBB2_21-.Ltmp9, $4  }
0x1ea: {  	_ = 	snop  }
0x1eb: {  	v2 =	vshra.s32 v1, $0x3;
	v1 =	vand.u32 $0x7, v1  }
0x1ec: {  	[tilespmem:s25+$0x10] =	vst v2;
	v1 =	vor.u32 s0, v1  }
0x1ed: {  	s13 =	sadd.s32 $0x40, s13;
	s25 =	sadd.s32 $0x40, s25;
	v1 =	vor.u32 v0, v1  }
0x1ee: {  	[tilespmem:s12+$0x10] =	vst v1;
	s0 =	simm.s32 $0x1400  }
0x1ef: {  	[tilespmem:s23], [sflag:$0x2] =	stream.indirect.gather [hbm4b:s5+s29], $0x20, s0, s29, $0xb8;
	[tilespmem:$0x1A840] =	vst v63  }
0x1f0: {  	s25 =	simm.s32 $0x1480;
	s4 =	simm.s32 $0xB000  }
0x1f1: {  	[tilespmem:s4], [sflag:$0x2] =	stream.indirect.gather [hbm4b:s5+s29], $0x20, s25, s29, $0xb8;
	[tilespmem:$0x1A840] =	vst v63  }
0x1f2: {  	s7 =	simm.s32 $0xC000;
	s4 =	simm.s32 $0x1500  }
0x1f3: {  	[tilespmem:s7], [sflag:$0x2] =	stream.indirect.gather [hbm4b:s5+s29], $0x20, s4, s29, $0xb8;
	[tilespmem:$0x1A840] =	vst v63  }
0x1f4: {  	s8 =	simm.s32 $0x1580;
	s12 =	simm.s32 $0xD000  }
0x1f5: {  	[tilespmem:s12], [sflag:$0x2] =	stream.indirect.gather [hbm4b:s5+s29], $0x20, s8, s29, $0xb8;
	[tilespmem:$0x1A840] =	vst v63  }
0x1f6: {  	s13 =	simm.s32 $0x1600  }
0x1f7: {  	[tilespmem:s9], [sflag:$0x2] =	stream.indirect.gather [hbm4b:s5+s29], $0x20, s13, s29, $0xb8;
	[tilespmem:$0x1A840] =	vst v63  }
0x1f8: {  	_ = 	snop  }
0x1f9: {  	[tilespmem:s14], [sflag:$0x2] =	stream.indirect.gather [hbm4b:s5+s29], $0x20, s31, s29, $0xb8;
	[tilespmem:$0x1A840] =	vst v63  }
0x1fa: {  	_ = 	snop  }
0x1fb: {  	[tilespmem:s16], [sflag:$0x2] =	stream.indirect.gather [hbm4b:s5+s29], $0x20, s15, s29, $0xb8;
	[tilespmem:$0x1A840] =	vst v63  }
0x1fc: {  	_ = 	snop  }
0x1fd: {  	[tilespmem:s18], [sflag:$0x2] =	stream.indirect.gather [hbm4b:s5+s29], $0x20, s17, s29, $0xb8;
	[tilespmem:$0x1A840] =	vst v63  }
0x1fe: {  	_ =	swait.ge [sflag:s19], $0x8000  }
0x1ff: {  	p1 =	seq.s32 s26, $0x0;
	[sflag:s19] =	ssyncset.done $0x0  }
0x200: {  	s0 =	simm.s32 @!p1 $0x7;
	[sflag:s19] =	ssyncadd.s32 $0xFFFF8000  }
0x201: {  	_ =	swait.ge @!p1 [sflag:s0], $0x400  }
0x202: {  	[sflag:s0] =	ssyncset.done @!p1 $0x0  }
0x203: {  	[sflag:s0] =	ssyncadd.s32 @!p1 $0xFFFFFC00  }
0x204: {  	v1 =	vld [tilespmem:$0x1800];
	_ =	sdelay $0x4  }
0x205: {  	v2 =	vadd.s32 $0x3, v1  }
0x206: {  	v3 =	vadd.s32 $0x5, v1  }
0x207: {  	v4 =	vadd.s32 $0x4, v1  }
0x208: {  	v5 =	vadd.s32 $0x2, v1  }
0x209: {  	v6 =	vld [tilespmem:$0x0];
	v7 =	vadd.s32 $0x1, v1  }
0x20a: {  	v2 =	vld.idx.msk [tilespmem:v2+s20+$0x0], $0xffff  }
0x20b: {  	v3 =	vld.idx.msk [tilespmem:v3+s20+$0x0], $0xffff  }
0x20c: {  	v4 =	vld.idx.msk [tilespmem:v4+s20+$0x0], $0xffff  }
0x20d: {  	v5 =	vld.idx.msk [tilespmem:v5+s20+$0x0], $0xffff  }
0x20e: {  	v7 =	vld.idx.msk [tilespmem:v7+s20+$0x0], $0xffff;
	_ =	sdelay $0x1  }
0x20f: {  	v8 =	vadd.s32 $0x6, v1  }
0x210: {  	v2 =	vsub.f32 v6, v2;
	v3 =	vsub.f32 v6, v3  }
0x211: {  	v4 =	vsub.f32 v6, v4;
	v5 =	vsub.f32 v6, v5  }
0x212: {  	v7 =	vsub.f32 v6, v7;
	v2 =	vmul.f32 v2, v2;
	v3 =	vmul.f32 v3, v3  }
0x213: {  	v9 =	vld.idx.msk [tilespmem:v1+s20+$0x0], $0xffff;
	v4 =	vmul.f32 v4, v4;
	v5 =	vmul.f32 v5, v5  }
0x214: {  	v8 =	vld.idx.msk [tilespmem:v8+s20+$0x0], $0xffff;
	v7 =	vmul.f32 v7, v7;
	v2 =	vmul.f32 $-9.999980290e+11, v2  }
0x215: {  	v3 =	vmul.f32 $-9.999980290e+11, v3;
	v4 =	vmul.f32 $-9.999980290e+11, v4  }
0x216: {  	s25 =	simm.s32 $0x1;
	v10 =	vadd.s32 $0x10, v1;
	v5 =	vmul.f32 $-9.999980290e+11, v5;
	v2 =	vmul.f32 $1.442695020e+00, v2  }
0x217: {  	s0 =	smin.u32 s25, $0x3F;
	v11 =	vadd.s32 $0x11, v1;
	v7 =	vmul.f32 $-9.999980290e+11, v7;
	v3 =	vmul.f32 $1.442695020e+00, v3  }
0x218: {  	s0 =	sshll.u32 s0, $0x4;
	v4 =	vmul.f32 $1.442695020e+00, v4;
	(erf) = vpow2.f32 v2;
	v2 =	vsub.f32 v6, v9  }
0x219: {  	v5 =	vmul.f32 $1.442695020e+00, v5;
	v6 =	vsub.f32 v6, v8;
	v8 =	vadd.s32 $0x12, v1;
	v9 =	vld [tilespmem:s0+$0x1800]  }
0x21a: {  	(erf) = vpow2.f32 v3;
	v3 =	vadd.s32 $0x13, v1;
	v2 =	vmul.f32 v2, v2  }
0x21b: {  	v14 =	vld [tilespmem:s0+$0x0];
	v12 =	vadd.s32 $0x14, v1;
	v7 =	vmul.f32 $1.442695020e+00, v7;
	v6 =	vmul.f32 v6, v6  }
0x21c: {  	(erf) = vpow2.f32 v5;
	v5 =	vld.idx.msk [tilespmem:v10+s20+$0x0], $0xffff;
	v10 =	vadd.s32 $0x15, v1;
	v2 =	vmul.f32 $-9.999980290e+11, v2  }
0x21d: {  	v11 =	vld.idx.msk [tilespmem:v11+s20+$0x0], $0xffff;
	v1 =	vadd.s32 $0x16, v1;
	(erf) = vpow2.f32 v4;
	v6 =	vmul.f32 $-9.999980290e+11, v6  }
0x21e: {  	v4 =	vld.idx.msk [tilespmem:v8+s20+$0x0], $0xffff;
	v8 =	vadd.s32 $0x5, v9;
	v2 =	vmul.f32 $1.442695020e+00, v2  }
0x21f: {  	(erf) = vpow2.f32 v7;
	v7 =	vadd.s32 $0x3, v9;
	v6 =	vmul.f32 $1.442695020e+00, v6;
	v3 =	vld.idx.msk [tilespmem:v3+s20+$0x0], $0xffff  }
0x220: {  	(erf) = vpow2.f32 v2;
	v2 =	vld.idx.msk [tilespmem:v12+s20+$0x0], $0xffff  }
0x221: {  	(erf) = vpow2.f32 v6;
	v6 =	vld.idx.msk [tilespmem:v10+s20+$0x0], $0xffff;
	v10 =	vadd.s32 $0x4, v9  }
0x222: {  	v12 =	vld.idx.msk [tilespmem:v1+s20+$0x0], $0xffff;
	v1 =	vadd.s32 $0x2, v9  }
0x223: {  	v13 =	vpop (erf);
	v8 =	vld.idx.msk [tilespmem:v8+s20+$0x0], $0xffff  }
0x224: {  	v16 =	vadd.s32 $0x11, v9;
	v19 =	vadd.s32 $0x6, v9;
	v15 =	vpop (erf);
	v7 =	vld.idx.msk [tilespmem:v7+s20+$0x0], $0xffff  }
0x225: {  	v17 =	vadd.s32 $0x10, v9;
	v18 =	vadd.s32 $0x1, v9;
	v21 =	vadd.s32 $0x12, v9;
	v20 =	vpop (erf)  }
0x226: {  	v23 =	vadd.s32 $0x14, v9;
	v58 =	vadd.s32 $0x15, v9;
	v3 =	vmul.f32 v13, v3;
	v22 =	vpop (erf);
	v10 =	vld.idx.msk [tilespmem:v10+s20+$0x0], $0xffff  }
0x227: {  	v59 =	vadd.s32 $0x16, v9;
	v4 =	vmul.f32 v20, v4;
	v24 =	vld.idx.msk [tilespmem:v1+s20+$0x0], $0xffff;
	v2 =	vmul.f32 v22, v2  }
0x228: {  	v1 =	vpop (erf);
	v6 =	vmul.f32 v15, v6;
	v15 =	vadd.s32 $0x13, v9;
	v8 =	vsub.f32 v14, v8  }
0x229: {  	v60 =	vld.idx.msk [tilespmem:v19+s20+$0x0], $0xffff;
	v11 =	vmul.f32 v1, v11;
	v3 =	vadd.f32 v3, v4;
	v7 =	vsub.f32 v14, v7;
	v25 =	vpop (erf)  }
0x22a: {  	v1 =	vld.idx.msk [tilespmem:v16+s20+$0x0], $0xffff;
	v6 =	vadd.f32 v6, v2;
	v8 =	vmul.f32 v8, v8;
	v5 =	vmul.f32 v25, v5;
	v13 =	vpop (erf)  }
0x22b: {  	v9 =	vld.idx.msk [tilespmem:v9+s20+$0x0], $0xffff;
	v4 =	vmul.f32 v7, v7;
	v12 =	vmul.f32 v13, v12;
	v7 =	vsub.f32 v14, v10  }
0x22c: {  	v10 =	vsub.f32 v14, v24;
	v13 =	vld.idx.msk [tilespmem:v18+s20+$0x0], $0xffff;
	v61 =	vmul.f32 $-9.999980290e+11, v8;
	v5 =	vadd.f32 v11, v5  }
0x22d: {  	v2 =	vld.idx.msk [tilespmem:v17+s20+$0x0], $0xffff;
	v11 =	vmul.f32 $-9.999980290e+11, v4;
	v7 =	vmul.f32 v7, v7  }
0x22e: {  	v4 =	vld.idx.msk [tilespmem:v21+s20+$0x0], $0xffff;
	v6 =	vadd.f32 v12, v6;
	v10 =	vmul.f32 v10, v10;
	v12 =	vadd.f32 v3, v5  }
0x22f: {  	v8 =	vsub.f32 v14, v60;
	v3 =	vld.idx.msk [tilespmem:v15+s20+$0x0], $0xffff;
	v15 =	vmul.f32 $1.442695020e+00, v11;
	v62 =	vmul.f32 $-9.999980290e+11, v7  }
0x230: {  	v5 =	vld.idx.msk [tilespmem:v23+s20+$0x0], $0xffff;
	v11 =	vmul.f32 $1.442695020e+00, v61;
	v63 =	vadd.f32 v6, v12;
	v12 =	vmul.f32 $-9.999980290e+11, v10  }
0x231: {  	s30 =	simm.s32 $0x12000;
	s7 =	simm.s32 $0x3;
	s12 =	simm.s32 $0x12000;
	v7 =	vld.idx.msk [tilespmem:v58+s20+$0x0], $0xffff;
	v13 =	vsub.f32 v14, v13;
	(erf) = vpow2.f32 v15;
	v10 =	vmul.f32 $1.442695020e+00, v62  }
0x232: {  	s13 =	sadd.s32 $0x1, s26;
	s25 =	sshll.u32 s26, $0xC;
	s0 =	simm.s32 $0x2;
	v6 =	vld.idx.msk [tilespmem:v59+s20+$0x0], $0xffff;
	v14 =	vsub.f32 v14, v9;
	v12 =	vmul.f32 $1.442695020e+00, v12;
	v9 =	vmul.f32 $5.641896130e-01, v63  }
.LBB2_23:
0x233: {  	s8 =	smin.u32 s0, $0x3F  }
0x234: {  	v13 =	vmul.f32 v13, v13;
	(erf) = vpow2.f32 v11;
	s12 =	sadd.s32 $0x10, s12;
	s0 =	smov.u32 s7;
	s4 =	sadd.s32 $0x1, s7  }
0x235: {  	p0 =	sne.s32 s7, $0x40;
	s7 =	sshll.u32 s8, $0x4;
	v11 =	vmul.f32 v14, v14;
	(erf) = vpow2.f32 v12;
	[tilespmem:s30+$0x0] =	vst v9;
	s30 =	smov.u32 s12  }
0x236: {  	v8 =	vmul.f32 v8, v8;
	v9 =	vld [tilespmem:s7+$0x1800];
	v12 =	vmul.f32 $-9.999980290e+11, v13  }
0x237: {  	v11 =	vmul.f32 $-9.999980290e+11, v11  }
0x238: {  	v8 =	vmul.f32 $-9.999980290e+11, v8;
	v12 =	vmul.f32 $1.442695020e+00, v12  }
0x239: {  	v13 =	vmul.f32 $1.442695020e+00, v11;
	(erf) = vpow2.f32 v10  }
0x23a: {  	v8 =	vmul.f32 $1.442695020e+00, v8;
	(erf) = vpow2.f32 v12  }
0x23b: {  	v10 =	vadd.s32 $0x3, v9;
	v12 =	vadd.s32 $0x5, v9;
	(erf) = vpow2.f32 v13;
	v11 =	vpop (erf)  }
0x23c: {  	v13 =	vadd.s32 $0x2, v9;
	v14 =	vadd.s32 $0x4, v9;
	(erf) = vpow2.f32 v8  }
0x23d: {  	v15 =	vadd.s32 $0x1, v9;
	v16 =	vadd.s32 $0x6, v9;
	v8 =	vadd.s32 $0x10, v9;
	v17 =	vpop (erf)  }
0x23e: {  	v19 =	vadd.s32 $0x11, v9;
	v20 =	vadd.s32 $0x12, v9;
	v18 =	vld [tilespmem:s7+$0x0];
	v7 =	vmul.f32 v17, v7;
	v17 =	vpop (erf)  }
0x23f: {  	v21 =	vadd.s32 $0x13, v9;
	v22 =	vadd.s32 $0x14, v9;
	v4 =	vmul.f32 v17, v4  }
0x240: {  	v23 =	vadd.s32 $0x16, v9;
	v17 =	vadd.s32 $0x15, v9;
	v10 =	vld.idx.msk [tilespmem:v10+s20+$0x0], $0xffff  }
0x241: {  	v12 =	vld.idx.msk [tilespmem:v12+s20+$0x0], $0xffff  }
0x242: {  	v14 =	vld.idx.msk [tilespmem:v14+s20+$0x0], $0xffff;
	v24 =	vpop (erf)  }
0x243: {  	v13 =	vld.idx.msk [tilespmem:v13+s20+$0x0], $0xffff;
	v5 =	vmul.f32 v24, v5;
	v24 =	vpop (erf)  }
0x244: {  	v3 =	vmul.f32 v11, v3;
	v24 =	vmul.f32 v24, v1;
	v1 =	vld.idx.msk [tilespmem:v19+s20+$0x0], $0xffff;
	v11 =	vpop (erf)  }
0x245: {  	v10 =	vsub.f32 v18, v10;
	v16 =	vld.idx.msk [tilespmem:v16+s20+$0x0], $0xffff;
	v11 =	vmul.f32 v11, v2;
	v5 =	vadd.f32 v7, v5;
	v7 =	vpop (erf)  }
0x246: {  	v3 =	vadd.f32 v3, v4;
	v12 =	vsub.f32 v18, v12;
	v2 =	vld.idx.msk [tilespmem:v8+s20+$0x0], $0xffff;
	v6 =	vmul.f32 v7, v6  }
0x247: {  	v7 =	vmul.f32 v10, v10;
	v8 =	vsub.f32 v18, v14;
	v4 =	vld.idx.msk [tilespmem:v20+s20+$0x0], $0xffff;
	v10 =	vadd.f32 v24, v11  }
0x248: {  	v11 =	vsub.f32 v18, v13;
	v12 =	vmul.f32 v12, v12;
	v13 =	vld.idx.msk [tilespmem:v15+s20+$0x0], $0xffff;
	v6 =	vadd.f32 v6, v5  }
0x249: {  	v5 =	vmul.f32 $-9.999980290e+11, v7;
	v7 =	vmul.f32 v8, v8;
	v9 =	vld.idx.msk [tilespmem:v9+s20+$0x0], $0xffff;
	v10 =	vadd.f32 v3, v10  }
.Ltmp10:
0x24a: {  	v11 =	vmul.f32 v11, v11;
	v12 =	vmul.f32 $-9.999980290e+11, v12;
	v8 =	vsub.f32 v18, v16;
	v3 =	vld.idx.msk [tilespmem:v21+s20+$0x0], $0xffff;
	(pc) =	sbr.rel @p0 .LBB2_23-.Ltmp10, $4  }
0x24b: {  	v14 =	vmul.f32 $1.442695020e+00, v5;
	v15 =	vmul.f32 $-9.999980290e+11, v7;
	v5 =	vld.idx.msk [tilespmem:v22+s20+$0x0], $0xffff;
	v16 =	vadd.f32 v6, v10  }
0x24c: {  	v19 =	vmul.f32 $-9.999980290e+11, v11;
	v11 =	vmul.f32 $1.442695020e+00, v12;
	v7 =	vld.idx.msk [tilespmem:v17+s20+$0x0], $0xffff  }
0x24d: {  	v13 =	vsub.f32 v18, v13;
	v10 =	vmul.f32 $1.442695020e+00, v15;
	(erf) = vpow2.f32 v14;
	v6 =	vld.idx.msk [tilespmem:v23+s20+$0x0], $0xffff  }
0x24e: {  	s7 =	smov.u32 s4;
	v14 =	vsub.f32 v18, v9;
	v12 =	vmul.f32 $1.442695020e+00, v19;
	v9 =	vmul.f32 $5.641896130e-01, v16  }
0x24f: {  	v13 =	vmul.f32 v13, v13  }
0x250: {  	(erf) = vpow2.f32 v11;
	v55 =	vmul.f32 v14, v14  }
0x251: {  	v8 =	vmul.f32 v8, v8;
	v13 =	vmul.f32 $-9.999980290e+11, v13  }
0x252: {  	(erf) = vpow2.f32 v12;
	v11 =	vmul.f32 $-9.999980290e+11, v55  }
0x253: {  	v8 =	vmul.f32 $-9.999980290e+11, v8;
	v56 =	vmul.f32 $1.442695020e+00, v13  }
0x254: {  	(erf) = vpow2.f32 v10;
	v11 =	vmul.f32 $1.442695020e+00, v11  }
0x255: {  	(erf) = vpow2.f32 v56  }
0x256: {  	v8 =	vmul.f32 $1.442695020e+00, v8;
	(erf) = vpow2.f32 v11;
	_ =	sdelay $0x1  }
0x257: {  	(erf) = vpow2.f32 v8;
	_ =	sdelay $0x1  }
0x258: {  	v57 =	vpop (erf)  }
0x259: {  	v58 =	vpop (erf)  }
0x25a: {  	v59 =	vpop (erf)  }
0x25b: {  	v60 =	vpop (erf)  }
0x25c: {  	v3 =	vmul.f32 v57, v3;
	v7 =	vmul.f32 v58, v7;
	v61 =	vpop (erf)  }
0x25d: {  	v4 =	vmul.f32 v59, v4;
	v5 =	vmul.f32 v60, v5;
	v62 =	vpop (erf)  }
0x25e: {  	v1 =	vmul.f32 v61, v1;
	v2 =	vmul.f32 v62, v2  }
0x25f: {  	v3 =	vadd.f32 v3, v4;
	v63 =	vpop (erf)  }
0x260: {  	v5 =	vadd.f32 v7, v5;
	v6 =	vmul.f32 v63, v6;
	v1 =	vadd.f32 v1, v2;
	_ =	sdelay $0x1  }
0x261: {  	v2 =	vadd.f32 v6, v5;
	v1 =	vadd.f32 v3, v1;
	_ =	sdelay $0x1  }
0x262: {  	v1 =	vadd.f32 v2, v1  }
0x263: {  	s0 =	rddreg [dreg:$0x4]  }
0x264: {  	s0 =	sor.u32 s0, s25;
	v1 =	vmul.f32 $5.641896130e-01, v1  }
0x265: {  	s4 =	sadd.s32 $0x10, s12;
	s8 =	rddreg [dreg:$0x2];
	[tilespmem:s30+$0x0] =	vst v9;
	s12 =	sshrl.u32 s0, $0x3  }
0x266: {  	s0 =	sadd.s32 s8, s12;
	[tilespmem:s4+$0x0] =	vst v1  }
0x267: {  	[hbm4b:s0+s3] =	stream.linear.scatter [tilespmem:s21], [sflag:$0x7], $0x400, $0x38;
	[tilespmem:$0x1A840] =	vst v63  }
0x268: {  	s0 =	sld [smem:$0x7FA];
	_ =	sdelay $0x1  }
0x269: {  	p0 =	seq.s32 s26, $0x3F  }
0x26a: {  	s0 =	sadd.s32 @!p0 s25, s0  }
0x26b: {  	s0 =	sshrl.u32 @!p0 s0, $0x3  }
0x26c: {  	s4 =	simm.s32 @!p0 $0x0;
	s0 =	sadd.s32 @!p0 s1, s0  }
0x26d: {  	[tilespmem:s4], [sflag:$0x3] =	stream.linear.gather @!p0 [hbm4b:s0+s4], $0x400, $0x38;
	[tilespmem:$0x1A840] =	vst v63  }
0x26e: {  	_ =	swait.ge [sflag:s22], $0x400  }
0x26f: {  	[sflag:s22] =	ssyncset.done $0x0  }
0x270: {  	s0 =	simm.s32 $0x820;
	[sflag:s22] =	ssyncadd.s32 $0xFFFFFC00  }
0x271: {  	v1 =	vld [tilespmem:s0+$0xFFFFFFE0];
	_ =	sdelay $0x4  }
0x272: {  	v1 =	vmul.f32 $9.999990000e+05, v1;
	_ =	sdelay $0x1  }
0x273: {  	v1 =	vtrunc.f32 v1  }
0x274: {  	v1 =	vcvt.f32.s32 v1;
	_ =	sdelay $0x1  }
0x275: {  	s26 =	simm.s32 $0x0;
	v2 =	vand.u32 $0x7, v1  }
0x276: {  	s7 =	simm.s32 $0x1020;
	v1 =	vshra.s32 v1, $0x3;
	v2 =	vor.u32 s26, v2  }
0x277: {  	s26 =	simm.s32 $0x1820;
	[tilespmem:s7+$0xFFFFFFE0] =	vst v1;
	v1 =	vor.u32 v0, v2  }
0x278: {  	[tilespmem:s26+$0xFFFFFFE0] =	vst v1  }
0x279: {  	v1 =	vld [tilespmem:s0+$0xFFFFFFF0];
	_ =	sdelay $0x4  }
0x27a: {  	v1 =	vmul.f32 $9.999990000e+05, v1;
	_ =	sdelay $0x1  }
0x27b: {  	v1 =	vtrunc.f32 v1  }
0x27c: {  	v1 =	vcvt.f32.s32 v1;
	_ =	sdelay $0x1  }
0x27d: {  	s8 =	simm.s32 $0x200;
	v2 =	vand.u32 $0x7, v1  }
0x27e: {  	v1 =	vshra.s32 v1, $0x3;
	v2 =	vor.u32 s8, v2  }
0x27f: {  	[tilespmem:s7+$0xFFFFFFF0] =	vst v1;
	v1 =	vor.u32 v0, v2  }
0x280: {  	[tilespmem:s26+$0xFFFFFFF0] =	vst v1  }
0x281: {  	v1 =	vld [tilespmem:s0+$0x0];
	_ =	sdelay $0x4  }
0x282: {  	v1 =	vmul.f32 $9.999990000e+05, v1;
	_ =	sdelay $0x1  }
0x283: {  	v1 =	vtrunc.f32 v1  }
0x284: {  	v1 =	vcvt.f32.s32 v1;
	_ =	sdelay $0x1  }
0x285: {  	s8 =	simm.s32 $0x400;
	v2 =	vand.u32 $0x7, v1  }
0x286: {  	v1 =	vshra.s32 v1, $0x3;
	v2 =	vor.u32 s8, v2  }
0x287: {  	[tilespmem:s7+$0x0] =	vst v1;
	v1 =	vor.u32 v0, v2  }
0x288: {  	[tilespmem:s26+$0x0] =	vst v1  }
0x289: {  	v1 =	vld [tilespmem:s0+$0x10];
	_ =	sdelay $0x4  }
0x28a: {  	v1 =	vmul.f32 $9.999990000e+05, v1;
	_ =	sdelay $0x1  }
0x28b: {  	v1 =	vtrunc.f32 v1  }
0x28c: {  	v1 =	vcvt.f32.s32 v1;
	_ =	sdelay $0x1  }
0x28d: {  	s0 =	simm.s32 $0x600;
	v2 =	vand.u32 $0x7, v1  }
0x28e: {  	v1 =	vshra.s32 v1, $0x3;
	v2 =	vor.u32 s0, v2  }
0x28f: {  	s30 =	simm.s32 $0x860;
	s4 =	simm.s32 $0x0;
	[tilespmem:s7+$0x10] =	vst v1;
	s7 =	simm.s32 $0x1060;
	v1 =	vor.u32 v0, v2  }
.LBB2_25:
0x290: {  	s4 =	sadd.s32 $0x4, s4;
	[tilespmem:s26+$0x10] =	vst v1;
	s0 =	sadd.s32 $0x800, s0;
	s26 =	sadd.s32 $0x40, s26  }
0x291: {  	v1 =	vld [tilespmem:s30+$0xFFFFFFE0];
	p2 =	slt.u32 s4, $0x3C;
	_ =	sdelay $0x4  }
0x292: {  	v1 =	vmul.f32 $9.999990000e+05, v1;
	_ =	sdelay $0x1  }
0x293: {  	v1 =	vtrunc.f32 v1  }
0x294: {  	v1 =	vcvt.f32.s32 v1;
	_ =	sdelay $0x1  }
0x295: {  	s8 =	sadd.s32 $0xFFFFFA00, s0;
	v2 =	vshra.s32 v1, $0x3;
	v1 =	vand.u32 $0x7, v1  }
0x296: {  	v1 =	vor.u32 s8, v1  }
0x297: {  	[tilespmem:s7+$0xFFFFFFE0] =	vst v2;
	v1 =	vor.u32 v0, v1  }
0x298: {  	[tilespmem:s26+$0xFFFFFFE0] =	vst v1  }
0x299: {  	v1 =	vld [tilespmem:s30+$0xFFFFFFF0];
	_ =	sdelay $0x4  }
0x29a: {  	v1 =	vmul.f32 $9.999990000e+05, v1;
	_ =	sdelay $0x1  }
0x29b: {  	v1 =	vtrunc.f32 v1  }
0x29c: {  	v1 =	vcvt.f32.s32 v1;
	_ =	sdelay $0x1  }
0x29d: {  	s8 =	sadd.s32 $0xFFFFFC00, s0;
	v2 =	vshra.s32 v1, $0x3;
	v1 =	vand.u32 $0x7, v1  }
0x29e: {  	v1 =	vor.u32 s8, v1  }
0x29f: {  	[tilespmem:s7+$0xFFFFFFF0] =	vst v2;
	v1 =	vor.u32 v0, v1  }
0x2a0: {  	[tilespmem:s26+$0xFFFFFFF0] =	vst v1  }
0x2a1: {  	v1 =	vld [tilespmem:s30+$0x0];
	_ =	sdelay $0x4  }
0x2a2: {  	v1 =	vmul.f32 $9.999990000e+05, v1;
	_ =	sdelay $0x1  }
0x2a3: {  	v1 =	vtrunc.f32 v1  }
0x2a4: {  	v1 =	vcvt.f32.s32 v1;
	_ =	sdelay $0x1  }
0x2a5: {  	s8 =	sadd.s32 $0xFFFFFE00, s0;
	v2 =	vshra.s32 v1, $0x3;
	v1 =	vand.u32 $0x7, v1  }
0x2a6: {  	[tilespmem:s7+$0x0] =	vst v2;
	v1 =	vor.u32 s8, v1  }
0x2a7: {  	v1 =	vor.u32 v0, v1  }
0x2a8: {  	[tilespmem:s26+$0x0] =	vst v1  }
0x2a9: {  	v1 =	vld [tilespmem:s30+$0x10];
	_ =	sdelay $0x4  }
0x2aa: {  	v1 =	vmul.f32 $9.999990000e+05, v1;
	_ =	sdelay $0x1  }
0x2ab: {  	v1 =	vtrunc.f32 v1  }
.Ltmp11:
0x2ac: {  	v1 =	vcvt.f32.s32 v1;
	(pc) =	sbr.rel @p2 .LBB2_25-.Ltmp11, $4  }
0x2ad: {  	_ = 	snop  }
0x2ae: {  	v2 =	vshra.s32 v1, $0x3;
	v1 =	vand.u32 $0x7, v1  }
0x2af: {  	[tilespmem:s7+$0x10] =	vst v2;
	v1 =	vor.u32 s0, v1  }
0x2b0: {  	s30 =	sadd.s32 $0x40, s30;
	s7 =	sadd.s32 $0x40, s7;
	v1 =	vor.u32 v0, v1  }
0x2b1: {  	[tilespmem:s26+$0x10] =	vst v1;
	s0 =	simm.s32 $0x1000  }
0x2b2: {  	[tilespmem:s20], [sflag:$0x1] =	stream.indirect.gather [hbm4b:s5+s29], $0x20, s0, s29, $0xb8;
	[tilespmem:$0x1A840] =	vst v63  }
0x2b3: {  	s7 =	simm.s32 $0x1080;
	s4 =	simm.s32 $0x3000  }
0x2b4: {  	[tilespmem:s4], [sflag:$0x1] =	stream.indirect.gather [hbm4b:s5+s29], $0x20, s7, s29, $0xb8;
	[tilespmem:$0x1A840] =	vst v63  }
0x2b5: {  	s8 =	simm.s32 $0x1100;
	s26 =	simm.s32 $0x4000  }
0x2b6: {  	[tilespmem:s26], [sflag:$0x1] =	stream.indirect.gather [hbm4b:s5+s29], $0x20, s8, s29, $0xb8;
	[tilespmem:$0x1A840] =	vst v63  }
0x2b7: {  	s4 =	simm.s32 $0x1180;
	s7 =	simm.s32 $0x5000  }
0x2b8: {  	[tilespmem:s7], [sflag:$0x1] =	stream.indirect.gather [hbm4b:s5+s29], $0x20, s4, s29, $0xb8;
	[tilespmem:$0x1A840] =	vst v63  }
0x2b9: {  	s8 =	simm.s32 $0x1200;
	s26 =	simm.s32 $0x6000  }
0x2ba: {  	[tilespmem:s26], [sflag:$0x1] =	stream.indirect.gather [hbm4b:s5+s29], $0x20, s8, s29, $0xb8;
	[tilespmem:$0x1A840] =	vst v63  }
0x2bb: {  	s4 =	simm.s32 $0x1280;
	s7 =	simm.s32 $0x7000  }
0x2bc: {  	[tilespmem:s7], [sflag:$0x1] =	stream.indirect.gather [hbm4b:s5+s29], $0x20, s4, s29, $0xb8;
	[tilespmem:$0x1A840] =	vst v63  }
0x2bd: {  	s8 =	simm.s32 $0x1300;
	s26 =	simm.s32 $0x8000  }
0x2be: {  	[tilespmem:s26], [sflag:$0x1] =	stream.indirect.gather [hbm4b:s5+s29], $0x20, s8, s29, $0xb8;
	[tilespmem:$0x1A840] =	vst v63  }
0x2bf: {  	s7 =	simm.s32 $0x1380;
	s8 =	simm.s32 $0x9000  }
0x2c0: {  	[tilespmem:s8], [sflag:$0x1] =	stream.indirect.gather [hbm4b:s5+s29], $0x20, s7, s29, $0xb8;
	[tilespmem:$0x1A840] =	vst v63  }
0x2c1: {  	_ =	swait.ge [sflag:s28], $0x8000  }
0x2c2: {  	[sflag:s28] =	ssyncset.done $0x0  }
0x2c3: {  	s0 =	simm.s32 @!p1 $0x8;
	[sflag:s28] =	ssyncadd.s32 $0xFFFF8000  }
0x2c4: {  	_ =	swait.ge @!p1 [sflag:s0], $0x400  }
0x2c5: {  	[sflag:s0] =	ssyncset.done @!p1 $0x0  }
0x2c6: {  	[sflag:s0] =	ssyncadd.s32 @!p1 $0xFFFFFC00  }
0x2c7: {  	v1 =	vld [tilespmem:$0x1C00];
	_ =	sdelay $0x4  }
0x2c8: {  	v2 =	vadd.s32 $0x3, v1  }
0x2c9: {  	v3 =	vadd.s32 $0x5, v1  }
0x2ca: {  	v4 =	vadd.s32 $0x4, v1  }
0x2cb: {  	v5 =	vadd.s32 $0x2, v1  }
0x2cc: {  	v6 =	vld [tilespmem:$0x400];
	v7 =	vadd.s32 $0x1, v1  }
0x2cd: {  	v2 =	vld.idx.msk [tilespmem:v2+s23+$0x0], $0xffff  }
0x2ce: {  	v3 =	vld.idx.msk [tilespmem:v3+s23+$0x0], $0xffff  }
0x2cf: {  	v4 =	vld.idx.msk [tilespmem:v4+s23+$0x0], $0xffff  }
0x2d0: {  	v5 =	vld.idx.msk [tilespmem:v5+s23+$0x0], $0xffff  }
0x2d1: {  	v7 =	vld.idx.msk [tilespmem:v7+s23+$0x0], $0xffff  }
0x2d2: {  	v8 =	vadd.s32 $0x6, v1  }
0x2d3: {  	v2 =	vsub.f32 v6, v2  }
0x2d4: {  	v3 =	vsub.f32 v6, v3;
	v4 =	vsub.f32 v6, v4  }
0x2d5: {  	v5 =	vsub.f32 v6, v5;
	v2 =	vmul.f32 v2, v2  }
0x2d6: {  	v9 =	vld.idx.msk [tilespmem:v1+s23+$0x0], $0xffff;
	v7 =	vsub.f32 v6, v7;
	v3 =	vmul.f32 v3, v3;
	v4 =	vmul.f32 v4, v4  }
0x2d7: {  	v8 =	vld.idx.msk [tilespmem:v8+s23+$0x0], $0xffff;
	v5 =	vmul.f32 v5, v5;
	v2 =	vmul.f32 $-9.999980290e+11, v2  }
0x2d8: {  	v7 =	vmul.f32 v7, v7;
	v3 =	vmul.f32 $-9.999980290e+11, v3  }
0x2d9: {  	v10 =	vadd.s32 $0x10, v1;
	v4 =	vmul.f32 $-9.999980290e+11, v4;
	v2 =	vmul.f32 $1.442695020e+00, v2  }
0x2da: {  	s26 =	simm.s32 $0x1;
	v11 =	vadd.s32 $0x11, v1;
	v5 =	vmul.f32 $-9.999980290e+11, v5;
	v7 =	vmul.f32 $-9.999980290e+11, v7  }
0x2db: {  	s0 =	smin.u32 s26, $0x3F;
	v3 =	vmul.f32 $1.442695020e+00, v3;
	(erf) = vpow2.f32 v2;
	v2 =	vsub.f32 v6, v9  }
0x2dc: {  	s0 =	sshll.u32 s0, $0x4;
	v5 =	vmul.f32 $1.442695020e+00, v5;
	v6 =	vsub.f32 v6, v8;
	v8 =	vadd.s32 $0x12, v1  }
0x2dd: {  	v9 =	vld [tilespmem:s0+$0x1C00];
	(erf) = vpow2.f32 v3;
	v3 =	vadd.s32 $0x13, v1;
	v2 =	vmul.f32 v2, v2  }
0x2de: {  	v12 =	vadd.s32 $0x14, v1;
	v4 =	vmul.f32 $1.442695020e+00, v4;
	v6 =	vmul.f32 v6, v6  }
0x2df: {  	(erf) = vpow2.f32 v5;
	v5 =	vld.idx.msk [tilespmem:v10+s23+$0x0], $0xffff;
	v10 =	vadd.s32 $0x15, v1;
	v2 =	vmul.f32 $-9.999980290e+11, v2  }
0x2e0: {  	v14 =	vld [tilespmem:s0+$0x400];
	v7 =	vmul.f32 $1.442695020e+00, v7;
	v1 =	vadd.s32 $0x16, v1;
	v6 =	vmul.f32 $-9.999980290e+11, v6  }
0x2e1: {  	(erf) = vpow2.f32 v4;
	v4 =	vld.idx.msk [tilespmem:v8+s23+$0x0], $0xffff;
	v2 =	vmul.f32 $1.442695020e+00, v2  }
0x2e2: {  	(erf) = vpow2.f32 v7;
	v7 =	vadd.s32 $0x3, v9;
	v6 =	vmul.f32 $1.442695020e+00, v6;
	v3 =	vld.idx.msk [tilespmem:v3+s23+$0x0], $0xffff  }
0x2e3: {  	v8 =	vadd.s32 $0x5, v9;
	(erf) = vpow2.f32 v2;
	v2 =	vld.idx.msk [tilespmem:v12+s23+$0x0], $0xffff  }
0x2e4: {  	(erf) = vpow2.f32 v6;
	v6 =	vld.idx.msk [tilespmem:v10+s23+$0x0], $0xffff;
	v10 =	vadd.s32 $0x4, v9  }
0x2e5: {  	v12 =	vld.idx.msk [tilespmem:v1+s23+$0x0], $0xffff;
	v1 =	vadd.s32 $0x2, v9  }
0x2e6: {  	v11 =	vld.idx.msk [tilespmem:v11+s23+$0x0], $0xffff  }
0x2e7: {  	v19 =	vadd.s32 $0x6, v9;
	v13 =	vpop (erf);
	v7 =	vld.idx.msk [tilespmem:v7+s23+$0x0], $0xffff  }
0x2e8: {  	v16 =	vadd.s32 $0x11, v9;
	v17 =	vadd.s32 $0x10, v9;
	v18 =	vadd.s32 $0x1, v9;
	v15 =	vpop (erf);
	v8 =	vld.idx.msk [tilespmem:v8+s23+$0x0], $0xffff  }
0x2e9: {  	v21 =	vadd.s32 $0x12, v9;
	v23 =	vadd.s32 $0x14, v9;
	v58 =	vadd.s32 $0x15, v9;
	v20 =	vpop (erf);
	v10 =	vld.idx.msk [tilespmem:v10+s23+$0x0], $0xffff  }
0x2ea: {  	v59 =	vadd.s32 $0x16, v9;
	v3 =	vmul.f32 v13, v3;
	v22 =	vpop (erf);
	v4 =	vmul.f32 v20, v4;
	v24 =	vld.idx.msk [tilespmem:v1+s23+$0x0], $0xffff  }
0x2eb: {  	v1 =	vpop (erf);
	v2 =	vmul.f32 v22, v2;
	v6 =	vmul.f32 v15, v6;
	v15 =	vadd.s32 $0x13, v9  }
0x2ec: {  	v60 =	vld.idx.msk [tilespmem:v19+s23+$0x0], $0xffff;
	v11 =	vmul.f32 v1, v11;
	v3 =	vadd.f32 v3, v4;
	v7 =	vsub.f32 v14, v7;
	v25 =	vpop (erf)  }
0x2ed: {  	v1 =	vld.idx.msk [tilespmem:v16+s23+$0x0], $0xffff;
	v8 =	vsub.f32 v14, v8;
	v6 =	vadd.f32 v6, v2;
	v5 =	vmul.f32 v25, v5;
	v13 =	vpop (erf)  }
0x2ee: {  	v9 =	vld.idx.msk [tilespmem:v9+s23+$0x0], $0xffff;
	v4 =	vmul.f32 v7, v7;
	v12 =	vmul.f32 v13, v12;
	v7 =	vsub.f32 v14, v10  }
0x2ef: {  	v8 =	vmul.f32 v8, v8;
	v10 =	vsub.f32 v14, v24;
	v13 =	vld.idx.msk [tilespmem:v18+s23+$0x0], $0xffff;
	v5 =	vadd.f32 v11, v5  }
0x2f0: {  	v2 =	vld.idx.msk [tilespmem:v17+s23+$0x0], $0xffff;
	v11 =	vadd.f32 v12, v6;
	v6 =	vmul.f32 $-9.999980290e+11, v4;
	v7 =	vmul.f32 v7, v7  }
0x2f1: {  	v4 =	vld.idx.msk [tilespmem:v21+s23+$0x0], $0xffff;
	v10 =	vmul.f32 v10, v10;
	v12 =	vmul.f32 $-9.999980290e+11, v8;
	v5 =	vadd.f32 v3, v5  }
0x2f2: {  	v8 =	vsub.f32 v14, v60;
	v3 =	vld.idx.msk [tilespmem:v15+s23+$0x0], $0xffff;
	v15 =	vmul.f32 $1.442695020e+00, v6;
	v61 =	vmul.f32 $-9.999980290e+11, v7  }
0x2f3: {  	v6 =	vld.idx.msk [tilespmem:v23+s23+$0x0], $0xffff;
	v63 =	vmul.f32 $-9.999980290e+11, v10;
	v62 =	vadd.f32 v11, v5;
	v11 =	vmul.f32 $1.442695020e+00, v12  }
0x2f4: {  	s30 =	simm.s32 $0x12400;
	v7 =	vld.idx.msk [tilespmem:v58+s23+$0x0], $0xffff;
	v13 =	vsub.f32 v14, v13;
	v10 =	vmul.f32 $1.442695020e+00, v61;
	(erf) = vpow2.f32 v15  }
0x2f5: {  	s7 =	simm.s32 $0x3;
	s26 =	simm.s32 $0x12400;
	s0 =	simm.s32 $0x2;
	v5 =	vld.idx.msk [tilespmem:v59+s23+$0x0], $0xffff;
	v14 =	vsub.f32 v14, v9;
	v12 =	vmul.f32 $1.442695020e+00, v63;
	v9 =	vmul.f32 $5.641896130e-01, v62  }
.LBB2_27:
0x2f6: {  	s8 =	smin.u32 s0, $0x3F  }
0x2f7: {  	v13 =	vmul.f32 v13, v13;
	(erf) = vpow2.f32 v11;
	s26 =	sadd.s32 $0x10, s26;
	s0 =	smov.u32 s7;
	s4 =	sadd.s32 $0x1, s7  }
0x2f8: {  	p1 =	sne.s32 s7, $0x40;
	s7 =	sshll.u32 s8, $0x4;
	v11 =	vmul.f32 v14, v14;
	(erf) = vpow2.f32 v12;
	[tilespmem:s30+$0x0] =	vst v9;
	s30 =	smov.u32 s26  }
0x2f9: {  	v8 =	vmul.f32 v8, v8;
	v9 =	vld [tilespmem:s7+$0x1C00];
	v12 =	vmul.f32 $-9.999980290e+11, v13  }
0x2fa: {  	v11 =	vmul.f32 $-9.999980290e+11, v11  }
0x2fb: {  	v8 =	vmul.f32 $-9.999980290e+11, v8;
	v12 =	vmul.f32 $1.442695020e+00, v12  }
0x2fc: {  	v13 =	vmul.f32 $1.442695020e+00, v11;
	(erf) = vpow2.f32 v10  }
0x2fd: {  	v8 =	vmul.f32 $1.442695020e+00, v8;
	(erf) = vpow2.f32 v12  }
0x2fe: {  	v10 =	vadd.s32 $0x3, v9;
	v12 =	vadd.s32 $0x5, v9;
	(erf) = vpow2.f32 v13;
	v11 =	vpop (erf)  }
0x2ff: {  	v13 =	vadd.s32 $0x2, v9;
	v14 =	vadd.s32 $0x4, v9;
	(erf) = vpow2.f32 v8  }
0x300: {  	v15 =	vadd.s32 $0x1, v9;
	v16 =	vadd.s32 $0x6, v9;
	v8 =	vadd.s32 $0x10, v9;
	v17 =	vpop (erf)  }
0x301: {  	v19 =	vadd.s32 $0x11, v9;
	v20 =	vadd.s32 $0x12, v9;
	v18 =	vld [tilespmem:s7+$0x400];
	v7 =	vmul.f32 v17, v7;
	v17 =	vpop (erf)  }
0x302: {  	v21 =	vadd.s32 $0x13, v9;
	v22 =	vadd.s32 $0x14, v9;
	v4 =	vmul.f32 v17, v4  }
0x303: {  	v23 =	vadd.s32 $0x16, v9;
	v17 =	vadd.s32 $0x15, v9;
	v10 =	vld.idx.msk [tilespmem:v10+s23+$0x0], $0xffff  }
0x304: {  	v12 =	vld.idx.msk [tilespmem:v12+s23+$0x0], $0xffff  }
0x305: {  	v14 =	vld.idx.msk [tilespmem:v14+s23+$0x0], $0xffff;
	v24 =	vpop (erf)  }
0x306: {  	v13 =	vld.idx.msk [tilespmem:v13+s23+$0x0], $0xffff;
	v6 =	vmul.f32 v24, v6;
	v24 =	vpop (erf)  }
0x307: {  	v3 =	vmul.f32 v11, v3;
	v24 =	vmul.f32 v24, v1;
	v1 =	vld.idx.msk [tilespmem:v19+s23+$0x0], $0xffff;
	v11 =	vpop (erf)  }
0x308: {  	v10 =	vsub.f32 v18, v10;
	v16 =	vld.idx.msk [tilespmem:v16+s23+$0x0], $0xffff;
	v11 =	vmul.f32 v11, v2;
	v6 =	vadd.f32 v7, v6;
	v7 =	vpop (erf)  }
0x309: {  	v3 =	vadd.f32 v3, v4;
	v12 =	vsub.f32 v18, v12;
	v2 =	vld.idx.msk [tilespmem:v8+s23+$0x0], $0xffff;
	v5 =	vmul.f32 v7, v5  }
0x30a: {  	v7 =	vmul.f32 v10, v10;
	v8 =	vsub.f32 v18, v14;
	v4 =	vld.idx.msk [tilespmem:v20+s23+$0x0], $0xffff;
	v10 =	vadd.f32 v24, v11  }
0x30b: {  	v11 =	vsub.f32 v18, v13;
	v12 =	vmul.f32 v12, v12;
	v13 =	vld.idx.msk [tilespmem:v15+s23+$0x0], $0xffff;
	v5 =	vadd.f32 v5, v6  }
0x30c: {  	v6 =	vmul.f32 $-9.999980290e+11, v7;
	v7 =	vmul.f32 v8, v8;
	v9 =	vld.idx.msk [tilespmem:v9+s23+$0x0], $0xffff;
	v10 =	vadd.f32 v3, v10  }
.Ltmp12:
0x30d: {  	v11 =	vmul.f32 v11, v11;
	v12 =	vmul.f32 $-9.999980290e+11, v12;
	v8 =	vsub.f32 v18, v16;
	v3 =	vld.idx.msk [tilespmem:v21+s23+$0x0], $0xffff;
	(pc) =	sbr.rel @p1 .LBB2_27-.Ltmp12, $4  }
0x30e: {  	v14 =	vmul.f32 $1.442695020e+00, v6;
	v15 =	vmul.f32 $-9.999980290e+11, v7;
	v6 =	vld.idx.msk [tilespmem:v22+s23+$0x0], $0xffff;
	v16 =	vadd.f32 v5, v10  }
0x30f: {  	v19 =	vmul.f32 $-9.999980290e+11, v11;
	v11 =	vmul.f32 $1.442695020e+00, v12;
	v7 =	vld.idx.msk [tilespmem:v17+s23+$0x0], $0xffff  }
0x310: {  	v13 =	vsub.f32 v18, v13;
	v10 =	vmul.f32 $1.442695020e+00, v15;
	(erf) = vpow2.f32 v14;
	v5 =	vld.idx.msk [tilespmem:v23+s23+$0x0], $0xffff  }
0x311: {  	s7 =	smov.u32 s4;
	v14 =	vsub.f32 v18, v9;
	v12 =	vmul.f32 $1.442695020e+00, v19;
	v9 =	vmul.f32 $5.641896130e-01, v16  }
0x312: {  	v13 =	vmul.f32 v13, v13  }
0x313: {  	(erf) = vpow2.f32 v11;
	v55 =	vmul.f32 v14, v14  }
0x314: {  	v8 =	vmul.f32 v8, v8;
	v13 =	vmul.f32 $-9.999980290e+11, v13  }
0x315: {  	(erf) = vpow2.f32 v12;
	v11 =	vmul.f32 $-9.999980290e+11, v55  }
0x316: {  	v8 =	vmul.f32 $-9.999980290e+11, v8;
	v56 =	vmul.f32 $1.442695020e+00, v13  }
0x317: {  	(erf) = vpow2.f32 v10;
	v11 =	vmul.f32 $1.442695020e+00, v11  }
0x318: {  	(erf) = vpow2.f32 v56  }
0x319: {  	v8 =	vmul.f32 $1.442695020e+00, v8;
	(erf) = vpow2.f32 v11;
	_ =	sdelay $0x1  }
0x31a: {  	(erf) = vpow2.f32 v8;
	_ =	sdelay $0x1  }
0x31b: {  	v57 =	vpop (erf)  }
0x31c: {  	v58 =	vpop (erf)  }
0x31d: {  	v59 =	vpop (erf)  }
0x31e: {  	v60 =	vpop (erf)  }
0x31f: {  	v3 =	vmul.f32 v57, v3;
	v7 =	vmul.f32 v58, v7;
	v61 =	vpop (erf)  }
0x320: {  	v4 =	vmul.f32 v59, v4;
	v6 =	vmul.f32 v60, v6;
	v62 =	vpop (erf)  }
0x321: {  	v1 =	vmul.f32 v61, v1;
	v2 =	vmul.f32 v62, v2  }
0x322: {  	v3 =	vadd.f32 v3, v4;
	v63 =	vpop (erf)  }
0x323: {  	v6 =	vadd.f32 v7, v6;
	v5 =	vmul.f32 v63, v5;
	v1 =	vadd.f32 v1, v2;
	_ =	sdelay $0x1  }
0x324: {  	v2 =	vadd.f32 v5, v6;
	v1 =	vadd.f32 v3, v1;
	_ =	sdelay $0x1  }
0x325: {  	v1 =	vadd.f32 v2, v1;
	_ =	sdelay $0x1  }
0x326: {  	v1 =	vmul.f32 $5.641896130e-01, v1  }
0x327: {  	s0 =	sadd.s32 $0x10, s26;
	s4 =	rddreg [dreg:$0x2];
	[tilespmem:s30+$0x0] =	vst v9  }
0x328: {  	s26 =	sadd.s32 s12, s4;
	[tilespmem:s0+$0x0] =	vst v1;
	s0 =	sld [smem:$0x7FB]  }
0x329: {  	s8 =	sadd.s32 $0x80, s26  }
0x32a: {  	[hbm4b:s8+s3] =	stream.linear.scatter [tilespmem:s2], [sflag:$0x8], $0x400, $0x38;
	[tilespmem:$0x1A840] =	vst v63  }
0x32b: {  	s0 =	sadd.s32 @!p0 s25, s0  }
0x32c: {  	s0 =	sshrl.u32 @!p0 s0, $0x3  }
0x32d: {  	s7 =	simm.s32 @!p0 $0x400;
	s4 =	simm.s32 @!p0 $0x0;
	s0 =	sadd.s32 @!p0 s1, s0  }
0x32e: {  	[tilespmem:s7], [sflag:$0x4] =	stream.linear.gather @!p0 [hbm4b:s0+s4], $0x400, $0x38;
	[tilespmem:$0x1A840] =	vst v63  }
0x32f: {  	_ =	swait.ge [sflag:s6], $0x400  }
0x330: {  	[sflag:s6] =	ssyncset.done $0x0  }
0x331: {  	s0 =	simm.s32 $0xC20;
	[sflag:s6] =	ssyncadd.s32 $0xFFFFFC00  }
0x332: {  	v1 =	vld [tilespmem:s0+$0xFFFFFFE0];
	_ =	sdelay $0x4  }
0x333: {  	v1 =	vmul.f32 $9.999990000e+05, v1;
	_ =	sdelay $0x1  }
0x334: {  	v1 =	vtrunc.f32 v1  }
0x335: {  	v1 =	vcvt.f32.s32 v1;
	_ =	sdelay $0x1  }
0x336: {  	s12 =	simm.s32 $0x0;
	v2 =	vand.u32 $0x7, v1  }
0x337: {  	s7 =	simm.s32 $0x1420;
	v1 =	vshra.s32 v1, $0x3;
	v2 =	vor.u32 s12, v2  }
0x338: {  	s12 =	simm.s32 $0x1C20;
	[tilespmem:s7+$0xFFFFFFE0] =	vst v1;
	v1 =	vor.u32 v0, v2  }
0x339: {  	[tilespmem:s12+$0xFFFFFFE0] =	vst v1  }
0x33a: {  	v1 =	vld [tilespmem:s0+$0xFFFFFFF0];
	_ =	sdelay $0x4  }
0x33b: {  	v1 =	vmul.f32 $9.999990000e+05, v1;
	_ =	sdelay $0x1  }
0x33c: {  	v1 =	vtrunc.f32 v1  }
0x33d: {  	v1 =	vcvt.f32.s32 v1;
	_ =	sdelay $0x1  }
0x33e: {  	s8 =	simm.s32 $0x200;
	v2 =	vand.u32 $0x7, v1  }
0x33f: {  	v1 =	vshra.s32 v1, $0x3;
	v2 =	vor.u32 s8, v2  }
0x340: {  	[tilespmem:s7+$0xFFFFFFF0] =	vst v1;
	v1 =	vor.u32 v0, v2  }
0x341: {  	[tilespmem:s12+$0xFFFFFFF0] =	vst v1  }
0x342: {  	v1 =	vld [tilespmem:s0+$0x0];
	_ =	sdelay $0x4  }
0x343: {  	v1 =	vmul.f32 $9.999990000e+05, v1;
	_ =	sdelay $0x1  }
0x344: {  	v1 =	vtrunc.f32 v1  }
0x345: {  	v1 =	vcvt.f32.s32 v1;
	_ =	sdelay $0x1  }
0x346: {  	s8 =	simm.s32 $0x400;
	v2 =	vand.u32 $0x7, v1  }
0x347: {  	v1 =	vshra.s32 v1, $0x3;
	v2 =	vor.u32 s8, v2  }
0x348: {  	[tilespmem:s7+$0x0] =	vst v1;
	v1 =	vor.u32 v0, v2  }
0x349: {  	[tilespmem:s12+$0x0] =	vst v1  }
0x34a: {  	v1 =	vld [tilespmem:s0+$0x10];
	_ =	sdelay $0x4  }
0x34b: {  	v1 =	vmul.f32 $9.999990000e+05, v1;
	_ =	sdelay $0x1  }
0x34c: {  	v1 =	vtrunc.f32 v1  }
0x34d: {  	v1 =	vcvt.f32.s32 v1;
	_ =	sdelay $0x1  }
0x34e: {  	s0 =	simm.s32 $0x600;
	v2 =	vand.u32 $0x7, v1  }
0x34f: {  	v1 =	vshra.s32 v1, $0x3;
	v2 =	vor.u32 s0, v2  }
0x350: {  	s30 =	simm.s32 $0xC60;
	s4 =	simm.s32 $0x0;
	[tilespmem:s7+$0x10] =	vst v1;
	s7 =	simm.s32 $0x1460;
	v1 =	vor.u32 v0, v2  }
.LBB2_29:
0x351: {  	s4 =	sadd.s32 $0x4, s4;
	[tilespmem:s12+$0x10] =	vst v1;
	s0 =	sadd.s32 $0x800, s0;
	s12 =	sadd.s32 $0x40, s12  }
0x352: {  	v1 =	vld [tilespmem:s30+$0xFFFFFFE0];
	p1 =	slt.u32 s4, $0x3C;
	_ =	sdelay $0x4  }
0x353: {  	v1 =	vmul.f32 $9.999990000e+05, v1;
	_ =	sdelay $0x1  }
0x354: {  	v1 =	vtrunc.f32 v1  }
0x355: {  	v1 =	vcvt.f32.s32 v1;
	_ =	sdelay $0x1  }
0x356: {  	s8 =	sadd.s32 $0xFFFFFA00, s0;
	v2 =	vshra.s32 v1, $0x3;
	v1 =	vand.u32 $0x7, v1  }
0x357: {  	v1 =	vor.u32 s8, v1  }
0x358: {  	[tilespmem:s7+$0xFFFFFFE0] =	vst v2;
	v1 =	vor.u32 v0, v1  }
0x359: {  	[tilespmem:s12+$0xFFFFFFE0] =	vst v1  }
0x35a: {  	v1 =	vld [tilespmem:s30+$0xFFFFFFF0];
	_ =	sdelay $0x4  }
0x35b: {  	v1 =	vmul.f32 $9.999990000e+05, v1;
	_ =	sdelay $0x1  }
0x35c: {  	v1 =	vtrunc.f32 v1  }
0x35d: {  	v1 =	vcvt.f32.s32 v1;
	_ =	sdelay $0x1  }
0x35e: {  	s8 =	sadd.s32 $0xFFFFFC00, s0;
	v2 =	vshra.s32 v1, $0x3;
	v1 =	vand.u32 $0x7, v1  }
0x35f: {  	v1 =	vor.u32 s8, v1  }
0x360: {  	[tilespmem:s7+$0xFFFFFFF0] =	vst v2;
	v1 =	vor.u32 v0, v1  }
0x361: {  	[tilespmem:s12+$0xFFFFFFF0] =	vst v1  }
0x362: {  	v1 =	vld [tilespmem:s30+$0x0];
	_ =	sdelay $0x4  }
0x363: {  	v1 =	vmul.f32 $9.999990000e+05, v1;
	_ =	sdelay $0x1  }
0x364: {  	v1 =	vtrunc.f32 v1  }
0x365: {  	v1 =	vcvt.f32.s32 v1;
	_ =	sdelay $0x1  }
0x366: {  	s8 =	sadd.s32 $0xFFFFFE00, s0;
	v2 =	vshra.s32 v1, $0x3;
	v1 =	vand.u32 $0x7, v1  }
0x367: {  	[tilespmem:s7+$0x0] =	vst v2;
	v1 =	vor.u32 s8, v1  }
0x368: {  	v1 =	vor.u32 v0, v1  }
0x369: {  	[tilespmem:s12+$0x0] =	vst v1  }
0x36a: {  	v1 =	vld [tilespmem:s30+$0x10];
	_ =	sdelay $0x4  }
0x36b: {  	v1 =	vmul.f32 $9.999990000e+05, v1;
	_ =	sdelay $0x1  }
0x36c: {  	v1 =	vtrunc.f32 v1  }
.Ltmp13:
0x36d: {  	v1 =	vcvt.f32.s32 v1;
	(pc) =	sbr.rel @p1 .LBB2_29-.Ltmp13, $4  }
0x36e: {  	_ = 	snop  }
0x36f: {  	v2 =	vshra.s32 v1, $0x3;
	v1 =	vand.u32 $0x7, v1  }
0x370: {  	[tilespmem:s7+$0x10] =	vst v2;
	v1 =	vor.u32 s0, v1  }
0x371: {  	s30 =	sadd.s32 $0x40, s30;
	s7 =	sadd.s32 $0x40, s7;
	v1 =	vor.u32 v0, v1  }
0x372: {  	[tilespmem:s12+$0x10] =	vst v1;
	s0 =	simm.s32 $0x1400  }
0x373: {  	[tilespmem:s23], [sflag:$0x2] =	stream.indirect.gather [hbm4b:s5+s29], $0x20, s0, s29, $0xb8;
	[tilespmem:$0x1A840] =	vst v63  }
0x374: {  	s7 =	simm.s32 $0x1480;
	s4 =	simm.s32 $0xB000  }
0x375: {  	[tilespmem:s4], [sflag:$0x2] =	stream.indirect.gather [hbm4b:s5+s29], $0x20, s7, s29, $0xb8;
	[tilespmem:$0x1A840] =	vst v63  }
0x376: {  	s8 =	simm.s32 $0x1500;
	s12 =	simm.s32 $0xC000  }
0x377: {  	[tilespmem:s12], [sflag:$0x2] =	stream.indirect.gather [hbm4b:s5+s29], $0x20, s8, s29, $0xb8;
	[tilespmem:$0x1A840] =	vst v63  }
0x378: {  	s4 =	simm.s32 $0x1580;
	s7 =	simm.s32 $0xD000  }
0x379: {  	[tilespmem:s7], [sflag:$0x2] =	stream.indirect.gather [hbm4b:s5+s29], $0x20, s4, s29, $0xb8;
	[tilespmem:$0x1A840] =	vst v63  }
0x37a: {  	s8 =	simm.s32 $0x1600  }
0x37b: {  	[tilespmem:s9], [sflag:$0x2] =	stream.indirect.gather [hbm4b:s5+s29], $0x20, s8, s29, $0xb8;
	[tilespmem:$0x1A840] =	vst v63  }
0x37c: {  	_ = 	snop  }
0x37d: {  	[tilespmem:s14], [sflag:$0x2] =	stream.indirect.gather [hbm4b:s5+s29], $0x20, s31, s29, $0xb8;
	[tilespmem:$0x1A840] =	vst v63  }
0x37e: {  	_ = 	snop  }
0x37f: {  	[tilespmem:s16], [sflag:$0x2] =	stream.indirect.gather [hbm4b:s5+s29], $0x20, s15, s29, $0xb8;
	[tilespmem:$0x1A840] =	vst v63  }
0x380: {  	s12 =	simm.s32 $0x1  }
0x381: {  	[tilespmem:s18], [sflag:$0x2] =	stream.indirect.gather [hbm4b:s5+s29], $0x20, s17, s29, $0xb8;
	[tilespmem:$0x1A840] =	vst v63  }
0x382: {  	_ =	swait.ge [sflag:s12], $0x8000  }
0x383: {  	[sflag:s12] =	ssyncset.done $0x0  }
0x384: {  	[sflag:s12] =	ssyncadd.s32 $0xFFFF8000  }
0x385: {  	_ =	swait.ge [sflag:s10], $0x400  }
0x386: {  	[sflag:s10] =	ssyncset.done $0x0  }
0x387: {  	[sflag:s10] =	ssyncadd.s32 $0xFFFFFC00  }
0x388: {  	v1 =	vld [tilespmem:$0x1800];
	_ =	sdelay $0x4  }
0x389: {  	v2 =	vadd.s32 $0x3, v1  }
0x38a: {  	v3 =	vadd.s32 $0x5, v1  }
0x38b: {  	v4 =	vadd.s32 $0x4, v1  }
0x38c: {  	v5 =	vadd.s32 $0x2, v1  }
0x38d: {  	v6 =	vld [tilespmem:$0x800];
	v7 =	vadd.s32 $0x1, v1  }
0x38e: {  	v2 =	vld.idx.msk [tilespmem:v2+s20+$0x0], $0xffff  }
0x38f: {  	v3 =	vld.idx.msk [tilespmem:v3+s20+$0x0], $0xffff  }
0x390: {  	v4 =	vld.idx.msk [tilespmem:v4+s20+$0x0], $0xffff  }
0x391: {  	v5 =	vld.idx.msk [tilespmem:v5+s20+$0x0], $0xffff  }
0x392: {  	v7 =	vld.idx.msk [tilespmem:v7+s20+$0x0], $0xffff  }
0x393: {  	v8 =	vadd.s32 $0x6, v1  }
0x394: {  	v2 =	vsub.f32 v6, v2  }
0x395: {  	v3 =	vsub.f32 v6, v3;
	v4 =	vsub.f32 v6, v4  }
0x396: {  	v5 =	vsub.f32 v6, v5;
	v2 =	vmul.f32 v2, v2  }
0x397: {  	v9 =	vld.idx.msk [tilespmem:v1+s20+$0x0], $0xffff;
	v7 =	vsub.f32 v6, v7;
	v3 =	vmul.f32 v3, v3;
	v4 =	vmul.f32 v4, v4  }
0x398: {  	v8 =	vld.idx.msk [tilespmem:v8+s20+$0x0], $0xffff;
	v5 =	vmul.f32 v5, v5;
	v2 =	vmul.f32 $-9.999980290e+11, v2  }
0x399: {  	v7 =	vmul.f32 v7, v7;
	v3 =	vmul.f32 $-9.999980290e+11, v3  }
0x39a: {  	v10 =	vadd.s32 $0x10, v1;
	v4 =	vmul.f32 $-9.999980290e+11, v4;
	v2 =	vmul.f32 $1.442695020e+00, v2  }
0x39b: {  	v11 =	vadd.s32 $0x11, v1;
	v5 =	vmul.f32 $-9.999980290e+11, v5;
	v7 =	vmul.f32 $-9.999980290e+11, v7  }
0x39c: {  	s0 =	smin.u32 s12, $0x3F;
	v3 =	vmul.f32 $1.442695020e+00, v3;
	(erf) = vpow2.f32 v2;
	v2 =	vsub.f32 v6, v9  }
0x39d: {  	s0 =	sshll.u32 s0, $0x4;
	v5 =	vmul.f32 $1.442695020e+00, v5;
	v6 =	vsub.f32 v6, v8;
	v8 =	vadd.s32 $0x12, v1  }
0x39e: {  	v9 =	vld [tilespmem:s0+$0x1800];
	(erf) = vpow2.f32 v3;
	v3 =	vadd.s32 $0x13, v1;
	v2 =	vmul.f32 v2, v2  }
0x39f: {  	v12 =	vadd.s32 $0x14, v1;
	v4 =	vmul.f32 $1.442695020e+00, v4;
	v6 =	vmul.f32 v6, v6  }
0x3a0: {  	(erf) = vpow2.f32 v5;
	v5 =	vld.idx.msk [tilespmem:v10+s20+$0x0], $0xffff;
	v10 =	vadd.s32 $0x15, v1;
	v2 =	vmul.f32 $-9.999980290e+11, v2  }
0x3a1: {  	v14 =	vld [tilespmem:s0+$0x800];
	v7 =	vmul.f32 $1.442695020e+00, v7;
	v1 =	vadd.s32 $0x16, v1;
	v6 =	vmul.f32 $-9.999980290e+11, v6  }
0x3a2: {  	(erf) = vpow2.f32 v4;
	v4 =	vld.idx.msk [tilespmem:v8+s20+$0x0], $0xffff;
	v2 =	vmul.f32 $1.442695020e+00, v2  }
0x3a3: {  	(erf) = vpow2.f32 v7;
	v7 =	vadd.s32 $0x3, v9;
	v6 =	vmul.f32 $1.442695020e+00, v6;
	v3 =	vld.idx.msk [tilespmem:v3+s20+$0x0], $0xffff  }
0x3a4: {  	v8 =	vadd.s32 $0x5, v9;
	(erf) = vpow2.f32 v2;
	v2 =	vld.idx.msk [tilespmem:v12+s20+$0x0], $0xffff  }
0x3a5: {  	(erf) = vpow2.f32 v6;
	v6 =	vld.idx.msk [tilespmem:v10+s20+$0x0], $0xffff;
	v10 =	vadd.s32 $0x4, v9  }
0x3a6: {  	v12 =	vld.idx.msk [tilespmem:v1+s20+$0x0], $0xffff;
	v1 =	vadd.s32 $0x2, v9  }
0x3a7: {  	v11 =	vld.idx.msk [tilespmem:v11+s20+$0x0], $0xffff  }
0x3a8: {  	v19 =	vadd.s32 $0x6, v9;
	v13 =	vpop (erf);
	v7 =	vld.idx.msk [tilespmem:v7+s20+$0x0], $0xffff  }
0x3a9: {  	v16 =	vadd.s32 $0x11, v9;
	v17 =	vadd.s32 $0x10, v9;
	v18 =	vadd.s32 $0x1, v9;
	v15 =	vpop (erf);
	v8 =	vld.idx.msk [tilespmem:v8+s20+$0x0], $0xffff  }
0x3aa: {  	v21 =	vadd.s32 $0x12, v9;
	v23 =	vadd.s32 $0x14, v9;
	v58 =	vadd.s32 $0x15, v9;
	v20 =	vpop (erf);
	v10 =	vld.idx.msk [tilespmem:v10+s20+$0x0], $0xffff  }
0x3ab: {  	v59 =	vadd.s32 $0x16, v9;
	v3 =	vmul.f32 v13, v3;
	v22 =	vpop (erf);
	v4 =	vmul.f32 v20, v4;
	v24 =	vld.idx.msk [tilespmem:v1+s20+$0x0], $0xffff  }
0x3ac: {  	v1 =	vpop (erf);
	v2 =	vmul.f32 v22, v2;
	v6 =	vmul.f32 v15, v6;
	v15 =	vadd.s32 $0x13, v9  }
0x3ad: {  	v60 =	vld.idx.msk [tilespmem:v19+s20+$0x0], $0xffff;
	v11 =	vmul.f32 v1, v11;
	v3 =	vadd.f32 v3, v4;
	v7 =	vsub.f32 v14, v7;
	v25 =	vpop (erf)  }
0x3ae: {  	v1 =	vld.idx.msk [tilespmem:v16+s20+$0x0], $0xffff;
	v8 =	vsub.f32 v14, v8;
	v6 =	vadd.f32 v6, v2;
	v5 =	vmul.f32 v25, v5;
	v13 =	vpop (erf)  }
0x3af: {  	v9 =	vld.idx.msk [tilespmem:v9+s20+$0x0], $0xffff;
	v4 =	vmul.f32 v7, v7;
	v12 =	vmul.f32 v13, v12;
	v7 =	vsub.f32 v14, v10  }
0x3b0: {  	v8 =	vmul.f32 v8, v8;
	v10 =	vsub.f32 v14, v24;
	v13 =	vld.idx.msk [tilespmem:v18+s20+$0x0], $0xffff;
	v5 =	vadd.f32 v11, v5  }
0x3b1: {  	v2 =	vld.idx.msk [tilespmem:v17+s20+$0x0], $0xffff;
	v11 =	vadd.f32 v12, v6;
	v6 =	vmul.f32 $-9.999980290e+11, v4;
	v7 =	vmul.f32 v7, v7  }
0x3b2: {  	v4 =	vld.idx.msk [tilespmem:v21+s20+$0x0], $0xffff;
	v10 =	vmul.f32 v10, v10;
	v12 =	vmul.f32 $-9.999980290e+11, v8;
	v5 =	vadd.f32 v3, v5  }
0x3b3: {  	v8 =	vsub.f32 v14, v60;
	v3 =	vld.idx.msk [tilespmem:v15+s20+$0x0], $0xffff;
	v15 =	vmul.f32 $1.442695020e+00, v6;
	v61 =	vmul.f32 $-9.999980290e+11, v7  }
0x3b4: {  	v6 =	vld.idx.msk [tilespmem:v23+s20+$0x0], $0xffff;
	v63 =	vmul.f32 $-9.999980290e+11, v10;
	v62 =	vadd.f32 v11, v5;
	v11 =	vmul.f32 $1.442695020e+00, v12  }
0x3b5: {  	s30 =	simm.s32 $0x12000;
	v7 =	vld.idx.msk [tilespmem:v58+s20+$0x0], $0xffff;
	v13 =	vsub.f32 v14, v13;
	v10 =	vmul.f32 $1.442695020e+00, v61;
	(erf) = vpow2.f32 v15  }
0x3b6: {  	s7 =	simm.s32 $0x3;
	s12 =	simm.s32 $0x12000;
	s0 =	simm.s32 $0x2;
	v5 =	vld.idx.msk [tilespmem:v59+s20+$0x0], $0xffff;
	v14 =	vsub.f32 v14, v9;
	v12 =	vmul.f32 $1.442695020e+00, v63;
	v9 =	vmul.f32 $5.641896130e-01, v62  }
.LBB2_31:
0x3b7: {  	s8 =	smin.u32 s0, $0x3F  }
0x3b8: {  	v13 =	vmul.f32 v13, v13;
	(erf) = vpow2.f32 v11;
	s12 =	sadd.s32 $0x10, s12;
	s0 =	smov.u32 s7;
	s4 =	sadd.s32 $0x1, s7  }
0x3b9: {  	p1 =	sne.s32 s7, $0x40;
	s7 =	sshll.u32 s8, $0x4;
	v11 =	vmul.f32 v14, v14;
	(erf) = vpow2.f32 v12;
	[tilespmem:s30+$0x0] =	vst v9;
	s30 =	smov.u32 s12  }
0x3ba: {  	v8 =	vmul.f32 v8, v8;
	v9 =	vld [tilespmem:s7+$0x1800];
	v12 =	vmul.f32 $-9.999980290e+11, v13  }
0x3bb: {  	v11 =	vmul.f32 $-9.999980290e+11, v11  }
0x3bc: {  	v8 =	vmul.f32 $-9.999980290e+11, v8;
	v12 =	vmul.f32 $1.442695020e+00, v12  }
0x3bd: {  	v13 =	vmul.f32 $1.442695020e+00, v11;
	(erf) = vpow2.f32 v10  }
0x3be: {  	v8 =	vmul.f32 $1.442695020e+00, v8;
	(erf) = vpow2.f32 v12  }
0x3bf: {  	v10 =	vadd.s32 $0x3, v9;
	v12 =	vadd.s32 $0x5, v9;
	(erf) = vpow2.f32 v13;
	v11 =	vpop (erf)  }
0x3c0: {  	v13 =	vadd.s32 $0x2, v9;
	v14 =	vadd.s32 $0x4, v9;
	(erf) = vpow2.f32 v8  }
0x3c1: {  	v15 =	vadd.s32 $0x1, v9;
	v16 =	vadd.s32 $0x6, v9;
	v8 =	vadd.s32 $0x10, v9;
	v17 =	vpop (erf)  }
0x3c2: {  	v19 =	vadd.s32 $0x11, v9;
	v20 =	vadd.s32 $0x12, v9;
	v18 =	vld [tilespmem:s7+$0x800];
	v7 =	vmul.f32 v17, v7;
	v17 =	vpop (erf)  }
0x3c3: {  	v21 =	vadd.s32 $0x13, v9;
	v22 =	vadd.s32 $0x14, v9;
	v4 =	vmul.f32 v17, v4  }
0x3c4: {  	v23 =	vadd.s32 $0x16, v9;
	v17 =	vadd.s32 $0x15, v9;
	v10 =	vld.idx.msk [tilespmem:v10+s20+$0x0], $0xffff  }
0x3c5: {  	v12 =	vld.idx.msk [tilespmem:v12+s20+$0x0], $0xffff  }
0x3c6: {  	v14 =	vld.idx.msk [tilespmem:v14+s20+$0x0], $0xffff;
	v24 =	vpop (erf)  }
0x3c7: {  	v13 =	vld.idx.msk [tilespmem:v13+s20+$0x0], $0xffff;
	v6 =	vmul.f32 v24, v6;
	v24 =	vpop (erf)  }
0x3c8: {  	v3 =	vmul.f32 v11, v3;
	v24 =	vmul.f32 v24, v1;
	v1 =	vld.idx.msk [tilespmem:v19+s20+$0x0], $0xffff;
	v11 =	vpop (erf)  }
0x3c9: {  	v10 =	vsub.f32 v18, v10;
	v16 =	vld.idx.msk [tilespmem:v16+s20+$0x0], $0xffff;
	v11 =	vmul.f32 v11, v2;
	v6 =	vadd.f32 v7, v6;
	v7 =	vpop (erf)  }
0x3ca: {  	v3 =	vadd.f32 v3, v4;
	v12 =	vsub.f32 v18, v12;
	v2 =	vld.idx.msk [tilespmem:v8+s20+$0x0], $0xffff;
	v5 =	vmul.f32 v7, v5  }
0x3cb: {  	v7 =	vmul.f32 v10, v10;
	v8 =	vsub.f32 v18, v14;
	v4 =	vld.idx.msk [tilespmem:v20+s20+$0x0], $0xffff;
	v10 =	vadd.f32 v24, v11  }
0x3cc: {  	v11 =	vsub.f32 v18, v13;
	v12 =	vmul.f32 v12, v12;
	v13 =	vld.idx.msk [tilespmem:v15+s20+$0x0], $0xffff;
	v5 =	vadd.f32 v5, v6  }
0x3cd: {  	v6 =	vmul.f32 $-9.999980290e+11, v7;
	v7 =	vmul.f32 v8, v8;
	v9 =	vld.idx.msk [tilespmem:v9+s20+$0x0], $0xffff;
	v10 =	vadd.f32 v3, v10  }
.Ltmp14:
0x3ce: {  	v11 =	vmul.f32 v11, v11;
	v12 =	vmul.f32 $-9.999980290e+11, v12;
	v8 =	vsub.f32 v18, v16;
	v3 =	vld.idx.msk [tilespmem:v21+s20+$0x0], $0xffff;
	(pc) =	sbr.rel @p1 .LBB2_31-.Ltmp14, $4  }
0x3cf: {  	v14 =	vmul.f32 $1.442695020e+00, v6;
	v15 =	vmul.f32 $-9.999980290e+11, v7;
	v6 =	vld.idx.msk [tilespmem:v22+s20+$0x0], $0xffff;
	v16 =	vadd.f32 v5, v10  }
0x3d0: {  	v19 =	vmul.f32 $-9.999980290e+11, v11;
	v11 =	vmul.f32 $1.442695020e+00, v12;
	v7 =	vld.idx.msk [tilespmem:v17+s20+$0x0], $0xffff  }
0x3d1: {  	v13 =	vsub.f32 v18, v13;
	v10 =	vmul.f32 $1.442695020e+00, v15;
	(erf) = vpow2.f32 v14;
	v5 =	vld.idx.msk [tilespmem:v23+s20+$0x0], $0xffff  }
0x3d2: {  	s7 =	smov.u32 s4;
	v14 =	vsub.f32 v18, v9;
	v12 =	vmul.f32 $1.442695020e+00, v19;
	v9 =	vmul.f32 $5.641896130e-01, v16  }
0x3d3: {  	v13 =	vmul.f32 v13, v13  }
0x3d4: {  	(erf) = vpow2.f32 v11;
	v55 =	vmul.f32 v14, v14  }
0x3d5: {  	v8 =	vmul.f32 v8, v8;
	v13 =	vmul.f32 $-9.999980290e+11, v13  }
0x3d6: {  	(erf) = vpow2.f32 v12;
	v11 =	vmul.f32 $-9.999980290e+11, v55  }
0x3d7: {  	v8 =	vmul.f32 $-9.999980290e+11, v8;
	v56 =	vmul.f32 $1.442695020e+00, v13  }
0x3d8: {  	(erf) = vpow2.f32 v10;
	v11 =	vmul.f32 $1.442695020e+00, v11  }
0x3d9: {  	(erf) = vpow2.f32 v56  }
0x3da: {  	v8 =	vmul.f32 $1.442695020e+00, v8;
	(erf) = vpow2.f32 v11;
	_ =	sdelay $0x1  }
0x3db: {  	(erf) = vpow2.f32 v8;
	_ =	sdelay $0x1  }
0x3dc: {  	v57 =	vpop (erf)  }
0x3dd: {  	v58 =	vpop (erf)  }
0x3de: {  	v59 =	vpop (erf)  }
0x3df: {  	v60 =	vpop (erf)  }
0x3e0: {  	v3 =	vmul.f32 v57, v3;
	v7 =	vmul.f32 v58, v7;
	v61 =	vpop (erf)  }
0x3e1: {  	v4 =	vmul.f32 v59, v4;
	v6 =	vmul.f32 v60, v6;
	v62 =	vpop (erf)  }
0x3e2: {  	v1 =	vmul.f32 v61, v1;
	v2 =	vmul.f32 v62, v2  }
0x3e3: {  	v3 =	vadd.f32 v3, v4;
	v63 =	vpop (erf)  }
0x3e4: {  	v6 =	vadd.f32 v7, v6;
	v5 =	vmul.f32 v63, v5;
	v1 =	vadd.f32 v1, v2;
	_ =	sdelay $0x1  }
0x3e5: {  	v2 =	vadd.f32 v5, v6;
	v1 =	vadd.f32 v3, v1;
	_ =	sdelay $0x1  }
0x3e6: {  	v1 =	vadd.f32 v2, v1  }
.Ltmp15:
0x3e7: {  	_ = 	snop;
	(pc) =	sbr.rel @p0 .LBB2_36-.Ltmp15, $4  }
0x3e8: {  	v1 =	vmul.f32 $5.641896130e-01, v1  }
0x3e9: {  	s0 =	sadd.s32 $0x10, s12;
	[tilespmem:s30+$0x0] =	vst v9  }
0x3ea: {  	s30 =	sadd.s32 $0x100, s26;
	[tilespmem:s0+$0x0] =	vst v1  }
0x3eb: {  	[hbm4b:s30+s3] =	stream.linear.scatter [tilespmem:s21], [sflag:$0x7], $0x400, $0x38;
	[tilespmem:$0x1A840] =	vst v63  }
0x3ec: {  	s0 =	sld [smem:$0x7FC];
	_ =	sdelay $0x2  }
0x3ed: {  	s0 =	sadd.s32 s25, s0  }
0x3ee: {  	s0 =	sshrl.u32 s0, $0x3  }
0x3ef: {  	s4 =	simm.s32 $0x800;
	s8 =	simm.s32 $0x3;
	s0 =	sadd.s32 s1, s0  }
0x3f0: {  	[tilespmem:s4], [sflag:$0x5] =	stream.linear.gather [hbm4b:s0+s3], $0x400, $0x38;
	[tilespmem:$0x1A840] =	vst v63  }
0x3f1: {  	_ =	swait.ge [sflag:s8], $0x400  }
0x3f2: {  	[sflag:s8] =	ssyncset.done $0x0  }
0x3f3: {  	s0 =	simm.s32 $0x20;
	[sflag:s8] =	ssyncadd.s32 $0xFFFFFC00  }
0x3f4: {  	v1 =	vld [tilespmem:s0+$0xFFFFFFE0];
	_ =	sdelay $0x4  }
0x3f5: {  	v1 =	vmul.f32 $9.999990000e+05, v1;
	_ =	sdelay $0x1  }
0x3f6: {  	v1 =	vtrunc.f32 v1  }
0x3f7: {  	v1 =	vcvt.f32.s32 v1;
	_ =	sdelay $0x1  }
0x3f8: {  	s12 =	simm.s32 $0x0;
	v2 =	vand.u32 $0x7, v1  }
0x3f9: {  	s7 =	simm.s32 $0x1020;
	v1 =	vshra.s32 v1, $0x3;
	v2 =	vor.u32 s12, v2  }
0x3fa: {  	s12 =	simm.s32 $0x1820;
	[tilespmem:s7+$0xFFFFFFE0] =	vst v1;
	v1 =	vor.u32 v0, v2  }
0x3fb: {  	[tilespmem:s12+$0xFFFFFFE0] =	vst v1  }
0x3fc: {  	v1 =	vld [tilespmem:s0+$0xFFFFFFF0];
	_ =	sdelay $0x4  }
0x3fd: {  	v1 =	vmul.f32 $9.999990000e+05, v1;
	_ =	sdelay $0x1  }
0x3fe: {  	v1 =	vtrunc.f32 v1  }
0x3ff: {  	v1 =	vcvt.f32.s32 v1;
	_ =	sdelay $0x1  }
0x400: {  	s8 =	simm.s32 $0x200;
	v2 =	vand.u32 $0x7, v1  }
0x401: {  	v1 =	vshra.s32 v1, $0x3;
	v2 =	vor.u32 s8, v2  }
0x402: {  	[tilespmem:s7+$0xFFFFFFF0] =	vst v1;
	v1 =	vor.u32 v0, v2  }
0x403: {  	[tilespmem:s12+$0xFFFFFFF0] =	vst v1  }
0x404: {  	v1 =	vld [tilespmem:s0+$0x0];
	_ =	sdelay $0x4  }
0x405: {  	v1 =	vmul.f32 $9.999990000e+05, v1;
	_ =	sdelay $0x1  }
0x406: {  	v1 =	vtrunc.f32 v1  }
0x407: {  	v1 =	vcvt.f32.s32 v1;
	_ =	sdelay $0x1  }
0x408: {  	s8 =	simm.s32 $0x400;
	v2 =	vand.u32 $0x7, v1  }
0x409: {  	v1 =	vshra.s32 v1, $0x3;
	v2 =	vor.u32 s8, v2  }
0x40a: {  	[tilespmem:s7+$0x0] =	vst v1;
	v1 =	vor.u32 v0, v2  }
0x40b: {  	[tilespmem:s12+$0x0] =	vst v1  }
0x40c: {  	v1 =	vld [tilespmem:s0+$0x10];
	_ =	sdelay $0x4  }
0x40d: {  	v1 =	vmul.f32 $9.999990000e+05, v1;
	_ =	sdelay $0x1  }
0x40e: {  	v1 =	vtrunc.f32 v1  }
0x40f: {  	v1 =	vcvt.f32.s32 v1;
	_ =	sdelay $0x1  }
0x410: {  	s0 =	simm.s32 $0x600;
	v2 =	vand.u32 $0x7, v1  }
0x411: {  	v1 =	vshra.s32 v1, $0x3;
	v2 =	vor.u32 s0, v2  }
0x412: {  	s30 =	simm.s32 $0x60;
	s4 =	simm.s32 $0x0;
	[tilespmem:s7+$0x10] =	vst v1;
	s7 =	simm.s32 $0x1060;
	v1 =	vor.u32 v0, v2  }
.LBB2_34:
0x413: {  	s4 =	sadd.s32 $0x4, s4;
	[tilespmem:s12+$0x10] =	vst v1;
	s0 =	sadd.s32 $0x800, s0;
	s12 =	sadd.s32 $0x40, s12  }
0x414: {  	v1 =	vld [tilespmem:s30+$0xFFFFFFE0];
	p1 =	slt.u32 s4, $0x3C;
	_ =	sdelay $0x4  }
0x415: {  	v1 =	vmul.f32 $9.999990000e+05, v1;
	_ =	sdelay $0x1  }
0x416: {  	v1 =	vtrunc.f32 v1  }
0x417: {  	v1 =	vcvt.f32.s32 v1;
	_ =	sdelay $0x1  }
0x418: {  	s8 =	sadd.s32 $0xFFFFFA00, s0;
	v2 =	vshra.s32 v1, $0x3;
	v1 =	vand.u32 $0x7, v1  }
0x419: {  	v1 =	vor.u32 s8, v1  }
0x41a: {  	[tilespmem:s7+$0xFFFFFFE0] =	vst v2;
	v1 =	vor.u32 v0, v1  }
0x41b: {  	[tilespmem:s12+$0xFFFFFFE0] =	vst v1  }
0x41c: {  	v1 =	vld [tilespmem:s30+$0xFFFFFFF0];
	_ =	sdelay $0x4  }
0x41d: {  	v1 =	vmul.f32 $9.999990000e+05, v1;
	_ =	sdelay $0x1  }
0x41e: {  	v1 =	vtrunc.f32 v1  }
0x41f: {  	v1 =	vcvt.f32.s32 v1;
	_ =	sdelay $0x1  }
0x420: {  	s8 =	sadd.s32 $0xFFFFFC00, s0;
	v2 =	vshra.s32 v1, $0x3;
	v1 =	vand.u32 $0x7, v1  }
0x421: {  	v1 =	vor.u32 s8, v1  }
0x422: {  	[tilespmem:s7+$0xFFFFFFF0] =	vst v2;
	v1 =	vor.u32 v0, v1  }
0x423: {  	[tilespmem:s12+$0xFFFFFFF0] =	vst v1  }
0x424: {  	v1 =	vld [tilespmem:s30+$0x0];
	_ =	sdelay $0x4  }
0x425: {  	v1 =	vmul.f32 $9.999990000e+05, v1;
	_ =	sdelay $0x1  }
0x426: {  	v1 =	vtrunc.f32 v1  }
0x427: {  	v1 =	vcvt.f32.s32 v1;
	_ =	sdelay $0x1  }
0x428: {  	s8 =	sadd.s32 $0xFFFFFE00, s0;
	v2 =	vshra.s32 v1, $0x3;
	v1 =	vand.u32 $0x7, v1  }
0x429: {  	[tilespmem:s7+$0x0] =	vst v2;
	v1 =	vor.u32 s8, v1  }
0x42a: {  	v1 =	vor.u32 v0, v1  }
0x42b: {  	[tilespmem:s12+$0x0] =	vst v1  }
0x42c: {  	v1 =	vld [tilespmem:s30+$0x10];
	_ =	sdelay $0x4  }
0x42d: {  	v1 =	vmul.f32 $9.999990000e+05, v1;
	_ =	sdelay $0x1  }
0x42e: {  	v1 =	vtrunc.f32 v1  }
.Ltmp16:
0x42f: {  	v1 =	vcvt.f32.s32 v1;
	(pc) =	sbr.rel @p1 .LBB2_34-.Ltmp16, $4  }
0x430: {  	_ = 	snop  }
0x431: {  	v2 =	vshra.s32 v1, $0x3;
	v1 =	vand.u32 $0x7, v1  }
0x432: {  	[tilespmem:s7+$0x10] =	vst v2;
	v1 =	vor.u32 s0, v1  }
0x433: {  	s30 =	sadd.s32 $0x40, s30;
	s7 =	sadd.s32 $0x40, s7;
	v1 =	vor.u32 v0, v1  }
0x434: {  	[tilespmem:s12+$0x10] =	vst v1;
	s0 =	simm.s32 $0x1000  }
0x435: {  	[tilespmem:s20], [sflag:$0x1] =	stream.indirect.gather [hbm4b:s5+s29], $0x20, s0, s29, $0xb8;
	[tilespmem:$0x1A840] =	vst v63  }
0x436: {  	s30 =	simm.s32 $0x1080;
	s4 =	simm.s32 $0x3000  }
0x437: {  	[tilespmem:s4], [sflag:$0x1] =	stream.indirect.gather [hbm4b:s5+s29], $0x20, s30, s29, $0xb8;
	[tilespmem:$0x1A840] =	vst v63  }
0x438: {  	s7 =	simm.s32 $0x1100;
	s8 =	simm.s32 $0x4000  }
0x439: {  	[tilespmem:s8], [sflag:$0x1] =	stream.indirect.gather [hbm4b:s5+s29], $0x20, s7, s29, $0xb8;
	[tilespmem:$0x1A840] =	vst v63  }
0x43a: {  	s12 =	simm.s32 $0x1180;
	s30 =	simm.s32 $0x5000  }
0x43b: {  	[tilespmem:s30], [sflag:$0x1] =	stream.indirect.gather [hbm4b:s5+s29], $0x20, s12, s29, $0xb8;
	[tilespmem:$0x1A840] =	vst v63  }
0x43c: {  	s7 =	simm.s32 $0x1200;
	s8 =	simm.s32 $0x6000  }
0x43d: {  	[tilespmem:s8], [sflag:$0x1] =	stream.indirect.gather [hbm4b:s5+s29], $0x20, s7, s29, $0xb8;
	[tilespmem:$0x1A840] =	vst v63  }
0x43e: {  	s12 =	simm.s32 $0x1280;
	s30 =	simm.s32 $0x7000  }
0x43f: {  	[tilespmem:s30], [sflag:$0x1] =	stream.indirect.gather [hbm4b:s5+s29], $0x20, s12, s29, $0xb8;
	[tilespmem:$0x1A840] =	vst v63  }
0x440: {  	s7 =	simm.s32 $0x1300;
	s8 =	simm.s32 $0x8000  }
0x441: {  	[tilespmem:s8], [sflag:$0x1] =	stream.indirect.gather [hbm4b:s5+s29], $0x20, s7, s29, $0xb8;
	[tilespmem:$0x1A840] =	vst v63  }
0x442: {  	s12 =	simm.s32 $0x1380;
	s30 =	simm.s32 $0x9000  }
0x443: {  	[tilespmem:s30], [sflag:$0x1] =	stream.indirect.gather [hbm4b:s5+s29], $0x20, s12, s29, $0xb8;
	[tilespmem:$0x1A840] =	vst v63  }
.LBB2_36:
0x444: {  	_ =	swait.ge [sflag:s28], $0x8000  }
0x445: {  	[sflag:s28] =	ssyncset.done $0x0  }
0x446: {  	[sflag:s28] =	ssyncadd.s32 $0xFFFF8000  }
0x447: {  	_ =	swait.ge [sflag:s11], $0x400  }
0x448: {  	[sflag:s11] =	ssyncset.done $0x0  }
0x449: {  	[sflag:s11] =	ssyncadd.s32 $0xFFFFFC00  }
0x44a: {  	v1 =	vld [tilespmem:$0x1C00];
	_ =	sdelay $0x4  }
0x44b: {  	v2 =	vadd.s32 $0x3, v1  }
0x44c: {  	v3 =	vadd.s32 $0x5, v1  }
0x44d: {  	v4 =	vadd.s32 $0x4, v1  }
0x44e: {  	v5 =	vadd.s32 $0x2, v1  }
0x44f: {  	v6 =	vld [tilespmem:$0xC00];
	v7 =	vadd.s32 $0x1, v1  }
0x450: {  	v2 =	vld.idx.msk [tilespmem:v2+s23+$0x0], $0xffff  }
0x451: {  	v3 =	vld.idx.msk [tilespmem:v3+s23+$0x0], $0xffff  }
0x452: {  	v4 =	vld.idx.msk [tilespmem:v4+s23+$0x0], $0xffff  }
0x453: {  	v5 =	vld.idx.msk [tilespmem:v5+s23+$0x0], $0xffff  }
0x454: {  	v7 =	vld.idx.msk [tilespmem:v7+s23+$0x0], $0xffff  }
0x455: {  	v8 =	vadd.s32 $0x6, v1  }
0x456: {  	v2 =	vsub.f32 v6, v2  }
0x457: {  	v3 =	vsub.f32 v6, v3;
	v4 =	vsub.f32 v6, v4  }
0x458: {  	v5 =	vsub.f32 v6, v5;
	v2 =	vmul.f32 v2, v2  }
0x459: {  	v9 =	vld.idx.msk [tilespmem:v1+s23+$0x0], $0xffff;
	v7 =	vsub.f32 v6, v7;
	v3 =	vmul.f32 v3, v3;
	v4 =	vmul.f32 v4, v4  }
0x45a: {  	v8 =	vld.idx.msk [tilespmem:v8+s23+$0x0], $0xffff;
	v5 =	vmul.f32 v5, v5;
	v2 =	vmul.f32 $-9.999980290e+11, v2  }
0x45b: {  	v7 =	vmul.f32 v7, v7;
	v3 =	vmul.f32 $-9.999980290e+11, v3  }
0x45c: {  	v10 =	vadd.s32 $0x10, v1;
	v4 =	vmul.f32 $-9.999980290e+11, v4;
	v2 =	vmul.f32 $1.442695020e+00, v2  }
0x45d: {  	s0 =	simm.s32 $0x1;
	v11 =	vadd.s32 $0x11, v1;
	v5 =	vmul.f32 $-9.999980290e+11, v5;
	v7 =	vmul.f32 $-9.999980290e+11, v7  }
0x45e: {  	s0 =	smin.u32 s0, $0x3F;
	v3 =	vmul.f32 $1.442695020e+00, v3;
	(erf) = vpow2.f32 v2;
	v2 =	vsub.f32 v6, v9  }
0x45f: {  	s0 =	sshll.u32 s0, $0x4;
	v5 =	vmul.f32 $1.442695020e+00, v5;
	v6 =	vsub.f32 v6, v8;
	v8 =	vadd.s32 $0x12, v1  }
0x460: {  	v9 =	vld [tilespmem:s0+$0x1C00];
	(erf) = vpow2.f32 v3;
	v3 =	vadd.s32 $0x13, v1;
	v2 =	vmul.f32 v2, v2  }
0x461: {  	v12 =	vadd.s32 $0x14, v1;
	v4 =	vmul.f32 $1.442695020e+00, v4;
	v6 =	vmul.f32 v6, v6  }
0x462: {  	(erf) = vpow2.f32 v5;
	v5 =	vld.idx.msk [tilespmem:v10+s23+$0x0], $0xffff;
	v10 =	vadd.s32 $0x15, v1;
	v2 =	vmul.f32 $-9.999980290e+11, v2  }
0x463: {  	v14 =	vld [tilespmem:s0+$0xC00];
	v7 =	vmul.f32 $1.442695020e+00, v7;
	v1 =	vadd.s32 $0x16, v1;
	v6 =	vmul.f32 $-9.999980290e+11, v6  }
0x464: {  	(erf) = vpow2.f32 v4;
	v4 =	vld.idx.msk [tilespmem:v8+s23+$0x0], $0xffff;
	v2 =	vmul.f32 $1.442695020e+00, v2  }
0x465: {  	(erf) = vpow2.f32 v7;
	v7 =	vadd.s32 $0x3, v9;
	v6 =	vmul.f32 $1.442695020e+00, v6;
	v3 =	vld.idx.msk [tilespmem:v3+s23+$0x0], $0xffff  }
0x466: {  	v8 =	vadd.s32 $0x5, v9;
	(erf) = vpow2.f32 v2;
	v2 =	vld.idx.msk [tilespmem:v12+s23+$0x0], $0xffff  }
0x467: {  	(erf) = vpow2.f32 v6;
	v6 =	vld.idx.msk [tilespmem:v10+s23+$0x0], $0xffff;
	v10 =	vadd.s32 $0x4, v9  }
0x468: {  	v12 =	vld.idx.msk [tilespmem:v1+s23+$0x0], $0xffff;
	v1 =	vadd.s32 $0x2, v9  }
0x469: {  	v11 =	vld.idx.msk [tilespmem:v11+s23+$0x0], $0xffff  }
0x46a: {  	v19 =	vadd.s32 $0x6, v9;
	v13 =	vpop (erf);
	v7 =	vld.idx.msk [tilespmem:v7+s23+$0x0], $0xffff  }
0x46b: {  	v16 =	vadd.s32 $0x11, v9;
	v17 =	vadd.s32 $0x10, v9;
	v18 =	vadd.s32 $0x1, v9;
	v15 =	vpop (erf);
	v8 =	vld.idx.msk [tilespmem:v8+s23+$0x0], $0xffff  }
0x46c: {  	v21 =	vadd.s32 $0x12, v9;
	v23 =	vadd.s32 $0x14, v9;
	v58 =	vadd.s32 $0x15, v9;
	v20 =	vpop (erf);
	v10 =	vld.idx.msk [tilespmem:v10+s23+$0x0], $0xffff  }
0x46d: {  	v59 =	vadd.s32 $0x16, v9;
	v3 =	vmul.f32 v13, v3;
	v22 =	vpop (erf);
	v4 =	vmul.f32 v20, v4;
	v24 =	vld.idx.msk [tilespmem:v1+s23+$0x0], $0xffff  }
0x46e: {  	v1 =	vpop (erf);
	v2 =	vmul.f32 v22, v2;
	v6 =	vmul.f32 v15, v6;
	v15 =	vadd.s32 $0x13, v9  }
0x46f: {  	v60 =	vld.idx.msk [tilespmem:v19+s23+$0x0], $0xffff;
	v11 =	vmul.f32 v1, v11;
	v3 =	vadd.f32 v3, v4;
	v7 =	vsub.f32 v14, v7;
	v25 =	vpop (erf)  }
0x470: {  	v1 =	vld.idx.msk [tilespmem:v16+s23+$0x0], $0xffff;
	v8 =	vsub.f32 v14, v8;
	v6 =	vadd.f32 v6, v2;
	v5 =	vmul.f32 v25, v5;
	v13 =	vpop (erf)  }
0x471: {  	v9 =	vld.idx.msk [tilespmem:v9+s23+$0x0], $0xffff;
	v4 =	vmul.f32 v7, v7;
	v12 =	vmul.f32 v13, v12;
	v7 =	vsub.f32 v14, v10  }
0x472: {  	v8 =	vmul.f32 v8, v8;
	v10 =	vsub.f32 v14, v24;
	v13 =	vld.idx.msk [tilespmem:v18+s23+$0x0], $0xffff;
	v5 =	vadd.f32 v11, v5  }
0x473: {  	v2 =	vld.idx.msk [tilespmem:v17+s23+$0x0], $0xffff;
	v11 =	vadd.f32 v12, v6;
	v6 =	vmul.f32 $-9.999980290e+11, v4;
	v7 =	vmul.f32 v7, v7  }
0x474: {  	v4 =	vld.idx.msk [tilespmem:v21+s23+$0x0], $0xffff;
	v10 =	vmul.f32 v10, v10;
	v12 =	vmul.f32 $-9.999980290e+11, v8;
	v5 =	vadd.f32 v3, v5  }
0x475: {  	v8 =	vsub.f32 v14, v60;
	v3 =	vld.idx.msk [tilespmem:v15+s23+$0x0], $0xffff;
	v15 =	vmul.f32 $1.442695020e+00, v6;
	v61 =	vmul.f32 $-9.999980290e+11, v7  }
0x476: {  	v6 =	vld.idx.msk [tilespmem:v23+s23+$0x0], $0xffff;
	v63 =	vmul.f32 $-9.999980290e+11, v10;
	v62 =	vadd.f32 v11, v5;
	v11 =	vmul.f32 $1.442695020e+00, v12  }
0x477: {  	s12 =	simm.s32 $0x12400;
	v7 =	vld.idx.msk [tilespmem:v58+s23+$0x0], $0xffff;
	v13 =	vsub.f32 v14, v13;
	v10 =	vmul.f32 $1.442695020e+00, v61;
	(erf) = vpow2.f32 v15  }
0x478: {  	s7 =	simm.s32 $0x3;
	s30 =	simm.s32 $0x12400;
	s0 =	simm.s32 $0x2;
	v5 =	vld.idx.msk [tilespmem:v59+s23+$0x0], $0xffff;
	v14 =	vsub.f32 v14, v9;
	v12 =	vmul.f32 $1.442695020e+00, v63;
	v9 =	vmul.f32 $5.641896130e-01, v62  }
.LBB2_37:
0x479: {  	s8 =	smin.u32 s0, $0x3F  }
0x47a: {  	v13 =	vmul.f32 v13, v13;
	(erf) = vpow2.f32 v11;
	s12 =	sadd.s32 $0x10, s12;
	s0 =	smov.u32 s7;
	s4 =	sadd.s32 $0x1, s7  }
0x47b: {  	p1 =	sne.s32 s7, $0x40;
	s7 =	sshll.u32 s8, $0x4;
	v11 =	vmul.f32 v14, v14;
	(erf) = vpow2.f32 v12;
	[tilespmem:s30+$0x0] =	vst v9;
	s30 =	smov.u32 s12  }
0x47c: {  	v8 =	vmul.f32 v8, v8;
	v9 =	vld [tilespmem:s7+$0x1C00];
	v12 =	vmul.f32 $-9.999980290e+11, v13  }
0x47d: {  	v11 =	vmul.f32 $-9.999980290e+11, v11  }
0x47e: {  	v8 =	vmul.f32 $-9.999980290e+11, v8;
	v12 =	vmul.f32 $1.442695020e+00, v12  }
0x47f: {  	v13 =	vmul.f32 $1.442695020e+00, v11;
	(erf) = vpow2.f32 v10  }
0x480: {  	v8 =	vmul.f32 $1.442695020e+00, v8;
	(erf) = vpow2.f32 v12  }
0x481: {  	v10 =	vadd.s32 $0x3, v9;
	v12 =	vadd.s32 $0x5, v9;
	(erf) = vpow2.f32 v13;
	v11 =	vpop (erf)  }
0x482: {  	v13 =	vadd.s32 $0x2, v9;
	v14 =	vadd.s32 $0x4, v9;
	(erf) = vpow2.f32 v8  }
0x483: {  	v15 =	vadd.s32 $0x1, v9;
	v16 =	vadd.s32 $0x6, v9;
	v8 =	vadd.s32 $0x10, v9;
	v17 =	vpop (erf)  }
0x484: {  	v19 =	vadd.s32 $0x11, v9;
	v20 =	vadd.s32 $0x12, v9;
	v18 =	vld [tilespmem:s7+$0xC00];
	v7 =	vmul.f32 v17, v7;
	v17 =	vpop (erf)  }
0x485: {  	v21 =	vadd.s32 $0x13, v9;
	v22 =	vadd.s32 $0x14, v9;
	v4 =	vmul.f32 v17, v4  }
0x486: {  	v23 =	vadd.s32 $0x16, v9;
	v17 =	vadd.s32 $0x15, v9;
	v10 =	vld.idx.msk [tilespmem:v10+s23+$0x0], $0xffff  }
0x487: {  	v12 =	vld.idx.msk [tilespmem:v12+s23+$0x0], $0xffff  }
0x488: {  	v14 =	vld.idx.msk [tilespmem:v14+s23+$0x0], $0xffff;
	v24 =	vpop (erf)  }
0x489: {  	v13 =	vld.idx.msk [tilespmem:v13+s23+$0x0], $0xffff;
	v6 =	vmul.f32 v24, v6;
	v24 =	vpop (erf)  }
0x48a: {  	v3 =	vmul.f32 v11, v3;
	v24 =	vmul.f32 v24, v1;
	v1 =	vld.idx.msk [tilespmem:v19+s23+$0x0], $0xffff;
	v11 =	vpop (erf)  }
0x48b: {  	v10 =	vsub.f32 v18, v10;
	v16 =	vld.idx.msk [tilespmem:v16+s23+$0x0], $0xffff;
	v11 =	vmul.f32 v11, v2;
	v6 =	vadd.f32 v7, v6;
	v7 =	vpop (erf)  }
0x48c: {  	v3 =	vadd.f32 v3, v4;
	v12 =	vsub.f32 v18, v12;
	v2 =	vld.idx.msk [tilespmem:v8+s23+$0x0], $0xffff;
	v5 =	vmul.f32 v7, v5  }
0x48d: {  	v7 =	vmul.f32 v10, v10;
	v8 =	vsub.f32 v18, v14;
	v4 =	vld.idx.msk [tilespmem:v20+s23+$0x0], $0xffff;
	v10 =	vadd.f32 v24, v11  }
0x48e: {  	v11 =	vsub.f32 v18, v13;
	v12 =	vmul.f32 v12, v12;
	v13 =	vld.idx.msk [tilespmem:v15+s23+$0x0], $0xffff;
	v5 =	vadd.f32 v5, v6  }
0x48f: {  	v6 =	vmul.f32 $-9.999980290e+11, v7;
	v7 =	vmul.f32 v8, v8;
	v9 =	vld.idx.msk [tilespmem:v9+s23+$0x0], $0xffff;
	v10 =	vadd.f32 v3, v10  }
.Ltmp17:
0x490: {  	v11 =	vmul.f32 v11, v11;
	v12 =	vmul.f32 $-9.999980290e+11, v12;
	v8 =	vsub.f32 v18, v16;
	v3 =	vld.idx.msk [tilespmem:v21+s23+$0x0], $0xffff;
	(pc) =	sbr.rel @p1 .LBB2_37-.Ltmp17, $4  }
0x491: {  	v14 =	vmul.f32 $1.442695020e+00, v6;
	v15 =	vmul.f32 $-9.999980290e+11, v7;
	v6 =	vld.idx.msk [tilespmem:v22+s23+$0x0], $0xffff;
	v16 =	vadd.f32 v5, v10  }
0x492: {  	v19 =	vmul.f32 $-9.999980290e+11, v11;
	v11 =	vmul.f32 $1.442695020e+00, v12;
	v7 =	vld.idx.msk [tilespmem:v17+s23+$0x0], $0xffff  }
0x493: {  	v13 =	vsub.f32 v18, v13;
	v10 =	vmul.f32 $1.442695020e+00, v15;
	(erf) = vpow2.f32 v14;
	v5 =	vld.idx.msk [tilespmem:v23+s23+$0x0], $0xffff  }
0x494: {  	s7 =	smov.u32 s4;
	v14 =	vsub.f32 v18, v9;
	v12 =	vmul.f32 $1.442695020e+00, v19;
	v9 =	vmul.f32 $5.641896130e-01, v16  }
0x495: {  	v13 =	vmul.f32 v13, v13  }
0x496: {  	(erf) = vpow2.f32 v11;
	v55 =	vmul.f32 v14, v14  }
0x497: {  	v8 =	vmul.f32 v8, v8;
	v13 =	vmul.f32 $-9.999980290e+11, v13  }
0x498: {  	(erf) = vpow2.f32 v12;
	v11 =	vmul.f32 $-9.999980290e+11, v55  }
0x499: {  	v8 =	vmul.f32 $-9.999980290e+11, v8;
	v56 =	vmul.f32 $1.442695020e+00, v13  }
0x49a: {  	(erf) = vpow2.f32 v10;
	v11 =	vmul.f32 $1.442695020e+00, v11  }
0x49b: {  	(erf) = vpow2.f32 v56  }
0x49c: {  	v8 =	vmul.f32 $1.442695020e+00, v8;
	(erf) = vpow2.f32 v11;
	_ =	sdelay $0x1  }
0x49d: {  	(erf) = vpow2.f32 v8;
	_ =	sdelay $0x1  }
0x49e: {  	v57 =	vpop (erf)  }
0x49f: {  	v58 =	vpop (erf)  }
0x4a0: {  	v59 =	vpop (erf)  }
0x4a1: {  	v60 =	vpop (erf)  }
0x4a2: {  	v3 =	vmul.f32 v57, v3;
	v7 =	vmul.f32 v58, v7;
	v61 =	vpop (erf)  }
0x4a3: {  	v4 =	vmul.f32 v59, v4;
	v6 =	vmul.f32 v60, v6;
	v62 =	vpop (erf)  }
0x4a4: {  	v1 =	vmul.f32 v61, v1;
	v2 =	vmul.f32 v62, v2  }
0x4a5: {  	v3 =	vadd.f32 v3, v4;
	v63 =	vpop (erf)  }
0x4a6: {  	v6 =	vadd.f32 v7, v6;
	v5 =	vmul.f32 v63, v5;
	v1 =	vadd.f32 v1, v2;
	_ =	sdelay $0x1  }
0x4a7: {  	v2 =	vadd.f32 v5, v6;
	v1 =	vadd.f32 v3, v1;
	_ =	sdelay $0x1  }
0x4a8: {  	v1 =	vadd.f32 v2, v1;
	_ =	sdelay $0x1  }
0x4a9: {  	v1 =	vmul.f32 $5.641896130e-01, v1  }
0x4aa: {  	s0 =	sadd.s32 $0x10, s12;
	[tilespmem:s30+$0x0] =	vst v9  }
0x4ab: {  	[tilespmem:s0+$0x0] =	vst v1;
	s0 =	sld [smem:$0x7FD]  }
0x4ac: {  	s30 =	sadd.s32 $0x180, s26  }
0x4ad: {  	[hbm4b:s30+s3] =	stream.linear.scatter [tilespmem:s2], [sflag:$0x8], $0x400, $0x38;
	[tilespmem:$0x1A840] =	vst v63  }
0x4ae: {  	s0 =	sadd.s32 @!p0 s25, s0  }
0x4af: {  	s4 =	simm.s32 @!p0 $0x0;
	s0 =	sshrl.u32 @!p0 s0, $0x3  }
0x4b0: {  	s7 =	simm.s32 @!p0 $0xC00;
	p1 =	sne.s32 @!p0 s13, $0x40;
	s0 =	sadd.s32 @!p0 s1, s0  }
0x4b1: {  	[tilespmem:s7], [sflag:$0x6] =	stream.linear.gather @!p0 [hbm4b:s0+s4], $0x400, $0x38;
	[tilespmem:$0x1A840] =	vst v63  }
0x4b2: {  	p0 =	por p0, !p1  }
.Ltmp18:
0x4b3: {  	_ = 	snop;
	(pc) =	sbr.rel @!p0 .LBB2_20-.Ltmp18, $2  }
0x4b4: {  	_ =	sdelay $0x2  }
0x4b5: {  	s26 =	smov.u32 s13  }
0x4b6: {  	_ =	swait.ge [sflag:s10], $0x400  }
0x4b7: {  	[sflag:s10] =	ssyncset.done $0x0  }
0x4b8: {  	[sflag:s10] =	ssyncadd.s32 $0xFFFFFC00  }
0x4b9: {  	_ =	swait.ge [sflag:s11], $0x400  }
0x4ba: {  	s4 =	sld [smem:$0x7F7];
	_ =	sdelay $0x2  }
0x4bb: {  	s0 =	rddreg [dreg:$0x1e];
	s4 =	sadd.s32 $0x1, s4  }
0x4bc: {  	p0 =	sne.s32 s4, s0  }
.Ltmp19:
0x4bd: {  	_ = 	snop;
	(pc) =	sbr.rel @p0 .LBB2_1-.Ltmp19, $4  }
0x4be: {  	_ = 	snop  }
0x4bf: {  	s8 =	simm.s32 $0x12800  }
0x4c0: {  	s13 =	simm.s32 $0x16820;
	s25 =	simm.s32 $0x14810;
	[sflag:s11] =	ssyncset.done $0x0  }
0x4c1: {  	s26 =	simm.s32 $0x18830;
	s30 =	simm.s32 $0x9;
	[sflag:s11] =	ssyncadd.s32 $0xFFFFFC00  }
0x4c2: {  	_ =	sfence.sel $0x180000  }
0x4c3: {  	[bflag:$0x0] =	sbarrier.arrive $0xFFFF  }
0x4c4: {  	_ =	strace $0x90000047  }
0x4c5: {  	s0 =	stileid.u32;
	[bflag:$0x2] =	sbarrier.arrive $0xFFFF  }
0x4c6: {  	p0 =	sne.s32 s0, $0x0;
	s0 =	rddreg [dreg:$0x3]  }
0x4c7: {  	s0 =	sadd.s32 @!p0 $0x100000, s0  }
0x4c8: {  	[sflag:s0] =	ssyncadd.tile.s32 @!p0 $0x1;
	_ =	shalt  }
.Lfunc_end2:
_tile_overlayer_lowered:
.L_overlay_start_2:
0x4c9: {  	(tag) =	ssettag $0x2  }
0x4ca: {  	s0 =	rddreg [dreg:$0x0];
	s2 =	stileid.u32  }
0x4cb: {  	s1 =	rddreg [dreg:$0x1];
	p0 =	sne.s32 s2, $0x0  }
0x4cc: {  	s3 =	rddreg [dreg:$0x2];
	[bflag:$0x3] =	sbarrier.arrive $0xFFFF;
	s2 =	simm.s32 @!p0 $0x1C0F  }
0x4cd: {  	[timem:s3], [sflag:s2] =	dma.local @!p0 [hbm:s0], s1  }
0x4ce: {  	s0 =	simm.s32 @!p0 $0xF  }
0x4cf: {  	_ =	swait.ge @!p0 [sflag:s0], s1  }
0x4d0: {  	s1 =	ssub.s32 @!p0 $0x0, s1;
	[sflag:s0] =	ssyncset.done @!p0 $0x0  }
0x4d1: {  	[sflag:s0] =	ssyncadd.s32 @!p0 s1  }
0x4d2: {  	[bflag:$0x3] =	sbarrier.arrive $0xFFFF  }
0x4d3: {  	_ =	shalt  }

</sc_bundles>
